<compile_context>
chip_gen: v7x
topology: tpu7x:2x2x1
jax: 0.10.2.dev20260603
libtpu: 0.0.44.dev20260713+nightly
codegen_flags: <defaults>
</compile_context>

<pallas_src>
import functools

import jax
import jax.numpy as jnp
from jax import lax
from jax.experimental import pallas as pl
from jax.experimental.pallas import tpu as pltpu
from jax.experimental.pallas import tpu_sc as plsc

N = 10000
E = 320000
D = 128
NC = 2
NS = 16
E_SC = E // NC
E_T = E_SC // NS
K = 80
CH = E_T // K
NB = 4
NG = (CH - 1) // NB
N_PAD = 10240
R_T = N_PAD // NS
ZR = 16
DEG_T = 640

_SC_MESH = plsc.VectorSubcoreMesh(core_axis_name="c", subcore_axis_name="s")


@functools.partial(
    pl.kernel,
    out_type=jax.ShapeDtypeStruct((NC, NS * DEG_T), jnp.float32),
    mesh=_SC_MESH,
    scratch_types=[
        pltpu.VMEM_SHARED((NS * DEG_T,), jnp.float32),
        pltpu.VMEM((DEG_T,), jnp.float32),
        pltpu.VMEM((128,), jnp.float32),
        pltpu.VMEM((CH, K), jnp.int32),
        pltpu.SemaphoreType.DMA,
    ],
)
def _deg_sc(dst_hbm, out_hbm, acc, zbuf, ones, didx, sem):
    c = lax.axis_index("c")
    s = lax.axis_index("s")
    t = c * NS + s
    zeros16 = jnp.zeros((16,), jnp.float32)
    ones16 = jnp.ones((16,), jnp.float32)

    @pl.loop(0, DEG_T // 16)
    def _fill(i):
        zbuf[pl.ds(i * 16, 16)] = zeros16

    for j in range(128 // 16):
        ones[pl.ds(j * 16, 16)] = ones16

    pltpu.sync_copy(dst_hbm.at[t], didx)
    pltpu.sync_copy(zbuf, acc.at[pl.ds(s * DEG_T, DEG_T)])
    plsc.subcore_barrier()

    ones_k = ones.at[pl.ds(0, K)]

    @pl.loop(0, CH)
    def _edges(i):
        pltpu.async_copy(ones_k, acc.at[didx.at[i]], sem, add=True)

    @pl.loop(0, CH)
    def _drain(i):
        pltpu.make_async_copy(ones_k, acc.at[didx.at[0]], sem).wait()

    plsc.subcore_barrier()
    pltpu.sync_copy(acc.at[pl.ds(s * DEG_T, DEG_T)],
                    out_hbm.at[c, pl.ds(s * DEG_T, DEG_T)])


IQ = 2 * NB


@functools.partial(
    pl.kernel,
    out_type=jax.ShapeDtypeStruct((NC, N_PAD, D), jnp.float32),
    mesh=_SC_MESH,
    scratch_types=(
        [
            pltpu.VMEM_SHARED((N_PAD, D), jnp.float32),
            pltpu.VMEM((ZR, D), jnp.float32),
        ]
        + [pltpu.VMEM((K,), jnp.int32) for _ in range(IQ)]
        + [pltpu.VMEM((K,), jnp.int32) for _ in range(IQ)]
        + [pltpu.VMEM((K, D), jnp.float32) for _ in range(NB)]
        + [pltpu.SemaphoreType.DMA for _ in range(IQ + 2 * NB)]
    ),
)
def _prop_sc(y_hbm, src_hbm, dst_hbm, out_hbm, acc, zbuf, *rest):
    sidx = rest[0:IQ]
    didx = rest[IQ:2 * IQ]
    rows = rest[2 * IQ:2 * IQ + NB]
    isem = rest[2 * IQ + NB:3 * IQ + NB]
    gsem = rest[3 * IQ + NB:3 * IQ + 2 * NB]
    ssem = rest[3 * IQ + 2 * NB:]
    c = lax.axis_index("c")
    s = lax.axis_index("s")
    t = c * NS + s
    ebase = t * E_T
    zeros16 = jnp.zeros((16,), jnp.float32)

    def issue_idx(ci, q):
        off = ebase + ci * K
        pltpu.async_copy(src_hbm.at[pl.ds(off, K)], sidx[q], isem[q])
        pltpu.async_copy(dst_hbm.at[pl.ds(off, K)], didx[q], isem[q])

    def wait_idx(q):
        pltpu.make_async_copy(src_hbm.at[pl.ds(0, K)], sidx[q], isem[q]).wait()
        pltpu.make_async_copy(dst_hbm.at[pl.ds(0, K)], didx[q], isem[q]).wait()

    def issue_gather(b, q):
        pltpu.async_copy(y_hbm.at[sidx[q]], rows[b], gsem[b])

    def wait_gather(b):
        pltpu.make_async_copy(y_hbm.at[sidx[0]], rows[b], gsem[b]).wait()

    def issue_scatter(b, q):
        pltpu.async_copy(rows[b], acc.at[didx[q]], ssem[b], add=True)

    def wait_scatter(b):
        pltpu.make_async_copy(rows[b], acc.at[didx[0]], ssem[b]).wait()

    def pair(c0, b0, q0, g_c, g_q, pf_c, pf_q, n_pf=2):
        wait_gather(b0)
        issue_scatter(b0, q0)
        wait_gather(b0 + 1)
        issue_scatter(b0 + 1, q0 + 1)
        wait_scatter(b0)
        wait_idx(g_q)
        issue_gather(b0, g_q)
        wait_scatter(b0 + 1)
        wait_idx(g_q + 1)
        issue_gather(b0 + 1, g_q + 1)
        for j in range(n_pf):
            issue_idx(pf_c + j, pf_q + j)

    for q in range(IQ):
        issue_idx(q, q)

    @pl.loop(0, ZR)
    def _fill(i):
        for j in range(D // 16):
            zbuf[i, pl.ds(j * 16, 16)] = zeros16

    @pl.loop(0, R_T // ZR)
    def _zero(i):
        pltpu.sync_copy(zbuf, acc.at[pl.ds(s * R_T + i * ZR, ZR), :])

    for q in range(NB):
        wait_idx(q)
        issue_gather(q, q)

    plsc.subcore_barrier()

    @pl.loop(0, 14)
    def _super(m):
        c0 = 8 * m
        pair(c0, 0, 0, c0 + 4, 4, c0 + 8, 0)
        pair(c0 + 2, 2, 2, c0 + 6, 6, c0 + 10, 2)
        pair(c0 + 4, 0, 4, c0 + 8, 0, c0 + 12, 4)
        pair(c0 + 6, 2, 6, c0 + 10, 2, c0 + 14, 6)

    pair(112, 0, 0, 116, 4, 120, 0)
    pair(114, 2, 2, 118, 6, 122, 2)
    pair(116, 0, 4, 120, 0, 124, 4, n_pf=1)
    pair(118, 2, 6, 122, 2, 0, 0, n_pf=0)
    wait_gather(0)
    issue_scatter(0, 0)
    wait_gather(1)
    issue_scatter(1, 1)
    wait_scatter(0)
    wait_idx(4)
    issue_gather(0, 4)
    wait_gather(2)
    issue_scatter(2, 2)
    wait_gather(3)
    issue_scatter(3, 3)
    wait_scatter(1)
    wait_scatter(2)
    wait_scatter(3)
    wait_gather(0)
    issue_scatter(0, 4)
    wait_scatter(0)

    plsc.subcore_barrier()
    pltpu.sync_copy(acc.at[pl.ds(s * R_T, R_T), :],
                    out_hbm.at[c, pl.ds(s * R_T, R_T), :])


R_TC = 2000


def _mm1_body(x_ref, w_ref, xw_ref):
    xw_ref[...] = jnp.dot(x_ref[...], w_ref[...],
                          preferred_element_type=jnp.float32)


def _scale1_body(d0_ref, d1_ref, xw_ref, y_ref, dis_ref):
    deg = d0_ref[...] + d1_ref[...] + 1.0
    dis = lax.rsqrt(deg)
    y_ref[...] = xw_ref[...] * dis
    dis_ref[...] = dis


def _mid2_body(a0_ref, a1_ref, y_ref, dis_ref, b_ref, w_ref, out_ref):
    dis = dis_ref[...]
    pre = (a0_ref[...] + a1_ref[...] + y_ref[...]) * dis + b_ref[...]
    h = jnp.maximum(pre, 0.0)
    out_ref[...] = jnp.dot(h, w_ref[...],
                           preferred_element_type=jnp.float32) * dis


def _final_body(a0_ref, a1_ref, y_ref, dis_ref, b_ref, out_ref):
    out_ref[...] = ((a0_ref[...] + a1_ref[...] + y_ref[...]) * dis_ref[...]
                    + b_ref[...])


def _row_spec(width):
    return pl.BlockSpec((R_TC, width), lambda i: (i, 0))


def _full_spec(shape):
    return pl.BlockSpec(shape, lambda i: (0, 0))


def _mm1(x, W1):
    return pl.pallas_call(
        _mm1_body,
        grid=(N // R_TC,),
        in_specs=[_row_spec(D), _full_spec((D, D))],
        out_specs=_row_spec(D),
        out_shape=jax.ShapeDtypeStruct((N, D), jnp.float32),
    )(x, W1)


def _scale1(deg0, deg1, xw):
    return pl.pallas_call(
        _scale1_body,
        grid=(N // R_TC,),
        in_specs=[_row_spec(1), _row_spec(1), _row_spec(D)],
        out_specs=[_row_spec(D), _row_spec(1)],
        out_shape=[jax.ShapeDtypeStruct((N, D), jnp.float32),
                   jax.ShapeDtypeStruct((N, 1), jnp.float32)],
    )(deg0, deg1, xw)


def _mid2(a0, a1, y1, dis, b1, W2):
    return pl.pallas_call(
        _mid2_body,
        grid=(N // R_TC,),
        in_specs=[_row_spec(D), _row_spec(D), _row_spec(D), _row_spec(1),
                  _full_spec((1, D)), _full_spec((D, D))],
        out_specs=_row_spec(D),
        out_shape=jax.ShapeDtypeStruct((N, D), jnp.float32),
    )(a0, a1, y1, dis, b1, W2)


def _final(a0, a1, y2, dis, b2):
    return pl.pallas_call(
        _final_body,
        grid=(N // R_TC,),
        in_specs=[_row_spec(D), _row_spec(D), _row_spec(D), _row_spec(1),
                  _full_spec((1, D))],
        out_specs=_row_spec(D),
        out_shape=jax.ShapeDtypeStruct((N, D), jnp.float32),
    )(a0, a1, y2, dis, b2)


def kernel(x, edge_index, W1, b1, W2, b2):
    ei32 = edge_index.astype(jnp.int32)
    src1d = ei32[0]
    dst1d = ei32[1]
    dst3d = dst1d.reshape(NC * NS, CH, K)
    b1r = b1.reshape(1, D)
    b2r = b2.reshape(1, D)

    deg_parts = _deg_sc(dst3d)
    deg0 = deg_parts[0, :N].reshape(N, 1)
    deg1 = deg_parts[1, :N].reshape(N, 1)

    xw1 = _mm1(x, W1)
    y1, dis = _scale1(deg0, deg1, xw1)
    acc = _prop_sc(y1, src1d, dst1d)
    y2 = _mid2(acc[0, :N], acc[1, :N], y1, dis, b1r, W2)
    acc = _prop_sc(y2, src1d, dst1d)
    return _final(acc[0, :N], acc[1, :N], y2, dis, b2r)

# --- scband reference (transcript-rebuilt; emitter-appended) ---
"""Pipeline reference for scband-gcnencoder-66211215835753 (READ-ONLY COPY).

The authoritative reference and input builder live on the scoring server;
editing this copy changes nothing except your own understanding.
"""

import jax, jax.numpy as jnp
import numpy as np

N_NODES = 10000
N_EDGES = 320000
D_IN = 128
D_HID = 128


def gcn_conv(x, edge_index, W, b):
    N = x.shape[0]
    # add self loops (PyG GCNConv default: add_self_loops=True)
    loop = jnp.arange(N, dtype=edge_index.dtype)
    src = jnp.concatenate([edge_index[0], loop])
    dst = jnp.concatenate([edge_index[1], loop])
    # symmetric normalization D^{-1/2} (A+I) D^{-1/2}
    ones = jnp.ones(src.shape[0], dtype=x.dtype)
    deg = jax.ops.segment_sum(ones, dst, num_segments=N)
    deg_inv_sqrt = jnp.where(deg > 0, deg ** -0.5, 0.0)
    norm = deg_inv_sqrt[src] * deg_inv_sqrt[dst]
    # linear transform then propagate (gather -> scale -> scatter-add)
    xw = x @ W
    msgs = jnp.take(xw, src, axis=0) * norm[:, None]
    out = jax.ops.segment_sum(msgs, dst, num_segments=N)
    return out + b


def setup_inputs(seed: int = 0) -> dict:
    key = jax.random.key(seed)
    k_x, k_e, k_w1, k_b1, k_w2, k_b2 = jax.random.split(key, 6)
    x = jax.random.normal(k_x, (N_NODES, D_IN), dtype=jnp.float32)
    edge_index = jax.random.randint(k_e, (2, N_EDGES), 0, N_NODES, dtype=jnp.int64)
    s1 = (1.0 / np.sqrt(D_IN)).astype(np.float32) if isinstance(np.sqrt(D_IN), np.ndarray) else np.float32(1.0 / np.sqrt(D_IN))
    s2 = np.float32(1.0 / np.sqrt(D_HID))
    W1 = jax.random.uniform(k_w1, (D_IN, D_HID), dtype=jnp.float32, minval=-s1, maxval=s1)
    b1 = jax.random.uniform(k_b1, (D_HID,), dtype=jnp.float32, minval=-s1, maxval=s1)
    W2 = jax.random.uniform(k_w2, (D_HID, D_HID), dtype=jnp.float32, minval=-s2, maxval=s2)
    b2 = jax.random.uniform(k_b2, (D_HID,), dtype=jnp.float32, minval=-s2, maxval=s2)
    return {"x": x, "edge_index": edge_index, "W1": W1, "b1": b1, "W2": W2, "b2": b2}


def reference(x, edge_index, W1, b1, W2, b2):
    h = gcn_conv(x, edge_index, W1, b1)
    h = jax.nn.relu(h)
    # F.dropout treated as identity (inference / deterministic reference)
    out = gcn_conv(h, edge_index, W2, b2)
    return out

if __name__ == "__main__":
    import jax
    _d = setup_inputs()
    print(jax.jit(kernel)(*tuple(_d.values())))

</pallas_src>

<mosaic_0001>
#map = affine_map<(d0, d1) -> (0, 0, 0)>
#map1 = affine_map<(d0, d1) -> (0, 0)>
module attributes {stable_mosaic.version = 14 : i64} {
  func.func @_deg_sc(%arg0: i32, %arg1: i32, %arg2: memref<32x125x80xi32, #tpu.memory_space<hbm>>, %arg3: memref<2x10240xf32, #tpu.memory_space<hbm>>, %arg4: memref<10240xf32, #tpu.memory_space<vmem_shared>>, %arg5: memref<640xf32, #tpu.memory_space<vmem>>, %arg6: memref<128xf32, #tpu.memory_space<vmem>>, %arg7: memref<125x80xi32, #tpu.memory_space<vmem>>, %arg8: memref<!tpu.dma_semaphore, #tpu.memory_space<semaphore_mem>>) attributes {dimension_semantics = [#tpu.dimension_semantics<core_parallel>, #tpu.dimension_semantics<subcore_parallel>], iteration_bounds = array<i64: 2, 16>, scalar_prefetch = 0 : i64, scratch_operands = 5 : i64, tpu.core_type = #tpu.core_type<sc_vector_subcore>, window_params = [{transform_indices = #map}, {transform_indices = #map1}]} {
    %mul3A = arith.constant 16 : i32
    %mul3A_0 = arith.muli %arg0, %mul3A : i32
    %add3A = arith.addi %mul3A_0, %arg1 : i32
    %broadcast_in_dim3A = arith.constant 0.000000e+00 : f32
    %broadcast_in_dim3A_1 = vector.broadcast %broadcast_in_dim3A : f32 to vector<16xf32>
    %broadcast_in_dim3A_2 = arith.constant 1.000000e+00 : f32
    %broadcast_in_dim3A_3 = vector.broadcast %broadcast_in_dim3A_2 : f32 to vector<16xf32>
    %scan3A = arith.constant 0 : i32
    %scan3A_4 = arith.constant 40 : i32
    %scan3A_5 = arith.addi %scan3A, %scan3A_4 : i32
    %scan3A_6 = arith.constant 1 : i32
    scf.for %scan3A_56 = %scan3A to %scan3A_5 step %scan3A_6  : i32 {
      %mul3A_57 = arith.constant 1 : i32
      %mul3A_58 = arith.muli %scan3A_56, %mul3A_57 : i32
      %add3A_59 = arith.constant 0 : i32
      %add3A_60 = arith.addi %add3A_59, %mul3A_58 : i32
      %mul3A_61 = arith.constant 16 : i32
      %mul3A_62 = arith.muli %add3A_60, %mul3A_61 : i32
      %swap3A_63 = arith.index_cast %mul3A_62 : i32 to index
      %swap3A_64 = tpu.vector_load %arg5[%swap3A_63] {strides = array<i32>} : memref<640xf32, #tpu.memory_space<vmem>>, vector<16xf32>,
      %swap3A_65 = vector.shape_cast %swap3A_64 : vector<16xf32> to vector<16xf32>
      %swap3A_66 = vector.shape_cast %broadcast_in_dim3A_1 : vector<16xf32> to vector<16xf32>
      tpu.vector_store %arg5[%swap3A_63], %swap3A_66 {strides = array<i32>} : memref<640xf32, #tpu.memory_space<vmem>>, vector<16xf32>,
    }
    %scan3A_7 = arith.constant 40 : i32
    %swap3A = arith.constant 0 : index
    %swap3A_8 = tpu.vector_load %arg6[%swap3A] {strides = array<i32>} : memref<128xf32, #tpu.memory_space<vmem>>, vector<16xf32>,
    %swap3A_9 = vector.shape_cast %swap3A_8 : vector<16xf32> to vector<16xf32>
    %swap3A_10 = vector.shape_cast %broadcast_in_dim3A_3 : vector<16xf32> to vector<16xf32>
    tpu.vector_store %arg6[%swap3A], %swap3A_10 {strides = array<i32>} : memref<128xf32, #tpu.memory_space<vmem>>, vector<16xf32>,
    %swap3A_11 = arith.constant 16 : index
    %swap3A_12 = tpu.vector_load %arg6[%swap3A_11] {strides = array<i32>} : memref<128xf32, #tpu.memory_space<vmem>>, vector<16xf32>,
    %swap3A_13 = vector.shape_cast %swap3A_12 : vector<16xf32> to vector<16xf32>
    %swap3A_14 = vector.shape_cast %broadcast_in_dim3A_3 : vector<16xf32> to vector<16xf32>
    tpu.vector_store %arg6[%swap3A_11], %swap3A_14 {strides = array<i32>} : memref<128xf32, #tpu.memory_space<vmem>>, vector<16xf32>,
    %swap3A_15 = arith.constant 32 : index
    %swap3A_16 = tpu.vector_load %arg6[%swap3A_15] {strides = array<i32>} : memref<128xf32, #tpu.memory_space<vmem>>, vector<16xf32>,
    %swap3A_17 = vector.shape_cast %swap3A_16 : vector<16xf32> to vector<16xf32>
    %swap3A_18 = vector.shape_cast %broadcast_in_dim3A_3 : vector<16xf32> to vector<16xf32>
    tpu.vector_store %arg6[%swap3A_15], %swap3A_18 {strides = array<i32>} : memref<128xf32, #tpu.memory_space<vmem>>, vector<16xf32>,
    %swap3A_19 = arith.constant 48 : index
    %swap3A_20 = tpu.vector_load %arg6[%swap3A_19] {strides = array<i32>} : memref<128xf32, #tpu.memory_space<vmem>>, vector<16xf32>,
    %swap3A_21 = vector.shape_cast %swap3A_20 : vector<16xf32> to vector<16xf32>
    %swap3A_22 = vector.shape_cast %broadcast_in_dim3A_3 : vector<16xf32> to vector<16xf32>
    tpu.vector_store %arg6[%swap3A_19], %swap3A_22 {strides = array<i32>} : memref<128xf32, #tpu.memory_space<vmem>>, vector<16xf32>,
    %swap3A_23 = arith.constant 64 : index
    %swap3A_24 = tpu.vector_load %arg6[%swap3A_23] {strides = array<i32>} : memref<128xf32, #tpu.memory_space<vmem>>, vector<16xf32>,
    %swap3A_25 = vector.shape_cast %swap3A_24 : vector<16xf32> to vector<16xf32>
    %swap3A_26 = vector.shape_cast %broadcast_in_dim3A_3 : vector<16xf32> to vector<16xf32>
    tpu.vector_store %arg6[%swap3A_23], %swap3A_26 {strides = array<i32>} : memref<128xf32, #tpu.memory_space<vmem>>, vector<16xf32>,
    %swap3A_27 = arith.constant 80 : index
    %swap3A_28 = tpu.vector_load %arg6[%swap3A_27] {strides = array<i32>} : memref<128xf32, #tpu.memory_space<vmem>>, vector<16xf32>,
    %swap3A_29 = vector.shape_cast %swap3A_28 : vector<16xf32> to vector<16xf32>
    %swap3A_30 = vector.shape_cast %broadcast_in_dim3A_3 : vector<16xf32> to vector<16xf32>
    tpu.vector_store %arg6[%swap3A_27], %swap3A_30 {strides = array<i32>} : memref<128xf32, #tpu.memory_space<vmem>>, vector<16xf32>,
    %swap3A_31 = arith.constant 96 : index
    %swap3A_32 = tpu.vector_load %arg6[%swap3A_31] {strides = array<i32>} : memref<128xf32, #tpu.memory_space<vmem>>, vector<16xf32>,
    %swap3A_33 = vector.shape_cast %swap3A_32 : vector<16xf32> to vector<16xf32>
    %swap3A_34 = vector.shape_cast %broadcast_in_dim3A_3 : vector<16xf32> to vector<16xf32>
    tpu.vector_store %arg6[%swap3A_31], %swap3A_34 {strides = array<i32>} : memref<128xf32, #tpu.memory_space<vmem>>, vector<16xf32>,
    %swap3A_35 = arith.constant 112 : index
    %swap3A_36 = tpu.vector_load %arg6[%swap3A_35] {strides = array<i32>} : memref<128xf32, #tpu.memory_space<vmem>>, vector<16xf32>,
    %swap3A_37 = vector.shape_cast %swap3A_36 : vector<16xf32> to vector<16xf32>
    %swap3A_38 = vector.shape_cast %broadcast_in_dim3A_3 : vector<16xf32> to vector<16xf32>
    tpu.vector_store %arg6[%swap3A_35], %swap3A_38 {strides = array<i32>} : memref<128xf32, #tpu.memory_space<vmem>>, vector<16xf32>,
    "tpu.region"() ({
      %run_scoped3A = tpu.sem_alloc : memref<!tpu.dma_semaphore, #tpu.memory_space<semaphore_mem>>
      %dma_start3A = arith.constant 0 : i32
      %dma_start3A_56 = arith.constant 0 : i32
      %dma_start3A_57 = tpu.memref_slice %arg2[%add3A, %dma_start3A, %dma_start3A_56] : memref<32x125x80xi32, #tpu.memory_space<hbm>> -> memref<1x125x80xi32, #tpu.memory_space<hbm>>
      %dma_start3A_58 = tpu.memref_squeeze %dma_start3A_57 : memref<1x125x80xi32, #tpu.memory_space<hbm>> -> memref<125x80xi32, #tpu.memory_space<hbm>>
      %dma_start3A_59 = arith.constant 0 : i32
      %dma_start3A_60 = arith.constant 0 : i32
      %dma_start3A_61 = tpu.memref_slice %arg2[%add3A, %dma_start3A_59, %dma_start3A_60] : memref<32x125x80xi32, #tpu.memory_space<hbm>> -> memref<1x125x80xi32, #tpu.memory_space<hbm>>
      %dma_start3A_62 = tpu.memref_squeeze %dma_start3A_61 : memref<1x125x80xi32, #tpu.memory_space<hbm>> -> memref<125x80xi32, #tpu.memory_space<hbm>>
      tpu.enqueue_dma source(%dma_start3A_62 : memref<125x80xi32, #tpu.memory_space<hbm>>) target(%arg7 : memref<125x80xi32, #tpu.memory_space<vmem>>) target_semaphore(%run_scoped3A : memref<!tpu.dma_semaphore, #tpu.memory_space<semaphore_mem>>)
      %dma_wait3A = arith.constant 0 : i32
      %dma_wait3A_63 = arith.constant 0 : i32
      %dma_wait3A_64 = tpu.memref_slice %arg2[%add3A, %dma_wait3A, %dma_wait3A_63] : memref<32x125x80xi32, #tpu.memory_space<hbm>> -> memref<1x125x80xi32, #tpu.memory_space<hbm>>
      %dma_wait3A_65 = tpu.memref_squeeze %dma_wait3A_64 : memref<1x125x80xi32, #tpu.memory_space<hbm>> -> memref<125x80xi32, #tpu.memory_space<hbm>>
      %dma_wait3A_66 = arith.constant 0 : i32
      %dma_wait3A_67 = arith.constant 0 : i32
      %dma_wait3A_68 = tpu.memref_slice %arg2[%add3A, %dma_wait3A_66, %dma_wait3A_67] : memref<32x125x80xi32, #tpu.memory_space<hbm>> -> memref<1x125x80xi32, #tpu.memory_space<hbm>>
      %dma_wait3A_69 = tpu.memref_squeeze %dma_wait3A_68 : memref<1x125x80xi32, #tpu.memory_space<hbm>> -> memref<125x80xi32, #tpu.memory_space<hbm>>
      tpu.wait_dma2 semaphore(%run_scoped3A : memref<!tpu.dma_semaphore, #tpu.memory_space<semaphore_mem>>) src(%dma_wait3A_69 : memref<125x80xi32, #tpu.memory_space<hbm>>) dst(%arg7 : memref<125x80xi32, #tpu.memory_space<vmem>>)
      tpu.yield
    }) : () -> ()
    %mul3A_39 = arith.constant 640 : i32
    %mul3A_40 = arith.muli %arg1, %mul3A_39 : i32
    "tpu.region"() ({
      %run_scoped3A = tpu.sem_alloc : memref<!tpu.dma_semaphore, #tpu.memory_space<semaphore_mem>>
      %dma_start3A = tpu.memref_slice %arg4[%mul3A_40] : memref<10240xf32, #tpu.memory_space<vmem_shared>> -> memref<640xf32, #tpu.memory_space<vmem_shared>>
      %dma_start3A_56 = tpu.memref_slice %arg4[%mul3A_40] : memref<10240xf32, #tpu.memory_space<vmem_shared>> -> memref<640xf32, #tpu.memory_space<vmem_shared>>
      tpu.enqueue_dma source(%arg5 : memref<640xf32, #tpu.memory_space<vmem>>) target(%dma_start3A_56 : memref<640xf32, #tpu.memory_space<vmem_shared>>) target_semaphore(%run_scoped3A : memref<!tpu.dma_semaphore, #tpu.memory_space<semaphore_mem>>)
      %dma_wait3A = tpu.memref_slice %arg4[%mul3A_40] : memref<10240xf32, #tpu.memory_space<vmem_shared>> -> memref<640xf32, #tpu.memory_space<vmem_shared>>
      %dma_wait3A_57 = tpu.memref_slice %arg4[%mul3A_40] : memref<10240xf32, #tpu.memory_space<vmem_shared>> -> memref<640xf32, #tpu.memory_space<vmem_shared>>
      tpu.wait_dma2 semaphore(%run_scoped3A : memref<!tpu.dma_semaphore, #tpu.memory_space<semaphore_mem>>) src(%arg5 : memref<640xf32, #tpu.memory_space<vmem>>) dst(%dma_wait3A_57 : memref<640xf32, #tpu.memory_space<vmem_shared>>)
      tpu.yield
    }) : () -> ()
    %barrier3A = arith.constant 0 : index
    tpu.barrier barrier_id(%barrier3A)
    %scan3A_41 = arith.constant 0 : i32
    %scan3A_42 = arith.constant 125 : i32
    %scan3A_43 = arith.addi %scan3A_41, %scan3A_42 : i32
    %scan3A_44 = arith.constant 1 : i32
    scf.for %scan3A_56 = %scan3A_41 to %scan3A_43 step %scan3A_44  : i32 {
      %mul3A_57 = arith.constant 1 : i32
      %mul3A_58 = arith.muli %scan3A_56, %mul3A_57 : i32
      %add3A_59 = arith.constant 0 : i32
      %add3A_60 = arith.addi %add3A_59, %mul3A_58 : i32
      %dma_start3A = arith.constant 0 : i32
      %dma_start3A_61 = tpu.memref_slice %arg6[%dma_start3A] : memref<128xf32, #tpu.memory_space<vmem>> -> memref<80xf32, #tpu.memory_space<vmem>>
      %dma_start3A_62 = arith.constant 0 : i32
      %dma_start3A_63 = tpu.memref_slice %arg7[%add3A_60, %dma_start3A_62] : memref<125x80xi32, #tpu.memory_space<vmem>> -> memref<1x80xi32, #tpu.memory_space<vmem>>
      %dma_start3A_64 = tpu.memref_squeeze %dma_start3A_63 : memref<1x80xi32, #tpu.memory_space<vmem>> -> memref<80xi32, #tpu.memory_space<vmem>>
      %dma_start3A_65 = arith.constant 0 : i32
      %dma_start3A_66 = tpu.memref_slice %arg4[%dma_start3A_65] : memref<10240xf32, #tpu.memory_space<vmem_shared>> -> memref<10240xf32, #tpu.memory_space<vmem_shared>>
      tpu.enqueue_indirect_dma source(%dma_start3A_61 : memref<80xf32, #tpu.memory_space<vmem>>) target(%dma_start3A_66 : memref<10240xf32, #tpu.memory_space<vmem_shared>>) offsets(%dma_start3A_64 : memref<80xi32, #tpu.memory_space<vmem>>) semaphore(%arg8 : memref<!tpu.dma_semaphore, #tpu.memory_space<semaphore_mem>>) {add = true}
    }
    %scan3A_45 = arith.constant 125 : i32
    %scan3A_46 = arith.constant 0 : i32
    %scan3A_47 = arith.constant 125 : i32
    %scan3A_48 = arith.addi %scan3A_46, %scan3A_47 : i32
    %scan3A_49 = arith.constant 1 : i32
    scf.for %scan3A_56 = %scan3A_46 to %scan3A_48 step %scan3A_49  : i32 {
      %mul3A_57 = arith.constant 1 : i32
      %mul3A_58 = arith.muli %scan3A_56, %mul3A_57 : i32
      %add3A_59 = arith.constant 0 : i32
      %add3A_60 = arith.addi %add3A_59, %mul3A_58 : i32
      %dma_wait3A = arith.constant 0 : i32
      %dma_wait3A_61 = arith.constant 0 : i32
      %dma_wait3A_62 = tpu.memref_slice %arg6[%dma_wait3A_61] : memref<128xf32, #tpu.memory_space<vmem>> -> memref<80xf32, #tpu.memory_space<vmem>>
      %dma_wait3A_63 = arith.constant 0 : i32
      %dma_wait3A_64 = tpu.memref_slice %arg7[%dma_wait3A, %dma_wait3A_63] : memref<125x80xi32, #tpu.memory_space<vmem>> -> memref<1x80xi32, #tpu.memory_space<vmem>>
      %dma_wait3A_65 = tpu.memref_squeeze %dma_wait3A_64 : memref<1x80xi32, #tpu.memory_space<vmem>> -> memref<80xi32, #tpu.memory_space<vmem>>
      %dma_wait3A_66 = arith.constant 0 : i32
      %dma_wait3A_67 = tpu.memref_slice %arg4[%dma_wait3A_66] : memref<10240xf32, #tpu.memory_space<vmem_shared>> -> memref<10240xf32, #tpu.memory_space<vmem_shared>>
      tpu.wait_indirect_dma semaphore(%arg8 : memref<!tpu.dma_semaphore, #tpu.memory_space<semaphore_mem>>) src(%dma_wait3A_62 : memref<80xf32, #tpu.memory_space<vmem>>) dst(%dma_wait3A_67 : memref<10240xf32, #tpu.memory_space<vmem_shared>>)
    }
    %scan3A_50 = arith.constant 125 : i32
    %barrier3A_51 = arith.constant 0 : index
    tpu.barrier barrier_id(%barrier3A_51)
    %mul3A_52 = arith.constant 640 : i32
    %mul3A_53 = arith.muli %arg1, %mul3A_52 : i32
    %mul3A_54 = arith.constant 640 : i32
    %mul3A_55 = arith.muli %arg1, %mul3A_54 : i32
    "tpu.region"() ({
      %run_scoped3A = tpu.sem_alloc : memref<!tpu.dma_semaphore, #tpu.memory_space<semaphore_mem>>
      %dma_start3A = tpu.memref_slice %arg3[%arg0, %mul3A_55] : memref<2x10240xf32, #tpu.memory_space<hbm>> -> memref<1x640xf32, #tpu.memory_space<hbm>>
      %dma_start3A_56 = tpu.memref_squeeze %dma_start3A : memref<1x640xf32, #tpu.memory_space<hbm>> -> memref<640xf32, #tpu.memory_space<hbm>>
      %dma_start3A_57 = tpu.memref_slice %arg4[%mul3A_53] : memref<10240xf32, #tpu.memory_space<vmem_shared>> -> memref<640xf32, #tpu.memory_space<vmem_shared>>
      tpu.enqueue_dma source(%dma_start3A_57 : memref<640xf32, #tpu.memory_space<vmem_shared>>) target(%dma_start3A_56 : memref<640xf32, #tpu.memory_space<hbm>>) target_semaphore(%run_scoped3A : memref<!tpu.dma_semaphore, #tpu.memory_space<semaphore_mem>>)
      %dma_wait3A = tpu.memref_slice %arg3[%arg0, %mul3A_55] : memref<2x10240xf32, #tpu.memory_space<hbm>> -> memref<1x640xf32, #tpu.memory_space<hbm>>
      %dma_wait3A_58 = tpu.memref_squeeze %dma_wait3A : memref<1x640xf32, #tpu.memory_space<hbm>> -> memref<640xf32, #tpu.memory_space<hbm>>
      %dma_wait3A_59 = tpu.memref_slice %arg4[%mul3A_53] : memref<10240xf32, #tpu.memory_space<vmem_shared>> -> memref<640xf32, #tpu.memory_space<vmem_shared>>
      tpu.wait_dma2 semaphore(%run_scoped3A : memref<!tpu.dma_semaphore, #tpu.memory_space<semaphore_mem>>) src(%dma_wait3A_59 : memref<640xf32, #tpu.memory_space<vmem_shared>>) dst(%dma_wait3A_58 : memref<640xf32, #tpu.memory_space<hbm>>)
      tpu.yield
    }) : () -> ()
    return
  }
}

#map = affine_map<(d0, d1) -> (0, 0)>
#map1 = affine_map<(d0, d1) -> (0)>
#map2 = affine_map<(d0, d1) -> (0, 0, 0)>
module attributes {stable_mosaic.version = 14 : i64} {
  func.func @_prop_sc(%arg0: i32, %arg1: i32, %arg2: memref<10000x128xf32, #tpu.memory_space<hbm>>, %arg3: memref<320000xi32, #tpu.memory_space<hbm>>, %arg4: memref<320000xi32, #tpu.memory_space<hbm>>, %arg5: memref<2x10240x128xf32, #tpu.memory_space<hbm>>, %arg6: memref<10240x128xf32, #tpu.memory_space<vmem_shared>>, %arg7: memref<16x128xf32, #tpu.memory_space<vmem>>, %arg8: memref<80xi32, #tpu.memory_space<vmem>>, %arg9: memref<80xi32, #tpu.memory_space<vmem>>, %arg10: memref<80xi32, #tpu.memory_space<vmem>>, %arg11: memref<80xi32, #tpu.memory_space<vmem>>, %arg12: memref<80xi32, #tpu.memory_space<vmem>>, %arg13: memref<80xi32, #tpu.memory_space<vmem>>, %arg14: memref<80xi32, #tpu.memory_space<vmem>>, %arg15: memref<80xi32, #tpu.memory_space<vmem>>, %arg16: memref<80xi32, #tpu.memory_space<vmem>>, %arg17: memref<80xi32, #tpu.memory_space<vmem>>, %arg18: memref<80xi32, #tpu.memory_space<vmem>>, %arg19: memref<80xi32, #tpu.memory_space<vmem>>, %arg20: memref<80xi32, #tpu.memory_space<vmem>>, %arg21: memref<80xi32, #tpu.memory_space<vmem>>, %arg22: memref<80xi32, #tpu.memory_space<vmem>>, %arg23: memref<80xi32, #tpu.memory_space<vmem>>, %arg24: memref<80x128xf32, #tpu.memory_space<vmem>>, %arg25: memref<80x128xf32, #tpu.memory_space<vmem>>, %arg26: memref<80x128xf32, #tpu.memory_space<vmem>>, %arg27: memref<80x128xf32, #tpu.memory_space<vmem>>, %arg28: memref<!tpu.dma_semaphore, #tpu.memory_space<semaphore_mem>>, %arg29: memref<!tpu.dma_semaphore, #tpu.memory_space<semaphore_mem>>, %arg30: memref<!tpu.dma_semaphore, #tpu.memory_space<semaphore_mem>>, %arg31: memref<!tpu.dma_semaphore, #tpu.memory_space<semaphore_mem>>, %arg32: memref<!tpu.dma_semaphore, #tpu.memory_space<semaphore_mem>>, %arg33: memref<!tpu.dma_semaphore, #tpu.memory_space<semaphore_mem>>, %arg34: memref<!tpu.dma_semaphore, #tpu.memory_space<semaphore_mem>>, %arg35: memref<!tpu.dma_semaphore, #tpu.memory_space<semaphore_mem>>, %arg36: memref<!tpu.dma_semaphore, #tpu.memory_space<semaphore_mem>>, %arg37: memref<!tpu.dma_semaphore, #tpu.memory_space<semaphore_mem>>, %arg38: memref<!tpu.dma_semaphore, #tpu.memory_space<semaphore_mem>>, %arg39: memref<!tpu.dma_semaphore, #tpu.memory_space<semaphore_mem>>, %arg40: memref<!tpu.dma_semaphore, #tpu.memory_space<semaphore_mem>>, %arg41: memref<!tpu.dma_semaphore, #tpu.memory_space<semaphore_mem>>, %arg42: memref<!tpu.dma_semaphore, #tpu.memory_space<semaphore_mem>>, %arg43: memref<!tpu.dma_semaphore, #tpu.memory_space<semaphore_mem>>) attributes {dimension_semantics = [#tpu.dimension_semantics<core_parallel>, #tpu.dimension_semantics<subcore_parallel>], iteration_bounds = array<i64: 2, 16>, scalar_prefetch = 0 : i64, scratch_operands = 38 : i64, tpu.core_type = #tpu.core_type<sc_vector_subcore>, window_params = [{transform_indices = #map}, {transform_indices = #map1}, {transform_indices = #map1}, {transform_indices = #map2}]} {
    %mul3A = arith.constant 16 : i32
    %mul3A_0 = arith.muli %arg0, %mul3A : i32
    %add3A = arith.addi %mul3A_0, %arg1 : i32
    %mul3A_1 = arith.constant 10000 : i32
    %mul3A_2 = arith.muli %add3A, %mul3A_1 : i32
    %broadcast_in_dim3A = arith.constant 0.000000e+00 : f32
    %broadcast_in_dim3A_3 = vector.broadcast %broadcast_in_dim3A : f32 to vector<16xf32>
    %add3A_4 = arith.constant 0 : i32
    %add3A_5 = arith.addi %mul3A_2, %add3A_4 : i32
    %dma_start3A = tpu.memref_slice %arg3[%add3A_5] : memref<320000xi32, #tpu.memory_space<hbm>> -> memref<80xi32, #tpu.memory_space<hbm>>
    %dma_start3A_6 = tpu.memref_slice %arg3[%add3A_5] : memref<320000xi32, #tpu.memory_space<hbm>> -> memref<80xi32, #tpu.memory_space<hbm>>
    tpu.enqueue_dma source(%dma_start3A_6 : memref<80xi32, #tpu.memory_space<hbm>>) target(%arg8 : memref<80xi32, #tpu.memory_space<vmem>>) target_semaphore(%arg28 : memref<!tpu.dma_semaphore, #tpu.memory_space<semaphore_mem>>)
    %dma_start3A_7 = tpu.memref_slice %arg4[%add3A_5] : memref<320000xi32, #tpu.memory_space<hbm>> -> memref<80xi32, #tpu.memory_space<hbm>>
    %dma_start3A_8 = tpu.memref_slice %arg4[%add3A_5] : memref<320000xi32, #tpu.memory_space<hbm>> -> memref<80xi32, #tpu.memory_space<hbm>>
    tpu.enqueue_dma source(%dma_start3A_8 : memref<80xi32, #tpu.memory_space<hbm>>) target(%arg16 : memref<80xi32, #tpu.memory_space<vmem>>) target_semaphore(%arg28 : memref<!tpu.dma_semaphore, #tpu.memory_space<semaphore_mem>>)
    %add3A_9 = arith.constant 80 : i32
    %add3A_10 = arith.addi %mul3A_2, %add3A_9 : i32
    %dma_start3A_11 = tpu.memref_slice %arg3[%add3A_10] : memref<320000xi32, #tpu.memory_space<hbm>> -> memref<80xi32, #tpu.memory_space<hbm>>
    %dma_start3A_12 = tpu.memref_slice %arg3[%add3A_10] : memref<320000xi32, #tpu.memory_space<hbm>> -> memref<80xi32, #tpu.memory_space<hbm>>
    tpu.enqueue_dma source(%dma_start3A_12 : memref<80xi32, #tpu.memory_space<hbm>>) target(%arg9 : memref<80xi32, #tpu.memory_space<vmem>>) target_semaphore(%arg29 : memref<!tpu.dma_semaphore, #tpu.memory_space<semaphore_mem>>)
    %dma_start3A_13 = tpu.memref_slice %arg4[%add3A_10] : memref<320000xi32, #tpu.memory_space<hbm>> -> memref<80xi32, #tpu.memory_space<hbm>>
    %dma_start3A_14 = tpu.memref_slice %arg4[%add3A_10] : memref<320000xi32, #tpu.memory_space<hbm>> -> memref<80xi32, #tpu.memory_space<hbm>>
    tpu.enqueue_dma source(%dma_start3A_14 : memref<80xi32, #tpu.memory_space<hbm>>) target(%arg17 : memref<80xi32, #tpu.memory_space<vmem>>) target_semaphore(%arg29 : memref<!tpu.dma_semaphore, #tpu.memory_space<semaphore_mem>>)
    %add3A_15 = arith.constant 160 : i32
    %add3A_16 = arith.addi %mul3A_2, %add3A_15 : i32
    %dma_start3A_17 = tpu.memref_slice %arg3[%add3A_16] : memref<320000xi32, #tpu.memory_space<hbm>> -> memref<80xi32, #tpu.memory_space<hbm>>
    %dma_start3A_18 = tpu.memref_slice %arg3[%add3A_16] : memref<320000xi32, #tpu.memory_space<hbm>> -> memref<80xi32, #tpu.memory_space<hbm>>
    tpu.enqueue_dma source(%dma_start3A_18 : memref<80xi32, #tpu.memory_space<hbm>>) target(%arg10 : memref<80xi32, #tpu.memory_space<vmem>>) target_semaphore(%arg30 : memref<!tpu.dma_semaphore, #tpu.memory_space<semaphore_mem>>)
    %dma_start3A_19 = tpu.memref_slice %arg4[%add3A_16] : memref<320000xi32, #tpu.memory_space<hbm>> -> memref<80xi32, #tpu.memory_space<hbm>>
    %dma_start3A_20 = tpu.memref_slice %arg4[%add3A_16] : memref<320000xi32, #tpu.memory_space<hbm>> -> memref<80xi32, #tpu.memory_space<hbm>>
    tpu.enqueue_dma source(%dma_start3A_20 : memref<80xi32, #tpu.memory_space<hbm>>) target(%arg18 : memref<80xi32, #tpu.memory_space<vmem>>) target_semaphore(%arg30 : memref<!tpu.dma_semaphore, #tpu.memory_space<semaphore_mem>>)
    %add3A_21 = arith.constant 240 : i32
    %add3A_22 = arith.addi %mul3A_2, %add3A_21 : i32
    %dma_start3A_23 = tpu.memref_slice %arg3[%add3A_22] : memref<320000xi32, #tpu.memory_space<hbm>> -> memref<80xi32, #tpu.memory_space<hbm>>
    %dma_start3A_24 = tpu.memref_slice %arg3[%add3A_22] : memref<320000xi32, #tpu.memory_space<hbm>> -> memref<80xi32, #tpu.memory_space<hbm>>
    tpu.enqueue_dma source(%dma_start3A_24 : memref<80xi32, #tpu.memory_space<hbm>>) target(%arg11 : memref<80xi32, #tpu.memory_space<vmem>>) target_semaphore(%arg31 : memref<!tpu.dma_semaphore, #tpu.memory_space<semaphore_mem>>)
    %dma_start3A_25 = tpu.memref_slice %arg4[%add3A_22] : memref<320000xi32, #tpu.memory_space<hbm>> -> memref<80xi32, #tpu.memory_space<hbm>>
    %dma_start3A_26 = tpu.memref_slice %arg4[%add3A_22] : memref<320000xi32, #tpu.memory_space<hbm>> -> memref<80xi32, #tpu.memory_space<hbm>>
    tpu.enqueue_dma source(%dma_start3A_26 : memref<80xi32, #tpu.memory_space<hbm>>) target(%arg19 : memref<80xi32, #tpu.memory_space<vmem>>) target_semaphore(%arg31 : memref<!tpu.dma_semaphore, #tpu.memory_space<semaphore_mem>>)
    %add3A_27 = arith.constant 320 : i32
    %add3A_28 = arith.addi %mul3A_2, %add3A_27 : i32
    %dma_start3A_29 = tpu.memref_slice %arg3[%add3A_28] : memref<320000xi32, #tpu.memory_space<hbm>> -> memref<80xi32, #tpu.memory_space<hbm>>
    %dma_start3A_30 = tpu.memref_slice %arg3[%add3A_28] : memref<320000xi32, #tpu.memory_space<hbm>> -> memref<80xi32, #tpu.memory_space<hbm>>
    tpu.enqueue_dma source(%dma_start3A_30 : memref<80xi32, #tpu.memory_space<hbm>>) target(%arg12 : memref<80xi32, #tpu.memory_space<vmem>>) target_semaphore(%arg32 : memref<!tpu.dma_semaphore, #tpu.memory_space<semaphore_mem>>)
    %dma_start3A_31 = tpu.memref_slice %arg4[%add3A_28] : memref<320000xi32, #tpu.memory_space<hbm>> -> memref<80xi32, #tpu.memory_space<hbm>>
    %dma_start3A_32 = tpu.memref_slice %arg4[%add3A_28] : memref<320000xi32, #tpu.memory_space<hbm>> -> memref<80xi32, #tpu.memory_space<hbm>>
    tpu.enqueue_dma source(%dma_start3A_32 : memref<80xi32, #tpu.memory_space<hbm>>) target(%arg20 : memref<80xi32, #tpu.memory_space<vmem>>) target_semaphore(%arg32 : memref<!tpu.dma_semaphore, #tpu.memory_space<semaphore_mem>>)
    %add3A_33 = arith.constant 400 : i32
    %add3A_34 = arith.addi %mul3A_2, %add3A_33 : i32
    %dma_start3A_35 = tpu.memref_slice %arg3[%add3A_34] : memref<320000xi32, #tpu.memory_space<hbm>> -> memref<80xi32, #tpu.memory_space<hbm>>
    %dma_start3A_36 = tpu.memref_slice %arg3[%add3A_34] : memref<320000xi32, #tpu.memory_space<hbm>> -> memref<80xi32, #tpu.memory_space<hbm>>
    tpu.enqueue_dma source(%dma_start3A_36 : memref<80xi32, #tpu.memory_space<hbm>>) target(%arg13 : memref<80xi32, #tpu.memory_space<vmem>>) target_semaphore(%arg33 : memref<!tpu.dma_semaphore, #tpu.memory_space<semaphore_mem>>)
    %dma_start3A_37 = tpu.memref_slice %arg4[%add3A_34] : memref<320000xi32, #tpu.memory_space<hbm>> -> memref<80xi32, #tpu.memory_space<hbm>>
    %dma_start3A_38 = tpu.memref_slice %arg4[%add3A_34] : memref<320000xi32, #tpu.memory_space<hbm>> -> memref<80xi32, #tpu.memory_space<hbm>>
    tpu.enqueue_dma source(%dma_start3A_38 : memref<80xi32, #tpu.memory_space<hbm>>) target(%arg21 : memref<80xi32, #tpu.memory_space<vmem>>) target_semaphore(%arg33 : memref<!tpu.dma_semaphore, #tpu.memory_space<semaphore_mem>>)
    %add3A_39 = arith.constant 480 : i32
    %add3A_40 = arith.addi %mul3A_2, %add3A_39 : i32
    %dma_start3A_41 = tpu.memref_slice %arg3[%add3A_40] : memref<320000xi32, #tpu.memory_space<hbm>> -> memref<80xi32, #tpu.memory_space<hbm>>
    %dma_start3A_42 = tpu.memref_slice %arg3[%add3A_40] : memref<320000xi32, #tpu.memory_space<hbm>> -> memref<80xi32, #tpu.memory_space<hbm>>
    tpu.enqueue_dma source(%dma_start3A_42 : memref<80xi32, #tpu.memory_space<hbm>>) target(%arg14 : memref<80xi32, #tpu.memory_space<vmem>>) target_semaphore(%arg34 : memref<!tpu.dma_semaphore, #tpu.memory_space<semaphore_mem>>)
    %dma_start3A_43 = tpu.memref_slice %arg4[%add3A_40] : memref<320000xi32, #tpu.memory_space<hbm>> -> memref<80xi32, #tpu.memory_space<hbm>>
    %dma_start3A_44 = tpu.memref_slice %arg4[%add3A_40] : memref<320000xi32, #tpu.memory_space<hbm>> -> memref<80xi32, #tpu.memory_space<hbm>>
    tpu.enqueue_dma source(%dma_start3A_44 : memref<80xi32, #tpu.memory_space<hbm>>) target(%arg22 : memref<80xi32, #tpu.memory_space<vmem>>) target_semaphore(%arg34 : memref<!tpu.dma_semaphore, #tpu.memory_space<semaphore_mem>>)
    %add3A_45 = arith.constant 560 : i32
    %add3A_46 = arith.addi %mul3A_2, %add3A_45 : i32
    %dma_start3A_47 = tpu.memref_slice %arg3[%add3A_46] : memref<320000xi32, #tpu.memory_space<hbm>> -> memref<80xi32, #tpu.memory_space<hbm>>
    %dma_start3A_48 = tpu.memref_slice %arg3[%add3A_46] : memref<320000xi32, #tpu.memory_space<hbm>> -> memref<80xi32, #tpu.memory_space<hbm>>
    tpu.enqueue_dma source(%dma_start3A_48 : memref<80xi32, #tpu.memory_space<hbm>>) target(%arg15 : memref<80xi32, #tpu.memory_space<vmem>>) target_semaphore(%arg35 : memref<!tpu.dma_semaphore, #tpu.memory_space<semaphore_mem>>)
    %dma_start3A_49 = tpu.memref_slice %arg4[%add3A_46] : memref<320000xi32, #tpu.memory_space<hbm>> -> memref<80xi32, #tpu.memory_space<hbm>>
    %dma_start3A_50 = tpu.memref_slice %arg4[%add3A_46] : memref<320000xi32, #tpu.memory_space<hbm>> -> memref<80xi32, #tpu.memory_space<hbm>>
    tpu.enqueue_dma source(%dma_start3A_50 : memref<80xi32, #tpu.memory_space<hbm>>) target(%arg23 : memref<80xi32, #tpu.memory_space<vmem>>) target_semaphore(%arg35 : memref<!tpu.dma_semaphore, #tpu.memory_space<semaphore_mem>>)
    %scan3A = arith.constant 0 : i32
    %scan3A_51 = arith.constant 16 : i32
    %scan3A_52 = arith.addi %scan3A, %scan3A_51 : i32
    %scan3A_53 = arith.constant 1 : i32
    scf.for %scan3A_359 = %scan3A to %scan3A_52 step %scan3A_53  : i32 {
      %mul3A_360 = arith.constant 1 : i32
      %mul3A_361 = arith.muli %scan3A_359, %mul3A_360 : i32
      %add3A_362 = arith.constant 0 : i32
      %add3A_363 = arith.addi %add3A_362, %mul3A_361 : i32
      %swap3A = arith.index_cast %add3A_363 : i32 to index
      %swap3A_364 = arith.constant 0 : index
      %swap3A_365 = tpu.vector_load %arg7[%swap3A, %swap3A_364] {strides = array<i32>} : memref<16x128xf32, #tpu.memory_space<vmem>>, vector<1x16xf32>,
      %swap3A_366 = vector.shape_cast %swap3A_365 : vector<1x16xf32> to vector<16xf32>
      %swap3A_367 = vector.shape_cast %broadcast_in_dim3A_3 : vector<16xf32> to vector<1x16xf32>
      tpu.vector_store %arg7[%swap3A, %swap3A_364], %swap3A_367 {strides = array<i32>} : memref<16x128xf32, #tpu.memory_space<vmem>>, vector<1x16xf32>,
      %swap3A_368 = arith.index_cast %add3A_363 : i32 to index
      %swap3A_369 = arith.constant 16 : index
      %swap3A_370 = tpu.vector_load %arg7[%swap3A_368, %swap3A_369] {strides = array<i32>} : memref<16x128xf32, #tpu.memory_space<vmem>>, vector<1x16xf32>,
      %swap3A_371 = vector.shape_cast %swap3A_370 : vector<1x16xf32> to vector<16xf32>
      %swap3A_372 = vector.shape_cast %broadcast_in_dim3A_3 : vector<16xf32> to vector<1x16xf32>
      tpu.vector_store %arg7[%swap3A_368, %swap3A_369], %swap3A_372 {strides = array<i32>} : memref<16x128xf32, #tpu.memory_space<vmem>>, vector<1x16xf32>,
      %swap3A_373 = arith.index_cast %add3A_363 : i32 to index
      %swap3A_374 = arith.constant 32 : index
      %swap3A_375 = tpu.vector_load %arg7[%swap3A_373, %swap3A_374] {strides = array<i32>} : memref<16x128xf32, #tpu.memory_space<vmem>>, vector<1x16xf32>,
      %swap3A_376 = vector.shape_cast %swap3A_375 : vector<1x16xf32> to vector<16xf32>
      %swap3A_377 = vector.shape_cast %broadcast_in_dim3A_3 : vector<16xf32> to vector<1x16xf32>
      tpu.vector_store %arg7[%swap3A_373, %swap3A_374], %swap3A_377 {strides = array<i32>} : memref<16x128xf32, #tpu.memory_space<vmem>>, vector<1x16xf32>,
      %swap3A_378 = arith.index_cast %add3A_363 : i32 to index
      %swap3A_379 = arith.constant 48 : index
      %swap3A_380 = tpu.vector_load %arg7[%swap3A_378, %swap3A_379] {strides = array<i32>} : memref<16x128xf32, #tpu.memory_space<vmem>>, vector<1x16xf32>,
      %swap3A_381 = vector.shape_cast %swap3A_380 : vector<1x16xf32> to vector<16xf32>
      %swap3A_382 = vector.shape_cast %broadcast_in_dim3A_3 : vector<16xf32> to vector<1x16xf32>
      tpu.vector_store %arg7[%swap3A_378, %swap3A_379], %swap3A_382 {strides = array<i32>} : memref<16x128xf32, #tpu.memory_space<vmem>>, vector<1x16xf32>,
      %swap3A_383 = arith.index_cast %add3A_363 : i32 to index
      %swap3A_384 = arith.constant 64 : index
      %swap3A_385 = tpu.vector_load %arg7[%swap3A_383, %swap3A_384] {strides = array<i32>} : memref<16x128xf32, #tpu.memory_space<vmem>>, vector<1x16xf32>,
      %swap3A_386 = vector.shape_cast %swap3A_385 : vector<1x16xf32> to vector<16xf32>
      %swap3A_387 = vector.shape_cast %broadcast_in_dim3A_3 : vector<16xf32> to vector<1x16xf32>
      tpu.vector_store %arg7[%swap3A_383, %swap3A_384], %swap3A_387 {strides = array<i32>} : memref<16x128xf32, #tpu.memory_space<vmem>>, vector<1x16xf32>,
      %swap3A_388 = arith.index_cast %add3A_363 : i32 to index
      %swap3A_389 = arith.constant 80 : index
      %swap3A_390 = tpu.vector_load %arg7[%swap3A_388, %swap3A_389] {strides = array<i32>} : memref<16x128xf32, #tpu.memory_space<vmem>>, vector<1x16xf32>,
      %swap3A_391 = vector.shape_cast %swap3A_390 : vector<1x16xf32> to vector<16xf32>
      %swap3A_392 = vector.shape_cast %broadcast_in_dim3A_3 : vector<16xf32> to vector<1x16xf32>
      tpu.vector_store %arg7[%swap3A_388, %swap3A_389], %swap3A_392 {strides = array<i32>} : memref<16x128xf32, #tpu.memory_space<vmem>>, vector<1x16xf32>,
      %swap3A_393 = arith.index_cast %add3A_363 : i32 to index
      %swap3A_394 = arith.constant 96 : index
      %swap3A_395 = tpu.vector_load %arg7[%swap3A_393, %swap3A_394] {strides = array<i32>} : memref<16x128xf32, #tpu.memory_space<vmem>>, vector<1x16xf32>,
      %swap3A_396 = vector.shape_cast %swap3A_395 : vector<1x16xf32> to vector<16xf32>
      %swap3A_397 = vector.shape_cast %broadcast_in_dim3A_3 : vector<16xf32> to vector<1x16xf32>
      tpu.vector_store %arg7[%swap3A_393, %swap3A_394], %swap3A_397 {strides = array<i32>} : memref<16x128xf32, #tpu.memory_space<vmem>>, vector<1x16xf32>,
      %swap3A_398 = arith.index_cast %add3A_363 : i32 to index
      %swap3A_399 = arith.constant 112 : index
      %swap3A_400 = tpu.vector_load %arg7[%swap3A_398, %swap3A_399] {strides = array<i32>} : memref<16x128xf32, #tpu.memory_space<vmem>>, vector<1x16xf32>,
      %swap3A_401 = vector.shape_cast %swap3A_400 : vector<1x16xf32> to vector<16xf32>
      %swap3A_402 = vector.shape_cast %broadcast_in_dim3A_3 : vector<16xf32> to vector<1x16xf32>
      tpu.vector_store %arg7[%swap3A_398, %swap3A_399], %swap3A_402 {strides = array<i32>} : memref<16x128xf32, #tpu.memory_space<vmem>>, vector<1x16xf32>,
    }
    %scan3A_54 = arith.constant 16 : i32
    %scan3A_55 = arith.constant 0 : i32
    %scan3A_56 = arith.constant 40 : i32
    %scan3A_57 = arith.addi %scan3A_55, %scan3A_56 : i32
    %scan3A_58 = arith.constant 1 : i32
    scf.for %scan3A_359 = %scan3A_55 to %scan3A_57 step %scan3A_58  : i32 {
      %mul3A_360 = arith.constant 1 : i32
      %mul3A_361 = arith.muli %scan3A_359, %mul3A_360 : i32
      %add3A_362 = arith.constant 0 : i32
      %add3A_363 = arith.addi %add3A_362, %mul3A_361 : i32
      %mul3A_364 = arith.constant 640 : i32
      %mul3A_365 = arith.muli %arg1, %mul3A_364 : i32
      %mul3A_366 = arith.constant 16 : i32
      %mul3A_367 = arith.muli %add3A_363, %mul3A_366 : i32
      %add3A_368 = arith.addi %mul3A_365, %mul3A_367 : i32
      "tpu.region"() ({
        %run_scoped3A = tpu.sem_alloc : memref<!tpu.dma_semaphore, #tpu.memory_space<semaphore_mem>>
        %dma_start3A_369 = arith.constant 0 : i32
        %dma_start3A_370 = tpu.memref_slice %arg6[%add3A_368, %dma_start3A_369] : memref<10240x128xf32, #tpu.memory_space<vmem_shared>> -> memref<16x128xf32, #tpu.memory_space<vmem_shared>>
        %dma_start3A_371 = arith.constant 0 : i32
        %dma_start3A_372 = tpu.memref_slice %arg6[%add3A_368, %dma_start3A_371] : memref<10240x128xf32, #tpu.memory_space<vmem_shared>> -> memref<16x128xf32, #tpu.memory_space<vmem_shared>>
        tpu.enqueue_dma source(%arg7 : memref<16x128xf32, #tpu.memory_space<vmem>>) target(%dma_start3A_372 : memref<16x128xf32, #tpu.memory_space<vmem_shared>>) target_semaphore(%run_scoped3A : memref<!tpu.dma_semaphore, #tpu.memory_space<semaphore_mem>>)
        %dma_wait3A_373 = arith.constant 0 : i32
        %dma_wait3A_374 = tpu.memref_slice %arg6[%add3A_368, %dma_wait3A_373] : memref<10240x128xf32, #tpu.memory_space<vmem_shared>> -> memref<16x128xf32, #tpu.memory_space<vmem_shared>>
        %dma_wait3A_375 = arith.constant 0 : i32
        %dma_wait3A_376 = tpu.memref_slice %arg6[%add3A_368, %dma_wait3A_375] : memref<10240x128xf32, #tpu.memory_space<vmem_shared>> -> memref<16x128xf32, #tpu.memory_space<vmem_shared>>
        tpu.wait_dma2 semaphore(%run_scoped3A : memref<!tpu.dma_semaphore, #tpu.memory_space<semaphore_mem>>) src(%arg7 : memref<16x128xf32, #tpu.memory_space<vmem>>) dst(%dma_wait3A_376 : memref<16x128xf32, #tpu.memory_space<vmem_shared>>)
        tpu.yield
      }) : () -> ()
    }
    %scan3A_59 = arith.constant 40 : i32
    %dma_wait3A = arith.constant 0 : i32
    %dma_wait3A_60 = tpu.memref_slice %arg3[%dma_wait3A] : memref<320000xi32, #tpu.memory_space<hbm>> -> memref<80xi32, #tpu.memory_space<hbm>>
    %dma_wait3A_61 = arith.constant 0 : i32
    %dma_wait3A_62 = tpu.memref_slice %arg3[%dma_wait3A_61] : memref<320000xi32, #tpu.memory_space<hbm>> -> memref<80xi32, #tpu.memory_space<hbm>>
    tpu.wait_dma2 semaphore(%arg28 : memref<!tpu.dma_semaphore, #tpu.memory_space<semaphore_mem>>) src(%dma_wait3A_62 : memref<80xi32, #tpu.memory_space<hbm>>) dst(%arg8 : memref<80xi32, #tpu.memory_space<vmem>>)
    %dma_wait3A_63 = arith.constant 0 : i32
    %dma_wait3A_64 = tpu.memref_slice %arg4[%dma_wait3A_63] : memref<320000xi32, #tpu.memory_space<hbm>> -> memref<80xi32, #tpu.memory_space<hbm>>
    %dma_wait3A_65 = arith.constant 0 : i32
    %dma_wait3A_66 = tpu.memref_slice %arg4[%dma_wait3A_65] : memref<320000xi32, #tpu.memory_space<hbm>> -> memref<80xi32, #tpu.memory_space<hbm>>
    tpu.wait_dma2 semaphore(%arg28 : memref<!tpu.dma_semaphore, #tpu.memory_space<semaphore_mem>>) src(%dma_wait3A_66 : memref<80xi32, #tpu.memory_space<hbm>>) dst(%arg16 : memref<80xi32, #tpu.memory_space<vmem>>)
    %dma_start3A_67 = arith.constant 0 : i32
    %dma_start3A_68 = arith.constant 0 : i32
    %dma_start3A_69 = tpu.memref_slice %arg2[%dma_start3A_67, %dma_start3A_68] : memref<10000x128xf32, #tpu.memory_space<hbm>> -> memref<10000x128xf32, #tpu.memory_space<hbm>>
    tpu.enqueue_indirect_dma source(%dma_start3A_69 : memref<10000x128xf32, #tpu.memory_space<hbm>>) target(%arg24 : memref<80x128xf32, #tpu.memory_space<vmem>>) offsets(%arg8 : memref<80xi32, #tpu.memory_space<vmem>>) semaphore(%arg36 : memref<!tpu.dma_semaphore, #tpu.memory_space<semaphore_mem>>)
    %dma_wait3A_70 = arith.constant 0 : i32
    %dma_wait3A_71 = tpu.memref_slice %arg3[%dma_wait3A_70] : memref<320000xi32, #tpu.memory_space<hbm>> -> memref<80xi32, #tpu.memory_space<hbm>>
    %dma_wait3A_72 = arith.constant 0 : i32
    %dma_wait3A_73 = tpu.memref_slice %arg3[%dma_wait3A_72] : memref<320000xi32, #tpu.memory_space<hbm>> -> memref<80xi32, #tpu.memory_space<hbm>>
    tpu.wait_dma2 semaphore(%arg29 : memref<!tpu.dma_semaphore, #tpu.memory_space<semaphore_mem>>) src(%dma_wait3A_73 : memref<80xi32, #tpu.memory_space<hbm>>) dst(%arg9 : memref<80xi32, #tpu.memory_space<vmem>>)
    %dma_wait3A_74 = arith.constant 0 : i32
    %dma_wait3A_75 = tpu.memref_slice %arg4[%dma_wait3A_74] : memref<320000xi32, #tpu.memory_space<hbm>> -> memref<80xi32, #tpu.memory_space<hbm>>
    %dma_wait3A_76 = arith.constant 0 : i32
    %dma_wait3A_77 = tpu.memref_slice %arg4[%dma_wait3A_76] : memref<320000xi32, #tpu.memory_space<hbm>> -> memref<80xi32, #tpu.memory_space<hbm>>
    tpu.wait_dma2 semaphore(%arg29 : memref<!tpu.dma_semaphore, #tpu.memory_space<semaphore_mem>>) src(%dma_wait3A_77 : memref<80xi32, #tpu.memory_space<hbm>>) dst(%arg17 : memref<80xi32, #tpu.memory_space<vmem>>)
    %dma_start3A_78 = arith.constant 0 : i32
    %dma_start3A_79 = arith.constant 0 : i32
    %dma_start3A_80 = tpu.memref_slice %arg2[%dma_start3A_78, %dma_start3A_79] : memref<10000x128xf32, #tpu.memory_space<hbm>> -> memref<10000x128xf32, #tpu.memory_space<hbm>>
    tpu.enqueue_indirect_dma source(%dma_start3A_80 : memref<10000x128xf32, #tpu.memory_space<hbm>>) target(%arg25 : memref<80x128xf32, #tpu.memory_space<vmem>>) offsets(%arg9 : memref<80xi32, #tpu.memory_space<vmem>>) semaphore(%arg37 : memref<!tpu.dma_semaphore, #tpu.memory_space<semaphore_mem>>)
    %dma_wait3A_81 = arith.constant 0 : i32
    %dma_wait3A_82 = tpu.memref_slice %arg3[%dma_wait3A_81] : memref<320000xi32, #tpu.memory_space<hbm>> -> memref<80xi32, #tpu.memory_space<hbm>>
    %dma_wait3A_83 = arith.constant 0 : i32
    %dma_wait3A_84 = tpu.memref_slice %arg3[%dma_wait3A_83] : memref<320000xi32, #tpu.memory_space<hbm>> -> memref<80xi32, #tpu.memory_space<hbm>>
    tpu.wait_dma2 semaphore(%arg30 : memref<!tpu.dma_semaphore, #tpu.memory_space<semaphore_mem>>) src(%dma_wait3A_84 : memref<80xi32, #tpu.memory_space<hbm>>) dst(%arg10 : memref<80xi32, #tpu.memory_space<vmem>>)
    %dma_wait3A_85 = arith.constant 0 : i32
    %dma_wait3A_86 = tpu.memref_slice %arg4[%dma_wait3A_85] : memref<320000xi32, #tpu.memory_space<hbm>> -> memref<80xi32, #tpu.memory_space<hbm>>
    %dma_wait3A_87 = arith.constant 0 : i32
    %dma_wait3A_88 = tpu.memref_slice %arg4[%dma_wait3A_87] : memref<320000xi32, #tpu.memory_space<hbm>> -> memref<80xi32, #tpu.memory_space<hbm>>
    tpu.wait_dma2 semaphore(%arg30 : memref<!tpu.dma_semaphore, #tpu.memory_space<semaphore_mem>>) src(%dma_wait3A_88 : memref<80xi32, #tpu.memory_space<hbm>>) dst(%arg18 : memref<80xi32, #tpu.memory_space<vmem>>)
    %dma_start3A_89 = arith.constant 0 : i32
    %dma_start3A_90 = arith.constant 0 : i32
    %dma_start3A_91 = tpu.memref_slice %arg2[%dma_start3A_89, %dma_start3A_90] : memref<10000x128xf32, #tpu.memory_space<hbm>> -> memref<10000x128xf32, #tpu.memory_space<hbm>>
    tpu.enqueue_indirect_dma source(%dma_start3A_91 : memref<10000x128xf32, #tpu.memory_space<hbm>>) target(%arg26 : memref<80x128xf32, #tpu.memory_space<vmem>>) offsets(%arg10 : memref<80xi32, #tpu.memory_space<vmem>>) semaphore(%arg38 : memref<!tpu.dma_semaphore, #tpu.memory_space<semaphore_mem>>)
    %dma_wait3A_92 = arith.constant 0 : i32
    %dma_wait3A_93 = tpu.memref_slice %arg3[%dma_wait3A_92] : memref<320000xi32, #tpu.memory_space<hbm>> -> memref<80xi32, #tpu.memory_space<hbm>>
    %dma_wait3A_94 = arith.constant 0 : i32
    %dma_wait3A_95 = tpu.memref_slice %arg3[%dma_wait3A_94] : memref<320000xi32, #tpu.memory_space<hbm>> -> memref<80xi32, #tpu.memory_space<hbm>>
    tpu.wait_dma2 semaphore(%arg31 : memref<!tpu.dma_semaphore, #tpu.memory_space<semaphore_mem>>) src(%dma_wait3A_95 : memref<80xi32, #tpu.memory_space<hbm>>) dst(%arg11 : memref<80xi32, #tpu.memory_space<vmem>>)
    %dma_wait3A_96 = arith.constant 0 : i32
    %dma_wait3A_97 = tpu.memref_slice %arg4[%dma_wait3A_96] : memref<320000xi32, #tpu.memory_space<hbm>> -> memref<80xi32, #tpu.memory_space<hbm>>
    %dma_wait3A_98 = arith.constant 0 : i32
    %dma_wait3A_99 = tpu.memref_slice %arg4[%dma_wait3A_98] : memref<320000xi32, #tpu.memory_space<hbm>> -> memref<80xi32, #tpu.memory_space<hbm>>
    tpu.wait_dma2 semaphore(%arg31 : memref<!tpu.dma_semaphore, #tpu.memory_space<semaphore_mem>>) src(%dma_wait3A_99 : memref<80xi32, #tpu.memory_space<hbm>>) dst(%arg19 : memref<80xi32, #tpu.memory_space<vmem>>)
    %dma_start3A_100 = arith.constant 0 : i32
    %dma_start3A_101 = arith.constant 0 : i32
    %dma_start3A_102 = tpu.memref_slice %arg2[%dma_start3A_100, %dma_start3A_101] : memref<10000x128xf32, #tpu.memory_space<hbm>> -> memref<10000x128xf32, #tpu.memory_space<hbm>>
    tpu.enqueue_indirect_dma source(%dma_start3A_102 : memref<10000x128xf32, #tpu.memory_space<hbm>>) target(%arg27 : memref<80x128xf32, #tpu.memory_space<vmem>>) offsets(%arg11 : memref<80xi32, #tpu.memory_space<vmem>>) semaphore(%arg39 : memref<!tpu.dma_semaphore, #tpu.memory_space<semaphore_mem>>)
    %barrier3A = arith.constant 0 : index
    tpu.barrier barrier_id(%barrier3A)
    %scan3A_103 = arith.constant 0 : i32
    %scan3A_104 = arith.constant 14 : i32
    %scan3A_105 = arith.addi %scan3A_103, %scan3A_104 : i32
    %scan3A_106 = arith.constant 1 : i32
    scf.for %scan3A_359 = %scan3A_103 to %scan3A_105 step %scan3A_106  : i32 {
      %mul3A_360 = arith.constant 1 : i32
      %mul3A_361 = arith.muli %scan3A_359, %mul3A_360 : i32
      %add3A_362 = arith.constant 0 : i32
      %add3A_363 = arith.addi %add3A_362, %mul3A_361 : i32
      %mul3A_364 = arith.constant 8 : i32
      %mul3A_365 = arith.muli %mul3A_364, %add3A_363 : i32
      %add3A_366 = arith.constant 4 : i32
      %add3A_367 = arith.addi %mul3A_365, %add3A_366 : i32
      %add3A_368 = arith.constant 8 : i32
      %add3A_369 = arith.addi %mul3A_365, %add3A_368 : i32
      %dma_wait3A_370 = arith.constant 0 : i32
      %dma_wait3A_371 = arith.constant 0 : i32
      %dma_wait3A_372 = tpu.memref_slice %arg2[%dma_wait3A_370, %dma_wait3A_371] : memref<10000x128xf32, #tpu.memory_space<hbm>> -> memref<10000x128xf32, #tpu.memory_space<hbm>>
      tpu.wait_indirect_dma semaphore(%arg36 : memref<!tpu.dma_semaphore, #tpu.memory_space<semaphore_mem>>) src(%dma_wait3A_372 : memref<10000x128xf32, #tpu.memory_space<hbm>>) dst(%arg24 : memref<80x128xf32, #tpu.memory_space<vmem>>)
      %dma_start3A_373 = arith.constant 0 : i32
      %dma_start3A_374 = arith.constant 0 : i32
      %dma_start3A_375 = tpu.memref_slice %arg6[%dma_start3A_373, %dma_start3A_374] : memref<10240x128xf32, #tpu.memory_space<vmem_shared>> -> memref<10240x128xf32, #tpu.memory_space<vmem_shared>>
      tpu.enqueue_indirect_dma source(%arg24 : memref<80x128xf32, #tpu.memory_space<vmem>>) target(%dma_start3A_375 : memref<10240x128xf32, #tpu.memory_space<vmem_shared>>) offsets(%arg16 : memref<80xi32, #tpu.memory_space<vmem>>) semaphore(%arg40 : memref<!tpu.dma_semaphore, #tpu.memory_space<semaphore_mem>>) {add = true}
      %dma_wait3A_376 = arith.constant 0 : i32
      %dma_wait3A_377 = arith.constant 0 : i32
      %dma_wait3A_378 = tpu.memref_slice %arg2[%dma_wait3A_376, %dma_wait3A_377] : memref<10000x128xf32, #tpu.memory_space<hbm>> -> memref<10000x128xf32, #tpu.memory_space<hbm>>
      tpu.wait_indirect_dma semaphore(%arg37 : memref<!tpu.dma_semaphore, #tpu.memory_space<semaphore_mem>>) src(%dma_wait3A_378 : memref<10000x128xf32, #tpu.memory_space<hbm>>) dst(%arg25 : memref<80x128xf32, #tpu.memory_space<vmem>>)
      %dma_start3A_379 = arith.constant 0 : i32
      %dma_start3A_380 = arith.constant 0 : i32
      %dma_start3A_381 = tpu.memref_slice %arg6[%dma_start3A_379, %dma_start3A_380] : memref<10240x128xf32, #tpu.memory_space<vmem_shared>> -> memref<10240x128xf32, #tpu.memory_space<vmem_shared>>
      tpu.enqueue_indirect_dma source(%arg25 : memref<80x128xf32, #tpu.memory_space<vmem>>) target(%dma_start3A_381 : memref<10240x128xf32, #tpu.memory_space<vmem_shared>>) offsets(%arg17 : memref<80xi32, #tpu.memory_space<vmem>>) semaphore(%arg41 : memref<!tpu.dma_semaphore, #tpu.memory_space<semaphore_mem>>) {add = true}
      %dma_wait3A_382 = arith.constant 0 : i32
      %dma_wait3A_383 = arith.constant 0 : i32
      %dma_wait3A_384 = tpu.memref_slice %arg6[%dma_wait3A_382, %dma_wait3A_383] : memref<10240x128xf32, #tpu.memory_space<vmem_shared>> -> memref<10240x128xf32, #tpu.memory_space<vmem_shared>>
      tpu.wait_indirect_dma semaphore(%arg40 : memref<!tpu.dma_semaphore, #tpu.memory_space<semaphore_mem>>) src(%arg24 : memref<80x128xf32, #tpu.memory_space<vmem>>) dst(%dma_wait3A_384 : memref<10240x128xf32, #tpu.memory_space<vmem_shared>>)
      %dma_wait3A_385 = arith.constant 0 : i32
      %dma_wait3A_386 = tpu.memref_slice %arg3[%dma_wait3A_385] : memref<320000xi32, #tpu.memory_space<hbm>> -> memref<80xi32, #tpu.memory_space<hbm>>
      %dma_wait3A_387 = arith.constant 0 : i32
      %dma_wait3A_388 = tpu.memref_slice %arg3[%dma_wait3A_387] : memref<320000xi32, #tpu.memory_space<hbm>> -> memref<80xi32, #tpu.memory_space<hbm>>
      tpu.wait_dma2 semaphore(%arg32 : memref<!tpu.dma_semaphore, #tpu.memory_space<semaphore_mem>>) src(%dma_wait3A_388 : memref<80xi32, #tpu.memory_space<hbm>>) dst(%arg12 : memref<80xi32, #tpu.memory_space<vmem>>)
      %dma_wait3A_389 = arith.constant 0 : i32
      %dma_wait3A_390 = tpu.memref_slice %arg4[%dma_wait3A_389] : memref<320000xi32, #tpu.memory_space<hbm>> -> memref<80xi32, #tpu.memory_space<hbm>>
      %dma_wait3A_391 = arith.constant 0 : i32
      %dma_wait3A_392 = tpu.memref_slice %arg4[%dma_wait3A_391] : memref<320000xi32, #tpu.memory_space<hbm>> -> memref<80xi32, #tpu.memory_space<hbm>>
      tpu.wait_dma2 semaphore(%arg32 : memref<!tpu.dma_semaphore, #tpu.memory_space<semaphore_mem>>) src(%dma_wait3A_392 : memref<80xi32, #tpu.memory_space<hbm>>) dst(%arg20 : memref<80xi32, #tpu.memory_space<vmem>>)
      %dma_start3A_393 = arith.constant 0 : i32
      %dma_start3A_394 = arith.constant 0 : i32
      %dma_start3A_395 = tpu.memref_slice %arg2[%dma_start3A_393, %dma_start3A_394] : memref<10000x128xf32, #tpu.memory_space<hbm>> -> memref<10000x128xf32, #tpu.memory_space<hbm>>
      tpu.enqueue_indirect_dma source(%dma_start3A_395 : memref<10000x128xf32, #tpu.memory_space<hbm>>) target(%arg24 : memref<80x128xf32, #tpu.memory_space<vmem>>) offsets(%arg12 : memref<80xi32, #tpu.memory_space<vmem>>) semaphore(%arg36 : memref<!tpu.dma_semaphore, #tpu.memory_space<semaphore_mem>>)
      %dma_wait3A_396 = arith.constant 0 : i32
      %dma_wait3A_397 = arith.constant 0 : i32
      %dma_wait3A_398 = tpu.memref_slice %arg6[%dma_wait3A_396, %dma_wait3A_397] : memref<10240x128xf32, #tpu.memory_space<vmem_shared>> -> memref<10240x128xf32, #tpu.memory_space<vmem_shared>>
      tpu.wait_indirect_dma semaphore(%arg41 : memref<!tpu.dma_semaphore, #tpu.memory_space<semaphore_mem>>) src(%arg25 : memref<80x128xf32, #tpu.memory_space<vmem>>) dst(%dma_wait3A_398 : memref<10240x128xf32, #tpu.memory_space<vmem_shared>>)
      %dma_wait3A_399 = arith.constant 0 : i32
      %dma_wait3A_400 = tpu.memref_slice %arg3[%dma_wait3A_399] : memref<320000xi32, #tpu.memory_space<hbm>> -> memref<80xi32, #tpu.memory_space<hbm>>
      %dma_wait3A_401 = arith.constant 0 : i32
      %dma_wait3A_402 = tpu.memref_slice %arg3[%dma_wait3A_401] : memref<320000xi32, #tpu.memory_space<hbm>> -> memref<80xi32, #tpu.memory_space<hbm>>
      tpu.wait_dma2 semaphore(%arg33 : memref<!tpu.dma_semaphore, #tpu.memory_space<semaphore_mem>>) src(%dma_wait3A_402 : memref<80xi32, #tpu.memory_space<hbm>>) dst(%arg13 : memref<80xi32, #tpu.memory_space<vmem>>)
      %dma_wait3A_403 = arith.constant 0 : i32
      %dma_wait3A_404 = tpu.memref_slice %arg4[%dma_wait3A_403] : memref<320000xi32, #tpu.memory_space<hbm>> -> memref<80xi32, #tpu.memory_space<hbm>>
      %dma_wait3A_405 = arith.constant 0 : i32
      %dma_wait3A_406 = tpu.memref_slice %arg4[%dma_wait3A_405] : memref<320000xi32, #tpu.memory_space<hbm>> -> memref<80xi32, #tpu.memory_space<hbm>>
      tpu.wait_dma2 semaphore(%arg33 : memref<!tpu.dma_semaphore, #tpu.memory_space<semaphore_mem>>) src(%dma_wait3A_406 : memref<80xi32, #tpu.memory_space<hbm>>) dst(%arg21 : memref<80xi32, #tpu.memory_space<vmem>>)
      %dma_start3A_407 = arith.constant 0 : i32
      %dma_start3A_408 = arith.constant 0 : i32
      %dma_start3A_409 = tpu.memref_slice %arg2[%dma_start3A_407, %dma_start3A_408] : memref<10000x128xf32, #tpu.memory_space<hbm>> -> memref<10000x128xf32, #tpu.memory_space<hbm>>
      tpu.enqueue_indirect_dma source(%dma_start3A_409 : memref<10000x128xf32, #tpu.memory_space<hbm>>) target(%arg25 : memref<80x128xf32, #tpu.memory_space<vmem>>) offsets(%arg13 : memref<80xi32, #tpu.memory_space<vmem>>) semaphore(%arg37 : memref<!tpu.dma_semaphore, #tpu.memory_space<semaphore_mem>>)
      %add3A_410 = arith.constant 0 : i32
      %add3A_411 = arith.addi %add3A_369, %add3A_410 : i32
      %mul3A_412 = arith.constant 80 : i32
      %mul3A_413 = arith.muli %add3A_411, %mul3A_412 : i32
      %add3A_414 = arith.addi %mul3A_2, %mul3A_413 : i32
      %dma_start3A_415 = tpu.memref_slice %arg3[%add3A_414] : memref<320000xi32, #tpu.memory_space<hbm>> -> memref<80xi32, #tpu.memory_space<hbm>>
      %dma_start3A_416 = tpu.memref_slice %arg3[%add3A_414] : memref<320000xi32, #tpu.memory_space<hbm>> -> memref<80xi32, #tpu.memory_space<hbm>>
      tpu.enqueue_dma source(%dma_start3A_416 : memref<80xi32, #tpu.memory_space<hbm>>) target(%arg8 : memref<80xi32, #tpu.memory_space<vmem>>) target_semaphore(%arg28 : memref<!tpu.dma_semaphore, #tpu.memory_space<semaphore_mem>>)
      %dma_start3A_417 = tpu.memref_slice %arg4[%add3A_414] : memref<320000xi32, #tpu.memory_space<hbm>> -> memref<80xi32, #tpu.memory_space<hbm>>
      %dma_start3A_418 = tpu.memref_slice %arg4[%add3A_414] : memref<320000xi32, #tpu.memory_space<hbm>> -> memref<80xi32, #tpu.memory_space<hbm>>
      tpu.enqueue_dma source(%dma_start3A_418 : memref<80xi32, #tpu.memory_space<hbm>>) target(%arg16 : memref<80xi32, #tpu.memory_space<vmem>>) target_semaphore(%arg28 : memref<!tpu.dma_semaphore, #tpu.memory_space<semaphore_mem>>)
      %add3A_419 = arith.constant 1 : i32
      %add3A_420 = arith.addi %add3A_369, %add3A_419 : i32
      %mul3A_421 = arith.constant 80 : i32
      %mul3A_422 = arith.muli %add3A_420, %mul3A_421 : i32
      %add3A_423 = arith.addi %mul3A_2, %mul3A_422 : i32
      %dma_start3A_424 = tpu.memref_slice %arg3[%add3A_423] : memref<320000xi32, #tpu.memory_space<hbm>> -> memref<80xi32, #tpu.memory_space<hbm>>
      %dma_start3A_425 = tpu.memref_slice %arg3[%add3A_423] : memref<320000xi32, #tpu.memory_space<hbm>> -> memref<80xi32, #tpu.memory_space<hbm>>
      tpu.enqueue_dma source(%dma_start3A_425 : memref<80xi32, #tpu.memory_space<hbm>>) target(%arg9 : memref<80xi32, #tpu.memory_space<vmem>>) target_semaphore(%arg29 : memref<!tpu.dma_semaphore, #tpu.memory_space<semaphore_mem>>)
      %dma_start3A_426 = tpu.memref_slice %arg4[%add3A_423] : memref<320000xi32, #tpu.memory_space<hbm>> -> memref<80xi32, #tpu.memory_space<hbm>>
      %dma_start3A_427 = tpu.memref_slice %arg4[%add3A_423] : memref<320000xi32, #tpu.memory_space<hbm>> -> memref<80xi32, #tpu.memory_space<hbm>>
      tpu.enqueue_dma source(%dma_start3A_427 : memref<80xi32, #tpu.memory_space<hbm>>) target(%arg17 : memref<80xi32, #tpu.memory_space<vmem>>) target_semaphore(%arg29 : memref<!tpu.dma_semaphore, #tpu.memory_space<semaphore_mem>>)
      %add3A_428 = arith.constant 2 : i32
      %add3A_429 = arith.addi %mul3A_365, %add3A_428 : i32
      %add3A_430 = arith.constant 6 : i32
      %add3A_431 = arith.addi %mul3A_365, %add3A_430 : i32
      %add3A_432 = arith.constant 10 : i32
      %add3A_433 = arith.addi %mul3A_365, %add3A_432 : i32
      %dma_wait3A_434 = arith.constant 0 : i32
      %dma_wait3A_435 = arith.constant 0 : i32
      %dma_wait3A_436 = tpu.memref_slice %arg2[%dma_wait3A_434, %dma_wait3A_435] : memref<10000x128xf32, #tpu.memory_space<hbm>> -> memref<10000x128xf32, #tpu.memory_space<hbm>>
      tpu.wait_indirect_dma semaphore(%arg38 : memref<!tpu.dma_semaphore, #tpu.memory_space<semaphore_mem>>) src(%dma_wait3A_436 : memref<10000x128xf32, #tpu.memory_space<hbm>>) dst(%arg26 : memref<80x128xf32, #tpu.memory_space<vmem>>)
      %dma_start3A_437 = arith.constant 0 : i32
      %dma_start3A_438 = arith.constant 0 : i32
      %dma_start3A_439 = tpu.memref_slice %arg6[%dma_start3A_437, %dma_start3A_438] : memref<10240x128xf32, #tpu.memory_space<vmem_shared>> -> memref<10240x128xf32, #tpu.memory_space<vmem_shared>>
      tpu.enqueue_indirect_dma source(%arg26 : memref<80x128xf32, #tpu.memory_space<vmem>>) target(%dma_start3A_439 : memref<10240x128xf32, #tpu.memory_space<vmem_shared>>) offsets(%arg18 : memref<80xi32, #tpu.memory_space<vmem>>) semaphore(%arg42 : memref<!tpu.dma_semaphore, #tpu.memory_space<semaphore_mem>>) {add = true}
      %dma_wait3A_440 = arith.constant 0 : i32
      %dma_wait3A_441 = arith.constant 0 : i32
      %dma_wait3A_442 = tpu.memref_slice %arg2[%dma_wait3A_440, %dma_wait3A_441] : memref<10000x128xf32, #tpu.memory_space<hbm>> -> memref<10000x128xf32, #tpu.memory_space<hbm>>
      tpu.wait_indirect_dma semaphore(%arg39 : memref<!tpu.dma_semaphore, #tpu.memory_space<semaphore_mem>>) src(%dma_wait3A_442 : memref<10000x128xf32, #tpu.memory_space<hbm>>) dst(%arg27 : memref<80x128xf32, #tpu.memory_space<vmem>>)
      %dma_start3A_443 = arith.constant 0 : i32
      %dma_start3A_444 = arith.constant 0 : i32
      %dma_start3A_445 = tpu.memref_slice %arg6[%dma_start3A_443, %dma_start3A_444] : memref<10240x128xf32, #tpu.memory_space<vmem_shared>> -> memref<10240x128xf32, #tpu.memory_space<vmem_shared>>
      tpu.enqueue_indirect_dma source(%arg27 : memref<80x128xf32, #tpu.memory_space<vmem>>) target(%dma_start3A_445 : memref<10240x128xf32, #tpu.memory_space<vmem_shared>>) offsets(%arg19 : memref<80xi32, #tpu.memory_space<vmem>>) semaphore(%arg43 : memref<!tpu.dma_semaphore, #tpu.memory_space<semaphore_mem>>) {add = true}
      %dma_wait3A_446 = arith.constant 0 : i32
      %dma_wait3A_447 = arith.constant 0 : i32
      %dma_wait3A_448 = tpu.memref_slice %arg6[%dma_wait3A_446, %dma_wait3A_447] : memref<10240x128xf32, #tpu.memory_space<vmem_shared>> -> memref<10240x128xf32, #tpu.memory_space<vmem_shared>>
      tpu.wait_indirect_dma semaphore(%arg42 : memref<!tpu.dma_semaphore, #tpu.memory_space<semaphore_mem>>) src(%arg26 : memref<80x128xf32, #tpu.memory_space<vmem>>) dst(%dma_wait3A_448 : memref<10240x128xf32, #tpu.memory_space<vmem_shared>>)
      %dma_wait3A_449 = arith.constant 0 : i32
      %dma_wait3A_450 = tpu.memref_slice %arg3[%dma_wait3A_449] : memref<320000xi32, #tpu.memory_space<hbm>> -> memref<80xi32, #tpu.memory_space<hbm>>
      %dma_wait3A_451 = arith.constant 0 : i32
      %dma_wait3A_452 = tpu.memref_slice %arg3[%dma_wait3A_451] : memref<320000xi32, #tpu.memory_space<hbm>> -> memref<80xi32, #tpu.memory_space<hbm>>
      tpu.wait_dma2 semaphore(%arg34 : memref<!tpu.dma_semaphore, #tpu.memory_space<semaphore_mem>>) src(%dma_wait3A_452 : memref<80xi32, #tpu.memory_space<hbm>>) dst(%arg14 : memref<80xi32, #tpu.memory_space<vmem>>)
      %dma_wait3A_453 = arith.constant 0 : i32
      %dma_wait3A_454 = tpu.memref_slice %arg4[%dma_wait3A_453] : memref<320000xi32, #tpu.memory_space<hbm>> -> memref<80xi32, #tpu.memory_space<hbm>>
      %dma_wait3A_455 = arith.constant 0 : i32
      %dma_wait3A_456 = tpu.memref_slice %arg4[%dma_wait3A_455] : memref<320000xi32, #tpu.memory_space<hbm>> -> memref<80xi32, #tpu.memory_space<hbm>>
      tpu.wait_dma2 semaphore(%arg34 : memref<!tpu.dma_semaphore, #tpu.memory_space<semaphore_mem>>) src(%dma_wait3A_456 : memref<80xi32, #tpu.memory_space<hbm>>) dst(%arg22 : memref<80xi32, #tpu.memory_space<vmem>>)
      %dma_start3A_457 = arith.constant 0 : i32
      %dma_start3A_458 = arith.constant 0 : i32
      %dma_start3A_459 = tpu.memref_slice %arg2[%dma_start3A_457, %dma_start3A_458] : memref<10000x128xf32, #tpu.memory_space<hbm>> -> memref<10000x128xf32, #tpu.memory_space<hbm>>
      tpu.enqueue_indirect_dma source(%dma_start3A_459 : memref<10000x128xf32, #tpu.memory_space<hbm>>) target(%arg26 : memref<80x128xf32, #tpu.memory_space<vmem>>) offsets(%arg14 : memref<80xi32, #tpu.memory_space<vmem>>) semaphore(%arg38 : memref<!tpu.dma_semaphore, #tpu.memory_space<semaphore_mem>>)
      %dma_wait3A_460 = arith.constant 0 : i32
      %dma_wait3A_461 = arith.constant 0 : i32
      %dma_wait3A_462 = tpu.memref_slice %arg6[%dma_wait3A_460, %dma_wait3A_461] : memref<10240x128xf32, #tpu.memory_space<vmem_shared>> -> memref<10240x128xf32, #tpu.memory_space<vmem_shared>>
      tpu.wait_indirect_dma semaphore(%arg43 : memref<!tpu.dma_semaphore, #tpu.memory_space<semaphore_mem>>) src(%arg27 : memref<80x128xf32, #tpu.memory_space<vmem>>) dst(%dma_wait3A_462 : memref<10240x128xf32, #tpu.memory_space<vmem_shared>>)
      %dma_wait3A_463 = arith.constant 0 : i32
      %dma_wait3A_464 = tpu.memref_slice %arg3[%dma_wait3A_463] : memref<320000xi32, #tpu.memory_space<hbm>> -> memref<80xi32, #tpu.memory_space<hbm>>
      %dma_wait3A_465 = arith.constant 0 : i32
      %dma_wait3A_466 = tpu.memref_slice %arg3[%dma_wait3A_465] : memref<320000xi32, #tpu.memory_space<hbm>> -> memref<80xi32, #tpu.memory_space<hbm>>
      tpu.wait_dma2 semaphore(%arg35 : memref<!tpu.dma_semaphore, #tpu.memory_space<semaphore_mem>>) src(%dma_wait3A_466 : memref<80xi32, #tpu.memory_space<hbm>>) dst(%arg15 : memref<80xi32, #tpu.memory_space<vmem>>)
      %dma_wait3A_467 = arith.constant 0 : i32
      %dma_wait3A_468 = tpu.memref_slice %arg4[%dma_wait3A_467] : memref<320000xi32, #tpu.memory_space<hbm>> -> memref<80xi32, #tpu.memory_space<hbm>>
      %dma_wait3A_469 = arith.constant 0 : i32
      %dma_wait3A_470 = tpu.memref_slice %arg4[%dma_wait3A_469] : memref<320000xi32, #tpu.memory_space<hbm>> -> memref<80xi32, #tpu.memory_space<hbm>>
      tpu.wait_dma2 semaphore(%arg35 : memref<!tpu.dma_semaphore, #tpu.memory_space<semaphore_mem>>) src(%dma_wait3A_470 : memref<80xi32, #tpu.memory_space<hbm>>) dst(%arg23 : memref<80xi32, #tpu.memory_space<vmem>>)
      %dma_start3A_471 = arith.constant 0 : i32
      %dma_start3A_472 = arith.constant 0 : i32
      %dma_start3A_473 = tpu.memref_slice %arg2[%dma_start3A_471, %dma_start3A_472] : memref<10000x128xf32, #tpu.memory_space<hbm>> -> memref<10000x128xf32, #tpu.memory_space<hbm>>
      tpu.enqueue_indirect_dma source(%dma_start3A_473 : memref<10000x128xf32, #tpu.memory_space<hbm>>) target(%arg27 : memref<80x128xf32, #tpu.memory_space<vmem>>) offsets(%arg15 : memref<80xi32, #tpu.memory_space<vmem>>) semaphore(%arg39 : memref<!tpu.dma_semaphore, #tpu.memory_space<semaphore_mem>>)
      %add3A_474 = arith.constant 0 : i32
      %add3A_475 = arith.addi %add3A_433, %add3A_474 : i32
      %mul3A_476 = arith.constant 80 : i32
      %mul3A_477 = arith.muli %add3A_475, %mul3A_476 : i32
      %add3A_478 = arith.addi %mul3A_2, %mul3A_477 : i32
      %dma_start3A_479 = tpu.memref_slice %arg3[%add3A_478] : memref<320000xi32, #tpu.memory_space<hbm>> -> memref<80xi32, #tpu.memory_space<hbm>>
      %dma_start3A_480 = tpu.memref_slice %arg3[%add3A_478] : memref<320000xi32, #tpu.memory_space<hbm>> -> memref<80xi32, #tpu.memory_space<hbm>>
      tpu.enqueue_dma source(%dma_start3A_480 : memref<80xi32, #tpu.memory_space<hbm>>) target(%arg10 : memref<80xi32, #tpu.memory_space<vmem>>) target_semaphore(%arg30 : memref<!tpu.dma_semaphore, #tpu.memory_space<semaphore_mem>>)
      %dma_start3A_481 = tpu.memref_slice %arg4[%add3A_478] : memref<320000xi32, #tpu.memory_space<hbm>> -> memref<80xi32, #tpu.memory_space<hbm>>
      %dma_start3A_482 = tpu.memref_slice %arg4[%add3A_478] : memref<320000xi32, #tpu.memory_space<hbm>> -> memref<80xi32, #tpu.memory_space<hbm>>
      tpu.enqueue_dma source(%dma_start3A_482 : memref<80xi32, #tpu.memory_space<hbm>>) target(%arg18 : memref<80xi32, #tpu.memory_space<vmem>>) target_semaphore(%arg30 : memref<!tpu.dma_semaphore, #tpu.memory_space<semaphore_mem>>)
      %add3A_483 = arith.constant 1 : i32
      %add3A_484 = arith.addi %add3A_433, %add3A_483 : i32
      %mul3A_485 = arith.constant 80 : i32
      %mul3A_486 = arith.muli %add3A_484, %mul3A_485 : i32
      %add3A_487 = arith.addi %mul3A_2, %mul3A_486 : i32
      %dma_start3A_488 = tpu.memref_slice %arg3[%add3A_487] : memref<320000xi32, #tpu.memory_space<hbm>> -> memref<80xi32, #tpu.memory_space<hbm>>
      %dma_start3A_489 = tpu.memref_slice %arg3[%add3A_487] : memref<320000xi32, #tpu.memory_space<hbm>> -> memref<80xi32, #tpu.memory_space<hbm>>
      tpu.enqueue_dma source(%dma_start3A_489 : memref<80xi32, #tpu.memory_space<hbm>>) target(%arg11 : memref<80xi32, #tpu.memory_space<vmem>>) target_semaphore(%arg31 : memref<!tpu.dma_semaphore, #tpu.memory_space<semaphore_mem>>)
      %dma_start3A_490 = tpu.memref_slice %arg4[%add3A_487] : memref<320000xi32, #tpu.memory_space<hbm>> -> memref<80xi32, #tpu.memory_space<hbm>>
      %dma_start3A_491 = tpu.memref_slice %arg4[%add3A_487] : memref<320000xi32, #tpu.memory_space<hbm>> -> memref<80xi32, #tpu.memory_space<hbm>>
      tpu.enqueue_dma source(%dma_start3A_491 : memref<80xi32, #tpu.memory_space<hbm>>) target(%arg19 : memref<80xi32, #tpu.memory_space<vmem>>) target_semaphore(%arg31 : memref<!tpu.dma_semaphore, #tpu.memory_space<semaphore_mem>>)
      %add3A_492 = arith.constant 4 : i32
      %add3A_493 = arith.addi %mul3A_365, %add3A_492 : i32
      %add3A_494 = arith.constant 8 : i32
      %add3A_495 = arith.addi %mul3A_365, %add3A_494 : i32
      %add3A_496 = arith.constant 12 : i32
      %add3A_497 = arith.addi %mul3A_365, %add3A_496 : i32
      %dma_wait3A_498 = arith.constant 0 : i32
      %dma_wait3A_499 = arith.constant 0 : i32
      %dma_wait3A_500 = tpu.memref_slice %arg2[%dma_wait3A_498, %dma_wait3A_499] : memref<10000x128xf32, #tpu.memory_space<hbm>> -> memref<10000x128xf32, #tpu.memory_space<hbm>>
      tpu.wait_indirect_dma semaphore(%arg36 : memref<!tpu.dma_semaphore, #tpu.memory_space<semaphore_mem>>) src(%dma_wait3A_500 : memref<10000x128xf32, #tpu.memory_space<hbm>>) dst(%arg24 : memref<80x128xf32, #tpu.memory_space<vmem>>)
      %dma_start3A_501 = arith.constant 0 : i32
      %dma_start3A_502 = arith.constant 0 : i32
      %dma_start3A_503 = tpu.memref_slice %arg6[%dma_start3A_501, %dma_start3A_502] : memref<10240x128xf32, #tpu.memory_space<vmem_shared>> -> memref<10240x128xf32, #tpu.memory_space<vmem_shared>>
      tpu.enqueue_indirect_dma source(%arg24 : memref<80x128xf32, #tpu.memory_space<vmem>>) target(%dma_start3A_503 : memref<10240x128xf32, #tpu.memory_space<vmem_shared>>) offsets(%arg20 : memref<80xi32, #tpu.memory_space<vmem>>) semaphore(%arg40 : memref<!tpu.dma_semaphore, #tpu.memory_space<semaphore_mem>>) {add = true}
      %dma_wait3A_504 = arith.constant 0 : i32
      %dma_wait3A_505 = arith.constant 0 : i32
      %dma_wait3A_506 = tpu.memref_slice %arg2[%dma_wait3A_504, %dma_wait3A_505] : memref<10000x128xf32, #tpu.memory_space<hbm>> -> memref<10000x128xf32, #tpu.memory_space<hbm>>
      tpu.wait_indirect_dma semaphore(%arg37 : memref<!tpu.dma_semaphore, #tpu.memory_space<semaphore_mem>>) src(%dma_wait3A_506 : memref<10000x128xf32, #tpu.memory_space<hbm>>) dst(%arg25 : memref<80x128xf32, #tpu.memory_space<vmem>>)
      %dma_start3A_507 = arith.constant 0 : i32
      %dma_start3A_508 = arith.constant 0 : i32
      %dma_start3A_509 = tpu.memref_slice %arg6[%dma_start3A_507, %dma_start3A_508] : memref<10240x128xf32, #tpu.memory_space<vmem_shared>> -> memref<10240x128xf32, #tpu.memory_space<vmem_shared>>
      tpu.enqueue_indirect_dma source(%arg25 : memref<80x128xf32, #tpu.memory_space<vmem>>) target(%dma_start3A_509 : memref<10240x128xf32, #tpu.memory_space<vmem_shared>>) offsets(%arg21 : memref<80xi32, #tpu.memory_space<vmem>>) semaphore(%arg41 : memref<!tpu.dma_semaphore, #tpu.memory_space<semaphore_mem>>) {add = true}
      %dma_wait3A_510 = arith.constant 0 : i32
      %dma_wait3A_511 = arith.constant 0 : i32
      %dma_wait3A_512 = tpu.memref_slice %arg6[%dma_wait3A_510, %dma_wait3A_511] : memref<10240x128xf32, #tpu.memory_space<vmem_shared>> -> memref<10240x128xf32, #tpu.memory_space<vmem_shared>>
      tpu.wait_indirect_dma semaphore(%arg40 : memref<!tpu.dma_semaphore, #tpu.memory_space<semaphore_mem>>) src(%arg24 : memref<80x128xf32, #tpu.memory_space<vmem>>) dst(%dma_wait3A_512 : memref<10240x128xf32, #tpu.memory_space<vmem_shared>>)
      %dma_wait3A_513 = arith.constant 0 : i32
      %dma_wait3A_514 = tpu.memref_slice %arg3[%dma_wait3A_513] : memref<320000xi32, #tpu.memory_space<hbm>> -> memref<80xi32, #tpu.memory_space<hbm>>
      %dma_wait3A_515 = arith.constant 0 : i32
      %dma_wait3A_516 = tpu.memref_slice %arg3[%dma_wait3A_515] : memref<320000xi32, #tpu.memory_space<hbm>> -> memref<80xi32, #tpu.memory_space<hbm>>
      tpu.wait_dma2 semaphore(%arg28 : memref<!tpu.dma_semaphore, #tpu.memory_space<semaphore_mem>>) src(%dma_wait3A_516 : memref<80xi32, #tpu.memory_space<hbm>>) dst(%arg8 : memref<80xi32, #tpu.memory_space<vmem>>)
      %dma_wait3A_517 = arith.constant 0 : i32
      %dma_wait3A_518 = tpu.memref_slice %arg4[%dma_wait3A_517] : memref<320000xi32, #tpu.memory_space<hbm>> -> memref<80xi32, #tpu.memory_space<hbm>>
      %dma_wait3A_519 = arith.constant 0 : i32
      %dma_wait3A_520 = tpu.memref_slice %arg4[%dma_wait3A_519] : memref<320000xi32, #tpu.memory_space<hbm>> -> memref<80xi32, #tpu.memory_space<hbm>>
      tpu.wait_dma2 semaphore(%arg28 : memref<!tpu.dma_semaphore, #tpu.memory_space<semaphore_mem>>) src(%dma_wait3A_520 : memref<80xi32, #tpu.memory_space<hbm>>) dst(%arg16 : memref<80xi32, #tpu.memory_space<vmem>>)
      %dma_start3A_521 = arith.constant 0 : i32
      %dma_start3A_522 = arith.constant 0 : i32
      %dma_start3A_523 = tpu.memref_slice %arg2[%dma_start3A_521, %dma_start3A_522] : memref<10000x128xf32, #tpu.memory_space<hbm>> -> memref<10000x128xf32, #tpu.memory_space<hbm>>
      tpu.enqueue_indirect_dma source(%dma_start3A_523 : memref<10000x128xf32, #tpu.memory_space<hbm>>) target(%arg24 : memref<80x128xf32, #tpu.memory_space<vmem>>) offsets(%arg8 : memref<80xi32, #tpu.memory_space<vmem>>) semaphore(%arg36 : memref<!tpu.dma_semaphore, #tpu.memory_space<semaphore_mem>>)
      %dma_wait3A_524 = arith.constant 0 : i32
      %dma_wait3A_525 = arith.constant 0 : i32
      %dma_wait3A_526 = tpu.memref_slice %arg6[%dma_wait3A_524, %dma_wait3A_525] : memref<10240x128xf32, #tpu.memory_space<vmem_shared>> -> memref<10240x128xf32, #tpu.memory_space<vmem_shared>>
      tpu.wait_indirect_dma semaphore(%arg41 : memref<!tpu.dma_semaphore, #tpu.memory_space<semaphore_mem>>) src(%arg25 : memref<80x128xf32, #tpu.memory_space<vmem>>) dst(%dma_wait3A_526 : memref<10240x128xf32, #tpu.memory_space<vmem_shared>>)
      %dma_wait3A_527 = arith.constant 0 : i32
      %dma_wait3A_528 = tpu.memref_slice %arg3[%dma_wait3A_527] : memref<320000xi32, #tpu.memory_space<hbm>> -> memref<80xi32, #tpu.memory_space<hbm>>
      %dma_wait3A_529 = arith.constant 0 : i32
      %dma_wait3A_530 = tpu.memref_slice %arg3[%dma_wait3A_529] : memref<320000xi32, #tpu.memory_space<hbm>> -> memref<80xi32, #tpu.memory_space<hbm>>
      tpu.wait_dma2 semaphore(%arg29 : memref<!tpu.dma_semaphore, #tpu.memory_space<semaphore_mem>>) src(%dma_wait3A_530 : memref<80xi32, #tpu.memory_space<hbm>>) dst(%arg9 : memref<80xi32, #tpu.memory_space<vmem>>)
      %dma_wait3A_531 = arith.constant 0 : i32
      %dma_wait3A_532 = tpu.memref_slice %arg4[%dma_wait3A_531] : memref<320000xi32, #tpu.memory_space<hbm>> -> memref<80xi32, #tpu.memory_space<hbm>>
      %dma_wait3A_533 = arith.constant 0 : i32
      %dma_wait3A_534 = tpu.memref_slice %arg4[%dma_wait3A_533] : memref<320000xi32, #tpu.memory_space<hbm>> -> memref<80xi32, #tpu.memory_space<hbm>>
      tpu.wait_dma2 semaphore(%arg29 : memref<!tpu.dma_semaphore, #tpu.memory_space<semaphore_mem>>) src(%dma_wait3A_534 : memref<80xi32, #tpu.memory_space<hbm>>) dst(%arg17 : memref<80xi32, #tpu.memory_space<vmem>>)
      %dma_start3A_535 = arith.constant 0 : i32
      %dma_start3A_536 = arith.constant 0 : i32
      %dma_start3A_537 = tpu.memref_slice %arg2[%dma_start3A_535, %dma_start3A_536] : memref<10000x128xf32, #tpu.memory_space<hbm>> -> memref<10000x128xf32, #tpu.memory_space<hbm>>
      tpu.enqueue_indirect_dma source(%dma_start3A_537 : memref<10000x128xf32, #tpu.memory_space<hbm>>) target(%arg25 : memref<80x128xf32, #tpu.memory_space<vmem>>) offsets(%arg9 : memref<80xi32, #tpu.memory_space<vmem>>) semaphore(%arg37 : memref<!tpu.dma_semaphore, #tpu.memory_space<semaphore_mem>>)
      %add3A_538 = arith.constant 0 : i32
      %add3A_539 = arith.addi %add3A_497, %add3A_538 : i32
      %mul3A_540 = arith.constant 80 : i32
      %mul3A_541 = arith.muli %add3A_539, %mul3A_540 : i32
      %add3A_542 = arith.addi %mul3A_2, %mul3A_541 : i32
      %dma_start3A_543 = tpu.memref_slice %arg3[%add3A_542] : memref<320000xi32, #tpu.memory_space<hbm>> -> memref<80xi32, #tpu.memory_space<hbm>>
      %dma_start3A_544 = tpu.memref_slice %arg3[%add3A_542] : memref<320000xi32, #tpu.memory_space<hbm>> -> memref<80xi32, #tpu.memory_space<hbm>>
      tpu.enqueue_dma source(%dma_start3A_544 : memref<80xi32, #tpu.memory_space<hbm>>) target(%arg12 : memref<80xi32, #tpu.memory_space<vmem>>) target_semaphore(%arg32 : memref<!tpu.dma_semaphore, #tpu.memory_space<semaphore_mem>>)
      %dma_start3A_545 = tpu.memref_slice %arg4[%add3A_542] : memref<320000xi32, #tpu.memory_space<hbm>> -> memref<80xi32, #tpu.memory_space<hbm>>
      %dma_start3A_546 = tpu.memref_slice %arg4[%add3A_542] : memref<320000xi32, #tpu.memory_space<hbm>> -> memref<80xi32, #tpu.memory_space<hbm>>
      tpu.enqueue_dma source(%dma_start3A_546 : memref<80xi32, #tpu.memory_space<hbm>>) target(%arg20 : memref<80xi32, #tpu.memory_space<vmem>>) target_semaphore(%arg32 : memref<!tpu.dma_semaphore, #tpu.memory_space<semaphore_mem>>)
      %add3A_547 = arith.constant 1 : i32
      %add3A_548 = arith.addi %add3A_497, %add3A_547 : i32
      %mul3A_549 = arith.constant 80 : i32
      %mul3A_550 = arith.muli %add3A_548, %mul3A_549 : i32
      %add3A_551 = arith.addi %mul3A_2, %mul3A_550 : i32
      %dma_start3A_552 = tpu.memref_slice %arg3[%add3A_551] : memref<320000xi32, #tpu.memory_space<hbm>> -> memref<80xi32, #tpu.memory_space<hbm>>
      %dma_start3A_553 = tpu.memref_slice %arg3[%add3A_551] : memref<320000xi32, #tpu.memory_space<hbm>> -> memref<80xi32, #tpu.memory_space<hbm>>
      tpu.enqueue_dma source(%dma_start3A_553 : memref<80xi32, #tpu.memory_space<hbm>>) target(%arg13 : memref<80xi32, #tpu.memory_space<vmem>>) target_semaphore(%arg33 : memref<!tpu.dma_semaphore, #tpu.memory_space<semaphore_mem>>)
      %dma_start3A_554 = tpu.memref_slice %arg4[%add3A_551] : memref<320000xi32, #tpu.memory_space<hbm>> -> memref<80xi32, #tpu.memory_space<hbm>>
      %dma_start3A_555 = tpu.memref_slice %arg4[%add3A_551] : memref<320000xi32, #tpu.memory_space<hbm>> -> memref<80xi32, #tpu.memory_space<hbm>>
      tpu.enqueue_dma source(%dma_start3A_555 : memref<80xi32, #tpu.memory_space<hbm>>) target(%arg21 : memref<80xi32, #tpu.memory_space<vmem>>) target_semaphore(%arg33 : memref<!tpu.dma_semaphore, #tpu.memory_space<semaphore_mem>>)
      %add3A_556 = arith.constant 6 : i32
      %add3A_557 = arith.addi %mul3A_365, %add3A_556 : i32
      %add3A_558 = arith.constant 10 : i32
      %add3A_559 = arith.addi %mul3A_365, %add3A_558 : i32
      %add3A_560 = arith.constant 14 : i32
      %add3A_561 = arith.addi %mul3A_365, %add3A_560 : i32
      %dma_wait3A_562 = arith.constant 0 : i32
      %dma_wait3A_563 = arith.constant 0 : i32
      %dma_wait3A_564 = tpu.memref_slice %arg2[%dma_wait3A_562, %dma_wait3A_563] : memref<10000x128xf32, #tpu.memory_space<hbm>> -> memref<10000x128xf32, #tpu.memory_space<hbm>>
      tpu.wait_indirect_dma semaphore(%arg38 : memref<!tpu.dma_semaphore, #tpu.memory_space<semaphore_mem>>) src(%dma_wait3A_564 : memref<10000x128xf32, #tpu.memory_space<hbm>>) dst(%arg26 : memref<80x128xf32, #tpu.memory_space<vmem>>)
      %dma_start3A_565 = arith.constant 0 : i32
      %dma_start3A_566 = arith.constant 0 : i32
      %dma_start3A_567 = tpu.memref_slice %arg6[%dma_start3A_565, %dma_start3A_566] : memref<10240x128xf32, #tpu.memory_space<vmem_shared>> -> memref<10240x128xf32, #tpu.memory_space<vmem_shared>>
      tpu.enqueue_indirect_dma source(%arg26 : memref<80x128xf32, #tpu.memory_space<vmem>>) target(%dma_start3A_567 : memref<10240x128xf32, #tpu.memory_space<vmem_shared>>) offsets(%arg22 : memref<80xi32, #tpu.memory_space<vmem>>) semaphore(%arg42 : memref<!tpu.dma_semaphore, #tpu.memory_space<semaphore_mem>>) {add = true}
      %dma_wait3A_568 = arith.constant 0 : i32
      %dma_wait3A_569 = arith.constant 0 : i32
      %dma_wait3A_570 = tpu.memref_slice %arg2[%dma_wait3A_568, %dma_wait3A_569] : memref<10000x128xf32, #tpu.memory_space<hbm>> -> memref<10000x128xf32, #tpu.memory_space<hbm>>
      tpu.wait_indirect_dma semaphore(%arg39 : memref<!tpu.dma_semaphore, #tpu.memory_space<semaphore_mem>>) src(%dma_wait3A_570 : memref<10000x128xf32, #tpu.memory_space<hbm>>) dst(%arg27 : memref<80x128xf32, #tpu.memory_space<vmem>>)
      %dma_start3A_571 = arith.constant 0 : i32
      %dma_start3A_572 = arith.constant 0 : i32
      %dma_start3A_573 = tpu.memref_slice %arg6[%dma_start3A_571, %dma_start3A_572] : memref<10240x128xf32, #tpu.memory_space<vmem_shared>> -> memref<10240x128xf32, #tpu.memory_space<vmem_shared>>
      tpu.enqueue_indirect_dma source(%arg27 : memref<80x128xf32, #tpu.memory_space<vmem>>) target(%dma_start3A_573 : memref<10240x128xf32, #tpu.memory_space<vmem_shared>>) offsets(%arg23 : memref<80xi32, #tpu.memory_space<vmem>>) semaphore(%arg43 : memref<!tpu.dma_semaphore, #tpu.memory_space<semaphore_mem>>) {add = true}
      %dma_wait3A_574 = arith.constant 0 : i32
      %dma_wait3A_575 = arith.constant 0 : i32
      %dma_wait3A_576 = tpu.memref_slice %arg6[%dma_wait3A_574, %dma_wait3A_575] : memref<10240x128xf32, #tpu.memory_space<vmem_shared>> -> memref<10240x128xf32, #tpu.memory_space<vmem_shared>>
      tpu.wait_indirect_dma semaphore(%arg42 : memref<!tpu.dma_semaphore, #tpu.memory_space<semaphore_mem>>) src(%arg26 : memref<80x128xf32, #tpu.memory_space<vmem>>) dst(%dma_wait3A_576 : memref<10240x128xf32, #tpu.memory_space<vmem_shared>>)
      %dma_wait3A_577 = arith.constant 0 : i32
      %dma_wait3A_578 = tpu.memref_slice %arg3[%dma_wait3A_577] : memref<320000xi32, #tpu.memory_space<hbm>> -> memref<80xi32, #tpu.memory_space<hbm>>
      %dma_wait3A_579 = arith.constant 0 : i32
      %dma_wait3A_580 = tpu.memref_slice %arg3[%dma_wait3A_579] : memref<320000xi32, #tpu.memory_space<hbm>> -> memref<80xi32, #tpu.memory_space<hbm>>
      tpu.wait_dma2 semaphore(%arg30 : memref<!tpu.dma_semaphore, #tpu.memory_space<semaphore_mem>>) src(%dma_wait3A_580 : memref<80xi32, #tpu.memory_space<hbm>>) dst(%arg10 : memref<80xi32, #tpu.memory_space<vmem>>)
      %dma_wait3A_581 = arith.constant 0 : i32
      %dma_wait3A_582 = tpu.memref_slice %arg4[%dma_wait3A_581] : memref<320000xi32, #tpu.memory_space<hbm>> -> memref<80xi32, #tpu.memory_space<hbm>>
      %dma_wait3A_583 = arith.constant 0 : i32
      %dma_wait3A_584 = tpu.memref_slice %arg4[%dma_wait3A_583] : memref<320000xi32, #tpu.memory_space<hbm>> -> memref<80xi32, #tpu.memory_space<hbm>>
      tpu.wait_dma2 semaphore(%arg30 : memref<!tpu.dma_semaphore, #tpu.memory_space<semaphore_mem>>) src(%dma_wait3A_584 : memref<80xi32, #tpu.memory_space<hbm>>) dst(%arg18 : memref<80xi32, #tpu.memory_space<vmem>>)
      %dma_start3A_585 = arith.constant 0 : i32
      %dma_start3A_586 = arith.constant 0 : i32
      %dma_start3A_587 = tpu.memref_slice %arg2[%dma_start3A_585, %dma_start3A_586] : memref<10000x128xf32, #tpu.memory_space<hbm>> -> memref<10000x128xf32, #tpu.memory_space<hbm>>
      tpu.enqueue_indirect_dma source(%dma_start3A_587 : memref<10000x128xf32, #tpu.memory_space<hbm>>) target(%arg26 : memref<80x128xf32, #tpu.memory_space<vmem>>) offsets(%arg10 : memref<80xi32, #tpu.memory_space<vmem>>) semaphore(%arg38 : memref<!tpu.dma_semaphore, #tpu.memory_space<semaphore_mem>>)
      %dma_wait3A_588 = arith.constant 0 : i32
      %dma_wait3A_589 = arith.constant 0 : i32
      %dma_wait3A_590 = tpu.memref_slice %arg6[%dma_wait3A_588, %dma_wait3A_589] : memref<10240x128xf32, #tpu.memory_space<vmem_shared>> -> memref<10240x128xf32, #tpu.memory_space<vmem_shared>>
      tpu.wait_indirect_dma semaphore(%arg43 : memref<!tpu.dma_semaphore, #tpu.memory_space<semaphore_mem>>) src(%arg27 : memref<80x128xf32, #tpu.memory_space<vmem>>) dst(%dma_wait3A_590 : memref<10240x128xf32, #tpu.memory_space<vmem_shared>>)
      %dma_wait3A_591 = arith.constant 0 : i32
      %dma_wait3A_592 = tpu.memref_slice %arg3[%dma_wait3A_591] : memref<320000xi32, #tpu.memory_space<hbm>> -> memref<80xi32, #tpu.memory_space<hbm>>
      %dma_wait3A_593 = arith.constant 0 : i32
      %dma_wait3A_594 = tpu.memref_slice %arg3[%dma_wait3A_593] : memref<320000xi32, #tpu.memory_space<hbm>> -> memref<80xi32, #tpu.memory_space<hbm>>
      tpu.wait_dma2 semaphore(%arg31 : memref<!tpu.dma_semaphore, #tpu.memory_space<semaphore_mem>>) src(%dma_wait3A_594 : memref<80xi32, #tpu.memory_space<hbm>>) dst(%arg11 : memref<80xi32, #tpu.memory_space<vmem>>)
      %dma_wait3A_595 = arith.constant 0 : i32
      %dma_wait3A_596 = tpu.memref_slice %arg4[%dma_wait3A_595] : memref<320000xi32, #tpu.memory_space<hbm>> -> memref<80xi32, #tpu.memory_space<hbm>>
      %dma_wait3A_597 = arith.constant 0 : i32
      %dma_wait3A_598 = tpu.memref_slice %arg4[%dma_wait3A_597] : memref<320000xi32, #tpu.memory_space<hbm>> -> memref<80xi32, #tpu.memory_space<hbm>>
      tpu.wait_dma2 semaphore(%arg31 : memref<!tpu.dma_semaphore, #tpu.memory_space<semaphore_mem>>) src(%dma_wait3A_598 : memref<80xi32, #tpu.memory_space<hbm>>) dst(%arg19 : memref<80xi32, #tpu.memory_space<vmem>>)
      %dma_start3A_599 = arith.constant 0 : i32
      %dma_start3A_600 = arith.constant 0 : i32
      %dma_start3A_601 = tpu.memref_slice %arg2[%dma_start3A_599, %dma_start3A_600] : memref<10000x128xf32, #tpu.memory_space<hbm>> -> memref<10000x128xf32, #tpu.memory_space<hbm>>
      tpu.enqueue_indirect_dma source(%dma_start3A_601 : memref<10000x128xf32, #tpu.memory_space<hbm>>) target(%arg27 : memref<80x128xf32, #tpu.memory_space<vmem>>) offsets(%arg11 : memref<80xi32, #tpu.memory_space<vmem>>) semaphore(%arg39 : memref<!tpu.dma_semaphore, #tpu.memory_space<semaphore_mem>>)
      %add3A_602 = arith.constant 0 : i32
      %add3A_603 = arith.addi %add3A_561, %add3A_602 : i32
      %mul3A_604 = arith.constant 80 : i32
      %mul3A_605 = arith.muli %add3A_603, %mul3A_604 : i32
      %add3A_606 = arith.addi %mul3A_2, %mul3A_605 : i32
      %dma_start3A_607 = tpu.memref_slice %arg3[%add3A_606] : memref<320000xi32, #tpu.memory_space<hbm>> -> memref<80xi32, #tpu.memory_space<hbm>>
      %dma_start3A_608 = tpu.memref_slice %arg3[%add3A_606] : memref<320000xi32, #tpu.memory_space<hbm>> -> memref<80xi32, #tpu.memory_space<hbm>>
      tpu.enqueue_dma source(%dma_start3A_608 : memref<80xi32, #tpu.memory_space<hbm>>) target(%arg14 : memref<80xi32, #tpu.memory_space<vmem>>) target_semaphore(%arg34 : memref<!tpu.dma_semaphore, #tpu.memory_space<semaphore_mem>>)
      %dma_start3A_609 = tpu.memref_slice %arg4[%add3A_606] : memref<320000xi32, #tpu.memory_space<hbm>> -> memref<80xi32, #tpu.memory_space<hbm>>
      %dma_start3A_610 = tpu.memref_slice %arg4[%add3A_606] : memref<320000xi32, #tpu.memory_space<hbm>> -> memref<80xi32, #tpu.memory_space<hbm>>
      tpu.enqueue_dma source(%dma_start3A_610 : memref<80xi32, #tpu.memory_space<hbm>>) target(%arg22 : memref<80xi32, #tpu.memory_space<vmem>>) target_semaphore(%arg34 : memref<!tpu.dma_semaphore, #tpu.memory_space<semaphore_mem>>)
      %add3A_611 = arith.constant 1 : i32
      %add3A_612 = arith.addi %add3A_561, %add3A_611 : i32
      %mul3A_613 = arith.constant 80 : i32
      %mul3A_614 = arith.muli %add3A_612, %mul3A_613 : i32
      %add3A_615 = arith.addi %mul3A_2, %mul3A_614 : i32
      %dma_start3A_616 = tpu.memref_slice %arg3[%add3A_615] : memref<320000xi32, #tpu.memory_space<hbm>> -> memref<80xi32, #tpu.memory_space<hbm>>
      %dma_start3A_617 = tpu.memref_slice %arg3[%add3A_615] : memref<320000xi32, #tpu.memory_space<hbm>> -> memref<80xi32, #tpu.memory_space<hbm>>
      tpu.enqueue_dma source(%dma_start3A_617 : memref<80xi32, #tpu.memory_space<hbm>>) target(%arg15 : memref<80xi32, #tpu.memory_space<vmem>>) target_semaphore(%arg35 : memref<!tpu.dma_semaphore, #tpu.memory_space<semaphore_mem>>)
      %dma_start3A_618 = tpu.memref_slice %arg4[%add3A_615] : memref<320000xi32, #tpu.memory_space<hbm>> -> memref<80xi32, #tpu.memory_space<hbm>>
      %dma_start3A_619 = tpu.memref_slice %arg4[%add3A_615] : memref<320000xi32, #tpu.memory_space<hbm>> -> memref<80xi32, #tpu.memory_space<hbm>>
      tpu.enqueue_dma source(%dma_start3A_619 : memref<80xi32, #tpu.memory_space<hbm>>) target(%arg23 : memref<80xi32, #tpu.memory_space<vmem>>) target_semaphore(%arg35 : memref<!tpu.dma_semaphore, #tpu.memory_space<semaphore_mem>>)
    }
    %scan3A_107 = arith.constant 14 : i32
    %dma_wait3A_108 = arith.constant 0 : i32
    %dma_wait3A_109 = arith.constant 0 : i32
    %dma_wait3A_110 = tpu.memref_slice %arg2[%dma_wait3A_108, %dma_wait3A_109] : memref<10000x128xf32, #tpu.memory_space<hbm>> -> memref<10000x128xf32, #tpu.memory_space<hbm>>
    tpu.wait_indirect_dma semaphore(%arg36 : memref<!tpu.dma_semaphore, #tpu.memory_space<semaphore_mem>>) src(%dma_wait3A_110 : memref<10000x128xf32, #tpu.memory_space<hbm>>) dst(%arg24 : memref<80x128xf32, #tpu.memory_space<vmem>>)
    %dma_start3A_111 = arith.constant 0 : i32
    %dma_start3A_112 = arith.constant 0 : i32
    %dma_start3A_113 = tpu.memref_slice %arg6[%dma_start3A_111, %dma_start3A_112] : memref<10240x128xf32, #tpu.memory_space<vmem_shared>> -> memref<10240x128xf32, #tpu.memory_space<vmem_shared>>
    tpu.enqueue_indirect_dma source(%arg24 : memref<80x128xf32, #tpu.memory_space<vmem>>) target(%dma_start3A_113 : memref<10240x128xf32, #tpu.memory_space<vmem_shared>>) offsets(%arg16 : memref<80xi32, #tpu.memory_space<vmem>>) semaphore(%arg40 : memref<!tpu.dma_semaphore, #tpu.memory_space<semaphore_mem>>) {add = true}
    %dma_wait3A_114 = arith.constant 0 : i32
    %dma_wait3A_115 = arith.constant 0 : i32
    %dma_wait3A_116 = tpu.memref_slice %arg2[%dma_wait3A_114, %dma_wait3A_115] : memref<10000x128xf32, #tpu.memory_space<hbm>> -> memref<10000x128xf32, #tpu.memory_space<hbm>>
    tpu.wait_indirect_dma semaphore(%arg37 : memref<!tpu.dma_semaphore, #tpu.memory_space<semaphore_mem>>) src(%dma_wait3A_116 : memref<10000x128xf32, #tpu.memory_space<hbm>>) dst(%arg25 : memref<80x128xf32, #tpu.memory_space<vmem>>)
    %dma_start3A_117 = arith.constant 0 : i32
    %dma_start3A_118 = arith.constant 0 : i32
    %dma_start3A_119 = tpu.memref_slice %arg6[%dma_start3A_117, %dma_start3A_118] : memref<10240x128xf32, #tpu.memory_space<vmem_shared>> -> memref<10240x128xf32, #tpu.memory_space<vmem_shared>>
    tpu.enqueue_indirect_dma source(%arg25 : memref<80x128xf32, #tpu.memory_space<vmem>>) target(%dma_start3A_119 : memref<10240x128xf32, #tpu.memory_space<vmem_shared>>) offsets(%arg17 : memref<80xi32, #tpu.memory_space<vmem>>) semaphore(%arg41 : memref<!tpu.dma_semaphore, #tpu.memory_space<semaphore_mem>>) {add = true}
    %dma_wait3A_120 = arith.constant 0 : i32
    %dma_wait3A_121 = arith.constant 0 : i32
    %dma_wait3A_122 = tpu.memref_slice %arg6[%dma_wait3A_120, %dma_wait3A_121] : memref<10240x128xf32, #tpu.memory_space<vmem_shared>> -> memref<10240x128xf32, #tpu.memory_space<vmem_shared>>
    tpu.wait_indirect_dma semaphore(%arg40 : memref<!tpu.dma_semaphore, #tpu.memory_space<semaphore_mem>>) src(%arg24 : memref<80x128xf32, #tpu.memory_space<vmem>>) dst(%dma_wait3A_122 : memref<10240x128xf32, #tpu.memory_space<vmem_shared>>)
    %dma_wait3A_123 = arith.constant 0 : i32
    %dma_wait3A_124 = tpu.memref_slice %arg3[%dma_wait3A_123] : memref<320000xi32, #tpu.memory_space<hbm>> -> memref<80xi32, #tpu.memory_space<hbm>>
    %dma_wait3A_125 = arith.constant 0 : i32
    %dma_wait3A_126 = tpu.memref_slice %arg3[%dma_wait3A_125] : memref<320000xi32, #tpu.memory_space<hbm>> -> memref<80xi32, #tpu.memory_space<hbm>>
    tpu.wait_dma2 semaphore(%arg32 : memref<!tpu.dma_semaphore, #tpu.memory_space<semaphore_mem>>) src(%dma_wait3A_126 : memref<80xi32, #tpu.memory_space<hbm>>) dst(%arg12 : memref<80xi32, #tpu.memory_space<vmem>>)
    %dma_wait3A_127 = arith.constant 0 : i32
    %dma_wait3A_128 = tpu.memref_slice %arg4[%dma_wait3A_127] : memref<320000xi32, #tpu.memory_space<hbm>> -> memref<80xi32, #tpu.memory_space<hbm>>
    %dma_wait3A_129 = arith.constant 0 : i32
    %dma_wait3A_130 = tpu.memref_slice %arg4[%dma_wait3A_129] : memref<320000xi32, #tpu.memory_space<hbm>> -> memref<80xi32, #tpu.memory_space<hbm>>
    tpu.wait_dma2 semaphore(%arg32 : memref<!tpu.dma_semaphore, #tpu.memory_space<semaphore_mem>>) src(%dma_wait3A_130 : memref<80xi32, #tpu.memory_space<hbm>>) dst(%arg20 : memref<80xi32, #tpu.memory_space<vmem>>)
    %dma_start3A_131 = arith.constant 0 : i32
    %dma_start3A_132 = arith.constant 0 : i32
    %dma_start3A_133 = tpu.memref_slice %arg2[%dma_start3A_131, %dma_start3A_132] : memref<10000x128xf32, #tpu.memory_space<hbm>> -> memref<10000x128xf32, #tpu.memory_space<hbm>>
    tpu.enqueue_indirect_dma source(%dma_start3A_133 : memref<10000x128xf32, #tpu.memory_space<hbm>>) target(%arg24 : memref<80x128xf32, #tpu.memory_space<vmem>>) offsets(%arg12 : memref<80xi32, #tpu.memory_space<vmem>>) semaphore(%arg36 : memref<!tpu.dma_semaphore, #tpu.memory_space<semaphore_mem>>)
    %dma_wait3A_134 = arith.constant 0 : i32
    %dma_wait3A_135 = arith.constant 0 : i32
    %dma_wait3A_136 = tpu.memref_slice %arg6[%dma_wait3A_134, %dma_wait3A_135] : memref<10240x128xf32, #tpu.memory_space<vmem_shared>> -> memref<10240x128xf32, #tpu.memory_space<vmem_shared>>
    tpu.wait_indirect_dma semaphore(%arg41 : memref<!tpu.dma_semaphore, #tpu.memory_space<semaphore_mem>>) src(%arg25 : memref<80x128xf32, #tpu.memory_space<vmem>>) dst(%dma_wait3A_136 : memref<10240x128xf32, #tpu.memory_space<vmem_shared>>)
    %dma_wait3A_137 = arith.constant 0 : i32
    %dma_wait3A_138 = tpu.memref_slice %arg3[%dma_wait3A_137] : memref<320000xi32, #tpu.memory_space<hbm>> -> memref<80xi32, #tpu.memory_space<hbm>>
    %dma_wait3A_139 = arith.constant 0 : i32
    %dma_wait3A_140 = tpu.memref_slice %arg3[%dma_wait3A_139] : memref<320000xi32, #tpu.memory_space<hbm>> -> memref<80xi32, #tpu.memory_space<hbm>>
    tpu.wait_dma2 semaphore(%arg33 : memref<!tpu.dma_semaphore, #tpu.memory_space<semaphore_mem>>) src(%dma_wait3A_140 : memref<80xi32, #tpu.memory_space<hbm>>) dst(%arg13 : memref<80xi32, #tpu.memory_space<vmem>>)
    %dma_wait3A_141 = arith.constant 0 : i32
    %dma_wait3A_142 = tpu.memref_slice %arg4[%dma_wait3A_141] : memref<320000xi32, #tpu.memory_space<hbm>> -> memref<80xi32, #tpu.memory_space<hbm>>
    %dma_wait3A_143 = arith.constant 0 : i32
    %dma_wait3A_144 = tpu.memref_slice %arg4[%dma_wait3A_143] : memref<320000xi32, #tpu.memory_space<hbm>> -> memref<80xi32, #tpu.memory_space<hbm>>
    tpu.wait_dma2 semaphore(%arg33 : memref<!tpu.dma_semaphore, #tpu.memory_space<semaphore_mem>>) src(%dma_wait3A_144 : memref<80xi32, #tpu.memory_space<hbm>>) dst(%arg21 : memref<80xi32, #tpu.memory_space<vmem>>)
    %dma_start3A_145 = arith.constant 0 : i32
    %dma_start3A_146 = arith.constant 0 : i32
    %dma_start3A_147 = tpu.memref_slice %arg2[%dma_start3A_145, %dma_start3A_146] : memref<10000x128xf32, #tpu.memory_space<hbm>> -> memref<10000x128xf32, #tpu.memory_space<hbm>>
    tpu.enqueue_indirect_dma source(%dma_start3A_147 : memref<10000x128xf32, #tpu.memory_space<hbm>>) target(%arg25 : memref<80x128xf32, #tpu.memory_space<vmem>>) offsets(%arg13 : memref<80xi32, #tpu.memory_space<vmem>>) semaphore(%arg37 : memref<!tpu.dma_semaphore, #tpu.memory_space<semaphore_mem>>)
    %add3A_148 = arith.constant 9600 : i32
    %add3A_149 = arith.addi %mul3A_2, %add3A_148 : i32
    %dma_start3A_150 = tpu.memref_slice %arg3[%add3A_149] : memref<320000xi32, #tpu.memory_space<hbm>> -> memref<80xi32, #tpu.memory_space<hbm>>
    %dma_start3A_151 = tpu.memref_slice %arg3[%add3A_149] : memref<320000xi32, #tpu.memory_space<hbm>> -> memref<80xi32, #tpu.memory_space<hbm>>
    tpu.enqueue_dma source(%dma_start3A_151 : memref<80xi32, #tpu.memory_space<hbm>>) target(%arg8 : memref<80xi32, #tpu.memory_space<vmem>>) target_semaphore(%arg28 : memref<!tpu.dma_semaphore, #tpu.memory_space<semaphore_mem>>)
    %dma_start3A_152 = tpu.memref_slice %arg4[%add3A_149] : memref<320000xi32, #tpu.memory_space<hbm>> -> memref<80xi32, #tpu.memory_space<hbm>>
    %dma_start3A_153 = tpu.memref_slice %arg4[%add3A_149] : memref<320000xi32, #tpu.memory_space<hbm>> -> memref<80xi32, #tpu.memory_space<hbm>>
    tpu.enqueue_dma source(%dma_start3A_153 : memref<80xi32, #tpu.memory_space<hbm>>) target(%arg16 : memref<80xi32, #tpu.memory_space<vmem>>) target_semaphore(%arg28 : memref<!tpu.dma_semaphore, #tpu.memory_space<semaphore_mem>>)
    %add3A_154 = arith.constant 9680 : i32
    %add3A_155 = arith.addi %mul3A_2, %add3A_154 : i32
    %dma_start3A_156 = tpu.memref_slice %arg3[%add3A_155] : memref<320000xi32, #tpu.memory_space<hbm>> -> memref<80xi32, #tpu.memory_space<hbm>>
    %dma_start3A_157 = tpu.memref_slice %arg3[%add3A_155] : memref<320000xi32, #tpu.memory_space<hbm>> -> memref<80xi32, #tpu.memory_space<hbm>>
    tpu.enqueue_dma source(%dma_start3A_157 : memref<80xi32, #tpu.memory_space<hbm>>) target(%arg9 : memref<80xi32, #tpu.memory_space<vmem>>) target_semaphore(%arg29 : memref<!tpu.dma_semaphore, #tpu.memory_space<semaphore_mem>>)
    %dma_start3A_158 = tpu.memref_slice %arg4[%add3A_155] : memref<320000xi32, #tpu.memory_space<hbm>> -> memref<80xi32, #tpu.memory_space<hbm>>
    %dma_start3A_159 = tpu.memref_slice %arg4[%add3A_155] : memref<320000xi32, #tpu.memory_space<hbm>> -> memref<80xi32, #tpu.memory_space<hbm>>
    tpu.enqueue_dma source(%dma_start3A_159 : memref<80xi32, #tpu.memory_space<hbm>>) target(%arg17 : memref<80xi32, #tpu.memory_space<vmem>>) target_semaphore(%arg29 : memref<!tpu.dma_semaphore, #tpu.memory_space<semaphore_mem>>)
    %dma_wait3A_160 = arith.constant 0 : i32
    %dma_wait3A_161 = arith.constant 0 : i32
    %dma_wait3A_162 = tpu.memref_slice %arg2[%dma_wait3A_160, %dma_wait3A_161] : memref<10000x128xf32, #tpu.memory_space<hbm>> -> memref<10000x128xf32, #tpu.memory_space<hbm>>
    tpu.wait_indirect_dma semaphore(%arg38 : memref<!tpu.dma_semaphore, #tpu.memory_space<semaphore_mem>>) src(%dma_wait3A_162 : memref<10000x128xf32, #tpu.memory_space<hbm>>) dst(%arg26 : memref<80x128xf32, #tpu.memory_space<vmem>>)
    %dma_start3A_163 = arith.constant 0 : i32
    %dma_start3A_164 = arith.constant 0 : i32
    %dma_start3A_165 = tpu.memref_slice %arg6[%dma_start3A_163, %dma_start3A_164] : memref<10240x128xf32, #tpu.memory_space<vmem_shared>> -> memref<10240x128xf32, #tpu.memory_space<vmem_shared>>
    tpu.enqueue_indirect_dma source(%arg26 : memref<80x128xf32, #tpu.memory_space<vmem>>) target(%dma_start3A_165 : memref<10240x128xf32, #tpu.memory_space<vmem_shared>>) offsets(%arg18 : memref<80xi32, #tpu.memory_space<vmem>>) semaphore(%arg42 : memref<!tpu.dma_semaphore, #tpu.memory_space<semaphore_mem>>) {add = true}
    %dma_wait3A_166 = arith.constant 0 : i32
    %dma_wait3A_167 = arith.constant 0 : i32
    %dma_wait3A_168 = tpu.memref_slice %arg2[%dma_wait3A_166, %dma_wait3A_167] : memref<10000x128xf32, #tpu.memory_space<hbm>> -> memref<10000x128xf32, #tpu.memory_space<hbm>>
    tpu.wait_indirect_dma semaphore(%arg39 : memref<!tpu.dma_semaphore, #tpu.memory_space<semaphore_mem>>) src(%dma_wait3A_168 : memref<10000x128xf32, #tpu.memory_space<hbm>>) dst(%arg27 : memref<80x128xf32, #tpu.memory_space<vmem>>)
    %dma_start3A_169 = arith.constant 0 : i32
    %dma_start3A_170 = arith.constant 0 : i32
    %dma_start3A_171 = tpu.memref_slice %arg6[%dma_start3A_169, %dma_start3A_170] : memref<10240x128xf32, #tpu.memory_space<vmem_shared>> -> memref<10240x128xf32, #tpu.memory_space<vmem_shared>>
    tpu.enqueue_indirect_dma source(%arg27 : memref<80x128xf32, #tpu.memory_space<vmem>>) target(%dma_start3A_171 : memref<10240x128xf32, #tpu.memory_space<vmem_shared>>) offsets(%arg19 : memref<80xi32, #tpu.memory_space<vmem>>) semaphore(%arg43 : memref<!tpu.dma_semaphore, #tpu.memory_space<semaphore_mem>>) {add = true}
    %dma_wait3A_172 = arith.constant 0 : i32
    %dma_wait3A_173 = arith.constant 0 : i32
    %dma_wait3A_174 = tpu.memref_slice %arg6[%dma_wait3A_172, %dma_wait3A_173] : memref<10240x128xf32, #tpu.memory_space<vmem_shared>> -> memref<10240x128xf32, #tpu.memory_space<vmem_shared>>
    tpu.wait_indirect_dma semaphore(%arg42 : memref<!tpu.dma_semaphore, #tpu.memory_space<semaphore_mem>>) src(%arg26 : memref<80x128xf32, #tpu.memory_space<vmem>>) dst(%dma_wait3A_174 : memref<10240x128xf32, #tpu.memory_space<vmem_shared>>)
    %dma_wait3A_175 = arith.constant 0 : i32
    %dma_wait3A_176 = tpu.memref_slice %arg3[%dma_wait3A_175] : memref<320000xi32, #tpu.memory_space<hbm>> -> memref<80xi32, #tpu.memory_space<hbm>>
    %dma_wait3A_177 = arith.constant 0 : i32
    %dma_wait3A_178 = tpu.memref_slice %arg3[%dma_wait3A_177] : memref<320000xi32, #tpu.memory_space<hbm>> -> memref<80xi32, #tpu.memory_space<hbm>>
    tpu.wait_dma2 semaphore(%arg34 : memref<!tpu.dma_semaphore, #tpu.memory_space<semaphore_mem>>) src(%dma_wait3A_178 : memref<80xi32, #tpu.memory_space<hbm>>) dst(%arg14 : memref<80xi32, #tpu.memory_space<vmem>>)
    %dma_wait3A_179 = arith.constant 0 : i32
    %dma_wait3A_180 = tpu.memref_slice %arg4[%dma_wait3A_179] : memref<320000xi32, #tpu.memory_space<hbm>> -> memref<80xi32, #tpu.memory_space<hbm>>
    %dma_wait3A_181 = arith.constant 0 : i32
    %dma_wait3A_182 = tpu.memref_slice %arg4[%dma_wait3A_181] : memref<320000xi32, #tpu.memory_space<hbm>> -> memref<80xi32, #tpu.memory_space<hbm>>
    tpu.wait_dma2 semaphore(%arg34 : memref<!tpu.dma_semaphore, #tpu.memory_space<semaphore_mem>>) src(%dma_wait3A_182 : memref<80xi32, #tpu.memory_space<hbm>>) dst(%arg22 : memref<80xi32, #tpu.memory_space<vmem>>)
    %dma_start3A_183 = arith.constant 0 : i32
    %dma_start3A_184 = arith.constant 0 : i32
    %dma_start3A_185 = tpu.memref_slice %arg2[%dma_start3A_183, %dma_start3A_184] : memref<10000x128xf32, #tpu.memory_space<hbm>> -> memref<10000x128xf32, #tpu.memory_space<hbm>>
    tpu.enqueue_indirect_dma source(%dma_start3A_185 : memref<10000x128xf32, #tpu.memory_space<hbm>>) target(%arg26 : memref<80x128xf32, #tpu.memory_space<vmem>>) offsets(%arg14 : memref<80xi32, #tpu.memory_space<vmem>>) semaphore(%arg38 : memref<!tpu.dma_semaphore, #tpu.memory_space<semaphore_mem>>)
    %dma_wait3A_186 = arith.constant 0 : i32
    %dma_wait3A_187 = arith.constant 0 : i32
    %dma_wait3A_188 = tpu.memref_slice %arg6[%dma_wait3A_186, %dma_wait3A_187] : memref<10240x128xf32, #tpu.memory_space<vmem_shared>> -> memref<10240x128xf32, #tpu.memory_space<vmem_shared>>
    tpu.wait_indirect_dma semaphore(%arg43 : memref<!tpu.dma_semaphore, #tpu.memory_space<semaphore_mem>>) src(%arg27 : memref<80x128xf32, #tpu.memory_space<vmem>>) dst(%dma_wait3A_188 : memref<10240x128xf32, #tpu.memory_space<vmem_shared>>)
    %dma_wait3A_189 = arith.constant 0 : i32
    %dma_wait3A_190 = tpu.memref_slice %arg3[%dma_wait3A_189] : memref<320000xi32, #tpu.memory_space<hbm>> -> memref<80xi32, #tpu.memory_space<hbm>>
    %dma_wait3A_191 = arith.constant 0 : i32
    %dma_wait3A_192 = tpu.memref_slice %arg3[%dma_wait3A_191] : memref<320000xi32, #tpu.memory_space<hbm>> -> memref<80xi32, #tpu.memory_space<hbm>>
    tpu.wait_dma2 semaphore(%arg35 : memref<!tpu.dma_semaphore, #tpu.memory_space<semaphore_mem>>) src(%dma_wait3A_192 : memref<80xi32, #tpu.memory_space<hbm>>) dst(%arg15 : memref<80xi32, #tpu.memory_space<vmem>>)
    %dma_wait3A_193 = arith.constant 0 : i32
    %dma_wait3A_194 = tpu.memref_slice %arg4[%dma_wait3A_193] : memref<320000xi32, #tpu.memory_space<hbm>> -> memref<80xi32, #tpu.memory_space<hbm>>
    %dma_wait3A_195 = arith.constant 0 : i32
    %dma_wait3A_196 = tpu.memref_slice %arg4[%dma_wait3A_195] : memref<320000xi32, #tpu.memory_space<hbm>> -> memref<80xi32, #tpu.memory_space<hbm>>
    tpu.wait_dma2 semaphore(%arg35 : memref<!tpu.dma_semaphore, #tpu.memory_space<semaphore_mem>>) src(%dma_wait3A_196 : memref<80xi32, #tpu.memory_space<hbm>>) dst(%arg23 : memref<80xi32, #tpu.memory_space<vmem>>)
    %dma_start3A_197 = arith.constant 0 : i32
    %dma_start3A_198 = arith.constant 0 : i32
    %dma_start3A_199 = tpu.memref_slice %arg2[%dma_start3A_197, %dma_start3A_198] : memref<10000x128xf32, #tpu.memory_space<hbm>> -> memref<10000x128xf32, #tpu.memory_space<hbm>>
    tpu.enqueue_indirect_dma source(%dma_start3A_199 : memref<10000x128xf32, #tpu.memory_space<hbm>>) target(%arg27 : memref<80x128xf32, #tpu.memory_space<vmem>>) offsets(%arg15 : memref<80xi32, #tpu.memory_space<vmem>>) semaphore(%arg39 : memref<!tpu.dma_semaphore, #tpu.memory_space<semaphore_mem>>)
    %add3A_200 = arith.constant 9760 : i32
    %add3A_201 = arith.addi %mul3A_2, %add3A_200 : i32
    %dma_start3A_202 = tpu.memref_slice %arg3[%add3A_201] : memref<320000xi32, #tpu.memory_space<hbm>> -> memref<80xi32, #tpu.memory_space<hbm>>
    %dma_start3A_203 = tpu.memref_slice %arg3[%add3A_201] : memref<320000xi32, #tpu.memory_space<hbm>> -> memref<80xi32, #tpu.memory_space<hbm>>
    tpu.enqueue_dma source(%dma_start3A_203 : memref<80xi32, #tpu.memory_space<hbm>>) target(%arg10 : memref<80xi32, #tpu.memory_space<vmem>>) target_semaphore(%arg30 : memref<!tpu.dma_semaphore, #tpu.memory_space<semaphore_mem>>)
    %dma_start3A_204 = tpu.memref_slice %arg4[%add3A_201] : memref<320000xi32, #tpu.memory_space<hbm>> -> memref<80xi32, #tpu.memory_space<hbm>>
    %dma_start3A_205 = tpu.memref_slice %arg4[%add3A_201] : memref<320000xi32, #tpu.memory_space<hbm>> -> memref<80xi32, #tpu.memory_space<hbm>>
    tpu.enqueue_dma source(%dma_start3A_205 : memref<80xi32, #tpu.memory_space<hbm>>) target(%arg18 : memref<80xi32, #tpu.memory_space<vmem>>) target_semaphore(%arg30 : memref<!tpu.dma_semaphore, #tpu.memory_space<semaphore_mem>>)
    %add3A_206 = arith.constant 9840 : i32
    %add3A_207 = arith.addi %mul3A_2, %add3A_206 : i32
    %dma_start3A_208 = tpu.memref_slice %arg3[%add3A_207] : memref<320000xi32, #tpu.memory_space<hbm>> -> memref<80xi32, #tpu.memory_space<hbm>>
    %dma_start3A_209 = tpu.memref_slice %arg3[%add3A_207] : memref<320000xi32, #tpu.memory_space<hbm>> -> memref<80xi32, #tpu.memory_space<hbm>>
    tpu.enqueue_dma source(%dma_start3A_209 : memref<80xi32, #tpu.memory_space<hbm>>) target(%arg11 : memref<80xi32, #tpu.memory_space<vmem>>) target_semaphore(%arg31 : memref<!tpu.dma_semaphore, #tpu.memory_space<semaphore_mem>>)
    %dma_start3A_210 = tpu.memref_slice %arg4[%add3A_207] : memref<320000xi32, #tpu.memory_space<hbm>> -> memref<80xi32, #tpu.memory_space<hbm>>
    %dma_start3A_211 = tpu.memref_slice %arg4[%add3A_207] : memref<320000xi32, #tpu.memory_space<hbm>> -> memref<80xi32, #tpu.memory_space<hbm>>
    tpu.enqueue_dma source(%dma_start3A_211 : memref<80xi32, #tpu.memory_space<hbm>>) target(%arg19 : memref<80xi32, #tpu.memory_space<vmem>>) target_semaphore(%arg31 : memref<!tpu.dma_semaphore, #tpu.memory_space<semaphore_mem>>)
    %dma_wait3A_212 = arith.constant 0 : i32
    %dma_wait3A_213 = arith.constant 0 : i32
    %dma_wait3A_214 = tpu.memref_slice %arg2[%dma_wait3A_212, %dma_wait3A_213] : memref<10000x128xf32, #tpu.memory_space<hbm>> -> memref<10000x128xf32, #tpu.memory_space<hbm>>
    tpu.wait_indirect_dma semaphore(%arg36 : memref<!tpu.dma_semaphore, #tpu.memory_space<semaphore_mem>>) src(%dma_wait3A_214 : memref<10000x128xf32, #tpu.memory_space<hbm>>) dst(%arg24 : memref<80x128xf32, #tpu.memory_space<vmem>>)
    %dma_start3A_215 = arith.constant 0 : i32
    %dma_start3A_216 = arith.constant 0 : i32
    %dma_start3A_217 = tpu.memref_slice %arg6[%dma_start3A_215, %dma_start3A_216] : memref<10240x128xf32, #tpu.memory_space<vmem_shared>> -> memref<10240x128xf32, #tpu.memory_space<vmem_shared>>
    tpu.enqueue_indirect_dma source(%arg24 : memref<80x128xf32, #tpu.memory_space<vmem>>) target(%dma_start3A_217 : memref<10240x128xf32, #tpu.memory_space<vmem_shared>>) offsets(%arg20 : memref<80xi32, #tpu.memory_space<vmem>>) semaphore(%arg40 : memref<!tpu.dma_semaphore, #tpu.memory_space<semaphore_mem>>) {add = true}
    %dma_wait3A_218 = arith.constant 0 : i32
    %dma_wait3A_219 = arith.constant 0 : i32
    %dma_wait3A_220 = tpu.memref_slice %arg2[%dma_wait3A_218, %dma_wait3A_219] : memref<10000x128xf32, #tpu.memory_space<hbm>> -> memref<10000x128xf32, #tpu.memory_space<hbm>>
    tpu.wait_indirect_dma semaphore(%arg37 : memref<!tpu.dma_semaphore, #tpu.memory_space<semaphore_mem>>) src(%dma_wait3A_220 : memref<10000x128xf32, #tpu.memory_space<hbm>>) dst(%arg25 : memref<80x128xf32, #tpu.memory_space<vmem>>)
    %dma_start3A_221 = arith.constant 0 : i32
    %dma_start3A_222 = arith.constant 0 : i32
    %dma_start3A_223 = tpu.memref_slice %arg6[%dma_start3A_221, %dma_start3A_222] : memref<10240x128xf32, #tpu.memory_space<vmem_shared>> -> memref<10240x128xf32, #tpu.memory_space<vmem_shared>>
    tpu.enqueue_indirect_dma source(%arg25 : memref<80x128xf32, #tpu.memory_space<vmem>>) target(%dma_start3A_223 : memref<10240x128xf32, #tpu.memory_space<vmem_shared>>) offsets(%arg21 : memref<80xi32, #tpu.memory_space<vmem>>) semaphore(%arg41 : memref<!tpu.dma_semaphore, #tpu.memory_space<semaphore_mem>>) {add = true}
    %dma_wait3A_224 = arith.constant 0 : i32
    %dma_wait3A_225 = arith.constant 0 : i32
    %dma_wait3A_226 = tpu.memref_slice %arg6[%dma_wait3A_224, %dma_wait3A_225] : memref<10240x128xf32, #tpu.memory_space<vmem_shared>> -> memref<10240x128xf32, #tpu.memory_space<vmem_shared>>
    tpu.wait_indirect_dma semaphore(%arg40 : memref<!tpu.dma_semaphore, #tpu.memory_space<semaphore_mem>>) src(%arg24 : memref<80x128xf32, #tpu.memory_space<vmem>>) dst(%dma_wait3A_226 : memref<10240x128xf32, #tpu.memory_space<vmem_shared>>)
    %dma_wait3A_227 = arith.constant 0 : i32
    %dma_wait3A_228 = tpu.memref_slice %arg3[%dma_wait3A_227] : memref<320000xi32, #tpu.memory_space<hbm>> -> memref<80xi32, #tpu.memory_space<hbm>>
    %dma_wait3A_229 = arith.constant 0 : i32
    %dma_wait3A_230 = tpu.memref_slice %arg3[%dma_wait3A_229] : memref<320000xi32, #tpu.memory_space<hbm>> -> memref<80xi32, #tpu.memory_space<hbm>>
    tpu.wait_dma2 semaphore(%arg28 : memref<!tpu.dma_semaphore, #tpu.memory_space<semaphore_mem>>) src(%dma_wait3A_230 : memref<80xi32, #tpu.memory_space<hbm>>) dst(%arg8 : memref<80xi32, #tpu.memory_space<vmem>>)
    %dma_wait3A_231 = arith.constant 0 : i32
    %dma_wait3A_232 = tpu.memref_slice %arg4[%dma_wait3A_231] : memref<320000xi32, #tpu.memory_space<hbm>> -> memref<80xi32, #tpu.memory_space<hbm>>
    %dma_wait3A_233 = arith.constant 0 : i32
    %dma_wait3A_234 = tpu.memref_slice %arg4[%dma_wait3A_233] : memref<320000xi32, #tpu.memory_space<hbm>> -> memref<80xi32, #tpu.memory_space<hbm>>
    tpu.wait_dma2 semaphore(%arg28 : memref<!tpu.dma_semaphore, #tpu.memory_space<semaphore_mem>>) src(%dma_wait3A_234 : memref<80xi32, #tpu.memory_space<hbm>>) dst(%arg16 : memref<80xi32, #tpu.memory_space<vmem>>)
    %dma_start3A_235 = arith.constant 0 : i32
    %dma_start3A_236 = arith.constant 0 : i32
    %dma_start3A_237 = tpu.memref_slice %arg2[%dma_start3A_235, %dma_start3A_236] : memref<10000x128xf32, #tpu.memory_space<hbm>> -> memref<10000x128xf32, #tpu.memory_space<hbm>>
    tpu.enqueue_indirect_dma source(%dma_start3A_237 : memref<10000x128xf32, #tpu.memory_space<hbm>>) target(%arg24 : memref<80x128xf32, #tpu.memory_space<vmem>>) offsets(%arg8 : memref<80xi32, #tpu.memory_space<vmem>>) semaphore(%arg36 : memref<!tpu.dma_semaphore, #tpu.memory_space<semaphore_mem>>)
    %dma_wait3A_238 = arith.constant 0 : i32
    %dma_wait3A_239 = arith.constant 0 : i32
    %dma_wait3A_240 = tpu.memref_slice %arg6[%dma_wait3A_238, %dma_wait3A_239] : memref<10240x128xf32, #tpu.memory_space<vmem_shared>> -> memref<10240x128xf32, #tpu.memory_space<vmem_shared>>
    tpu.wait_indirect_dma semaphore(%arg41 : memref<!tpu.dma_semaphore, #tpu.memory_space<semaphore_mem>>) src(%arg25 : memref<80x128xf32, #tpu.memory_space<vmem>>) dst(%dma_wait3A_240 : memref<10240x128xf32, #tpu.memory_space<vmem_shared>>)
    %dma_wait3A_241 = arith.constant 0 : i32
    %dma_wait3A_242 = tpu.memref_slice %arg3[%dma_wait3A_241] : memref<320000xi32, #tpu.memory_space<hbm>> -> memref<80xi32, #tpu.memory_space<hbm>>
    %dma_wait3A_243 = arith.constant 0 : i32
    %dma_wait3A_244 = tpu.memref_slice %arg3[%dma_wait3A_243] : memref<320000xi32, #tpu.memory_space<hbm>> -> memref<80xi32, #tpu.memory_space<hbm>>
    tpu.wait_dma2 semaphore(%arg29 : memref<!tpu.dma_semaphore, #tpu.memory_space<semaphore_mem>>) src(%dma_wait3A_244 : memref<80xi32, #tpu.memory_space<hbm>>) dst(%arg9 : memref<80xi32, #tpu.memory_space<vmem>>)
    %dma_wait3A_245 = arith.constant 0 : i32
    %dma_wait3A_246 = tpu.memref_slice %arg4[%dma_wait3A_245] : memref<320000xi32, #tpu.memory_space<hbm>> -> memref<80xi32, #tpu.memory_space<hbm>>
    %dma_wait3A_247 = arith.constant 0 : i32
    %dma_wait3A_248 = tpu.memref_slice %arg4[%dma_wait3A_247] : memref<320000xi32, #tpu.memory_space<hbm>> -> memref<80xi32, #tpu.memory_space<hbm>>
    tpu.wait_dma2 semaphore(%arg29 : memref<!tpu.dma_semaphore, #tpu.memory_space<semaphore_mem>>) src(%dma_wait3A_248 : memref<80xi32, #tpu.memory_space<hbm>>) dst(%arg17 : memref<80xi32, #tpu.memory_space<vmem>>)
    %dma_start3A_249 = arith.constant 0 : i32
    %dma_start3A_250 = arith.constant 0 : i32
    %dma_start3A_251 = tpu.memref_slice %arg2[%dma_start3A_249, %dma_start3A_250] : memref<10000x128xf32, #tpu.memory_space<hbm>> -> memref<10000x128xf32, #tpu.memory_space<hbm>>
    tpu.enqueue_indirect_dma source(%dma_start3A_251 : memref<10000x128xf32, #tpu.memory_space<hbm>>) target(%arg25 : memref<80x128xf32, #tpu.memory_space<vmem>>) offsets(%arg9 : memref<80xi32, #tpu.memory_space<vmem>>) semaphore(%arg37 : memref<!tpu.dma_semaphore, #tpu.memory_space<semaphore_mem>>)
    %add3A_252 = arith.constant 9920 : i32
    %add3A_253 = arith.addi %mul3A_2, %add3A_252 : i32
    %dma_start3A_254 = tpu.memref_slice %arg3[%add3A_253] : memref<320000xi32, #tpu.memory_space<hbm>> -> memref<80xi32, #tpu.memory_space<hbm>>
    %dma_start3A_255 = tpu.memref_slice %arg3[%add3A_253] : memref<320000xi32, #tpu.memory_space<hbm>> -> memref<80xi32, #tpu.memory_space<hbm>>
    tpu.enqueue_dma source(%dma_start3A_255 : memref<80xi32, #tpu.memory_space<hbm>>) target(%arg12 : memref<80xi32, #tpu.memory_space<vmem>>) target_semaphore(%arg32 : memref<!tpu.dma_semaphore, #tpu.memory_space<semaphore_mem>>)
    %dma_start3A_256 = tpu.memref_slice %arg4[%add3A_253] : memref<320000xi32, #tpu.memory_space<hbm>> -> memref<80xi32, #tpu.memory_space<hbm>>
    %dma_start3A_257 = tpu.memref_slice %arg4[%add3A_253] : memref<320000xi32, #tpu.memory_space<hbm>> -> memref<80xi32, #tpu.memory_space<hbm>>
    tpu.enqueue_dma source(%dma_start3A_257 : memref<80xi32, #tpu.memory_space<hbm>>) target(%arg20 : memref<80xi32, #tpu.memory_space<vmem>>) target_semaphore(%arg32 : memref<!tpu.dma_semaphore, #tpu.memory_space<semaphore_mem>>)
    %dma_wait3A_258 = arith.constant 0 : i32
    %dma_wait3A_259 = arith.constant 0 : i32
    %dma_wait3A_260 = tpu.memref_slice %arg2[%dma_wait3A_258, %dma_wait3A_259] : memref<10000x128xf32, #tpu.memory_space<hbm>> -> memref<10000x128xf32, #tpu.memory_space<hbm>>
    tpu.wait_indirect_dma semaphore(%arg38 : memref<!tpu.dma_semaphore, #tpu.memory_space<semaphore_mem>>) src(%dma_wait3A_260 : memref<10000x128xf32, #tpu.memory_space<hbm>>) dst(%arg26 : memref<80x128xf32, #tpu.memory_space<vmem>>)
    %dma_start3A_261 = arith.constant 0 : i32
    %dma_start3A_262 = arith.constant 0 : i32
    %dma_start3A_263 = tpu.memref_slice %arg6[%dma_start3A_261, %dma_start3A_262] : memref<10240x128xf32, #tpu.memory_space<vmem_shared>> -> memref<10240x128xf32, #tpu.memory_space<vmem_shared>>
    tpu.enqueue_indirect_dma source(%arg26 : memref<80x128xf32, #tpu.memory_space<vmem>>) target(%dma_start3A_263 : memref<10240x128xf32, #tpu.memory_space<vmem_shared>>) offsets(%arg22 : memref<80xi32, #tpu.memory_space<vmem>>) semaphore(%arg42 : memref<!tpu.dma_semaphore, #tpu.memory_space<semaphore_mem>>) {add = true}
    %dma_wait3A_264 = arith.constant 0 : i32
    %dma_wait3A_265 = arith.constant 0 : i32
    %dma_wait3A_266 = tpu.memref_slice %arg2[%dma_wait3A_264, %dma_wait3A_265] : memref<10000x128xf32, #tpu.memory_space<hbm>> -> memref<10000x128xf32, #tpu.memory_space<hbm>>
    tpu.wait_indirect_dma semaphore(%arg39 : memref<!tpu.dma_semaphore, #tpu.memory_space<semaphore_mem>>) src(%dma_wait3A_266 : memref<10000x128xf32, #tpu.memory_space<hbm>>) dst(%arg27 : memref<80x128xf32, #tpu.memory_space<vmem>>)
    %dma_start3A_267 = arith.constant 0 : i32
    %dma_start3A_268 = arith.constant 0 : i32
    %dma_start3A_269 = tpu.memref_slice %arg6[%dma_start3A_267, %dma_start3A_268] : memref<10240x128xf32, #tpu.memory_space<vmem_shared>> -> memref<10240x128xf32, #tpu.memory_space<vmem_shared>>
    tpu.enqueue_indirect_dma source(%arg27 : memref<80x128xf32, #tpu.memory_space<vmem>>) target(%dma_start3A_269 : memref<10240x128xf32, #tpu.memory_space<vmem_shared>>) offsets(%arg23 : memref<80xi32, #tpu.memory_space<vmem>>) semaphore(%arg43 : memref<!tpu.dma_semaphore, #tpu.memory_space<semaphore_mem>>) {add = true}
    %dma_wait3A_270 = arith.constant 0 : i32
    %dma_wait3A_271 = arith.constant 0 : i32
    %dma_wait3A_272 = tpu.memref_slice %arg6[%dma_wait3A_270, %dma_wait3A_271] : memref<10240x128xf32, #tpu.memory_space<vmem_shared>> -> memref<10240x128xf32, #tpu.memory_space<vmem_shared>>
    tpu.wait_indirect_dma semaphore(%arg42 : memref<!tpu.dma_semaphore, #tpu.memory_space<semaphore_mem>>) src(%arg26 : memref<80x128xf32, #tpu.memory_space<vmem>>) dst(%dma_wait3A_272 : memref<10240x128xf32, #tpu.memory_space<vmem_shared>>)
    %dma_wait3A_273 = arith.constant 0 : i32
    %dma_wait3A_274 = tpu.memref_slice %arg3[%dma_wait3A_273] : memref<320000xi32, #tpu.memory_space<hbm>> -> memref<80xi32, #tpu.memory_space<hbm>>
    %dma_wait3A_275 = arith.constant 0 : i32
    %dma_wait3A_276 = tpu.memref_slice %arg3[%dma_wait3A_275] : memref<320000xi32, #tpu.memory_space<hbm>> -> memref<80xi32, #tpu.memory_space<hbm>>
    tpu.wait_dma2 semaphore(%arg30 : memref<!tpu.dma_semaphore, #tpu.memory_space<semaphore_mem>>) src(%dma_wait3A_276 : memref<80xi32, #tpu.memory_space<hbm>>) dst(%arg10 : memref<80xi32, #tpu.memory_space<vmem>>)
    %dma_wait3A_277 = arith.constant 0 : i32
    %dma_wait3A_278 = tpu.memref_slice %arg4[%dma_wait3A_277] : memref<320000xi32, #tpu.memory_space<hbm>> -> memref<80xi32, #tpu.memory_space<hbm>>
    %dma_wait3A_279 = arith.constant 0 : i32
    %dma_wait3A_280 = tpu.memref_slice %arg4[%dma_wait3A_279] : memref<320000xi32, #tpu.memory_space<hbm>> -> memref<80xi32, #tpu.memory_space<hbm>>
    tpu.wait_dma2 semaphore(%arg30 : memref<!tpu.dma_semaphore, #tpu.memory_space<semaphore_mem>>) src(%dma_wait3A_280 : memref<80xi32, #tpu.memory_space<hbm>>) dst(%arg18 : memref<80xi32, #tpu.memory_space<vmem>>)
    %dma_start3A_281 = arith.constant 0 : i32
    %dma_start3A_282 = arith.constant 0 : i32
    %dma_start3A_283 = tpu.memref_slice %arg2[%dma_start3A_281, %dma_start3A_282] : memref<10000x128xf32, #tpu.memory_space<hbm>> -> memref<10000x128xf32, #tpu.memory_space<hbm>>
    tpu.enqueue_indirect_dma source(%dma_start3A_283 : memref<10000x128xf32, #tpu.memory_space<hbm>>) target(%arg26 : memref<80x128xf32, #tpu.memory_space<vmem>>) offsets(%arg10 : memref<80xi32, #tpu.memory_space<vmem>>) semaphore(%arg38 : memref<!tpu.dma_semaphore, #tpu.memory_space<semaphore_mem>>)
    %dma_wait3A_284 = arith.constant 0 : i32
    %dma_wait3A_285 = arith.constant 0 : i32
    %dma_wait3A_286 = tpu.memref_slice %arg6[%dma_wait3A_284, %dma_wait3A_285] : memref<10240x128xf32, #tpu.memory_space<vmem_shared>> -> memref<10240x128xf32, #tpu.memory_space<vmem_shared>>
    tpu.wait_indirect_dma semaphore(%arg43 : memref<!tpu.dma_semaphore, #tpu.memory_space<semaphore_mem>>) src(%arg27 : memref<80x128xf32, #tpu.memory_space<vmem>>) dst(%dma_wait3A_286 : memref<10240x128xf32, #tpu.memory_space<vmem_shared>>)
    %dma_wait3A_287 = arith.constant 0 : i32
    %dma_wait3A_288 = tpu.memref_slice %arg3[%dma_wait3A_287] : memref<320000xi32, #tpu.memory_space<hbm>> -> memref<80xi32, #tpu.memory_space<hbm>>
    %dma_wait3A_289 = arith.constant 0 : i32
    %dma_wait3A_290 = tpu.memref_slice %arg3[%dma_wait3A_289] : memref<320000xi32, #tpu.memory_space<hbm>> -> memref<80xi32, #tpu.memory_space<hbm>>
    tpu.wait_dma2 semaphore(%arg31 : memref<!tpu.dma_semaphore, #tpu.memory_space<semaphore_mem>>) src(%dma_wait3A_290 : memref<80xi32, #tpu.memory_space<hbm>>) dst(%arg11 : memref<80xi32, #tpu.memory_space<vmem>>)
    %dma_wait3A_291 = arith.constant 0 : i32
    %dma_wait3A_292 = tpu.memref_slice %arg4[%dma_wait3A_291] : memref<320000xi32, #tpu.memory_space<hbm>> -> memref<80xi32, #tpu.memory_space<hbm>>
    %dma_wait3A_293 = arith.constant 0 : i32
    %dma_wait3A_294 = tpu.memref_slice %arg4[%dma_wait3A_293] : memref<320000xi32, #tpu.memory_space<hbm>> -> memref<80xi32, #tpu.memory_space<hbm>>
    tpu.wait_dma2 semaphore(%arg31 : memref<!tpu.dma_semaphore, #tpu.memory_space<semaphore_mem>>) src(%dma_wait3A_294 : memref<80xi32, #tpu.memory_space<hbm>>) dst(%arg19 : memref<80xi32, #tpu.memory_space<vmem>>)
    %dma_start3A_295 = arith.constant 0 : i32
    %dma_start3A_296 = arith.constant 0 : i32
    %dma_start3A_297 = tpu.memref_slice %arg2[%dma_start3A_295, %dma_start3A_296] : memref<10000x128xf32, #tpu.memory_space<hbm>> -> memref<10000x128xf32, #tpu.memory_space<hbm>>
    tpu.enqueue_indirect_dma source(%dma_start3A_297 : memref<10000x128xf32, #tpu.memory_space<hbm>>) target(%arg27 : memref<80x128xf32, #tpu.memory_space<vmem>>) offsets(%arg11 : memref<80xi32, #tpu.memory_space<vmem>>) semaphore(%arg39 : memref<!tpu.dma_semaphore, #tpu.memory_space<semaphore_mem>>)
    %dma_wait3A_298 = arith.constant 0 : i32
    %dma_wait3A_299 = arith.constant 0 : i32
    %dma_wait3A_300 = tpu.memref_slice %arg2[%dma_wait3A_298, %dma_wait3A_299] : memref<10000x128xf32, #tpu.memory_space<hbm>> -> memref<10000x128xf32, #tpu.memory_space<hbm>>
    tpu.wait_indirect_dma semaphore(%arg36 : memref<!tpu.dma_semaphore, #tpu.memory_space<semaphore_mem>>) src(%dma_wait3A_300 : memref<10000x128xf32, #tpu.memory_space<hbm>>) dst(%arg24 : memref<80x128xf32, #tpu.memory_space<vmem>>)
    %dma_start3A_301 = arith.constant 0 : i32
    %dma_start3A_302 = arith.constant 0 : i32
    %dma_start3A_303 = tpu.memref_slice %arg6[%dma_start3A_301, %dma_start3A_302] : memref<10240x128xf32, #tpu.memory_space<vmem_shared>> -> memref<10240x128xf32, #tpu.memory_space<vmem_shared>>
    tpu.enqueue_indirect_dma source(%arg24 : memref<80x128xf32, #tpu.memory_space<vmem>>) target(%dma_start3A_303 : memref<10240x128xf32, #tpu.memory_space<vmem_shared>>) offsets(%arg16 : memref<80xi32, #tpu.memory_space<vmem>>) semaphore(%arg40 : memref<!tpu.dma_semaphore, #tpu.memory_space<semaphore_mem>>) {add = true}
    %dma_wait3A_304 = arith.constant 0 : i32
    %dma_wait3A_305 = arith.constant 0 : i32
    %dma_wait3A_306 = tpu.memref_slice %arg2[%dma_wait3A_304, %dma_wait3A_305] : memref<10000x128xf32, #tpu.memory_space<hbm>> -> memref<10000x128xf32, #tpu.memory_space<hbm>>
    tpu.wait_indirect_dma semaphore(%arg37 : memref<!tpu.dma_semaphore, #tpu.memory_space<semaphore_mem>>) src(%dma_wait3A_306 : memref<10000x128xf32, #tpu.memory_space<hbm>>) dst(%arg25 : memref<80x128xf32, #tpu.memory_space<vmem>>)
    %dma_start3A_307 = arith.constant 0 : i32
    %dma_start3A_308 = arith.constant 0 : i32
    %dma_start3A_309 = tpu.memref_slice %arg6[%dma_start3A_307, %dma_start3A_308] : memref<10240x128xf32, #tpu.memory_space<vmem_shared>> -> memref<10240x128xf32, #tpu.memory_space<vmem_shared>>
    tpu.enqueue_indirect_dma source(%arg25 : memref<80x128xf32, #tpu.memory_space<vmem>>) target(%dma_start3A_309 : memref<10240x128xf32, #tpu.memory_space<vmem_shared>>) offsets(%arg17 : memref<80xi32, #tpu.memory_space<vmem>>) semaphore(%arg41 : memref<!tpu.dma_semaphore, #tpu.memory_space<semaphore_mem>>) {add = true}
    %dma_wait3A_310 = arith.constant 0 : i32
    %dma_wait3A_311 = arith.constant 0 : i32
    %dma_wait3A_312 = tpu.memref_slice %arg6[%dma_wait3A_310, %dma_wait3A_311] : memref<10240x128xf32, #tpu.memory_space<vmem_shared>> -> memref<10240x128xf32, #tpu.memory_space<vmem_shared>>
    tpu.wait_indirect_dma semaphore(%arg40 : memref<!tpu.dma_semaphore, #tpu.memory_space<semaphore_mem>>) src(%arg24 : memref<80x128xf32, #tpu.memory_space<vmem>>) dst(%dma_wait3A_312 : memref<10240x128xf32, #tpu.memory_space<vmem_shared>>)
    %dma_wait3A_313 = arith.constant 0 : i32
    %dma_wait3A_314 = tpu.memref_slice %arg3[%dma_wait3A_313] : memref<320000xi32, #tpu.memory_space<hbm>> -> memref<80xi32, #tpu.memory_space<hbm>>
    %dma_wait3A_315 = arith.constant 0 : i32
    %dma_wait3A_316 = tpu.memref_slice %arg3[%dma_wait3A_315] : memref<320000xi32, #tpu.memory_space<hbm>> -> memref<80xi32, #tpu.memory_space<hbm>>
    tpu.wait_dma2 semaphore(%arg32 : memref<!tpu.dma_semaphore, #tpu.memory_space<semaphore_mem>>) src(%dma_wait3A_316 : memref<80xi32, #tpu.memory_space<hbm>>) dst(%arg12 : memref<80xi32, #tpu.memory_space<vmem>>)
    %dma_wait3A_317 = arith.constant 0 : i32
    %dma_wait3A_318 = tpu.memref_slice %arg4[%dma_wait3A_317] : memref<320000xi32, #tpu.memory_space<hbm>> -> memref<80xi32, #tpu.memory_space<hbm>>
    %dma_wait3A_319 = arith.constant 0 : i32
    %dma_wait3A_320 = tpu.memref_slice %arg4[%dma_wait3A_319] : memref<320000xi32, #tpu.memory_space<hbm>> -> memref<80xi32, #tpu.memory_space<hbm>>
    tpu.wait_dma2 semaphore(%arg32 : memref<!tpu.dma_semaphore, #tpu.memory_space<semaphore_mem>>) src(%dma_wait3A_320 : memref<80xi32, #tpu.memory_space<hbm>>) dst(%arg20 : memref<80xi32, #tpu.memory_space<vmem>>)
    %dma_start3A_321 = arith.constant 0 : i32
    %dma_start3A_322 = arith.constant 0 : i32
    %dma_start3A_323 = tpu.memref_slice %arg2[%dma_start3A_321, %dma_start3A_322] : memref<10000x128xf32, #tpu.memory_space<hbm>> -> memref<10000x128xf32, #tpu.memory_space<hbm>>
    tpu.enqueue_indirect_dma source(%dma_start3A_323 : memref<10000x128xf32, #tpu.memory_space<hbm>>) target(%arg24 : memref<80x128xf32, #tpu.memory_space<vmem>>) offsets(%arg12 : memref<80xi32, #tpu.memory_space<vmem>>) semaphore(%arg36 : memref<!tpu.dma_semaphore, #tpu.memory_space<semaphore_mem>>)
    %dma_wait3A_324 = arith.constant 0 : i32
    %dma_wait3A_325 = arith.constant 0 : i32
    %dma_wait3A_326 = tpu.memref_slice %arg2[%dma_wait3A_324, %dma_wait3A_325] : memref<10000x128xf32, #tpu.memory_space<hbm>> -> memref<10000x128xf32, #tpu.memory_space<hbm>>
    tpu.wait_indirect_dma semaphore(%arg38 : memref<!tpu.dma_semaphore, #tpu.memory_space<semaphore_mem>>) src(%dma_wait3A_326 : memref<10000x128xf32, #tpu.memory_space<hbm>>) dst(%arg26 : memref<80x128xf32, #tpu.memory_space<vmem>>)
    %dma_start3A_327 = arith.constant 0 : i32
    %dma_start3A_328 = arith.constant 0 : i32
    %dma_start3A_329 = tpu.memref_slice %arg6[%dma_start3A_327, %dma_start3A_328] : memref<10240x128xf32, #tpu.memory_space<vmem_shared>> -> memref<10240x128xf32, #tpu.memory_space<vmem_shared>>
    tpu.enqueue_indirect_dma source(%arg26 : memref<80x128xf32, #tpu.memory_space<vmem>>) target(%dma_start3A_329 : memref<10240x128xf32, #tpu.memory_space<vmem_shared>>) offsets(%arg18 : memref<80xi32, #tpu.memory_space<vmem>>) semaphore(%arg42 : memref<!tpu.dma_semaphore, #tpu.memory_space<semaphore_mem>>) {add = true}
    %dma_wait3A_330 = arith.constant 0 : i32
    %dma_wait3A_331 = arith.constant 0 : i32
    %dma_wait3A_332 = tpu.memref_slice %arg2[%dma_wait3A_330, %dma_wait3A_331] : memref<10000x128xf32, #tpu.memory_space<hbm>> -> memref<10000x128xf32, #tpu.memory_space<hbm>>
    tpu.wait_indirect_dma semaphore(%arg39 : memref<!tpu.dma_semaphore, #tpu.memory_space<semaphore_mem>>) src(%dma_wait3A_332 : memref<10000x128xf32, #tpu.memory_space<hbm>>) dst(%arg27 : memref<80x128xf32, #tpu.memory_space<vmem>>)
    %dma_start3A_333 = arith.constant 0 : i32
    %dma_start3A_334 = arith.constant 0 : i32
    %dma_start3A_335 = tpu.memref_slice %arg6[%dma_start3A_333, %dma_start3A_334] : memref<10240x128xf32, #tpu.memory_space<vmem_shared>> -> memref<10240x128xf32, #tpu.memory_space<vmem_shared>>
    tpu.enqueue_indirect_dma source(%arg27 : memref<80x128xf32, #tpu.memory_space<vmem>>) target(%dma_start3A_335 : memref<10240x128xf32, #tpu.memory_space<vmem_shared>>) offsets(%arg19 : memref<80xi32, #tpu.memory_space<vmem>>) semaphore(%arg43 : memref<!tpu.dma_semaphore, #tpu.memory_space<semaphore_mem>>) {add = true}
    %dma_wait3A_336 = arith.constant 0 : i32
    %dma_wait3A_337 = arith.constant 0 : i32
    %dma_wait3A_338 = tpu.memref_slice %arg6[%dma_wait3A_336, %dma_wait3A_337] : memref<10240x128xf32, #tpu.memory_space<vmem_shared>> -> memref<10240x128xf32, #tpu.memory_space<vmem_shared>>
    tpu.wait_indirect_dma semaphore(%arg41 : memref<!tpu.dma_semaphore, #tpu.memory_space<semaphore_mem>>) src(%arg25 : memref<80x128xf32, #tpu.memory_space<vmem>>) dst(%dma_wait3A_338 : memref<10240x128xf32, #tpu.memory_space<vmem_shared>>)
    %dma_wait3A_339 = arith.constant 0 : i32
    %dma_wait3A_340 = arith.constant 0 : i32
    %dma_wait3A_341 = tpu.memref_slice %arg6[%dma_wait3A_339, %dma_wait3A_340] : memref<10240x128xf32, #tpu.memory_space<vmem_shared>> -> memref<10240x128xf32, #tpu.memory_space<vmem_shared>>
    tpu.wait_indirect_dma semaphore(%arg42 : memref<!tpu.dma_semaphore, #tpu.memory_space<semaphore_mem>>) src(%arg26 : memref<80x128xf32, #tpu.memory_space<vmem>>) dst(%dma_wait3A_341 : memref<10240x128xf32, #tpu.memory_space<vmem_shared>>)
    %dma_wait3A_342 = arith.constant 0 : i32
    %dma_wait3A_343 = arith.constant 0 : i32
    %dma_wait3A_344 = tpu.memref_slice %arg6[%dma_wait3A_342, %dma_wait3A_343] : memref<10240x128xf32, #tpu.memory_space<vmem_shared>> -> memref<10240x128xf32, #tpu.memory_space<vmem_shared>>
    tpu.wait_indirect_dma semaphore(%arg43 : memref<!tpu.dma_semaphore, #tpu.memory_space<semaphore_mem>>) src(%arg27 : memref<80x128xf32, #tpu.memory_space<vmem>>) dst(%dma_wait3A_344 : memref<10240x128xf32, #tpu.memory_space<vmem_shared>>)
    %dma_wait3A_345 = arith.constant 0 : i32
    %dma_wait3A_346 = arith.constant 0 : i32
    %dma_wait3A_347 = tpu.memref_slice %arg2[%dma_wait3A_345, %dma_wait3A_346] : memref<10000x128xf32, #tpu.memory_space<hbm>> -> memref<10000x128xf32, #tpu.memory_space<hbm>>
    tpu.wait_indirect_dma semaphore(%arg36 : memref<!tpu.dma_semaphore, #tpu.memory_space<semaphore_mem>>) src(%dma_wait3A_347 : memref<10000x128xf32, #tpu.memory_space<hbm>>) dst(%arg24 : memref<80x128xf32, #tpu.memory_space<vmem>>)
    %dma_start3A_348 = arith.constant 0 : i32
    %dma_start3A_349 = arith.constant 0 : i32
    %dma_start3A_350 = tpu.memref_slice %arg6[%dma_start3A_348, %dma_start3A_349] : memref<10240x128xf32, #tpu.memory_space<vmem_shared>> -> memref<10240x128xf32, #tpu.memory_space<vmem_shared>>
    tpu.enqueue_indirect_dma source(%arg24 : memref<80x128xf32, #tpu.memory_space<vmem>>) target(%dma_start3A_350 : memref<10240x128xf32, #tpu.memory_space<vmem_shared>>) offsets(%arg20 : memref<80xi32, #tpu.memory_space<vmem>>) semaphore(%arg40 : memref<!tpu.dma_semaphore, #tpu.memory_space<semaphore_mem>>) {add = true}
    %dma_wait3A_351 = arith.constant 0 : i32
    %dma_wait3A_352 = arith.constant 0 : i32
    %dma_wait3A_353 = tpu.memref_slice %arg6[%dma_wait3A_351, %dma_wait3A_352] : memref<10240x128xf32, #tpu.memory_space<vmem_shared>> -> memref<10240x128xf32, #tpu.memory_space<vmem_shared>>
    tpu.wait_indirect_dma semaphore(%arg40 : memref<!tpu.dma_semaphore, #tpu.memory_space<semaphore_mem>>) src(%arg24 : memref<80x128xf32, #tpu.memory_space<vmem>>) dst(%dma_wait3A_353 : memref<10240x128xf32, #tpu.memory_space<vmem_shared>>)
    %barrier3A_354 = arith.constant 0 : index
    tpu.barrier barrier_id(%barrier3A_354)
    %mul3A_355 = arith.constant 640 : i32
    %mul3A_356 = arith.muli %arg1, %mul3A_355 : i32
    %mul3A_357 = arith.constant 640 : i32
    %mul3A_358 = arith.muli %arg1, %mul3A_357 : i32
    "tpu.region"() ({
      %run_scoped3A = tpu.sem_alloc : memref<!tpu.dma_semaphore, #tpu.memory_space<semaphore_mem>>
      %dma_start3A_359 = arith.constant 0 : i32
      %dma_start3A_360 = tpu.memref_slice %arg5[%arg0, %mul3A_358, %dma_start3A_359] : memref<2x10240x128xf32, #tpu.memory_space<hbm>> -> memref<1x640x128xf32, #tpu.memory_space<hbm>>
      %dma_start3A_361 = tpu.memref_squeeze %dma_start3A_360 : memref<1x640x128xf32, #tpu.memory_space<hbm>> -> memref<640x128xf32, #tpu.memory_space<hbm>>
      %dma_start3A_362 = arith.constant 0 : i32
      %dma_start3A_363 = tpu.memref_slice %arg6[%mul3A_356, %dma_start3A_362] : memref<10240x128xf32, #tpu.memory_space<vmem_shared>> -> memref<640x128xf32, #tpu.memory_space<vmem_shared>>
      tpu.enqueue_dma source(%dma_start3A_363 : memref<640x128xf32, #tpu.memory_space<vmem_shared>>) target(%dma_start3A_361 : memref<640x128xf32, #tpu.memory_space<hbm>>) target_semaphore(%run_scoped3A : memref<!tpu.dma_semaphore, #tpu.memory_space<semaphore_mem>>)
      %dma_wait3A_364 = arith.constant 0 : i32
      %dma_wait3A_365 = tpu.memref_slice %arg5[%arg0, %mul3A_358, %dma_wait3A_364] : memref<2x10240x128xf32, #tpu.memory_space<hbm>> -> memref<1x640x128xf32, #tpu.memory_space<hbm>>
      %dma_wait3A_366 = tpu.memref_squeeze %dma_wait3A_365 : memref<1x640x128xf32, #tpu.memory_space<hbm>> -> memref<640x128xf32, #tpu.memory_space<hbm>>
      %dma_wait3A_367 = arith.constant 0 : i32
      %dma_wait3A_368 = tpu.memref_slice %arg6[%mul3A_356, %dma_wait3A_367] : memref<10240x128xf32, #tpu.memory_space<vmem_shared>> -> memref<640x128xf32, #tpu.memory_space<vmem_shared>>
      tpu.wait_dma2 semaphore(%run_scoped3A : memref<!tpu.dma_semaphore, #tpu.memory_space<semaphore_mem>>) src(%dma_wait3A_368 : memref<640x128xf32, #tpu.memory_space<vmem_shared>>) dst(%dma_wait3A_366 : memref<640x128xf32, #tpu.memory_space<hbm>>)
      tpu.yield
    }) : () -> ()
    return
  }
}

#map = affine_map<(d0, d1) -> (0, 0)>
#map1 = affine_map<(d0, d1) -> (0)>
#map2 = affine_map<(d0, d1) -> (0, 0, 0)>
module attributes {stable_mosaic.version = 14 : i64} {
  func.func @_prop_sc(%arg0: i32, %arg1: i32, %arg2: memref<10000x128xf32, #tpu.memory_space<hbm>>, %arg3: memref<320000xi32, #tpu.memory_space<hbm>>, %arg4: memref<320000xi32, #tpu.memory_space<hbm>>, %arg5: memref<2x10240x128xf32, #tpu.memory_space<hbm>>, %arg6: memref<10240x128xf32, #tpu.memory_space<vmem_shared>>, %arg7: memref<16x128xf32, #tpu.memory_space<vmem>>, %arg8: memref<80xi32, #tpu.memory_space<vmem>>, %arg9: memref<80xi32, #tpu.memory_space<vmem>>, %arg10: memref<80xi32, #tpu.memory_space<vmem>>, %arg11: memref<80xi32, #tpu.memory_space<vmem>>, %arg12: memref<80xi32, #tpu.memory_space<vmem>>, %arg13: memref<80xi32, #tpu.memory_space<vmem>>, %arg14: memref<80xi32, #tpu.memory_space<vmem>>, %arg15: memref<80xi32, #tpu.memory_space<vmem>>, %arg16: memref<80xi32, #tpu.memory_space<vmem>>, %arg17: memref<80xi32, #tpu.memory_space<vmem>>, %arg18: memref<80xi32, #tpu.memory_space<vmem>>, %arg19: memref<80xi32, #tpu.memory_space<vmem>>, %arg20: memref<80xi32, #tpu.memory_space<vmem>>, %arg21: memref<80xi32, #tpu.memory_space<vmem>>, %arg22: memref<80xi32, #tpu.memory_space<vmem>>, %arg23: memref<80xi32, #tpu.memory_space<vmem>>, %arg24: memref<80x128xf32, #tpu.memory_space<vmem>>, %arg25: memref<80x128xf32, #tpu.memory_space<vmem>>, %arg26: memref<80x128xf32, #tpu.memory_space<vmem>>, %arg27: memref<80x128xf32, #tpu.memory_space<vmem>>, %arg28: memref<!tpu.dma_semaphore, #tpu.memory_space<semaphore_mem>>, %arg29: memref<!tpu.dma_semaphore, #tpu.memory_space<semaphore_mem>>, %arg30: memref<!tpu.dma_semaphore, #tpu.memory_space<semaphore_mem>>, %arg31: memref<!tpu.dma_semaphore, #tpu.memory_space<semaphore_mem>>, %arg32: memref<!tpu.dma_semaphore, #tpu.memory_space<semaphore_mem>>, %arg33: memref<!tpu.dma_semaphore, #tpu.memory_space<semaphore_mem>>, %arg34: memref<!tpu.dma_semaphore, #tpu.memory_space<semaphore_mem>>, %arg35: memref<!tpu.dma_semaphore, #tpu.memory_space<semaphore_mem>>, %arg36: memref<!tpu.dma_semaphore, #tpu.memory_space<semaphore_mem>>, %arg37: memref<!tpu.dma_semaphore, #tpu.memory_space<semaphore_mem>>, %arg38: memref<!tpu.dma_semaphore, #tpu.memory_space<semaphore_mem>>, %arg39: memref<!tpu.dma_semaphore, #tpu.memory_space<semaphore_mem>>, %arg40: memref<!tpu.dma_semaphore, #tpu.memory_space<semaphore_mem>>, %arg41: memref<!tpu.dma_semaphore, #tpu.memory_space<semaphore_mem>>, %arg42: memref<!tpu.dma_semaphore, #tpu.memory_space<semaphore_mem>>, %arg43: memref<!tpu.dma_semaphore, #tpu.memory_space<semaphore_mem>>) attributes {dimension_semantics = [#tpu.dimension_semantics<core_parallel>, #tpu.dimension_semantics<subcore_parallel>], iteration_bounds = array<i64: 2, 16>, scalar_prefetch = 0 : i64, scratch_operands = 38 : i64, tpu.core_type = #tpu.core_type<sc_vector_subcore>, window_params = [{transform_indices = #map}, {transform_indices = #map1}, {transform_indices = #map1}, {transform_indices = #map2}]} {
    %mul3A = arith.constant 16 : i32
    %mul3A_0 = arith.muli %arg0, %mul3A : i32
    %add3A = arith.addi %mul3A_0, %arg1 : i32
    %mul3A_1 = arith.constant 10000 : i32
    %mul3A_2 = arith.muli %add3A, %mul3A_1 : i32
    %broadcast_in_dim3A = arith.constant 0.000000e+00 : f32
    %broadcast_in_dim3A_3 = vector.broadcast %broadcast_in_dim3A : f32 to vector<16xf32>
    %add3A_4 = arith.constant 0 : i32
    %add3A_5 = arith.addi %mul3A_2, %add3A_4 : i32
    %dma_start3A = tpu.memref_slice %arg3[%add3A_5] : memref<320000xi32, #tpu.memory_space<hbm>> -> memref<80xi32, #tpu.memory_space<hbm>>
    %dma_start3A_6 = tpu.memref_slice %arg3[%add3A_5] : memref<320000xi32, #tpu.memory_space<hbm>> -> memref<80xi32, #tpu.memory_space<hbm>>
    tpu.enqueue_dma source(%dma_start3A_6 : memref<80xi32, #tpu.memory_space<hbm>>) target(%arg8 : memref<80xi32, #tpu.memory_space<vmem>>) target_semaphore(%arg28 : memref<!tpu.dma_semaphore, #tpu.memory_space<semaphore_mem>>)
    %dma_start3A_7 = tpu.memref_slice %arg4[%add3A_5] : memref<320000xi32, #tpu.memory_space<hbm>> -> memref<80xi32, #tpu.memory_space<hbm>>
    %dma_start3A_8 = tpu.memref_slice %arg4[%add3A_5] : memref<320000xi32, #tpu.memory_space<hbm>> -> memref<80xi32, #tpu.memory_space<hbm>>
    tpu.enqueue_dma source(%dma_start3A_8 : memref<80xi32, #tpu.memory_space<hbm>>) target(%arg16 : memref<80xi32, #tpu.memory_space<vmem>>) target_semaphore(%arg28 : memref<!tpu.dma_semaphore, #tpu.memory_space<semaphore_mem>>)
    %add3A_9 = arith.constant 80 : i32
    %add3A_10 = arith.addi %mul3A_2, %add3A_9 : i32
    %dma_start3A_11 = tpu.memref_slice %arg3[%add3A_10] : memref<320000xi32, #tpu.memory_space<hbm>> -> memref<80xi32, #tpu.memory_space<hbm>>
    %dma_start3A_12 = tpu.memref_slice %arg3[%add3A_10] : memref<320000xi32, #tpu.memory_space<hbm>> -> memref<80xi32, #tpu.memory_space<hbm>>
    tpu.enqueue_dma source(%dma_start3A_12 : memref<80xi32, #tpu.memory_space<hbm>>) target(%arg9 : memref<80xi32, #tpu.memory_space<vmem>>) target_semaphore(%arg29 : memref<!tpu.dma_semaphore, #tpu.memory_space<semaphore_mem>>)
    %dma_start3A_13 = tpu.memref_slice %arg4[%add3A_10] : memref<320000xi32, #tpu.memory_space<hbm>> -> memref<80xi32, #tpu.memory_space<hbm>>
    %dma_start3A_14 = tpu.memref_slice %arg4[%add3A_10] : memref<320000xi32, #tpu.memory_space<hbm>> -> memref<80xi32, #tpu.memory_space<hbm>>
    tpu.enqueue_dma source(%dma_start3A_14 : memref<80xi32, #tpu.memory_space<hbm>>) target(%arg17 : memref<80xi32, #tpu.memory_space<vmem>>) target_semaphore(%arg29 : memref<!tpu.dma_semaphore, #tpu.memory_space<semaphore_mem>>)
    %add3A_15 = arith.constant 160 : i32
    %add3A_16 = arith.addi %mul3A_2, %add3A_15 : i32
    %dma_start3A_17 = tpu.memref_slice %arg3[%add3A_16] : memref<320000xi32, #tpu.memory_space<hbm>> -> memref<80xi32, #tpu.memory_space<hbm>>
    %dma_start3A_18 = tpu.memref_slice %arg3[%add3A_16] : memref<320000xi32, #tpu.memory_space<hbm>> -> memref<80xi32, #tpu.memory_space<hbm>>
    tpu.enqueue_dma source(%dma_start3A_18 : memref<80xi32, #tpu.memory_space<hbm>>) target(%arg10 : memref<80xi32, #tpu.memory_space<vmem>>) target_semaphore(%arg30 : memref<!tpu.dma_semaphore, #tpu.memory_space<semaphore_mem>>)
    %dma_start3A_19 = tpu.memref_slice %arg4[%add3A_16] : memref<320000xi32, #tpu.memory_space<hbm>> -> memref<80xi32, #tpu.memory_space<hbm>>
    %dma_start3A_20 = tpu.memref_slice %arg4[%add3A_16] : memref<320000xi32, #tpu.memory_space<hbm>> -> memref<80xi32, #tpu.memory_space<hbm>>
    tpu.enqueue_dma source(%dma_start3A_20 : memref<80xi32, #tpu.memory_space<hbm>>) target(%arg18 : memref<80xi32, #tpu.memory_space<vmem>>) target_semaphore(%arg30 : memref<!tpu.dma_semaphore, #tpu.memory_space<semaphore_mem>>)
    %add3A_21 = arith.constant 240 : i32
    %add3A_22 = arith.addi %mul3A_2, %add3A_21 : i32
    %dma_start3A_23 = tpu.memref_slice %arg3[%add3A_22] : memref<320000xi32, #tpu.memory_space<hbm>> -> memref<80xi32, #tpu.memory_space<hbm>>
    %dma_start3A_24 = tpu.memref_slice %arg3[%add3A_22] : memref<320000xi32, #tpu.memory_space<hbm>> -> memref<80xi32, #tpu.memory_space<hbm>>
    tpu.enqueue_dma source(%dma_start3A_24 : memref<80xi32, #tpu.memory_space<hbm>>) target(%arg11 : memref<80xi32, #tpu.memory_space<vmem>>) target_semaphore(%arg31 : memref<!tpu.dma_semaphore, #tpu.memory_space<semaphore_mem>>)
    %dma_start3A_25 = tpu.memref_slice %arg4[%add3A_22] : memref<320000xi32, #tpu.memory_space<hbm>> -> memref<80xi32, #tpu.memory_space<hbm>>
    %dma_start3A_26 = tpu.memref_slice %arg4[%add3A_22] : memref<320000xi32, #tpu.memory_space<hbm>> -> memref<80xi32, #tpu.memory_space<hbm>>
    tpu.enqueue_dma source(%dma_start3A_26 : memref<80xi32, #tpu.memory_space<hbm>>) target(%arg19 : memref<80xi32, #tpu.memory_space<vmem>>) target_semaphore(%arg31 : memref<!tpu.dma_semaphore, #tpu.memory_space<semaphore_mem>>)
    %add3A_27 = arith.constant 320 : i32
    %add3A_28 = arith.addi %mul3A_2, %add3A_27 : i32
    %dma_start3A_29 = tpu.memref_slice %arg3[%add3A_28] : memref<320000xi32, #tpu.memory_space<hbm>> -> memref<80xi32, #tpu.memory_space<hbm>>
    %dma_start3A_30 = tpu.memref_slice %arg3[%add3A_28] : memref<320000xi32, #tpu.memory_space<hbm>> -> memref<80xi32, #tpu.memory_space<hbm>>
    tpu.enqueue_dma source(%dma_start3A_30 : memref<80xi32, #tpu.memory_space<hbm>>) target(%arg12 : memref<80xi32, #tpu.memory_space<vmem>>) target_semaphore(%arg32 : memref<!tpu.dma_semaphore, #tpu.memory_space<semaphore_mem>>)
    %dma_start3A_31 = tpu.memref_slice %arg4[%add3A_28] : memref<320000xi32, #tpu.memory_space<hbm>> -> memref<80xi32, #tpu.memory_space<hbm>>
    %dma_start3A_32 = tpu.memref_slice %arg4[%add3A_28] : memref<320000xi32, #tpu.memory_space<hbm>> -> memref<80xi32, #tpu.memory_space<hbm>>
    tpu.enqueue_dma source(%dma_start3A_32 : memref<80xi32, #tpu.memory_space<hbm>>) target(%arg20 : memref<80xi32, #tpu.memory_space<vmem>>) target_semaphore(%arg32 : memref<!tpu.dma_semaphore, #tpu.memory_space<semaphore_mem>>)
    %add3A_33 = arith.constant 400 : i32
    %add3A_34 = arith.addi %mul3A_2, %add3A_33 : i32
    %dma_start3A_35 = tpu.memref_slice %arg3[%add3A_34] : memref<320000xi32, #tpu.memory_space<hbm>> -> memref<80xi32, #tpu.memory_space<hbm>>
    %dma_start3A_36 = tpu.memref_slice %arg3[%add3A_34] : memref<320000xi32, #tpu.memory_space<hbm>> -> memref<80xi32, #tpu.memory_space<hbm>>
    tpu.enqueue_dma source(%dma_start3A_36 : memref<80xi32, #tpu.memory_space<hbm>>) target(%arg13 : memref<80xi32, #tpu.memory_space<vmem>>) target_semaphore(%arg33 : memref<!tpu.dma_semaphore, #tpu.memory_space<semaphore_mem>>)
    %dma_start3A_37 = tpu.memref_slice %arg4[%add3A_34] : memref<320000xi32, #tpu.memory_space<hbm>> -> memref<80xi32, #tpu.memory_space<hbm>>
    %dma_start3A_38 = tpu.memref_slice %arg4[%add3A_34] : memref<320000xi32, #tpu.memory_space<hbm>> -> memref<80xi32, #tpu.memory_space<hbm>>
    tpu.enqueue_dma source(%dma_start3A_38 : memref<80xi32, #tpu.memory_space<hbm>>) target(%arg21 : memref<80xi32, #tpu.memory_space<vmem>>) target_semaphore(%arg33 : memref<!tpu.dma_semaphore, #tpu.memory_space<semaphore_mem>>)
    %add3A_39 = arith.constant 480 : i32
    %add3A_40 = arith.addi %mul3A_2, %add3A_39 : i32
    %dma_start3A_41 = tpu.memref_slice %arg3[%add3A_40] : memref<320000xi32, #tpu.memory_space<hbm>> -> memref<80xi32, #tpu.memory_space<hbm>>
    %dma_start3A_42 = tpu.memref_slice %arg3[%add3A_40] : memref<320000xi32, #tpu.memory_space<hbm>> -> memref<80xi32, #tpu.memory_space<hbm>>
    tpu.enqueue_dma source(%dma_start3A_42 : memref<80xi32, #tpu.memory_space<hbm>>) target(%arg14 : memref<80xi32, #tpu.memory_space<vmem>>) target_semaphore(%arg34 : memref<!tpu.dma_semaphore, #tpu.memory_space<semaphore_mem>>)
    %dma_start3A_43 = tpu.memref_slice %arg4[%add3A_40] : memref<320000xi32, #tpu.memory_space<hbm>> -> memref<80xi32, #tpu.memory_space<hbm>>
    %dma_start3A_44 = tpu.memref_slice %arg4[%add3A_40] : memref<320000xi32, #tpu.memory_space<hbm>> -> memref<80xi32, #tpu.memory_space<hbm>>
    tpu.enqueue_dma source(%dma_start3A_44 : memref<80xi32, #tpu.memory_space<hbm>>) target(%arg22 : memref<80xi32, #tpu.memory_space<vmem>>) target_semaphore(%arg34 : memref<!tpu.dma_semaphore, #tpu.memory_space<semaphore_mem>>)
    %add3A_45 = arith.constant 560 : i32
    %add3A_46 = arith.addi %mul3A_2, %add3A_45 : i32
    %dma_start3A_47 = tpu.memref_slice %arg3[%add3A_46] : memref<320000xi32, #tpu.memory_space<hbm>> -> memref<80xi32, #tpu.memory_space<hbm>>
    %dma_start3A_48 = tpu.memref_slice %arg3[%add3A_46] : memref<320000xi32, #tpu.memory_space<hbm>> -> memref<80xi32, #tpu.memory_space<hbm>>
    tpu.enqueue_dma source(%dma_start3A_48 : memref<80xi32, #tpu.memory_space<hbm>>) target(%arg15 : memref<80xi32, #tpu.memory_space<vmem>>) target_semaphore(%arg35 : memref<!tpu.dma_semaphore, #tpu.memory_space<semaphore_mem>>)
    %dma_start3A_49 = tpu.memref_slice %arg4[%add3A_46] : memref<320000xi32, #tpu.memory_space<hbm>> -> memref<80xi32, #tpu.memory_space<hbm>>
    %dma_start3A_50 = tpu.memref_slice %arg4[%add3A_46] : memref<320000xi32, #tpu.memory_space<hbm>> -> memref<80xi32, #tpu.memory_space<hbm>>
    tpu.enqueue_dma source(%dma_start3A_50 : memref<80xi32, #tpu.memory_space<hbm>>) target(%arg23 : memref<80xi32, #tpu.memory_space<vmem>>) target_semaphore(%arg35 : memref<!tpu.dma_semaphore, #tpu.memory_space<semaphore_mem>>)
    %scan3A = arith.constant 0 : i32
    %scan3A_51 = arith.constant 16 : i32
    %scan3A_52 = arith.addi %scan3A, %scan3A_51 : i32
    %scan3A_53 = arith.constant 1 : i32
    scf.for %scan3A_359 = %scan3A to %scan3A_52 step %scan3A_53  : i32 {
      %mul3A_360 = arith.constant 1 : i32
      %mul3A_361 = arith.muli %scan3A_359, %mul3A_360 : i32
      %add3A_362 = arith.constant 0 : i32
      %add3A_363 = arith.addi %add3A_362, %mul3A_361 : i32
      %swap3A = arith.index_cast %add3A_363 : i32 to index
      %swap3A_364 = arith.constant 0 : index
      %swap3A_365 = tpu.vector_load %arg7[%swap3A, %swap3A_364] {strides = array<i32>} : memref<16x128xf32, #tpu.memory_space<vmem>>, vector<1x16xf32>,
      %swap3A_366 = vector.shape_cast %swap3A_365 : vector<1x16xf32> to vector<16xf32>
      %swap3A_367 = vector.shape_cast %broadcast_in_dim3A_3 : vector<16xf32> to vector<1x16xf32>
      tpu.vector_store %arg7[%swap3A, %swap3A_364], %swap3A_367 {strides = array<i32>} : memref<16x128xf32, #tpu.memory_space<vmem>>, vector<1x16xf32>,
      %swap3A_368 = arith.index_cast %add3A_363 : i32 to index
      %swap3A_369 = arith.constant 16 : index
      %swap3A_370 = tpu.vector_load %arg7[%swap3A_368, %swap3A_369] {strides = array<i32>} : memref<16x128xf32, #tpu.memory_space<vmem>>, vector<1x16xf32>,
      %swap3A_371 = vector.shape_cast %swap3A_370 : vector<1x16xf32> to vector<16xf32>
      %swap3A_372 = vector.shape_cast %broadcast_in_dim3A_3 : vector<16xf32> to vector<1x16xf32>
      tpu.vector_store %arg7[%swap3A_368, %swap3A_369], %swap3A_372 {strides = array<i32>} : memref<16x128xf32, #tpu.memory_space<vmem>>, vector<1x16xf32>,
      %swap3A_373 = arith.index_cast %add3A_363 : i32 to index
      %swap3A_374 = arith.constant 32 : index
      %swap3A_375 = tpu.vector_load %arg7[%swap3A_373, %swap3A_374] {strides = array<i32>} : memref<16x128xf32, #tpu.memory_space<vmem>>, vector<1x16xf32>,
      %swap3A_376 = vector.shape_cast %swap3A_375 : vector<1x16xf32> to vector<16xf32>
      %swap3A_377 = vector.shape_cast %broadcast_in_dim3A_3 : vector<16xf32> to vector<1x16xf32>
      tpu.vector_store %arg7[%swap3A_373, %swap3A_374], %swap3A_377 {strides = array<i32>} : memref<16x128xf32, #tpu.memory_space<vmem>>, vector<1x16xf32>,
      %swap3A_378 = arith.index_cast %add3A_363 : i32 to index
      %swap3A_379 = arith.constant 48 : index
      %swap3A_380 = tpu.vector_load %arg7[%swap3A_378, %swap3A_379] {strides = array<i32>} : memref<16x128xf32, #tpu.memory_space<vmem>>, vector<1x16xf32>,
      %swap3A_381 = vector.shape_cast %swap3A_380 : vector<1x16xf32> to vector<16xf32>
      %swap3A_382 = vector.shape_cast %broadcast_in_dim3A_3 : vector<16xf32> to vector<1x16xf32>
      tpu.vector_store %arg7[%swap3A_378, %swap3A_379], %swap3A_382 {strides = array<i32>} : memref<16x128xf32, #tpu.memory_space<vmem>>, vector<1x16xf32>,
      %swap3A_383 = arith.index_cast %add3A_363 : i32 to index
      %swap3A_384 = arith.constant 64 : index
      %swap3A_385 = tpu.vector_load %arg7[%swap3A_383, %swap3A_384] {strides = array<i32>} : memref<16x128xf32, #tpu.memory_space<vmem>>, vector<1x16xf32>,
      %swap3A_386 = vector.shape_cast %swap3A_385 : vector<1x16xf32> to vector<16xf32>
      %swap3A_387 = vector.shape_cast %broadcast_in_dim3A_3 : vector<16xf32> to vector<1x16xf32>
      tpu.vector_store %arg7[%swap3A_383, %swap3A_384], %swap3A_387 {strides = array<i32>} : memref<16x128xf32, #tpu.memory_space<vmem>>, vector<1x16xf32>,
      %swap3A_388 = arith.index_cast %add3A_363 : i32 to index
      %swap3A_389 = arith.constant 80 : index
      %swap3A_390 = tpu.vector_load %arg7[%swap3A_388, %swap3A_389] {strides = array<i32>} : memref<16x128xf32, #tpu.memory_space<vmem>>, vector<1x16xf32>,
      %swap3A_391 = vector.shape_cast %swap3A_390 : vector<1x16xf32> to vector<16xf32>
      %swap3A_392 = vector.shape_cast %broadcast_in_dim3A_3 : vector<16xf32> to vector<1x16xf32>
      tpu.vector_store %arg7[%swap3A_388, %swap3A_389], %swap3A_392 {strides = array<i32>} : memref<16x128xf32, #tpu.memory_space<vmem>>, vector<1x16xf32>,
      %swap3A_393 = arith.index_cast %add3A_363 : i32 to index
      %swap3A_394 = arith.constant 96 : index
      %swap3A_395 = tpu.vector_load %arg7[%swap3A_393, %swap3A_394] {strides = array<i32>} : memref<16x128xf32, #tpu.memory_space<vmem>>, vector<1x16xf32>,
      %swap3A_396 = vector.shape_cast %swap3A_395 : vector<1x16xf32> to vector<16xf32>
      %swap3A_397 = vector.shape_cast %broadcast_in_dim3A_3 : vector<16xf32> to vector<1x16xf32>
      tpu.vector_store %arg7[%swap3A_393, %swap3A_394], %swap3A_397 {strides = array<i32>} : memref<16x128xf32, #tpu.memory_space<vmem>>, vector<1x16xf32>,
      %swap3A_398 = arith.index_cast %add3A_363 : i32 to index
      %swap3A_399 = arith.constant 112 : index
      %swap3A_400 = tpu.vector_load %arg7[%swap3A_398, %swap3A_399] {strides = array<i32>} : memref<16x128xf32, #tpu.memory_space<vmem>>, vector<1x16xf32>,
      %swap3A_401 = vector.shape_cast %swap3A_400 : vector<1x16xf32> to vector<16xf32>
      %swap3A_402 = vector.shape_cast %broadcast_in_dim3A_3 : vector<16xf32> to vector<1x16xf32>
      tpu.vector_store %arg7[%swap3A_398, %swap3A_399], %swap3A_402 {strides = array<i32>} : memref<16x128xf32, #tpu.memory_space<vmem>>, vector<1x16xf32>,
    }
    %scan3A_54 = arith.constant 16 : i32
    %scan3A_55 = arith.constant 0 : i32
    %scan3A_56 = arith.constant 40 : i32
    %scan3A_57 = arith.addi %scan3A_55, %scan3A_56 : i32
    %scan3A_58 = arith.constant 1 : i32
    scf.for %scan3A_359 = %scan3A_55 to %scan3A_57 step %scan3A_58  : i32 {
      %mul3A_360 = arith.constant 1 : i32
      %mul3A_361 = arith.muli %scan3A_359, %mul3A_360 : i32
      %add3A_362 = arith.constant 0 : i32
      %add3A_363 = arith.addi %add3A_362, %mul3A_361 : i32
      %mul3A_364 = arith.constant 640 : i32
      %mul3A_365 = arith.muli %arg1, %mul3A_364 : i32
      %mul3A_366 = arith.constant 16 : i32
      %mul3A_367 = arith.muli %add3A_363, %mul3A_366 : i32
      %add3A_368 = arith.addi %mul3A_365, %mul3A_367 : i32
      "tpu.region"() ({
        %run_scoped3A = tpu.sem_alloc : memref<!tpu.dma_semaphore, #tpu.memory_space<semaphore_mem>>
        %dma_start3A_369 = arith.constant 0 : i32
        %dma_start3A_370 = tpu.memref_slice %arg6[%add3A_368, %dma_start3A_369] : memref<10240x128xf32, #tpu.memory_space<vmem_shared>> -> memref<16x128xf32, #tpu.memory_space<vmem_shared>>
        %dma_start3A_371 = arith.constant 0 : i32
        %dma_start3A_372 = tpu.memref_slice %arg6[%add3A_368, %dma_start3A_371] : memref<10240x128xf32, #tpu.memory_space<vmem_shared>> -> memref<16x128xf32, #tpu.memory_space<vmem_shared>>
        tpu.enqueue_dma source(%arg7 : memref<16x128xf32, #tpu.memory_space<vmem>>) target(%dma_start3A_372 : memref<16x128xf32, #tpu.memory_space<vmem_shared>>) target_semaphore(%run_scoped3A : memref<!tpu.dma_semaphore, #tpu.memory_space<semaphore_mem>>)
        %dma_wait3A_373 = arith.constant 0 : i32
        %dma_wait3A_374 = tpu.memref_slice %arg6[%add3A_368, %dma_wait3A_373] : memref<10240x128xf32, #tpu.memory_space<vmem_shared>> -> memref<16x128xf32, #tpu.memory_space<vmem_shared>>
        %dma_wait3A_375 = arith.constant 0 : i32
        %dma_wait3A_376 = tpu.memref_slice %arg6[%add3A_368, %dma_wait3A_375] : memref<10240x128xf32, #tpu.memory_space<vmem_shared>> -> memref<16x128xf32, #tpu.memory_space<vmem_shared>>
        tpu.wait_dma2 semaphore(%run_scoped3A : memref<!tpu.dma_semaphore, #tpu.memory_space<semaphore_mem>>) src(%arg7 : memref<16x128xf32, #tpu.memory_space<vmem>>) dst(%dma_wait3A_376 : memref<16x128xf32, #tpu.memory_space<vmem_shared>>)
        tpu.yield
      }) : () -> ()
    }
    %scan3A_59 = arith.constant 40 : i32
    %dma_wait3A = arith.constant 0 : i32
    %dma_wait3A_60 = tpu.memref_slice %arg3[%dma_wait3A] : memref<320000xi32, #tpu.memory_space<hbm>> -> memref<80xi32, #tpu.memory_space<hbm>>
    %dma_wait3A_61 = arith.constant 0 : i32
    %dma_wait3A_62 = tpu.memref_slice %arg3[%dma_wait3A_61] : memref<320000xi32, #tpu.memory_space<hbm>> -> memref<80xi32, #tpu.memory_space<hbm>>
    tpu.wait_dma2 semaphore(%arg28 : memref<!tpu.dma_semaphore, #tpu.memory_space<semaphore_mem>>) src(%dma_wait3A_62 : memref<80xi32, #tpu.memory_space<hbm>>) dst(%arg8 : memref<80xi32, #tpu.memory_space<vmem>>)
    %dma_wait3A_63 = arith.constant 0 : i32
    %dma_wait3A_64 = tpu.memref_slice %arg4[%dma_wait3A_63] : memref<320000xi32, #tpu.memory_space<hbm>> -> memref<80xi32, #tpu.memory_space<hbm>>
    %dma_wait3A_65 = arith.constant 0 : i32
    %dma_wait3A_66 = tpu.memref_slice %arg4[%dma_wait3A_65] : memref<320000xi32, #tpu.memory_space<hbm>> -> memref<80xi32, #tpu.memory_space<hbm>>
    tpu.wait_dma2 semaphore(%arg28 : memref<!tpu.dma_semaphore, #tpu.memory_space<semaphore_mem>>) src(%dma_wait3A_66 : memref<80xi32, #tpu.memory_space<hbm>>) dst(%arg16 : memref<80xi32, #tpu.memory_space<vmem>>)
    %dma_start3A_67 = arith.constant 0 : i32
    %dma_start3A_68 = arith.constant 0 : i32
    %dma_start3A_69 = tpu.memref_slice %arg2[%dma_start3A_67, %dma_start3A_68] : memref<10000x128xf32, #tpu.memory_space<hbm>> -> memref<10000x128xf32, #tpu.memory_space<hbm>>
    tpu.enqueue_indirect_dma source(%dma_start3A_69 : memref<10000x128xf32, #tpu.memory_space<hbm>>) target(%arg24 : memref<80x128xf32, #tpu.memory_space<vmem>>) offsets(%arg8 : memref<80xi32, #tpu.memory_space<vmem>>) semaphore(%arg36 : memref<!tpu.dma_semaphore, #tpu.memory_space<semaphore_mem>>)
    %dma_wait3A_70 = arith.constant 0 : i32
    %dma_wait3A_71 = tpu.memref_slice %arg3[%dma_wait3A_70] : memref<320000xi32, #tpu.memory_space<hbm>> -> memref<80xi32, #tpu.memory_space<hbm>>
    %dma_wait3A_72 = arith.constant 0 : i32
    %dma_wait3A_73 = tpu.memref_slice %arg3[%dma_wait3A_72] : memref<320000xi32, #tpu.memory_space<hbm>> -> memref<80xi32, #tpu.memory_space<hbm>>
    tpu.wait_dma2 semaphore(%arg29 : memref<!tpu.dma_semaphore, #tpu.memory_space<semaphore_mem>>) src(%dma_wait3A_73 : memref<80xi32, #tpu.memory_space<hbm>>) dst(%arg9 : memref<80xi32, #tpu.memory_space<vmem>>)
    %dma_wait3A_74 = arith.constant 0 : i32
    %dma_wait3A_75 = tpu.memref_slice %arg4[%dma_wait3A_74] : memref<320000xi32, #tpu.memory_space<hbm>> -> memref<80xi32, #tpu.memory_space<hbm>>
    %dma_wait3A_76 = arith.constant 0 : i32
    %dma_wait3A_77 = tpu.memref_slice %arg4[%dma_wait3A_76] : memref<320000xi32, #tpu.memory_space<hbm>> -> memref<80xi32, #tpu.memory_space<hbm>>
    tpu.wait_dma2 semaphore(%arg29 : memref<!tpu.dma_semaphore, #tpu.memory_space<semaphore_mem>>) src(%dma_wait3A_77 : memref<80xi32, #tpu.memory_space<hbm>>) dst(%arg17 : memref<80xi32, #tpu.memory_space<vmem>>)
    %dma_start3A_78 = arith.constant 0 : i32
    %dma_start3A_79 = arith.constant 0 : i32
    %dma_start3A_80 = tpu.memref_slice %arg2[%dma_start3A_78, %dma_start3A_79] : memref<10000x128xf32, #tpu.memory_space<hbm>> -> memref<10000x128xf32, #tpu.memory_space<hbm>>
    tpu.enqueue_indirect_dma source(%dma_start3A_80 : memref<10000x128xf32, #tpu.memory_space<hbm>>) target(%arg25 : memref<80x128xf32, #tpu.memory_space<vmem>>) offsets(%arg9 : memref<80xi32, #tpu.memory_space<vmem>>) semaphore(%arg37 : memref<!tpu.dma_semaphore, #tpu.memory_space<semaphore_mem>>)
    %dma_wait3A_81 = arith.constant 0 : i32
    %dma_wait3A_82 = tpu.memref_slice %arg3[%dma_wait3A_81] : memref<320000xi32, #tpu.memory_space<hbm>> -> memref<80xi32, #tpu.memory_space<hbm>>
    %dma_wait3A_83 = arith.constant 0 : i32
    %dma_wait3A_84 = tpu.memref_slice %arg3[%dma_wait3A_83] : memref<320000xi32, #tpu.memory_space<hbm>> -> memref<80xi32, #tpu.memory_space<hbm>>
    tpu.wait_dma2 semaphore(%arg30 : memref<!tpu.dma_semaphore, #tpu.memory_space<semaphore_mem>>) src(%dma_wait3A_84 : memref<80xi32, #tpu.memory_space<hbm>>) dst(%arg10 : memref<80xi32, #tpu.memory_space<vmem>>)
    %dma_wait3A_85 = arith.constant 0 : i32
    %dma_wait3A_86 = tpu.memref_slice %arg4[%dma_wait3A_85] : memref<320000xi32, #tpu.memory_space<hbm>> -> memref<80xi32, #tpu.memory_space<hbm>>
    %dma_wait3A_87 = arith.constant 0 : i32
    %dma_wait3A_88 = tpu.memref_slice %arg4[%dma_wait3A_87] : memref<320000xi32, #tpu.memory_space<hbm>> -> memref<80xi32, #tpu.memory_space<hbm>>
    tpu.wait_dma2 semaphore(%arg30 : memref<!tpu.dma_semaphore, #tpu.memory_space<semaphore_mem>>) src(%dma_wait3A_88 : memref<80xi32, #tpu.memory_space<hbm>>) dst(%arg18 : memref<80xi32, #tpu.memory_space<vmem>>)
    %dma_start3A_89 = arith.constant 0 : i32
    %dma_start3A_90 = arith.constant 0 : i32
    %dma_start3A_91 = tpu.memref_slice %arg2[%dma_start3A_89, %dma_start3A_90] : memref<10000x128xf32, #tpu.memory_space<hbm>> -> memref<10000x128xf32, #tpu.memory_space<hbm>>
    tpu.enqueue_indirect_dma source(%dma_start3A_91 : memref<10000x128xf32, #tpu.memory_space<hbm>>) target(%arg26 : memref<80x128xf32, #tpu.memory_space<vmem>>) offsets(%arg10 : memref<80xi32, #tpu.memory_space<vmem>>) semaphore(%arg38 : memref<!tpu.dma_semaphore, #tpu.memory_space<semaphore_mem>>)
    %dma_wait3A_92 = arith.constant 0 : i32
    %dma_wait3A_93 = tpu.memref_slice %arg3[%dma_wait3A_92] : memref<320000xi32, #tpu.memory_space<hbm>> -> memref<80xi32, #tpu.memory_space<hbm>>
    %dma_wait3A_94 = arith.constant 0 : i32
    %dma_wait3A_95 = tpu.memref_slice %arg3[%dma_wait3A_94] : memref<320000xi32, #tpu.memory_space<hbm>> -> memref<80xi32, #tpu.memory_space<hbm>>
    tpu.wait_dma2 semaphore(%arg31 : memref<!tpu.dma_semaphore, #tpu.memory_space<semaphore_mem>>) src(%dma_wait3A_95 : memref<80xi32, #tpu.memory_space<hbm>>) dst(%arg11 : memref<80xi32, #tpu.memory_space<vmem>>)
    %dma_wait3A_96 = arith.constant 0 : i32
    %dma_wait3A_97 = tpu.memref_slice %arg4[%dma_wait3A_96] : memref<320000xi32, #tpu.memory_space<hbm>> -> memref<80xi32, #tpu.memory_space<hbm>>
    %dma_wait3A_98 = arith.constant 0 : i32
    %dma_wait3A_99 = tpu.memref_slice %arg4[%dma_wait3A_98] : memref<320000xi32, #tpu.memory_space<hbm>> -> memref<80xi32, #tpu.memory_space<hbm>>
    tpu.wait_dma2 semaphore(%arg31 : memref<!tpu.dma_semaphore, #tpu.memory_space<semaphore_mem>>) src(%dma_wait3A_99 : memref<80xi32, #tpu.memory_space<hbm>>) dst(%arg19 : memref<80xi32, #tpu.memory_space<vmem>>)
    %dma_start3A_100 = arith.constant 0 : i32
    %dma_start3A_101 = arith.constant 0 : i32
    %dma_start3A_102 = tpu.memref_slice %arg2[%dma_start3A_100, %dma_start3A_101] : memref<10000x128xf32, #tpu.memory_space<hbm>> -> memref<10000x128xf32, #tpu.memory_space<hbm>>
    tpu.enqueue_indirect_dma source(%dma_start3A_102 : memref<10000x128xf32, #tpu.memory_space<hbm>>) target(%arg27 : memref<80x128xf32, #tpu.memory_space<vmem>>) offsets(%arg11 : memref<80xi32, #tpu.memory_space<vmem>>) semaphore(%arg39 : memref<!tpu.dma_semaphore, #tpu.memory_space<semaphore_mem>>)
    %barrier3A = arith.constant 0 : index
    tpu.barrier barrier_id(%barrier3A)
    %scan3A_103 = arith.constant 0 : i32
    %scan3A_104 = arith.constant 14 : i32
    %scan3A_105 = arith.addi %scan3A_103, %scan3A_104 : i32
    %scan3A_106 = arith.constant 1 : i32
    scf.for %scan3A_359 = %scan3A_103 to %scan3A_105 step %scan3A_106  : i32 {
      %mul3A_360 = arith.constant 1 : i32
      %mul3A_361 = arith.muli %scan3A_359, %mul3A_360 : i32
      %add3A_362 = arith.constant 0 : i32
      %add3A_363 = arith.addi %add3A_362, %mul3A_361 : i32
      %mul3A_364 = arith.constant 8 : i32
      %mul3A_365 = arith.muli %mul3A_364, %add3A_363 : i32
      %add3A_366 = arith.constant 4 : i32
      %add3A_367 = arith.addi %mul3A_365, %add3A_366 : i32
      %add3A_368 = arith.constant 8 : i32
      %add3A_369 = arith.addi %mul3A_365, %add3A_368 : i32
      %dma_wait3A_370 = arith.constant 0 : i32
      %dma_wait3A_371 = arith.constant 0 : i32
      %dma_wait3A_372 = tpu.memref_slice %arg2[%dma_wait3A_370, %dma_wait3A_371] : memref<10000x128xf32, #tpu.memory_space<hbm>> -> memref<10000x128xf32, #tpu.memory_space<hbm>>
      tpu.wait_indirect_dma semaphore(%arg36 : memref<!tpu.dma_semaphore, #tpu.memory_space<semaphore_mem>>) src(%dma_wait3A_372 : memref<10000x128xf32, #tpu.memory_space<hbm>>) dst(%arg24 : memref<80x128xf32, #tpu.memory_space<vmem>>)
      %dma_start3A_373 = arith.constant 0 : i32
      %dma_start3A_374 = arith.constant 0 : i32
      %dma_start3A_375 = tpu.memref_slice %arg6[%dma_start3A_373, %dma_start3A_374] : memref<10240x128xf32, #tpu.memory_space<vmem_shared>> -> memref<10240x128xf32, #tpu.memory_space<vmem_shared>>
      tpu.enqueue_indirect_dma source(%arg24 : memref<80x128xf32, #tpu.memory_space<vmem>>) target(%dma_start3A_375 : memref<10240x128xf32, #tpu.memory_space<vmem_shared>>) offsets(%arg16 : memref<80xi32, #tpu.memory_space<vmem>>) semaphore(%arg40 : memref<!tpu.dma_semaphore, #tpu.memory_space<semaphore_mem>>) {add = true}
      %dma_wait3A_376 = arith.constant 0 : i32
      %dma_wait3A_377 = arith.constant 0 : i32
      %dma_wait3A_378 = tpu.memref_slice %arg2[%dma_wait3A_376, %dma_wait3A_377] : memref<10000x128xf32, #tpu.memory_space<hbm>> -> memref<10000x128xf32, #tpu.memory_space<hbm>>
      tpu.wait_indirect_dma semaphore(%arg37 : memref<!tpu.dma_semaphore, #tpu.memory_space<semaphore_mem>>) src(%dma_wait3A_378 : memref<10000x128xf32, #tpu.memory_space<hbm>>) dst(%arg25 : memref<80x128xf32, #tpu.memory_space<vmem>>)
      %dma_start3A_379 = arith.constant 0 : i32
      %dma_start3A_380 = arith.constant 0 : i32
      %dma_start3A_381 = tpu.memref_slice %arg6[%dma_start3A_379, %dma_start3A_380] : memref<10240x128xf32, #tpu.memory_space<vmem_shared>> -> memref<10240x128xf32, #tpu.memory_space<vmem_shared>>
      tpu.enqueue_indirect_dma source(%arg25 : memref<80x128xf32, #tpu.memory_space<vmem>>) target(%dma_start3A_381 : memref<10240x128xf32, #tpu.memory_space<vmem_shared>>) offsets(%arg17 : memref<80xi32, #tpu.memory_space<vmem>>) semaphore(%arg41 : memref<!tpu.dma_semaphore, #tpu.memory_space<semaphore_mem>>) {add = true}
      %dma_wait3A_382 = arith.constant 0 : i32
      %dma_wait3A_383 = arith.constant 0 : i32
      %dma_wait3A_384 = tpu.memref_slice %arg6[%dma_wait3A_382, %dma_wait3A_383] : memref<10240x128xf32, #tpu.memory_space<vmem_shared>> -> memref<10240x128xf32, #tpu.memory_space<vmem_shared>>
      tpu.wait_indirect_dma semaphore(%arg40 : memref<!tpu.dma_semaphore, #tpu.memory_space<semaphore_mem>>) src(%arg24 : memref<80x128xf32, #tpu.memory_space<vmem>>) dst(%dma_wait3A_384 : memref<10240x128xf32, #tpu.memory_space<vmem_shared>>)
      %dma_wait3A_385 = arith.constant 0 : i32
      %dma_wait3A_386 = tpu.memref_slice %arg3[%dma_wait3A_385] : memref<320000xi32, #tpu.memory_space<hbm>> -> memref<80xi32, #tpu.memory_space<hbm>>
      %dma_wait3A_387 = arith.constant 0 : i32
      %dma_wait3A_388 = tpu.memref_slice %arg3[%dma_wait3A_387] : memref<320000xi32, #tpu.memory_space<hbm>> -> memref<80xi32, #tpu.memory_space<hbm>>
      tpu.wait_dma2 semaphore(%arg32 : memref<!tpu.dma_semaphore, #tpu.memory_space<semaphore_mem>>) src(%dma_wait3A_388 : memref<80xi32, #tpu.memory_space<hbm>>) dst(%arg12 : memref<80xi32, #tpu.memory_space<vmem>>)
      %dma_wait3A_389 = arith.constant 0 : i32
      %dma_wait3A_390 = tpu.memref_slice %arg4[%dma_wait3A_389] : memref<320000xi32, #tpu.memory_space<hbm>> -> memref<80xi32, #tpu.memory_space<hbm>>
      %dma_wait3A_391 = arith.constant 0 : i32
      %dma_wait3A_392 = tpu.memref_slice %arg4[%dma_wait3A_391] : memref<320000xi32, #tpu.memory_space<hbm>> -> memref<80xi32, #tpu.memory_space<hbm>>
      tpu.wait_dma2 semaphore(%arg32 : memref<!tpu.dma_semaphore, #tpu.memory_space<semaphore_mem>>) src(%dma_wait3A_392 : memref<80xi32, #tpu.memory_space<hbm>>) dst(%arg20 : memref<80xi32, #tpu.memory_space<vmem>>)
      %dma_start3A_393 = arith.constant 0 : i32
      %dma_start3A_394 = arith.constant 0 : i32
      %dma_start3A_395 = tpu.memref_slice %arg2[%dma_start3A_393, %dma_start3A_394] : memref<10000x128xf32, #tpu.memory_space<hbm>> -> memref<10000x128xf32, #tpu.memory_space<hbm>>
      tpu.enqueue_indirect_dma source(%dma_start3A_395 : memref<10000x128xf32, #tpu.memory_space<hbm>>) target(%arg24 : memref<80x128xf32, #tpu.memory_space<vmem>>) offsets(%arg12 : memref<80xi32, #tpu.memory_space<vmem>>) semaphore(%arg36 : memref<!tpu.dma_semaphore, #tpu.memory_space<semaphore_mem>>)
      %dma_wait3A_396 = arith.constant 0 : i32
      %dma_wait3A_397 = arith.constant 0 : i32
      %dma_wait3A_398 = tpu.memref_slice %arg6[%dma_wait3A_396, %dma_wait3A_397] : memref<10240x128xf32, #tpu.memory_space<vmem_shared>> -> memref<10240x128xf32, #tpu.memory_space<vmem_shared>>
      tpu.wait_indirect_dma semaphore(%arg41 : memref<!tpu.dma_semaphore, #tpu.memory_space<semaphore_mem>>) src(%arg25 : memref<80x128xf32, #tpu.memory_space<vmem>>) dst(%dma_wait3A_398 : memref<10240x128xf32, #tpu.memory_space<vmem_shared>>)
      %dma_wait3A_399 = arith.constant 0 : i32
      %dma_wait3A_400 = tpu.memref_slice %arg3[%dma_wait3A_399] : memref<320000xi32, #tpu.memory_space<hbm>> -> memref<80xi32, #tpu.memory_space<hbm>>
      %dma_wait3A_401 = arith.constant 0 : i32
      %dma_wait3A_402 = tpu.memref_slice %arg3[%dma_wait3A_401] : memref<320000xi32, #tpu.memory_space<hbm>> -> memref<80xi32, #tpu.memory_space<hbm>>
      tpu.wait_dma2 semaphore(%arg33 : memref<!tpu.dma_semaphore, #tpu.memory_space<semaphore_mem>>) src(%dma_wait3A_402 : memref<80xi32, #tpu.memory_space<hbm>>) dst(%arg13 : memref<80xi32, #tpu.memory_space<vmem>>)
      %dma_wait3A_403 = arith.constant 0 : i32
      %dma_wait3A_404 = tpu.memref_slice %arg4[%dma_wait3A_403] : memref<320000xi32, #tpu.memory_space<hbm>> -> memref<80xi32, #tpu.memory_space<hbm>>
      %dma_wait3A_405 = arith.constant 0 : i32
      %dma_wait3A_406 = tpu.memref_slice %arg4[%dma_wait3A_405] : memref<320000xi32, #tpu.memory_space<hbm>> -> memref<80xi32, #tpu.memory_space<hbm>>
      tpu.wait_dma2 semaphore(%arg33 : memref<!tpu.dma_semaphore, #tpu.memory_space<semaphore_mem>>) src(%dma_wait3A_406 : memref<80xi32, #tpu.memory_space<hbm>>) dst(%arg21 : memref<80xi32, #tpu.memory_space<vmem>>)
      %dma_start3A_407 = arith.constant 0 : i32
      %dma_start3A_408 = arith.constant 0 : i32
      %dma_start3A_409 = tpu.memref_slice %arg2[%dma_start3A_407, %dma_start3A_408] : memref<10000x128xf32, #tpu.memory_space<hbm>> -> memref<10000x128xf32, #tpu.memory_space<hbm>>
      tpu.enqueue_indirect_dma source(%dma_start3A_409 : memref<10000x128xf32, #tpu.memory_space<hbm>>) target(%arg25 : memref<80x128xf32, #tpu.memory_space<vmem>>) offsets(%arg13 : memref<80xi32, #tpu.memory_space<vmem>>) semaphore(%arg37 : memref<!tpu.dma_semaphore, #tpu.memory_space<semaphore_mem>>)
      %add3A_410 = arith.constant 0 : i32
      %add3A_411 = arith.addi %add3A_369, %add3A_410 : i32
      %mul3A_412 = arith.constant 80 : i32
      %mul3A_413 = arith.muli %add3A_411, %mul3A_412 : i32
      %add3A_414 = arith.addi %mul3A_2, %mul3A_413 : i32
      %dma_start3A_415 = tpu.memref_slice %arg3[%add3A_414] : memref<320000xi32, #tpu.memory_space<hbm>> -> memref<80xi32, #tpu.memory_space<hbm>>
      %dma_start3A_416 = tpu.memref_slice %arg3[%add3A_414] : memref<320000xi32, #tpu.memory_space<hbm>> -> memref<80xi32, #tpu.memory_space<hbm>>
      tpu.enqueue_dma source(%dma_start3A_416 : memref<80xi32, #tpu.memory_space<hbm>>) target(%arg8 : memref<80xi32, #tpu.memory_space<vmem>>) target_semaphore(%arg28 : memref<!tpu.dma_semaphore, #tpu.memory_space<semaphore_mem>>)
      %dma_start3A_417 = tpu.memref_slice %arg4[%add3A_414] : memref<320000xi32, #tpu.memory_space<hbm>> -> memref<80xi32, #tpu.memory_space<hbm>>
      %dma_start3A_418 = tpu.memref_slice %arg4[%add3A_414] : memref<320000xi32, #tpu.memory_space<hbm>> -> memref<80xi32, #tpu.memory_space<hbm>>
      tpu.enqueue_dma source(%dma_start3A_418 : memref<80xi32, #tpu.memory_space<hbm>>) target(%arg16 : memref<80xi32, #tpu.memory_space<vmem>>) target_semaphore(%arg28 : memref<!tpu.dma_semaphore, #tpu.memory_space<semaphore_mem>>)
      %add3A_419 = arith.constant 1 : i32
      %add3A_420 = arith.addi %add3A_369, %add3A_419 : i32
      %mul3A_421 = arith.constant 80 : i32
      %mul3A_422 = arith.muli %add3A_420, %mul3A_421 : i32
      %add3A_423 = arith.addi %mul3A_2, %mul3A_422 : i32
      %dma_start3A_424 = tpu.memref_slice %arg3[%add3A_423] : memref<320000xi32, #tpu.memory_space<hbm>> -> memref<80xi32, #tpu.memory_space<hbm>>
      %dma_start3A_425 = tpu.memref_slice %arg3[%add3A_423] : memref<320000xi32, #tpu.memory_space<hbm>> -> memref<80xi32, #tpu.memory_space<hbm>>
      tpu.enqueue_dma source(%dma_start3A_425 : memref<80xi32, #tpu.memory_space<hbm>>) target(%arg9 : memref<80xi32, #tpu.memory_space<vmem>>) target_semaphore(%arg29 : memref<!tpu.dma_semaphore, #tpu.memory_space<semaphore_mem>>)
      %dma_start3A_426 = tpu.memref_slice %arg4[%add3A_423] : memref<320000xi32, #tpu.memory_space<hbm>> -> memref<80xi32, #tpu.memory_space<hbm>>
      %dma_start3A_427 = tpu.memref_slice %arg4[%add3A_423] : memref<320000xi32, #tpu.memory_space<hbm>> -> memref<80xi32, #tpu.memory_space<hbm>>
      tpu.enqueue_dma source(%dma_start3A_427 : memref<80xi32, #tpu.memory_space<hbm>>) target(%arg17 : memref<80xi32, #tpu.memory_space<vmem>>) target_semaphore(%arg29 : memref<!tpu.dma_semaphore, #tpu.memory_space<semaphore_mem>>)
      %add3A_428 = arith.constant 2 : i32
      %add3A_429 = arith.addi %mul3A_365, %add3A_428 : i32
      %add3A_430 = arith.constant 6 : i32
      %add3A_431 = arith.addi %mul3A_365, %add3A_430 : i32
      %add3A_432 = arith.constant 10 : i32
      %add3A_433 = arith.addi %mul3A_365, %add3A_432 : i32
      %dma_wait3A_434 = arith.constant 0 : i32
      %dma_wait3A_435 = arith.constant 0 : i32
      %dma_wait3A_436 = tpu.memref_slice %arg2[%dma_wait3A_434, %dma_wait3A_435] : memref<10000x128xf32, #tpu.memory_space<hbm>> -> memref<10000x128xf32, #tpu.memory_space<hbm>>
      tpu.wait_indirect_dma semaphore(%arg38 : memref<!tpu.dma_semaphore, #tpu.memory_space<semaphore_mem>>) src(%dma_wait3A_436 : memref<10000x128xf32, #tpu.memory_space<hbm>>) dst(%arg26 : memref<80x128xf32, #tpu.memory_space<vmem>>)
      %dma_start3A_437 = arith.constant 0 : i32
      %dma_start3A_438 = arith.constant 0 : i32
      %dma_start3A_439 = tpu.memref_slice %arg6[%dma_start3A_437, %dma_start3A_438] : memref<10240x128xf32, #tpu.memory_space<vmem_shared>> -> memref<10240x128xf32, #tpu.memory_space<vmem_shared>>
      tpu.enqueue_indirect_dma source(%arg26 : memref<80x128xf32, #tpu.memory_space<vmem>>) target(%dma_start3A_439 : memref<10240x128xf32, #tpu.memory_space<vmem_shared>>) offsets(%arg18 : memref<80xi32, #tpu.memory_space<vmem>>) semaphore(%arg42 : memref<!tpu.dma_semaphore, #tpu.memory_space<semaphore_mem>>) {add = true}
      %dma_wait3A_440 = arith.constant 0 : i32
      %dma_wait3A_441 = arith.constant 0 : i32
      %dma_wait3A_442 = tpu.memref_slice %arg2[%dma_wait3A_440, %dma_wait3A_441] : memref<10000x128xf32, #tpu.memory_space<hbm>> -> memref<10000x128xf32, #tpu.memory_space<hbm>>
      tpu.wait_indirect_dma semaphore(%arg39 : memref<!tpu.dma_semaphore, #tpu.memory_space<semaphore_mem>>) src(%dma_wait3A_442 : memref<10000x128xf32, #tpu.memory_space<hbm>>) dst(%arg27 : memref<80x128xf32, #tpu.memory_space<vmem>>)
      %dma_start3A_443 = arith.constant 0 : i32
      %dma_start3A_444 = arith.constant 0 : i32
      %dma_start3A_445 = tpu.memref_slice %arg6[%dma_start3A_443, %dma_start3A_444] : memref<10240x128xf32, #tpu.memory_space<vmem_shared>> -> memref<10240x128xf32, #tpu.memory_space<vmem_shared>>
      tpu.enqueue_indirect_dma source(%arg27 : memref<80x128xf32, #tpu.memory_space<vmem>>) target(%dma_start3A_445 : memref<10240x128xf32, #tpu.memory_space<vmem_shared>>) offsets(%arg19 : memref<80xi32, #tpu.memory_space<vmem>>) semaphore(%arg43 : memref<!tpu.dma_semaphore, #tpu.memory_space<semaphore_mem>>) {add = true}
      %dma_wait3A_446 = arith.constant 0 : i32
      %dma_wait3A_447 = arith.constant 0 : i32
      %dma_wait3A_448 = tpu.memref_slice %arg6[%dma_wait3A_446, %dma_wait3A_447] : memref<10240x128xf32, #tpu.memory_space<vmem_shared>> -> memref<10240x128xf32, #tpu.memory_space<vmem_shared>>
      tpu.wait_indirect_dma semaphore(%arg42 : memref<!tpu.dma_semaphore, #tpu.memory_space<semaphore_mem>>) src(%arg26 : memref<80x128xf32, #tpu.memory_space<vmem>>) dst(%dma_wait3A_448 : memref<10240x128xf32, #tpu.memory_space<vmem_shared>>)
      %dma_wait3A_449 = arith.constant 0 : i32
      %dma_wait3A_450 = tpu.memref_slice %arg3[%dma_wait3A_449] : memref<320000xi32, #tpu.memory_space<hbm>> -> memref<80xi32, #tpu.memory_space<hbm>>
      %dma_wait3A_451 = arith.constant 0 : i32
      %dma_wait3A_452 = tpu.memref_slice %arg3[%dma_wait3A_451] : memref<320000xi32, #tpu.memory_space<hbm>> -> memref<80xi32, #tpu.memory_space<hbm>>
      tpu.wait_dma2 semaphore(%arg34 : memref<!tpu.dma_semaphore, #tpu.memory_space<semaphore_mem>>) src(%dma_wait3A_452 : memref<80xi32, #tpu.memory_space<hbm>>) dst(%arg14 : memref<80xi32, #tpu.memory_space<vmem>>)
      %dma_wait3A_453 = arith.constant 0 : i32
      %dma_wait3A_454 = tpu.memref_slice %arg4[%dma_wait3A_453] : memref<320000xi32, #tpu.memory_space<hbm>> -> memref<80xi32, #tpu.memory_space<hbm>>
      %dma_wait3A_455 = arith.constant 0 : i32
      %dma_wait3A_456 = tpu.memref_slice %arg4[%dma_wait3A_455] : memref<320000xi32, #tpu.memory_space<hbm>> -> memref<80xi32, #tpu.memory_space<hbm>>
      tpu.wait_dma2 semaphore(%arg34 : memref<!tpu.dma_semaphore, #tpu.memory_space<semaphore_mem>>) src(%dma_wait3A_456 : memref<80xi32, #tpu.memory_space<hbm>>) dst(%arg22 : memref<80xi32, #tpu.memory_space<vmem>>)
      %dma_start3A_457 = arith.constant 0 : i32
      %dma_start3A_458 = arith.constant 0 : i32
      %dma_start3A_459 = tpu.memref_slice %arg2[%dma_start3A_457, %dma_start3A_458] : memref<10000x128xf32, #tpu.memory_space<hbm>> -> memref<10000x128xf32, #tpu.memory_space<hbm>>
      tpu.enqueue_indirect_dma source(%dma_start3A_459 : memref<10000x128xf32, #tpu.memory_space<hbm>>) target(%arg26 : memref<80x128xf32, #tpu.memory_space<vmem>>) offsets(%arg14 : memref<80xi32, #tpu.memory_space<vmem>>) semaphore(%arg38 : memref<!tpu.dma_semaphore, #tpu.memory_space<semaphore_mem>>)
      %dma_wait3A_460 = arith.constant 0 : i32
      %dma_wait3A_461 = arith.constant 0 : i32
      %dma_wait3A_462 = tpu.memref_slice %arg6[%dma_wait3A_460, %dma_wait3A_461] : memref<10240x128xf32, #tpu.memory_space<vmem_shared>> -> memref<10240x128xf32, #tpu.memory_space<vmem_shared>>
      tpu.wait_indirect_dma semaphore(%arg43 : memref<!tpu.dma_semaphore, #tpu.memory_space<semaphore_mem>>) src(%arg27 : memref<80x128xf32, #tpu.memory_space<vmem>>) dst(%dma_wait3A_462 : memref<10240x128xf32, #tpu.memory_space<vmem_shared>>)
      %dma_wait3A_463 = arith.constant 0 : i32
      %dma_wait3A_464 = tpu.memref_slice %arg3[%dma_wait3A_463] : memref<320000xi32, #tpu.memory_space<hbm>> -> memref<80xi32, #tpu.memory_space<hbm>>
      %dma_wait3A_465 = arith.constant 0 : i32
      %dma_wait3A_466 = tpu.memref_slice %arg3[%dma_wait3A_465] : memref<320000xi32, #tpu.memory_space<hbm>> -> memref<80xi32, #tpu.memory_space<hbm>>
      tpu.wait_dma2 semaphore(%arg35 : memref<!tpu.dma_semaphore, #tpu.memory_space<semaphore_mem>>) src(%dma_wait3A_466 : memref<80xi32, #tpu.memory_space<hbm>>) dst(%arg15 : memref<80xi32, #tpu.memory_space<vmem>>)
      %dma_wait3A_467 = arith.constant 0 : i32
      %dma_wait3A_468 = tpu.memref_slice %arg4[%dma_wait3A_467] : memref<320000xi32, #tpu.memory_space<hbm>> -> memref<80xi32, #tpu.memory_space<hbm>>
      %dma_wait3A_469 = arith.constant 0 : i32
      %dma_wait3A_470 = tpu.memref_slice %arg4[%dma_wait3A_469] : memref<320000xi32, #tpu.memory_space<hbm>> -> memref<80xi32, #tpu.memory_space<hbm>>
      tpu.wait_dma2 semaphore(%arg35 : memref<!tpu.dma_semaphore, #tpu.memory_space<semaphore_mem>>) src(%dma_wait3A_470 : memref<80xi32, #tpu.memory_space<hbm>>) dst(%arg23 : memref<80xi32, #tpu.memory_space<vmem>>)
      %dma_start3A_471 = arith.constant 0 : i32
      %dma_start3A_472 = arith.constant 0 : i32
      %dma_start3A_473 = tpu.memref_slice %arg2[%dma_start3A_471, %dma_start3A_472] : memref<10000x128xf32, #tpu.memory_space<hbm>> -> memref<10000x128xf32, #tpu.memory_space<hbm>>
      tpu.enqueue_indirect_dma source(%dma_start3A_473 : memref<10000x128xf32, #tpu.memory_space<hbm>>) target(%arg27 : memref<80x128xf32, #tpu.memory_space<vmem>>) offsets(%arg15 : memref<80xi32, #tpu.memory_space<vmem>>) semaphore(%arg39 : memref<!tpu.dma_semaphore, #tpu.memory_space<semaphore_mem>>)
      %add3A_474 = arith.constant 0 : i32
      %add3A_475 = arith.addi %add3A_433, %add3A_474 : i32
      %mul3A_476 = arith.constant 80 : i32
      %mul3A_477 = arith.muli %add3A_475, %mul3A_476 : i32
      %add3A_478 = arith.addi %mul3A_2, %mul3A_477 : i32
      %dma_start3A_479 = tpu.memref_slice %arg3[%add3A_478] : memref<320000xi32, #tpu.memory_space<hbm>> -> memref<80xi32, #tpu.memory_space<hbm>>
      %dma_start3A_480 = tpu.memref_slice %arg3[%add3A_478] : memref<320000xi32, #tpu.memory_space<hbm>> -> memref<80xi32, #tpu.memory_space<hbm>>
      tpu.enqueue_dma source(%dma_start3A_480 : memref<80xi32, #tpu.memory_space<hbm>>) target(%arg10 : memref<80xi32, #tpu.memory_space<vmem>>) target_semaphore(%arg30 : memref<!tpu.dma_semaphore, #tpu.memory_space<semaphore_mem>>)
      %dma_start3A_481 = tpu.memref_slice %arg4[%add3A_478] : memref<320000xi32, #tpu.memory_space<hbm>> -> memref<80xi32, #tpu.memory_space<hbm>>
      %dma_start3A_482 = tpu.memref_slice %arg4[%add3A_478] : memref<320000xi32, #tpu.memory_space<hbm>> -> memref<80xi32, #tpu.memory_space<hbm>>
      tpu.enqueue_dma source(%dma_start3A_482 : memref<80xi32, #tpu.memory_space<hbm>>) target(%arg18 : memref<80xi32, #tpu.memory_space<vmem>>) target_semaphore(%arg30 : memref<!tpu.dma_semaphore, #tpu.memory_space<semaphore_mem>>)
      %add3A_483 = arith.constant 1 : i32
      %add3A_484 = arith.addi %add3A_433, %add3A_483 : i32
      %mul3A_485 = arith.constant 80 : i32
      %mul3A_486 = arith.muli %add3A_484, %mul3A_485 : i32
      %add3A_487 = arith.addi %mul3A_2, %mul3A_486 : i32
      %dma_start3A_488 = tpu.memref_slice %arg3[%add3A_487] : memref<320000xi32, #tpu.memory_space<hbm>> -> memref<80xi32, #tpu.memory_space<hbm>>
      %dma_start3A_489 = tpu.memref_slice %arg3[%add3A_487] : memref<320000xi32, #tpu.memory_space<hbm>> -> memref<80xi32, #tpu.memory_space<hbm>>
      tpu.enqueue_dma source(%dma_start3A_489 : memref<80xi32, #tpu.memory_space<hbm>>) target(%arg11 : memref<80xi32, #tpu.memory_space<vmem>>) target_semaphore(%arg31 : memref<!tpu.dma_semaphore, #tpu.memory_space<semaphore_mem>>)
      %dma_start3A_490 = tpu.memref_slice %arg4[%add3A_487] : memref<320000xi32, #tpu.memory_space<hbm>> -> memref<80xi32, #tpu.memory_space<hbm>>
      %dma_start3A_491 = tpu.memref_slice %arg4[%add3A_487] : memref<320000xi32, #tpu.memory_space<hbm>> -> memref<80xi32, #tpu.memory_space<hbm>>
      tpu.enqueue_dma source(%dma_start3A_491 : memref<80xi32, #tpu.memory_space<hbm>>) target(%arg19 : memref<80xi32, #tpu.memory_space<vmem>>) target_semaphore(%arg31 : memref<!tpu.dma_semaphore, #tpu.memory_space<semaphore_mem>>)
      %add3A_492 = arith.constant 4 : i32
      %add3A_493 = arith.addi %mul3A_365, %add3A_492 : i32
      %add3A_494 = arith.constant 8 : i32
      %add3A_495 = arith.addi %mul3A_365, %add3A_494 : i32
      %add3A_496 = arith.constant 12 : i32
      %add3A_497 = arith.addi %mul3A_365, %add3A_496 : i32
      %dma_wait3A_498 = arith.constant 0 : i32
      %dma_wait3A_499 = arith.constant 0 : i32
      %dma_wait3A_500 = tpu.memref_slice %arg2[%dma_wait3A_498, %dma_wait3A_499] : memref<10000x128xf32, #tpu.memory_space<hbm>> -> memref<10000x128xf32, #tpu.memory_space<hbm>>
      tpu.wait_indirect_dma semaphore(%arg36 : memref<!tpu.dma_semaphore, #tpu.memory_space<semaphore_mem>>) src(%dma_wait3A_500 : memref<10000x128xf32, #tpu.memory_space<hbm>>) dst(%arg24 : memref<80x128xf32, #tpu.memory_space<vmem>>)
      %dma_start3A_501 = arith.constant 0 : i32
      %dma_start3A_502 = arith.constant 0 : i32
      %dma_start3A_503 = tpu.memref_slice %arg6[%dma_start3A_501, %dma_start3A_502] : memref<10240x128xf32, #tpu.memory_space<vmem_shared>> -> memref<10240x128xf32, #tpu.memory_space<vmem_shared>>
      tpu.enqueue_indirect_dma source(%arg24 : memref<80x128xf32, #tpu.memory_space<vmem>>) target(%dma_start3A_503 : memref<10240x128xf32, #tpu.memory_space<vmem_shared>>) offsets(%arg20 : memref<80xi32, #tpu.memory_space<vmem>>) semaphore(%arg40 : memref<!tpu.dma_semaphore, #tpu.memory_space<semaphore_mem>>) {add = true}
      %dma_wait3A_504 = arith.constant 0 : i32
      %dma_wait3A_505 = arith.constant 0 : i32
      %dma_wait3A_506 = tpu.memref_slice %arg2[%dma_wait3A_504, %dma_wait3A_505] : memref<10000x128xf32, #tpu.memory_space<hbm>> -> memref<10000x128xf32, #tpu.memory_space<hbm>>
      tpu.wait_indirect_dma semaphore(%arg37 : memref<!tpu.dma_semaphore, #tpu.memory_space<semaphore_mem>>) src(%dma_wait3A_506 : memref<10000x128xf32, #tpu.memory_space<hbm>>) dst(%arg25 : memref<80x128xf32, #tpu.memory_space<vmem>>)
      %dma_start3A_507 = arith.constant 0 : i32
      %dma_start3A_508 = arith.constant 0 : i32
      %dma_start3A_509 = tpu.memref_slice %arg6[%dma_start3A_507, %dma_start3A_508] : memref<10240x128xf32, #tpu.memory_space<vmem_shared>> -> memref<10240x128xf32, #tpu.memory_space<vmem_shared>>
      tpu.enqueue_indirect_dma source(%arg25 : memref<80x128xf32, #tpu.memory_space<vmem>>) target(%dma_start3A_509 : memref<10240x128xf32, #tpu.memory_space<vmem_shared>>) offsets(%arg21 : memref<80xi32, #tpu.memory_space<vmem>>) semaphore(%arg41 : memref<!tpu.dma_semaphore, #tpu.memory_space<semaphore_mem>>) {add = true}
      %dma_wait3A_510 = arith.constant 0 : i32
      %dma_wait3A_511 = arith.constant 0 : i32
      %dma_wait3A_512 = tpu.memref_slice %arg6[%dma_wait3A_510, %dma_wait3A_511] : memref<10240x128xf32, #tpu.memory_space<vmem_shared>> -> memref<10240x128xf32, #tpu.memory_space<vmem_shared>>
      tpu.wait_indirect_dma semaphore(%arg40 : memref<!tpu.dma_semaphore, #tpu.memory_space<semaphore_mem>>) src(%arg24 : memref<80x128xf32, #tpu.memory_space<vmem>>) dst(%dma_wait3A_512 : memref<10240x128xf32, #tpu.memory_space<vmem_shared>>)
      %dma_wait3A_513 = arith.constant 0 : i32
      %dma_wait3A_514 = tpu.memref_slice %arg3[%dma_wait3A_513] : memref<320000xi32, #tpu.memory_space<hbm>> -> memref<80xi32, #tpu.memory_space<hbm>>
      %dma_wait3A_515 = arith.constant 0 : i32
      %dma_wait3A_516 = tpu.memref_slice %arg3[%dma_wait3A_515] : memref<320000xi32, #tpu.memory_space<hbm>> -> memref<80xi32, #tpu.memory_space<hbm>>
      tpu.wait_dma2 semaphore(%arg28 : memref<!tpu.dma_semaphore, #tpu.memory_space<semaphore_mem>>) src(%dma_wait3A_516 : memref<80xi32, #tpu.memory_space<hbm>>) dst(%arg8 : memref<80xi32, #tpu.memory_space<vmem>>)
      %dma_wait3A_517 = arith.constant 0 : i32
      %dma_wait3A_518 = tpu.memref_slice %arg4[%dma_wait3A_517] : memref<320000xi32, #tpu.memory_space<hbm>> -> memref<80xi32, #tpu.memory_space<hbm>>
      %dma_wait3A_519 = arith.constant 0 : i32
      %dma_wait3A_520 = tpu.memref_slice %arg4[%dma_wait3A_519] : memref<320000xi32, #tpu.memory_space<hbm>> -> memref<80xi32, #tpu.memory_space<hbm>>
      tpu.wait_dma2 semaphore(%arg28 : memref<!tpu.dma_semaphore, #tpu.memory_space<semaphore_mem>>) src(%dma_wait3A_520 : memref<80xi32, #tpu.memory_space<hbm>>) dst(%arg16 : memref<80xi32, #tpu.memory_space<vmem>>)
      %dma_start3A_521 = arith.constant 0 : i32
      %dma_start3A_522 = arith.constant 0 : i32
      %dma_start3A_523 = tpu.memref_slice %arg2[%dma_start3A_521, %dma_start3A_522] : memref<10000x128xf32, #tpu.memory_space<hbm>> -> memref<10000x128xf32, #tpu.memory_space<hbm>>
      tpu.enqueue_indirect_dma source(%dma_start3A_523 : memref<10000x128xf32, #tpu.memory_space<hbm>>) target(%arg24 : memref<80x128xf32, #tpu.memory_space<vmem>>) offsets(%arg8 : memref<80xi32, #tpu.memory_space<vmem>>) semaphore(%arg36 : memref<!tpu.dma_semaphore, #tpu.memory_space<semaphore_mem>>)
      %dma_wait3A_524 = arith.constant 0 : i32
      %dma_wait3A_525 = arith.constant 0 : i32
      %dma_wait3A_526 = tpu.memref_slice %arg6[%dma_wait3A_524, %dma_wait3A_525] : memref<10240x128xf32, #tpu.memory_space<vmem_shared>> -> memref<10240x128xf32, #tpu.memory_space<vmem_shared>>
      tpu.wait_indirect_dma semaphore(%arg41 : memref<!tpu.dma_semaphore, #tpu.memory_space<semaphore_mem>>) src(%arg25 : memref<80x128xf32, #tpu.memory_space<vmem>>) dst(%dma_wait3A_526 : memref<10240x128xf32, #tpu.memory_space<vmem_shared>>)
      %dma_wait3A_527 = arith.constant 0 : i32
      %dma_wait3A_528 = tpu.memref_slice %arg3[%dma_wait3A_527] : memref<320000xi32, #tpu.memory_space<hbm>> -> memref<80xi32, #tpu.memory_space<hbm>>
      %dma_wait3A_529 = arith.constant 0 : i32
      %dma_wait3A_530 = tpu.memref_slice %arg3[%dma_wait3A_529] : memref<320000xi32, #tpu.memory_space<hbm>> -> memref<80xi32, #tpu.memory_space<hbm>>
      tpu.wait_dma2 semaphore(%arg29 : memref<!tpu.dma_semaphore, #tpu.memory_space<semaphore_mem>>) src(%dma_wait3A_530 : memref<80xi32, #tpu.memory_space<hbm>>) dst(%arg9 : memref<80xi32, #tpu.memory_space<vmem>>)
      %dma_wait3A_531 = arith.constant 0 : i32
      %dma_wait3A_532 = tpu.memref_slice %arg4[%dma_wait3A_531] : memref<320000xi32, #tpu.memory_space<hbm>> -> memref<80xi32, #tpu.memory_space<hbm>>
      %dma_wait3A_533 = arith.constant 0 : i32
      %dma_wait3A_534 = tpu.memref_slice %arg4[%dma_wait3A_533] : memref<320000xi32, #tpu.memory_space<hbm>> -> memref<80xi32, #tpu.memory_space<hbm>>
      tpu.wait_dma2 semaphore(%arg29 : memref<!tpu.dma_semaphore, #tpu.memory_space<semaphore_mem>>) src(%dma_wait3A_534 : memref<80xi32, #tpu.memory_space<hbm>>) dst(%arg17 : memref<80xi32, #tpu.memory_space<vmem>>)
      %dma_start3A_535 = arith.constant 0 : i32
      %dma_start3A_536 = arith.constant 0 : i32
      %dma_start3A_537 = tpu.memref_slice %arg2[%dma_start3A_535, %dma_start3A_536] : memref<10000x128xf32, #tpu.memory_space<hbm>> -> memref<10000x128xf32, #tpu.memory_space<hbm>>
      tpu.enqueue_indirect_dma source(%dma_start3A_537 : memref<10000x128xf32, #tpu.memory_space<hbm>>) target(%arg25 : memref<80x128xf32, #tpu.memory_space<vmem>>) offsets(%arg9 : memref<80xi32, #tpu.memory_space<vmem>>) semaphore(%arg37 : memref<!tpu.dma_semaphore, #tpu.memory_space<semaphore_mem>>)
      %add3A_538 = arith.constant 0 : i32
      %add3A_539 = arith.addi %add3A_497, %add3A_538 : i32
      %mul3A_540 = arith.constant 80 : i32
      %mul3A_541 = arith.muli %add3A_539, %mul3A_540 : i32
      %add3A_542 = arith.addi %mul3A_2, %mul3A_541 : i32
      %dma_start3A_543 = tpu.memref_slice %arg3[%add3A_542] : memref<320000xi32, #tpu.memory_space<hbm>> -> memref<80xi32, #tpu.memory_space<hbm>>
      %dma_start3A_544 = tpu.memref_slice %arg3[%add3A_542] : memref<320000xi32, #tpu.memory_space<hbm>> -> memref<80xi32, #tpu.memory_space<hbm>>
      tpu.enqueue_dma source(%dma_start3A_544 : memref<80xi32, #tpu.memory_space<hbm>>) target(%arg12 : memref<80xi32, #tpu.memory_space<vmem>>) target_semaphore(%arg32 : memref<!tpu.dma_semaphore, #tpu.memory_space<semaphore_mem>>)
      %dma_start3A_545 = tpu.memref_slice %arg4[%add3A_542] : memref<320000xi32, #tpu.memory_space<hbm>> -> memref<80xi32, #tpu.memory_space<hbm>>
      %dma_start3A_546 = tpu.memref_slice %arg4[%add3A_542] : memref<320000xi32, #tpu.memory_space<hbm>> -> memref<80xi32, #tpu.memory_space<hbm>>
      tpu.enqueue_dma source(%dma_start3A_546 : memref<80xi32, #tpu.memory_space<hbm>>) target(%arg20 : memref<80xi32, #tpu.memory_space<vmem>>) target_semaphore(%arg32 : memref<!tpu.dma_semaphore, #tpu.memory_space<semaphore_mem>>)
      %add3A_547 = arith.constant 1 : i32
      %add3A_548 = arith.addi %add3A_497, %add3A_547 : i32
      %mul3A_549 = arith.constant 80 : i32
      %mul3A_550 = arith.muli %add3A_548, %mul3A_549 : i32
      %add3A_551 = arith.addi %mul3A_2, %mul3A_550 : i32
      %dma_start3A_552 = tpu.memref_slice %arg3[%add3A_551] : memref<320000xi32, #tpu.memory_space<hbm>> -> memref<80xi32, #tpu.memory_space<hbm>>
      %dma_start3A_553 = tpu.memref_slice %arg3[%add3A_551] : memref<320000xi32, #tpu.memory_space<hbm>> -> memref<80xi32, #tpu.memory_space<hbm>>
      tpu.enqueue_dma source(%dma_start3A_553 : memref<80xi32, #tpu.memory_space<hbm>>) target(%arg13 : memref<80xi32, #tpu.memory_space<vmem>>) target_semaphore(%arg33 : memref<!tpu.dma_semaphore, #tpu.memory_space<semaphore_mem>>)
      %dma_start3A_554 = tpu.memref_slice %arg4[%add3A_551] : memref<320000xi32, #tpu.memory_space<hbm>> -> memref<80xi32, #tpu.memory_space<hbm>>
      %dma_start3A_555 = tpu.memref_slice %arg4[%add3A_551] : memref<320000xi32, #tpu.memory_space<hbm>> -> memref<80xi32, #tpu.memory_space<hbm>>
      tpu.enqueue_dma source(%dma_start3A_555 : memref<80xi32, #tpu.memory_space<hbm>>) target(%arg21 : memref<80xi32, #tpu.memory_space<vmem>>) target_semaphore(%arg33 : memref<!tpu.dma_semaphore, #tpu.memory_space<semaphore_mem>>)
      %add3A_556 = arith.constant 6 : i32
      %add3A_557 = arith.addi %mul3A_365, %add3A_556 : i32
      %add3A_558 = arith.constant 10 : i32
      %add3A_559 = arith.addi %mul3A_365, %add3A_558 : i32
      %add3A_560 = arith.constant 14 : i32
      %add3A_561 = arith.addi %mul3A_365, %add3A_560 : i32
      %dma_wait3A_562 = arith.constant 0 : i32
      %dma_wait3A_563 = arith.constant 0 : i32
      %dma_wait3A_564 = tpu.memref_slice %arg2[%dma_wait3A_562, %dma_wait3A_563] : memref<10000x128xf32, #tpu.memory_space<hbm>> -> memref<10000x128xf32, #tpu.memory_space<hbm>>
      tpu.wait_indirect_dma semaphore(%arg38 : memref<!tpu.dma_semaphore, #tpu.memory_space<semaphore_mem>>) src(%dma_wait3A_564 : memref<10000x128xf32, #tpu.memory_space<hbm>>) dst(%arg26 : memref<80x128xf32, #tpu.memory_space<vmem>>)
      %dma_start3A_565 = arith.constant 0 : i32
      %dma_start3A_566 = arith.constant 0 : i32
      %dma_start3A_567 = tpu.memref_slice %arg6[%dma_start3A_565, %dma_start3A_566] : memref<10240x128xf32, #tpu.memory_space<vmem_shared>> -> memref<10240x128xf32, #tpu.memory_space<vmem_shared>>
      tpu.enqueue_indirect_dma source(%arg26 : memref<80x128xf32, #tpu.memory_space<vmem>>) target(%dma_start3A_567 : memref<10240x128xf32, #tpu.memory_space<vmem_shared>>) offsets(%arg22 : memref<80xi32, #tpu.memory_space<vmem>>) semaphore(%arg42 : memref<!tpu.dma_semaphore, #tpu.memory_space<semaphore_mem>>) {add = true}
      %dma_wait3A_568 = arith.constant 0 : i32
      %dma_wait3A_569 = arith.constant 0 : i32
      %dma_wait3A_570 = tpu.memref_slice %arg2[%dma_wait3A_568, %dma_wait3A_569] : memref<10000x128xf32, #tpu.memory_space<hbm>> -> memref<10000x128xf32, #tpu.memory_space<hbm>>
      tpu.wait_indirect_dma semaphore(%arg39 : memref<!tpu.dma_semaphore, #tpu.memory_space<semaphore_mem>>) src(%dma_wait3A_570 : memref<10000x128xf32, #tpu.memory_space<hbm>>) dst(%arg27 : memref<80x128xf32, #tpu.memory_space<vmem>>)
      %dma_start3A_571 = arith.constant 0 : i32
      %dma_start3A_572 = arith.constant 0 : i32
      %dma_start3A_573 = tpu.memref_slice %arg6[%dma_start3A_571, %dma_start3A_572] : memref<10240x128xf32, #tpu.memory_space<vmem_shared>> -> memref<10240x128xf32, #tpu.memory_space<vmem_shared>>
      tpu.enqueue_indirect_dma source(%arg27 : memref<80x128xf32, #tpu.memory_space<vmem>>) target(%dma_start3A_573 : memref<10240x128xf32, #tpu.memory_space<vmem_shared>>) offsets(%arg23 : memref<80xi32, #tpu.memory_space<vmem>>) semaphore(%arg43 : memref<!tpu.dma_semaphore, #tpu.memory_space<semaphore_mem>>) {add = true}
      %dma_wait3A_574 = arith.constant 0 : i32
      %dma_wait3A_575 = arith.constant 0 : i32
      %dma_wait3A_576 = tpu.memref_slice %arg6[%dma_wait3A_574, %dma_wait3A_575] : memref<10240x128xf32, #tpu.memory_space<vmem_shared>> -> memref<10240x128xf32, #tpu.memory_space<vmem_shared>>
      tpu.wait_indirect_dma semaphore(%arg42 : memref<!tpu.dma_semaphore, #tpu.memory_space<semaphore_mem>>) src(%arg26 : memref<80x128xf32, #tpu.memory_space<vmem>>) dst(%dma_wait3A_576 : memref<10240x128xf32, #tpu.memory_space<vmem_shared>>)
      %dma_wait3A_577 = arith.constant 0 : i32
      %dma_wait3A_578 = tpu.memref_slice %arg3[%dma_wait3A_577] : memref<320000xi32, #tpu.memory_space<hbm>> -> memref<80xi32, #tpu.memory_space<hbm>>
      %dma_wait3A_579 = arith.constant 0 : i32
      %dma_wait3A_580 = tpu.memref_slice %arg3[%dma_wait3A_579] : memref<320000xi32, #tpu.memory_space<hbm>> -> memref<80xi32, #tpu.memory_space<hbm>>
      tpu.wait_dma2 semaphore(%arg30 : memref<!tpu.dma_semaphore, #tpu.memory_space<semaphore_mem>>) src(%dma_wait3A_580 : memref<80xi32, #tpu.memory_space<hbm>>) dst(%arg10 : memref<80xi32, #tpu.memory_space<vmem>>)
      %dma_wait3A_581 = arith.constant 0 : i32
      %dma_wait3A_582 = tpu.memref_slice %arg4[%dma_wait3A_581] : memref<320000xi32, #tpu.memory_space<hbm>> -> memref<80xi32, #tpu.memory_space<hbm>>
      %dma_wait3A_583 = arith.constant 0 : i32
      %dma_wait3A_584 = tpu.memref_slice %arg4[%dma_wait3A_583] : memref<320000xi32, #tpu.memory_space<hbm>> -> memref<80xi32, #tpu.memory_space<hbm>>
      tpu.wait_dma2 semaphore(%arg30 : memref<!tpu.dma_semaphore, #tpu.memory_space<semaphore_mem>>) src(%dma_wait3A_584 : memref<80xi32, #tpu.memory_space<hbm>>) dst(%arg18 : memref<80xi32, #tpu.memory_space<vmem>>)
      %dma_start3A_585 = arith.constant 0 : i32
      %dma_start3A_586 = arith.constant 0 : i32
      %dma_start3A_587 = tpu.memref_slice %arg2[%dma_start3A_585, %dma_start3A_586] : memref<10000x128xf32, #tpu.memory_space<hbm>> -> memref<10000x128xf32, #tpu.memory_space<hbm>>
      tpu.enqueue_indirect_dma source(%dma_start3A_587 : memref<10000x128xf32, #tpu.memory_space<hbm>>) target(%arg26 : memref<80x128xf32, #tpu.memory_space<vmem>>) offsets(%arg10 : memref<80xi32, #tpu.memory_space<vmem>>) semaphore(%arg38 : memref<!tpu.dma_semaphore, #tpu.memory_space<semaphore_mem>>)
      %dma_wait3A_588 = arith.constant 0 : i32
      %dma_wait3A_589 = arith.constant 0 : i32
      %dma_wait3A_590 = tpu.memref_slice %arg6[%dma_wait3A_588, %dma_wait3A_589] : memref<10240x128xf32, #tpu.memory_space<vmem_shared>> -> memref<10240x128xf32, #tpu.memory_space<vmem_shared>>
      tpu.wait_indirect_dma semaphore(%arg43 : memref<!tpu.dma_semaphore, #tpu.memory_space<semaphore_mem>>) src(%arg27 : memref<80x128xf32, #tpu.memory_space<vmem>>) dst(%dma_wait3A_590 : memref<10240x128xf32, #tpu.memory_space<vmem_shared>>)
      %dma_wait3A_591 = arith.constant 0 : i32
      %dma_wait3A_592 = tpu.memref_slice %arg3[%dma_wait3A_591] : memref<320000xi32, #tpu.memory_space<hbm>> -> memref<80xi32, #tpu.memory_space<hbm>>
      %dma_wait3A_593 = arith.constant 0 : i32
      %dma_wait3A_594 = tpu.memref_slice %arg3[%dma_wait3A_593] : memref<320000xi32, #tpu.memory_space<hbm>> -> memref<80xi32, #tpu.memory_space<hbm>>
      tpu.wait_dma2 semaphore(%arg31 : memref<!tpu.dma_semaphore, #tpu.memory_space<semaphore_mem>>) src(%dma_wait3A_594 : memref<80xi32, #tpu.memory_space<hbm>>) dst(%arg11 : memref<80xi32, #tpu.memory_space<vmem>>)
      %dma_wait3A_595 = arith.constant 0 : i32
      %dma_wait3A_596 = tpu.memref_slice %arg4[%dma_wait3A_595] : memref<320000xi32, #tpu.memory_space<hbm>> -> memref<80xi32, #tpu.memory_space<hbm>>
      %dma_wait3A_597 = arith.constant 0 : i32
      %dma_wait3A_598 = tpu.memref_slice %arg4[%dma_wait3A_597] : memref<320000xi32, #tpu.memory_space<hbm>> -> memref<80xi32, #tpu.memory_space<hbm>>
      tpu.wait_dma2 semaphore(%arg31 : memref<!tpu.dma_semaphore, #tpu.memory_space<semaphore_mem>>) src(%dma_wait3A_598 : memref<80xi32, #tpu.memory_space<hbm>>) dst(%arg19 : memref<80xi32, #tpu.memory_space<vmem>>)
      %dma_start3A_599 = arith.constant 0 : i32
      %dma_start3A_600 = arith.constant 0 : i32
      %dma_start3A_601 = tpu.memref_slice %arg2[%dma_start3A_599, %dma_start3A_600] : memref<10000x128xf32, #tpu.memory_space<hbm>> -> memref<10000x128xf32, #tpu.memory_space<hbm>>
      tpu.enqueue_indirect_dma source(%dma_start3A_601 : memref<10000x128xf32, #tpu.memory_space<hbm>>) target(%arg27 : memref<80x128xf32, #tpu.memory_space<vmem>>) offsets(%arg11 : memref<80xi32, #tpu.memory_space<vmem>>) semaphore(%arg39 : memref<!tpu.dma_semaphore, #tpu.memory_space<semaphore_mem>>)
      %add3A_602 = arith.constant 0 : i32
      %add3A_603 = arith.addi %add3A_561, %add3A_602 : i32
      %mul3A_604 = arith.constant 80 : i32
      %mul3A_605 = arith.muli %add3A_603, %mul3A_604 : i32
      %add3A_606 = arith.addi %mul3A_2, %mul3A_605 : i32
      %dma_start3A_607 = tpu.memref_slice %arg3[%add3A_606] : memref<320000xi32, #tpu.memory_space<hbm>> -> memref<80xi32, #tpu.memory_space<hbm>>
      %dma_start3A_608 = tpu.memref_slice %arg3[%add3A_606] : memref<320000xi32, #tpu.memory_space<hbm>> -> memref<80xi32, #tpu.memory_space<hbm>>
      tpu.enqueue_dma source(%dma_start3A_608 : memref<80xi32, #tpu.memory_space<hbm>>) target(%arg14 : memref<80xi32, #tpu.memory_space<vmem>>) target_semaphore(%arg34 : memref<!tpu.dma_semaphore, #tpu.memory_space<semaphore_mem>>)
      %dma_start3A_609 = tpu.memref_slice %arg4[%add3A_606] : memref<320000xi32, #tpu.memory_space<hbm>> -> memref<80xi32, #tpu.memory_space<hbm>>
      %dma_start3A_610 = tpu.memref_slice %arg4[%add3A_606] : memref<320000xi32, #tpu.memory_space<hbm>> -> memref<80xi32, #tpu.memory_space<hbm>>
      tpu.enqueue_dma source(%dma_start3A_610 : memref<80xi32, #tpu.memory_space<hbm>>) target(%arg22 : memref<80xi32, #tpu.memory_space<vmem>>) target_semaphore(%arg34 : memref<!tpu.dma_semaphore, #tpu.memory_space<semaphore_mem>>)
      %add3A_611 = arith.constant 1 : i32
      %add3A_612 = arith.addi %add3A_561, %add3A_611 : i32
      %mul3A_613 = arith.constant 80 : i32
      %mul3A_614 = arith.muli %add3A_612, %mul3A_613 : i32
      %add3A_615 = arith.addi %mul3A_2, %mul3A_614 : i32
      %dma_start3A_616 = tpu.memref_slice %arg3[%add3A_615] : memref<320000xi32, #tpu.memory_space<hbm>> -> memref<80xi32, #tpu.memory_space<hbm>>
      %dma_start3A_617 = tpu.memref_slice %arg3[%add3A_615] : memref<320000xi32, #tpu.memory_space<hbm>> -> memref<80xi32, #tpu.memory_space<hbm>>
      tpu.enqueue_dma source(%dma_start3A_617 : memref<80xi32, #tpu.memory_space<hbm>>) target(%arg15 : memref<80xi32, #tpu.memory_space<vmem>>) target_semaphore(%arg35 : memref<!tpu.dma_semaphore, #tpu.memory_space<semaphore_mem>>)
      %dma_start3A_618 = tpu.memref_slice %arg4[%add3A_615] : memref<320000xi32, #tpu.memory_space<hbm>> -> memref<80xi32, #tpu.memory_space<hbm>>
      %dma_start3A_619 = tpu.memref_slice %arg4[%add3A_615] : memref<320000xi32, #tpu.memory_space<hbm>> -> memref<80xi32, #tpu.memory_space<hbm>>
      tpu.enqueue_dma source(%dma_start3A_619 : memref<80xi32, #tpu.memory_space<hbm>>) target(%arg23 : memref<80xi32, #tpu.memory_space<vmem>>) target_semaphore(%arg35 : memref<!tpu.dma_semaphore, #tpu.memory_space<semaphore_mem>>)
    }
    %scan3A_107 = arith.constant 14 : i32
    %dma_wait3A_108 = arith.constant 0 : i32
    %dma_wait3A_109 = arith.constant 0 : i32
    %dma_wait3A_110 = tpu.memref_slice %arg2[%dma_wait3A_108, %dma_wait3A_109] : memref<10000x128xf32, #tpu.memory_space<hbm>> -> memref<10000x128xf32, #tpu.memory_space<hbm>>
    tpu.wait_indirect_dma semaphore(%arg36 : memref<!tpu.dma_semaphore, #tpu.memory_space<semaphore_mem>>) src(%dma_wait3A_110 : memref<10000x128xf32, #tpu.memory_space<hbm>>) dst(%arg24 : memref<80x128xf32, #tpu.memory_space<vmem>>)
    %dma_start3A_111 = arith.constant 0 : i32
    %dma_start3A_112 = arith.constant 0 : i32
    %dma_start3A_113 = tpu.memref_slice %arg6[%dma_start3A_111, %dma_start3A_112] : memref<10240x128xf32, #tpu.memory_space<vmem_shared>> -> memref<10240x128xf32, #tpu.memory_space<vmem_shared>>
    tpu.enqueue_indirect_dma source(%arg24 : memref<80x128xf32, #tpu.memory_space<vmem>>) target(%dma_start3A_113 : memref<10240x128xf32, #tpu.memory_space<vmem_shared>>) offsets(%arg16 : memref<80xi32, #tpu.memory_space<vmem>>) semaphore(%arg40 : memref<!tpu.dma_semaphore, #tpu.memory_space<semaphore_mem>>) {add = true}
    %dma_wait3A_114 = arith.constant 0 : i32
    %dma_wait3A_115 = arith.constant 0 : i32
    %dma_wait3A_116 = tpu.memref_slice %arg2[%dma_wait3A_114, %dma_wait3A_115] : memref<10000x128xf32, #tpu.memory_space<hbm>> -> memref<10000x128xf32, #tpu.memory_space<hbm>>
    tpu.wait_indirect_dma semaphore(%arg37 : memref<!tpu.dma_semaphore, #tpu.memory_space<semaphore_mem>>) src(%dma_wait3A_116 : memref<10000x128xf32, #tpu.memory_space<hbm>>) dst(%arg25 : memref<80x128xf32, #tpu.memory_space<vmem>>)
    %dma_start3A_117 = arith.constant 0 : i32
    %dma_start3A_118 = arith.constant 0 : i32
    %dma_start3A_119 = tpu.memref_slice %arg6[%dma_start3A_117, %dma_start3A_118] : memref<10240x128xf32, #tpu.memory_space<vmem_shared>> -> memref<10240x128xf32, #tpu.memory_space<vmem_shared>>
    tpu.enqueue_indirect_dma source(%arg25 : memref<80x128xf32, #tpu.memory_space<vmem>>) target(%dma_start3A_119 : memref<10240x128xf32, #tpu.memory_space<vmem_shared>>) offsets(%arg17 : memref<80xi32, #tpu.memory_space<vmem>>) semaphore(%arg41 : memref<!tpu.dma_semaphore, #tpu.memory_space<semaphore_mem>>) {add = true}
    %dma_wait3A_120 = arith.constant 0 : i32
    %dma_wait3A_121 = arith.constant 0 : i32
    %dma_wait3A_122 = tpu.memref_slice %arg6[%dma_wait3A_120, %dma_wait3A_121] : memref<10240x128xf32, #tpu.memory_space<vmem_shared>> -> memref<10240x128xf32, #tpu.memory_space<vmem_shared>>
    tpu.wait_indirect_dma semaphore(%arg40 : memref<!tpu.dma_semaphore, #tpu.memory_space<semaphore_mem>>) src(%arg24 : memref<80x128xf32, #tpu.memory_space<vmem>>) dst(%dma_wait3A_122 : memref<10240x128xf32, #tpu.memory_space<vmem_shared>>)
    %dma_wait3A_123 = arith.constant 0 : i32
    %dma_wait3A_124 = tpu.memref_slice %arg3[%dma_wait3A_123] : memref<320000xi32, #tpu.memory_space<hbm>> -> memref<80xi32, #tpu.memory_space<hbm>>
    %dma_wait3A_125 = arith.constant 0 : i32
    %dma_wait3A_126 = tpu.memref_slice %arg3[%dma_wait3A_125] : memref<320000xi32, #tpu.memory_space<hbm>> -> memref<80xi32, #tpu.memory_space<hbm>>
    tpu.wait_dma2 semaphore(%arg32 : memref<!tpu.dma_semaphore, #tpu.memory_space<semaphore_mem>>) src(%dma_wait3A_126 : memref<80xi32, #tpu.memory_space<hbm>>) dst(%arg12 : memref<80xi32, #tpu.memory_space<vmem>>)
    %dma_wait3A_127 = arith.constant 0 : i32
    %dma_wait3A_128 = tpu.memref_slice %arg4[%dma_wait3A_127] : memref<320000xi32, #tpu.memory_space<hbm>> -> memref<80xi32, #tpu.memory_space<hbm>>
    %dma_wait3A_129 = arith.constant 0 : i32
    %dma_wait3A_130 = tpu.memref_slice %arg4[%dma_wait3A_129] : memref<320000xi32, #tpu.memory_space<hbm>> -> memref<80xi32, #tpu.memory_space<hbm>>
    tpu.wait_dma2 semaphore(%arg32 : memref<!tpu.dma_semaphore, #tpu.memory_space<semaphore_mem>>) src(%dma_wait3A_130 : memref<80xi32, #tpu.memory_space<hbm>>) dst(%arg20 : memref<80xi32, #tpu.memory_space<vmem>>)
    %dma_start3A_131 = arith.constant 0 : i32
    %dma_start3A_132 = arith.constant 0 : i32
    %dma_start3A_133 = tpu.memref_slice %arg2[%dma_start3A_131, %dma_start3A_132] : memref<10000x128xf32, #tpu.memory_space<hbm>> -> memref<10000x128xf32, #tpu.memory_space<hbm>>
    tpu.enqueue_indirect_dma source(%dma_start3A_133 : memref<10000x128xf32, #tpu.memory_space<hbm>>) target(%arg24 : memref<80x128xf32, #tpu.memory_space<vmem>>) offsets(%arg12 : memref<80xi32, #tpu.memory_space<vmem>>) semaphore(%arg36 : memref<!tpu.dma_semaphore, #tpu.memory_space<semaphore_mem>>)
    %dma_wait3A_134 = arith.constant 0 : i32
    %dma_wait3A_135 = arith.constant 0 : i32
    %dma_wait3A_136 = tpu.memref_slice %arg6[%dma_wait3A_134, %dma_wait3A_135] : memref<10240x128xf32, #tpu.memory_space<vmem_shared>> -> memref<10240x128xf32, #tpu.memory_space<vmem_shared>>
    tpu.wait_indirect_dma semaphore(%arg41 : memref<!tpu.dma_semaphore, #tpu.memory_space<semaphore_mem>>) src(%arg25 : memref<80x128xf32, #tpu.memory_space<vmem>>) dst(%dma_wait3A_136 : memref<10240x128xf32, #tpu.memory_space<vmem_shared>>)
    %dma_wait3A_137 = arith.constant 0 : i32
    %dma_wait3A_138 = tpu.memref_slice %arg3[%dma_wait3A_137] : memref<320000xi32, #tpu.memory_space<hbm>> -> memref<80xi32, #tpu.memory_space<hbm>>
    %dma_wait3A_139 = arith.constant 0 : i32
    %dma_wait3A_140 = tpu.memref_slice %arg3[%dma_wait3A_139] : memref<320000xi32, #tpu.memory_space<hbm>> -> memref<80xi32, #tpu.memory_space<hbm>>
    tpu.wait_dma2 semaphore(%arg33 : memref<!tpu.dma_semaphore, #tpu.memory_space<semaphore_mem>>) src(%dma_wait3A_140 : memref<80xi32, #tpu.memory_space<hbm>>) dst(%arg13 : memref<80xi32, #tpu.memory_space<vmem>>)
    %dma_wait3A_141 = arith.constant 0 : i32
    %dma_wait3A_142 = tpu.memref_slice %arg4[%dma_wait3A_141] : memref<320000xi32, #tpu.memory_space<hbm>> -> memref<80xi32, #tpu.memory_space<hbm>>
    %dma_wait3A_143 = arith.constant 0 : i32
    %dma_wait3A_144 = tpu.memref_slice %arg4[%dma_wait3A_143] : memref<320000xi32, #tpu.memory_space<hbm>> -> memref<80xi32, #tpu.memory_space<hbm>>
    tpu.wait_dma2 semaphore(%arg33 : memref<!tpu.dma_semaphore, #tpu.memory_space<semaphore_mem>>) src(%dma_wait3A_144 : memref<80xi32, #tpu.memory_space<hbm>>) dst(%arg21 : memref<80xi32, #tpu.memory_space<vmem>>)
    %dma_start3A_145 = arith.constant 0 : i32
    %dma_start3A_146 = arith.constant 0 : i32
    %dma_start3A_147 = tpu.memref_slice %arg2[%dma_start3A_145, %dma_start3A_146] : memref<10000x128xf32, #tpu.memory_space<hbm>> -> memref<10000x128xf32, #tpu.memory_space<hbm>>
    tpu.enqueue_indirect_dma source(%dma_start3A_147 : memref<10000x128xf32, #tpu.memory_space<hbm>>) target(%arg25 : memref<80x128xf32, #tpu.memory_space<vmem>>) offsets(%arg13 : memref<80xi32, #tpu.memory_space<vmem>>) semaphore(%arg37 : memref<!tpu.dma_semaphore, #tpu.memory_space<semaphore_mem>>)
    %add3A_148 = arith.constant 9600 : i32
    %add3A_149 = arith.addi %mul3A_2, %add3A_148 : i32
    %dma_start3A_150 = tpu.memref_slice %arg3[%add3A_149] : memref<320000xi32, #tpu.memory_space<hbm>> -> memref<80xi32, #tpu.memory_space<hbm>>
    %dma_start3A_151 = tpu.memref_slice %arg3[%add3A_149] : memref<320000xi32, #tpu.memory_space<hbm>> -> memref<80xi32, #tpu.memory_space<hbm>>
    tpu.enqueue_dma source(%dma_start3A_151 : memref<80xi32, #tpu.memory_space<hbm>>) target(%arg8 : memref<80xi32, #tpu.memory_space<vmem>>) target_semaphore(%arg28 : memref<!tpu.dma_semaphore, #tpu.memory_space<semaphore_mem>>)
    %dma_start3A_152 = tpu.memref_slice %arg4[%add3A_149] : memref<320000xi32, #tpu.memory_space<hbm>> -> memref<80xi32, #tpu.memory_space<hbm>>
    %dma_start3A_153 = tpu.memref_slice %arg4[%add3A_149] : memref<320000xi32, #tpu.memory_space<hbm>> -> memref<80xi32, #tpu.memory_space<hbm>>
    tpu.enqueue_dma source(%dma_start3A_153 : memref<80xi32, #tpu.memory_space<hbm>>) target(%arg16 : memref<80xi32, #tpu.memory_space<vmem>>) target_semaphore(%arg28 : memref<!tpu.dma_semaphore, #tpu.memory_space<semaphore_mem>>)
    %add3A_154 = arith.constant 9680 : i32
    %add3A_155 = arith.addi %mul3A_2, %add3A_154 : i32
    %dma_start3A_156 = tpu.memref_slice %arg3[%add3A_155] : memref<320000xi32, #tpu.memory_space<hbm>> -> memref<80xi32, #tpu.memory_space<hbm>>
    %dma_start3A_157 = tpu.memref_slice %arg3[%add3A_155] : memref<320000xi32, #tpu.memory_space<hbm>> -> memref<80xi32, #tpu.memory_space<hbm>>
    tpu.enqueue_dma source(%dma_start3A_157 : memref<80xi32, #tpu.memory_space<hbm>>) target(%arg9 : memref<80xi32, #tpu.memory_space<vmem>>) target_semaphore(%arg29 : memref<!tpu.dma_semaphore, #tpu.memory_space<semaphore_mem>>)
    %dma_start3A_158 = tpu.memref_slice %arg4[%add3A_155] : memref<320000xi32, #tpu.memory_space<hbm>> -> memref<80xi32, #tpu.memory_space<hbm>>
    %dma_start3A_159 = tpu.memref_slice %arg4[%add3A_155] : memref<320000xi32, #tpu.memory_space<hbm>> -> memref<80xi32, #tpu.memory_space<hbm>>
    tpu.enqueue_dma source(%dma_start3A_159 : memref<80xi32, #tpu.memory_space<hbm>>) target(%arg17 : memref<80xi32, #tpu.memory_space<vmem>>) target_semaphore(%arg29 : memref<!tpu.dma_semaphore, #tpu.memory_space<semaphore_mem>>)
    %dma_wait3A_160 = arith.constant 0 : i32
    %dma_wait3A_161 = arith.constant 0 : i32
    %dma_wait3A_162 = tpu.memref_slice %arg2[%dma_wait3A_160, %dma_wait3A_161] : memref<10000x128xf32, #tpu.memory_space<hbm>> -> memref<10000x128xf32, #tpu.memory_space<hbm>>
    tpu.wait_indirect_dma semaphore(%arg38 : memref<!tpu.dma_semaphore, #tpu.memory_space<semaphore_mem>>) src(%dma_wait3A_162 : memref<10000x128xf32, #tpu.memory_space<hbm>>) dst(%arg26 : memref<80x128xf32, #tpu.memory_space<vmem>>)
    %dma_start3A_163 = arith.constant 0 : i32
    %dma_start3A_164 = arith.constant 0 : i32
    %dma_start3A_165 = tpu.memref_slice %arg6[%dma_start3A_163, %dma_start3A_164] : memref<10240x128xf32, #tpu.memory_space<vmem_shared>> -> memref<10240x128xf32, #tpu.memory_space<vmem_shared>>
    tpu.enqueue_indirect_dma source(%arg26 : memref<80x128xf32, #tpu.memory_space<vmem>>) target(%dma_start3A_165 : memref<10240x128xf32, #tpu.memory_space<vmem_shared>>) offsets(%arg18 : memref<80xi32, #tpu.memory_space<vmem>>) semaphore(%arg42 : memref<!tpu.dma_semaphore, #tpu.memory_space<semaphore_mem>>) {add = true}
    %dma_wait3A_166 = arith.constant 0 : i32
    %dma_wait3A_167 = arith.constant 0 : i32
    %dma_wait3A_168 = tpu.memref_slice %arg2[%dma_wait3A_166, %dma_wait3A_167] : memref<10000x128xf32, #tpu.memory_space<hbm>> -> memref<10000x128xf32, #tpu.memory_space<hbm>>
    tpu.wait_indirect_dma semaphore(%arg39 : memref<!tpu.dma_semaphore, #tpu.memory_space<semaphore_mem>>) src(%dma_wait3A_168 : memref<10000x128xf32, #tpu.memory_space<hbm>>) dst(%arg27 : memref<80x128xf32, #tpu.memory_space<vmem>>)
    %dma_start3A_169 = arith.constant 0 : i32
    %dma_start3A_170 = arith.constant 0 : i32
    %dma_start3A_171 = tpu.memref_slice %arg6[%dma_start3A_169, %dma_start3A_170] : memref<10240x128xf32, #tpu.memory_space<vmem_shared>> -> memref<10240x128xf32, #tpu.memory_space<vmem_shared>>
    tpu.enqueue_indirect_dma source(%arg27 : memref<80x128xf32, #tpu.memory_space<vmem>>) target(%dma_start3A_171 : memref<10240x128xf32, #tpu.memory_space<vmem_shared>>) offsets(%arg19 : memref<80xi32, #tpu.memory_space<vmem>>) semaphore(%arg43 : memref<!tpu.dma_semaphore, #tpu.memory_space<semaphore_mem>>) {add = true}
    %dma_wait3A_172 = arith.constant 0 : i32
    %dma_wait3A_173 = arith.constant 0 : i32
    %dma_wait3A_174 = tpu.memref_slice %arg6[%dma_wait3A_172, %dma_wait3A_173] : memref<10240x128xf32, #tpu.memory_space<vmem_shared>> -> memref<10240x128xf32, #tpu.memory_space<vmem_shared>>
    tpu.wait_indirect_dma semaphore(%arg42 : memref<!tpu.dma_semaphore, #tpu.memory_space<semaphore_mem>>) src(%arg26 : memref<80x128xf32, #tpu.memory_space<vmem>>) dst(%dma_wait3A_174 : memref<10240x128xf32, #tpu.memory_space<vmem_shared>>)
    %dma_wait3A_175 = arith.constant 0 : i32
    %dma_wait3A_176 = tpu.memref_slice %arg3[%dma_wait3A_175] : memref<320000xi32, #tpu.memory_space<hbm>> -> memref<80xi32, #tpu.memory_space<hbm>>
    %dma_wait3A_177 = arith.constant 0 : i32
    %dma_wait3A_178 = tpu.memref_slice %arg3[%dma_wait3A_177] : memref<320000xi32, #tpu.memory_space<hbm>> -> memref<80xi32, #tpu.memory_space<hbm>>
    tpu.wait_dma2 semaphore(%arg34 : memref<!tpu.dma_semaphore, #tpu.memory_space<semaphore_mem>>) src(%dma_wait3A_178 : memref<80xi32, #tpu.memory_space<hbm>>) dst(%arg14 : memref<80xi32, #tpu.memory_space<vmem>>)
    %dma_wait3A_179 = arith.constant 0 : i32
    %dma_wait3A_180 = tpu.memref_slice %arg4[%dma_wait3A_179] : memref<320000xi32, #tpu.memory_space<hbm>> -> memref<80xi32, #tpu.memory_space<hbm>>
    %dma_wait3A_181 = arith.constant 0 : i32
    %dma_wait3A_182 = tpu.memref_slice %arg4[%dma_wait3A_181] : memref<320000xi32, #tpu.memory_space<hbm>> -> memref<80xi32, #tpu.memory_space<hbm>>
    tpu.wait_dma2 semaphore(%arg34 : memref<!tpu.dma_semaphore, #tpu.memory_space<semaphore_mem>>) src(%dma_wait3A_182 : memref<80xi32, #tpu.memory_space<hbm>>) dst(%arg22 : memref<80xi32, #tpu.memory_space<vmem>>)
    %dma_start3A_183 = arith.constant 0 : i32
    %dma_start3A_184 = arith.constant 0 : i32
    %dma_start3A_185 = tpu.memref_slice %arg2[%dma_start3A_183, %dma_start3A_184] : memref<10000x128xf32, #tpu.memory_space<hbm>> -> memref<10000x128xf32, #tpu.memory_space<hbm>>
    tpu.enqueue_indirect_dma source(%dma_start3A_185 : memref<10000x128xf32, #tpu.memory_space<hbm>>) target(%arg26 : memref<80x128xf32, #tpu.memory_space<vmem>>) offsets(%arg14 : memref<80xi32, #tpu.memory_space<vmem>>) semaphore(%arg38 : memref<!tpu.dma_semaphore, #tpu.memory_space<semaphore_mem>>)
    %dma_wait3A_186 = arith.constant 0 : i32
    %dma_wait3A_187 = arith.constant 0 : i32
    %dma_wait3A_188 = tpu.memref_slice %arg6[%dma_wait3A_186, %dma_wait3A_187] : memref<10240x128xf32, #tpu.memory_space<vmem_shared>> -> memref<10240x128xf32, #tpu.memory_space<vmem_shared>>
    tpu.wait_indirect_dma semaphore(%arg43 : memref<!tpu.dma_semaphore, #tpu.memory_space<semaphore_mem>>) src(%arg27 : memref<80x128xf32, #tpu.memory_space<vmem>>) dst(%dma_wait3A_188 : memref<10240x128xf32, #tpu.memory_space<vmem_shared>>)
    %dma_wait3A_189 = arith.constant 0 : i32
    %dma_wait3A_190 = tpu.memref_slice %arg3[%dma_wait3A_189] : memref<320000xi32, #tpu.memory_space<hbm>> -> memref<80xi32, #tpu.memory_space<hbm>>
    %dma_wait3A_191 = arith.constant 0 : i32
    %dma_wait3A_192 = tpu.memref_slice %arg3[%dma_wait3A_191] : memref<320000xi32, #tpu.memory_space<hbm>> -> memref<80xi32, #tpu.memory_space<hbm>>
    tpu.wait_dma2 semaphore(%arg35 : memref<!tpu.dma_semaphore, #tpu.memory_space<semaphore_mem>>) src(%dma_wait3A_192 : memref<80xi32, #tpu.memory_space<hbm>>) dst(%arg15 : memref<80xi32, #tpu.memory_space<vmem>>)
    %dma_wait3A_193 = arith.constant 0 : i32
    %dma_wait3A_194 = tpu.memref_slice %arg4[%dma_wait3A_193] : memref<320000xi32, #tpu.memory_space<hbm>> -> memref<80xi32, #tpu.memory_space<hbm>>
    %dma_wait3A_195 = arith.constant 0 : i32
    %dma_wait3A_196 = tpu.memref_slice %arg4[%dma_wait3A_195] : memref<320000xi32, #tpu.memory_space<hbm>> -> memref<80xi32, #tpu.memory_space<hbm>>
    tpu.wait_dma2 semaphore(%arg35 : memref<!tpu.dma_semaphore, #tpu.memory_space<semaphore_mem>>) src(%dma_wait3A_196 : memref<80xi32, #tpu.memory_space<hbm>>) dst(%arg23 : memref<80xi32, #tpu.memory_space<vmem>>)
    %dma_start3A_197 = arith.constant 0 : i32
    %dma_start3A_198 = arith.constant 0 : i32
    %dma_start3A_199 = tpu.memref_slice %arg2[%dma_start3A_197, %dma_start3A_198] : memref<10000x128xf32, #tpu.memory_space<hbm>> -> memref<10000x128xf32, #tpu.memory_space<hbm>>
    tpu.enqueue_indirect_dma source(%dma_start3A_199 : memref<10000x128xf32, #tpu.memory_space<hbm>>) target(%arg27 : memref<80x128xf32, #tpu.memory_space<vmem>>) offsets(%arg15 : memref<80xi32, #tpu.memory_space<vmem>>) semaphore(%arg39 : memref<!tpu.dma_semaphore, #tpu.memory_space<semaphore_mem>>)
    %add3A_200 = arith.constant 9760 : i32
    %add3A_201 = arith.addi %mul3A_2, %add3A_200 : i32
    %dma_start3A_202 = tpu.memref_slice %arg3[%add3A_201] : memref<320000xi32, #tpu.memory_space<hbm>> -> memref<80xi32, #tpu.memory_space<hbm>>
    %dma_start3A_203 = tpu.memref_slice %arg3[%add3A_201] : memref<320000xi32, #tpu.memory_space<hbm>> -> memref<80xi32, #tpu.memory_space<hbm>>
    tpu.enqueue_dma source(%dma_start3A_203 : memref<80xi32, #tpu.memory_space<hbm>>) target(%arg10 : memref<80xi32, #tpu.memory_space<vmem>>) target_semaphore(%arg30 : memref<!tpu.dma_semaphore, #tpu.memory_space<semaphore_mem>>)
    %dma_start3A_204 = tpu.memref_slice %arg4[%add3A_201] : memref<320000xi32, #tpu.memory_space<hbm>> -> memref<80xi32, #tpu.memory_space<hbm>>
    %dma_start3A_205 = tpu.memref_slice %arg4[%add3A_201] : memref<320000xi32, #tpu.memory_space<hbm>> -> memref<80xi32, #tpu.memory_space<hbm>>
    tpu.enqueue_dma source(%dma_start3A_205 : memref<80xi32, #tpu.memory_space<hbm>>) target(%arg18 : memref<80xi32, #tpu.memory_space<vmem>>) target_semaphore(%arg30 : memref<!tpu.dma_semaphore, #tpu.memory_space<semaphore_mem>>)
    %add3A_206 = arith.constant 9840 : i32
    %add3A_207 = arith.addi %mul3A_2, %add3A_206 : i32
    %dma_start3A_208 = tpu.memref_slice %arg3[%add3A_207] : memref<320000xi32, #tpu.memory_space<hbm>> -> memref<80xi32, #tpu.memory_space<hbm>>
    %dma_start3A_209 = tpu.memref_slice %arg3[%add3A_207] : memref<320000xi32, #tpu.memory_space<hbm>> -> memref<80xi32, #tpu.memory_space<hbm>>
    tpu.enqueue_dma source(%dma_start3A_209 : memref<80xi32, #tpu.memory_space<hbm>>) target(%arg11 : memref<80xi32, #tpu.memory_space<vmem>>) target_semaphore(%arg31 : memref<!tpu.dma_semaphore, #tpu.memory_space<semaphore_mem>>)
    %dma_start3A_210 = tpu.memref_slice %arg4[%add3A_207] : memref<320000xi32, #tpu.memory_space<hbm>> -> memref<80xi32, #tpu.memory_space<hbm>>
    %dma_start3A_211 = tpu.memref_slice %arg4[%add3A_207] : memref<320000xi32, #tpu.memory_space<hbm>> -> memref<80xi32, #tpu.memory_space<hbm>>
    tpu.enqueue_dma source(%dma_start3A_211 : memref<80xi32, #tpu.memory_space<hbm>>) target(%arg19 : memref<80xi32, #tpu.memory_space<vmem>>) target_semaphore(%arg31 : memref<!tpu.dma_semaphore, #tpu.memory_space<semaphore_mem>>)
    %dma_wait3A_212 = arith.constant 0 : i32
    %dma_wait3A_213 = arith.constant 0 : i32
    %dma_wait3A_214 = tpu.memref_slice %arg2[%dma_wait3A_212, %dma_wait3A_213] : memref<10000x128xf32, #tpu.memory_space<hbm>> -> memref<10000x128xf32, #tpu.memory_space<hbm>>
    tpu.wait_indirect_dma semaphore(%arg36 : memref<!tpu.dma_semaphore, #tpu.memory_space<semaphore_mem>>) src(%dma_wait3A_214 : memref<10000x128xf32, #tpu.memory_space<hbm>>) dst(%arg24 : memref<80x128xf32, #tpu.memory_space<vmem>>)
    %dma_start3A_215 = arith.constant 0 : i32
    %dma_start3A_216 = arith.constant 0 : i32
    %dma_start3A_217 = tpu.memref_slice %arg6[%dma_start3A_215, %dma_start3A_216] : memref<10240x128xf32, #tpu.memory_space<vmem_shared>> -> memref<10240x128xf32, #tpu.memory_space<vmem_shared>>
    tpu.enqueue_indirect_dma source(%arg24 : memref<80x128xf32, #tpu.memory_space<vmem>>) target(%dma_start3A_217 : memref<10240x128xf32, #tpu.memory_space<vmem_shared>>) offsets(%arg20 : memref<80xi32, #tpu.memory_space<vmem>>) semaphore(%arg40 : memref<!tpu.dma_semaphore, #tpu.memory_space<semaphore_mem>>) {add = true}
    %dma_wait3A_218 = arith.constant 0 : i32
    %dma_wait3A_219 = arith.constant 0 : i32
    %dma_wait3A_220 = tpu.memref_slice %arg2[%dma_wait3A_218, %dma_wait3A_219] : memref<10000x128xf32, #tpu.memory_space<hbm>> -> memref<10000x128xf32, #tpu.memory_space<hbm>>
    tpu.wait_indirect_dma semaphore(%arg37 : memref<!tpu.dma_semaphore, #tpu.memory_space<semaphore_mem>>) src(%dma_wait3A_220 : memref<10000x128xf32, #tpu.memory_space<hbm>>) dst(%arg25 : memref<80x128xf32, #tpu.memory_space<vmem>>)
    %dma_start3A_221 = arith.constant 0 : i32
    %dma_start3A_222 = arith.constant 0 : i32
    %dma_start3A_223 = tpu.memref_slice %arg6[%dma_start3A_221, %dma_start3A_222] : memref<10240x128xf32, #tpu.memory_space<vmem_shared>> -> memref<10240x128xf32, #tpu.memory_space<vmem_shared>>
    tpu.enqueue_indirect_dma source(%arg25 : memref<80x128xf32, #tpu.memory_space<vmem>>) target(%dma_start3A_223 : memref<10240x128xf32, #tpu.memory_space<vmem_shared>>) offsets(%arg21 : memref<80xi32, #tpu.memory_space<vmem>>) semaphore(%arg41 : memref<!tpu.dma_semaphore, #tpu.memory_space<semaphore_mem>>) {add = true}
    %dma_wait3A_224 = arith.constant 0 : i32
    %dma_wait3A_225 = arith.constant 0 : i32
    %dma_wait3A_226 = tpu.memref_slice %arg6[%dma_wait3A_224, %dma_wait3A_225] : memref<10240x128xf32, #tpu.memory_space<vmem_shared>> -> memref<10240x128xf32, #tpu.memory_space<vmem_shared>>
    tpu.wait_indirect_dma semaphore(%arg40 : memref<!tpu.dma_semaphore, #tpu.memory_space<semaphore_mem>>) src(%arg24 : memref<80x128xf32, #tpu.memory_space<vmem>>) dst(%dma_wait3A_226 : memref<10240x128xf32, #tpu.memory_space<vmem_shared>>)
    %dma_wait3A_227 = arith.constant 0 : i32
    %dma_wait3A_228 = tpu.memref_slice %arg3[%dma_wait3A_227] : memref<320000xi32, #tpu.memory_space<hbm>> -> memref<80xi32, #tpu.memory_space<hbm>>
    %dma_wait3A_229 = arith.constant 0 : i32
    %dma_wait3A_230 = tpu.memref_slice %arg3[%dma_wait3A_229] : memref<320000xi32, #tpu.memory_space<hbm>> -> memref<80xi32, #tpu.memory_space<hbm>>
    tpu.wait_dma2 semaphore(%arg28 : memref<!tpu.dma_semaphore, #tpu.memory_space<semaphore_mem>>) src(%dma_wait3A_230 : memref<80xi32, #tpu.memory_space<hbm>>) dst(%arg8 : memref<80xi32, #tpu.memory_space<vmem>>)
    %dma_wait3A_231 = arith.constant 0 : i32
    %dma_wait3A_232 = tpu.memref_slice %arg4[%dma_wait3A_231] : memref<320000xi32, #tpu.memory_space<hbm>> -> memref<80xi32, #tpu.memory_space<hbm>>
    %dma_wait3A_233 = arith.constant 0 : i32
    %dma_wait3A_234 = tpu.memref_slice %arg4[%dma_wait3A_233] : memref<320000xi32, #tpu.memory_space<hbm>> -> memref<80xi32, #tpu.memory_space<hbm>>
    tpu.wait_dma2 semaphore(%arg28 : memref<!tpu.dma_semaphore, #tpu.memory_space<semaphore_mem>>) src(%dma_wait3A_234 : memref<80xi32, #tpu.memory_space<hbm>>) dst(%arg16 : memref<80xi32, #tpu.memory_space<vmem>>)
    %dma_start3A_235 = arith.constant 0 : i32
    %dma_start3A_236 = arith.constant 0 : i32
    %dma_start3A_237 = tpu.memref_slice %arg2[%dma_start3A_235, %dma_start3A_236] : memref<10000x128xf32, #tpu.memory_space<hbm>> -> memref<10000x128xf32, #tpu.memory_space<hbm>>
    tpu.enqueue_indirect_dma source(%dma_start3A_237 : memref<10000x128xf32, #tpu.memory_space<hbm>>) target(%arg24 : memref<80x128xf32, #tpu.memory_space<vmem>>) offsets(%arg8 : memref<80xi32, #tpu.memory_space<vmem>>) semaphore(%arg36 : memref<!tpu.dma_semaphore, #tpu.memory_space<semaphore_mem>>)
    %dma_wait3A_238 = arith.constant 0 : i32
    %dma_wait3A_239 = arith.constant 0 : i32
    %dma_wait3A_240 = tpu.memref_slice %arg6[%dma_wait3A_238, %dma_wait3A_239] : memref<10240x128xf32, #tpu.memory_space<vmem_shared>> -> memref<10240x128xf32, #tpu.memory_space<vmem_shared>>
    tpu.wait_indirect_dma semaphore(%arg41 : memref<!tpu.dma_semaphore, #tpu.memory_space<semaphore_mem>>) src(%arg25 : memref<80x128xf32, #tpu.memory_space<vmem>>) dst(%dma_wait3A_240 : memref<10240x128xf32, #tpu.memory_space<vmem_shared>>)
    %dma_wait3A_241 = arith.constant 0 : i32
    %dma_wait3A_242 = tpu.memref_slice %arg3[%dma_wait3A_241] : memref<320000xi32, #tpu.memory_space<hbm>> -> memref<80xi32, #tpu.memory_space<hbm>>
    %dma_wait3A_243 = arith.constant 0 : i32
    %dma_wait3A_244 = tpu.memref_slice %arg3[%dma_wait3A_243] : memref<320000xi32, #tpu.memory_space<hbm>> -> memref<80xi32, #tpu.memory_space<hbm>>
    tpu.wait_dma2 semaphore(%arg29 : memref<!tpu.dma_semaphore, #tpu.memory_space<semaphore_mem>>) src(%dma_wait3A_244 : memref<80xi32, #tpu.memory_space<hbm>>) dst(%arg9 : memref<80xi32, #tpu.memory_space<vmem>>)
    %dma_wait3A_245 = arith.constant 0 : i32
    %dma_wait3A_246 = tpu.memref_slice %arg4[%dma_wait3A_245] : memref<320000xi32, #tpu.memory_space<hbm>> -> memref<80xi32, #tpu.memory_space<hbm>>
    %dma_wait3A_247 = arith.constant 0 : i32
    %dma_wait3A_248 = tpu.memref_slice %arg4[%dma_wait3A_247] : memref<320000xi32, #tpu.memory_space<hbm>> -> memref<80xi32, #tpu.memory_space<hbm>>
    tpu.wait_dma2 semaphore(%arg29 : memref<!tpu.dma_semaphore, #tpu.memory_space<semaphore_mem>>) src(%dma_wait3A_248 : memref<80xi32, #tpu.memory_space<hbm>>) dst(%arg17 : memref<80xi32, #tpu.memory_space<vmem>>)
    %dma_start3A_249 = arith.constant 0 : i32
    %dma_start3A_250 = arith.constant 0 : i32
    %dma_start3A_251 = tpu.memref_slice %arg2[%dma_start3A_249, %dma_start3A_250] : memref<10000x128xf32, #tpu.memory_space<hbm>> -> memref<10000x128xf32, #tpu.memory_space<hbm>>
    tpu.enqueue_indirect_dma source(%dma_start3A_251 : memref<10000x128xf32, #tpu.memory_space<hbm>>) target(%arg25 : memref<80x128xf32, #tpu.memory_space<vmem>>) offsets(%arg9 : memref<80xi32, #tpu.memory_space<vmem>>) semaphore(%arg37 : memref<!tpu.dma_semaphore, #tpu.memory_space<semaphore_mem>>)
    %add3A_252 = arith.constant 9920 : i32
    %add3A_253 = arith.addi %mul3A_2, %add3A_252 : i32
    %dma_start3A_254 = tpu.memref_slice %arg3[%add3A_253] : memref<320000xi32, #tpu.memory_space<hbm>> -> memref<80xi32, #tpu.memory_space<hbm>>
    %dma_start3A_255 = tpu.memref_slice %arg3[%add3A_253] : memref<320000xi32, #tpu.memory_space<hbm>> -> memref<80xi32, #tpu.memory_space<hbm>>
    tpu.enqueue_dma source(%dma_start3A_255 : memref<80xi32, #tpu.memory_space<hbm>>) target(%arg12 : memref<80xi32, #tpu.memory_space<vmem>>) target_semaphore(%arg32 : memref<!tpu.dma_semaphore, #tpu.memory_space<semaphore_mem>>)
    %dma_start3A_256 = tpu.memref_slice %arg4[%add3A_253] : memref<320000xi32, #tpu.memory_space<hbm>> -> memref<80xi32, #tpu.memory_space<hbm>>
    %dma_start3A_257 = tpu.memref_slice %arg4[%add3A_253] : memref<320000xi32, #tpu.memory_space<hbm>> -> memref<80xi32, #tpu.memory_space<hbm>>
    tpu.enqueue_dma source(%dma_start3A_257 : memref<80xi32, #tpu.memory_space<hbm>>) target(%arg20 : memref<80xi32, #tpu.memory_space<vmem>>) target_semaphore(%arg32 : memref<!tpu.dma_semaphore, #tpu.memory_space<semaphore_mem>>)
    %dma_wait3A_258 = arith.constant 0 : i32
    %dma_wait3A_259 = arith.constant 0 : i32
    %dma_wait3A_260 = tpu.memref_slice %arg2[%dma_wait3A_258, %dma_wait3A_259] : memref<10000x128xf32, #tpu.memory_space<hbm>> -> memref<10000x128xf32, #tpu.memory_space<hbm>>
    tpu.wait_indirect_dma semaphore(%arg38 : memref<!tpu.dma_semaphore, #tpu.memory_space<semaphore_mem>>) src(%dma_wait3A_260 : memref<10000x128xf32, #tpu.memory_space<hbm>>) dst(%arg26 : memref<80x128xf32, #tpu.memory_space<vmem>>)
    %dma_start3A_261 = arith.constant 0 : i32
    %dma_start3A_262 = arith.constant 0 : i32
    %dma_start3A_263 = tpu.memref_slice %arg6[%dma_start3A_261, %dma_start3A_262] : memref<10240x128xf32, #tpu.memory_space<vmem_shared>> -> memref<10240x128xf32, #tpu.memory_space<vmem_shared>>
    tpu.enqueue_indirect_dma source(%arg26 : memref<80x128xf32, #tpu.memory_space<vmem>>) target(%dma_start3A_263 : memref<10240x128xf32, #tpu.memory_space<vmem_shared>>) offsets(%arg22 : memref<80xi32, #tpu.memory_space<vmem>>) semaphore(%arg42 : memref<!tpu.dma_semaphore, #tpu.memory_space<semaphore_mem>>) {add = true}
    %dma_wait3A_264 = arith.constant 0 : i32
    %dma_wait3A_265 = arith.constant 0 : i32
    %dma_wait3A_266 = tpu.memref_slice %arg2[%dma_wait3A_264, %dma_wait3A_265] : memref<10000x128xf32, #tpu.memory_space<hbm>> -> memref<10000x128xf32, #tpu.memory_space<hbm>>
    tpu.wait_indirect_dma semaphore(%arg39 : memref<!tpu.dma_semaphore, #tpu.memory_space<semaphore_mem>>) src(%dma_wait3A_266 : memref<10000x128xf32, #tpu.memory_space<hbm>>) dst(%arg27 : memref<80x128xf32, #tpu.memory_space<vmem>>)
    %dma_start3A_267 = arith.constant 0 : i32
    %dma_start3A_268 = arith.constant 0 : i32
    %dma_start3A_269 = tpu.memref_slice %arg6[%dma_start3A_267, %dma_start3A_268] : memref<10240x128xf32, #tpu.memory_space<vmem_shared>> -> memref<10240x128xf32, #tpu.memory_space<vmem_shared>>
    tpu.enqueue_indirect_dma source(%arg27 : memref<80x128xf32, #tpu.memory_space<vmem>>) target(%dma_start3A_269 : memref<10240x128xf32, #tpu.memory_space<vmem_shared>>) offsets(%arg23 : memref<80xi32, #tpu.memory_space<vmem>>) semaphore(%arg43 : memref<!tpu.dma_semaphore, #tpu.memory_space<semaphore_mem>>) {add = true}
    %dma_wait3A_270 = arith.constant 0 : i32
    %dma_wait3A_271 = arith.constant 0 : i32
    %dma_wait3A_272 = tpu.memref_slice %arg6[%dma_wait3A_270, %dma_wait3A_271] : memref<10240x128xf32, #tpu.memory_space<vmem_shared>> -> memref<10240x128xf32, #tpu.memory_space<vmem_shared>>
    tpu.wait_indirect_dma semaphore(%arg42 : memref<!tpu.dma_semaphore, #tpu.memory_space<semaphore_mem>>) src(%arg26 : memref<80x128xf32, #tpu.memory_space<vmem>>) dst(%dma_wait3A_272 : memref<10240x128xf32, #tpu.memory_space<vmem_shared>>)
    %dma_wait3A_273 = arith.constant 0 : i32
    %dma_wait3A_274 = tpu.memref_slice %arg3[%dma_wait3A_273] : memref<320000xi32, #tpu.memory_space<hbm>> -> memref<80xi32, #tpu.memory_space<hbm>>
    %dma_wait3A_275 = arith.constant 0 : i32
    %dma_wait3A_276 = tpu.memref_slice %arg3[%dma_wait3A_275] : memref<320000xi32, #tpu.memory_space<hbm>> -> memref<80xi32, #tpu.memory_space<hbm>>
    tpu.wait_dma2 semaphore(%arg30 : memref<!tpu.dma_semaphore, #tpu.memory_space<semaphore_mem>>) src(%dma_wait3A_276 : memref<80xi32, #tpu.memory_space<hbm>>) dst(%arg10 : memref<80xi32, #tpu.memory_space<vmem>>)
    %dma_wait3A_277 = arith.constant 0 : i32
    %dma_wait3A_278 = tpu.memref_slice %arg4[%dma_wait3A_277] : memref<320000xi32, #tpu.memory_space<hbm>> -> memref<80xi32, #tpu.memory_space<hbm>>
    %dma_wait3A_279 = arith.constant 0 : i32
    %dma_wait3A_280 = tpu.memref_slice %arg4[%dma_wait3A_279] : memref<320000xi32, #tpu.memory_space<hbm>> -> memref<80xi32, #tpu.memory_space<hbm>>
    tpu.wait_dma2 semaphore(%arg30 : memref<!tpu.dma_semaphore, #tpu.memory_space<semaphore_mem>>) src(%dma_wait3A_280 : memref<80xi32, #tpu.memory_space<hbm>>) dst(%arg18 : memref<80xi32, #tpu.memory_space<vmem>>)
    %dma_start3A_281 = arith.constant 0 : i32
    %dma_start3A_282 = arith.constant 0 : i32
    %dma_start3A_283 = tpu.memref_slice %arg2[%dma_start3A_281, %dma_start3A_282] : memref<10000x128xf32, #tpu.memory_space<hbm>> -> memref<10000x128xf32, #tpu.memory_space<hbm>>
    tpu.enqueue_indirect_dma source(%dma_start3A_283 : memref<10000x128xf32, #tpu.memory_space<hbm>>) target(%arg26 : memref<80x128xf32, #tpu.memory_space<vmem>>) offsets(%arg10 : memref<80xi32, #tpu.memory_space<vmem>>) semaphore(%arg38 : memref<!tpu.dma_semaphore, #tpu.memory_space<semaphore_mem>>)
    %dma_wait3A_284 = arith.constant 0 : i32
    %dma_wait3A_285 = arith.constant 0 : i32
    %dma_wait3A_286 = tpu.memref_slice %arg6[%dma_wait3A_284, %dma_wait3A_285] : memref<10240x128xf32, #tpu.memory_space<vmem_shared>> -> memref<10240x128xf32, #tpu.memory_space<vmem_shared>>
    tpu.wait_indirect_dma semaphore(%arg43 : memref<!tpu.dma_semaphore, #tpu.memory_space<semaphore_mem>>) src(%arg27 : memref<80x128xf32, #tpu.memory_space<vmem>>) dst(%dma_wait3A_286 : memref<10240x128xf32, #tpu.memory_space<vmem_shared>>)
    %dma_wait3A_287 = arith.constant 0 : i32
    %dma_wait3A_288 = tpu.memref_slice %arg3[%dma_wait3A_287] : memref<320000xi32, #tpu.memory_space<hbm>> -> memref<80xi32, #tpu.memory_space<hbm>>
    %dma_wait3A_289 = arith.constant 0 : i32
    %dma_wait3A_290 = tpu.memref_slice %arg3[%dma_wait3A_289] : memref<320000xi32, #tpu.memory_space<hbm>> -> memref<80xi32, #tpu.memory_space<hbm>>
    tpu.wait_dma2 semaphore(%arg31 : memref<!tpu.dma_semaphore, #tpu.memory_space<semaphore_mem>>) src(%dma_wait3A_290 : memref<80xi32, #tpu.memory_space<hbm>>) dst(%arg11 : memref<80xi32, #tpu.memory_space<vmem>>)
    %dma_wait3A_291 = arith.constant 0 : i32
    %dma_wait3A_292 = tpu.memref_slice %arg4[%dma_wait3A_291] : memref<320000xi32, #tpu.memory_space<hbm>> -> memref<80xi32, #tpu.memory_space<hbm>>
    %dma_wait3A_293 = arith.constant 0 : i32
    %dma_wait3A_294 = tpu.memref_slice %arg4[%dma_wait3A_293] : memref<320000xi32, #tpu.memory_space<hbm>> -> memref<80xi32, #tpu.memory_space<hbm>>
    tpu.wait_dma2 semaphore(%arg31 : memref<!tpu.dma_semaphore, #tpu.memory_space<semaphore_mem>>) src(%dma_wait3A_294 : memref<80xi32, #tpu.memory_space<hbm>>) dst(%arg19 : memref<80xi32, #tpu.memory_space<vmem>>)
    %dma_start3A_295 = arith.constant 0 : i32
    %dma_start3A_296 = arith.constant 0 : i32
    %dma_start3A_297 = tpu.memref_slice %arg2[%dma_start3A_295, %dma_start3A_296] : memref<10000x128xf32, #tpu.memory_space<hbm>> -> memref<10000x128xf32, #tpu.memory_space<hbm>>
    tpu.enqueue_indirect_dma source(%dma_start3A_297 : memref<10000x128xf32, #tpu.memory_space<hbm>>) target(%arg27 : memref<80x128xf32, #tpu.memory_space<vmem>>) offsets(%arg11 : memref<80xi32, #tpu.memory_space<vmem>>) semaphore(%arg39 : memref<!tpu.dma_semaphore, #tpu.memory_space<semaphore_mem>>)
    %dma_wait3A_298 = arith.constant 0 : i32
    %dma_wait3A_299 = arith.constant 0 : i32
    %dma_wait3A_300 = tpu.memref_slice %arg2[%dma_wait3A_298, %dma_wait3A_299] : memref<10000x128xf32, #tpu.memory_space<hbm>> -> memref<10000x128xf32, #tpu.memory_space<hbm>>
    tpu.wait_indirect_dma semaphore(%arg36 : memref<!tpu.dma_semaphore, #tpu.memory_space<semaphore_mem>>) src(%dma_wait3A_300 : memref<10000x128xf32, #tpu.memory_space<hbm>>) dst(%arg24 : memref<80x128xf32, #tpu.memory_space<vmem>>)
    %dma_start3A_301 = arith.constant 0 : i32
    %dma_start3A_302 = arith.constant 0 : i32
    %dma_start3A_303 = tpu.memref_slice %arg6[%dma_start3A_301, %dma_start3A_302] : memref<10240x128xf32, #tpu.memory_space<vmem_shared>> -> memref<10240x128xf32, #tpu.memory_space<vmem_shared>>
    tpu.enqueue_indirect_dma source(%arg24 : memref<80x128xf32, #tpu.memory_space<vmem>>) target(%dma_start3A_303 : memref<10240x128xf32, #tpu.memory_space<vmem_shared>>) offsets(%arg16 : memref<80xi32, #tpu.memory_space<vmem>>) semaphore(%arg40 : memref<!tpu.dma_semaphore, #tpu.memory_space<semaphore_mem>>) {add = true}
    %dma_wait3A_304 = arith.constant 0 : i32
    %dma_wait3A_305 = arith.constant 0 : i32
    %dma_wait3A_306 = tpu.memref_slice %arg2[%dma_wait3A_304, %dma_wait3A_305] : memref<10000x128xf32, #tpu.memory_space<hbm>> -> memref<10000x128xf32, #tpu.memory_space<hbm>>
    tpu.wait_indirect_dma semaphore(%arg37 : memref<!tpu.dma_semaphore, #tpu.memory_space<semaphore_mem>>) src(%dma_wait3A_306 : memref<10000x128xf32, #tpu.memory_space<hbm>>) dst(%arg25 : memref<80x128xf32, #tpu.memory_space<vmem>>)
    %dma_start3A_307 = arith.constant 0 : i32
    %dma_start3A_308 = arith.constant 0 : i32
    %dma_start3A_309 = tpu.memref_slice %arg6[%dma_start3A_307, %dma_start3A_308] : memref<10240x128xf32, #tpu.memory_space<vmem_shared>> -> memref<10240x128xf32, #tpu.memory_space<vmem_shared>>
    tpu.enqueue_indirect_dma source(%arg25 : memref<80x128xf32, #tpu.memory_space<vmem>>) target(%dma_start3A_309 : memref<10240x128xf32, #tpu.memory_space<vmem_shared>>) offsets(%arg17 : memref<80xi32, #tpu.memory_space<vmem>>) semaphore(%arg41 : memref<!tpu.dma_semaphore, #tpu.memory_space<semaphore_mem>>) {add = true}
    %dma_wait3A_310 = arith.constant 0 : i32
    %dma_wait3A_311 = arith.constant 0 : i32
    %dma_wait3A_312 = tpu.memref_slice %arg6[%dma_wait3A_310, %dma_wait3A_311] : memref<10240x128xf32, #tpu.memory_space<vmem_shared>> -> memref<10240x128xf32, #tpu.memory_space<vmem_shared>>
    tpu.wait_indirect_dma semaphore(%arg40 : memref<!tpu.dma_semaphore, #tpu.memory_space<semaphore_mem>>) src(%arg24 : memref<80x128xf32, #tpu.memory_space<vmem>>) dst(%dma_wait3A_312 : memref<10240x128xf32, #tpu.memory_space<vmem_shared>>)
    %dma_wait3A_313 = arith.constant 0 : i32
    %dma_wait3A_314 = tpu.memref_slice %arg3[%dma_wait3A_313] : memref<320000xi32, #tpu.memory_space<hbm>> -> memref<80xi32, #tpu.memory_space<hbm>>
    %dma_wait3A_315 = arith.constant 0 : i32
    %dma_wait3A_316 = tpu.memref_slice %arg3[%dma_wait3A_315] : memref<320000xi32, #tpu.memory_space<hbm>> -> memref<80xi32, #tpu.memory_space<hbm>>
    tpu.wait_dma2 semaphore(%arg32 : memref<!tpu.dma_semaphore, #tpu.memory_space<semaphore_mem>>) src(%dma_wait3A_316 : memref<80xi32, #tpu.memory_space<hbm>>) dst(%arg12 : memref<80xi32, #tpu.memory_space<vmem>>)
    %dma_wait3A_317 = arith.constant 0 : i32
    %dma_wait3A_318 = tpu.memref_slice %arg4[%dma_wait3A_317] : memref<320000xi32, #tpu.memory_space<hbm>> -> memref<80xi32, #tpu.memory_space<hbm>>
    %dma_wait3A_319 = arith.constant 0 : i32
    %dma_wait3A_320 = tpu.memref_slice %arg4[%dma_wait3A_319] : memref<320000xi32, #tpu.memory_space<hbm>> -> memref<80xi32, #tpu.memory_space<hbm>>
    tpu.wait_dma2 semaphore(%arg32 : memref<!tpu.dma_semaphore, #tpu.memory_space<semaphore_mem>>) src(%dma_wait3A_320 : memref<80xi32, #tpu.memory_space<hbm>>) dst(%arg20 : memref<80xi32, #tpu.memory_space<vmem>>)
    %dma_start3A_321 = arith.constant 0 : i32
    %dma_start3A_322 = arith.constant 0 : i32
    %dma_start3A_323 = tpu.memref_slice %arg2[%dma_start3A_321, %dma_start3A_322] : memref<10000x128xf32, #tpu.memory_space<hbm>> -> memref<10000x128xf32, #tpu.memory_space<hbm>>
    tpu.enqueue_indirect_dma source(%dma_start3A_323 : memref<10000x128xf32, #tpu.memory_space<hbm>>) target(%arg24 : memref<80x128xf32, #tpu.memory_space<vmem>>) offsets(%arg12 : memref<80xi32, #tpu.memory_space<vmem>>) semaphore(%arg36 : memref<!tpu.dma_semaphore, #tpu.memory_space<semaphore_mem>>)
    %dma_wait3A_324 = arith.constant 0 : i32
    %dma_wait3A_325 = arith.constant 0 : i32
    %dma_wait3A_326 = tpu.memref_slice %arg2[%dma_wait3A_324, %dma_wait3A_325] : memref<10000x128xf32, #tpu.memory_space<hbm>> -> memref<10000x128xf32, #tpu.memory_space<hbm>>
    tpu.wait_indirect_dma semaphore(%arg38 : memref<!tpu.dma_semaphore, #tpu.memory_space<semaphore_mem>>) src(%dma_wait3A_326 : memref<10000x128xf32, #tpu.memory_space<hbm>>) dst(%arg26 : memref<80x128xf32, #tpu.memory_space<vmem>>)
    %dma_start3A_327 = arith.constant 0 : i32
    %dma_start3A_328 = arith.constant 0 : i32
    %dma_start3A_329 = tpu.memref_slice %arg6[%dma_start3A_327, %dma_start3A_328] : memref<10240x128xf32, #tpu.memory_space<vmem_shared>> -> memref<10240x128xf32, #tpu.memory_space<vmem_shared>>
    tpu.enqueue_indirect_dma source(%arg26 : memref<80x128xf32, #tpu.memory_space<vmem>>) target(%dma_start3A_329 : memref<10240x128xf32, #tpu.memory_space<vmem_shared>>) offsets(%arg18 : memref<80xi32, #tpu.memory_space<vmem>>) semaphore(%arg42 : memref<!tpu.dma_semaphore, #tpu.memory_space<semaphore_mem>>) {add = true}
    %dma_wait3A_330 = arith.constant 0 : i32
    %dma_wait3A_331 = arith.constant 0 : i32
    %dma_wait3A_332 = tpu.memref_slice %arg2[%dma_wait3A_330, %dma_wait3A_331] : memref<10000x128xf32, #tpu.memory_space<hbm>> -> memref<10000x128xf32, #tpu.memory_space<hbm>>
    tpu.wait_indirect_dma semaphore(%arg39 : memref<!tpu.dma_semaphore, #tpu.memory_space<semaphore_mem>>) src(%dma_wait3A_332 : memref<10000x128xf32, #tpu.memory_space<hbm>>) dst(%arg27 : memref<80x128xf32, #tpu.memory_space<vmem>>)
    %dma_start3A_333 = arith.constant 0 : i32
    %dma_start3A_334 = arith.constant 0 : i32
    %dma_start3A_335 = tpu.memref_slice %arg6[%dma_start3A_333, %dma_start3A_334] : memref<10240x128xf32, #tpu.memory_space<vmem_shared>> -> memref<10240x128xf32, #tpu.memory_space<vmem_shared>>
    tpu.enqueue_indirect_dma source(%arg27 : memref<80x128xf32, #tpu.memory_space<vmem>>) target(%dma_start3A_335 : memref<10240x128xf32, #tpu.memory_space<vmem_shared>>) offsets(%arg19 : memref<80xi32, #tpu.memory_space<vmem>>) semaphore(%arg43 : memref<!tpu.dma_semaphore, #tpu.memory_space<semaphore_mem>>) {add = true}
    %dma_wait3A_336 = arith.constant 0 : i32
    %dma_wait3A_337 = arith.constant 0 : i32
    %dma_wait3A_338 = tpu.memref_slice %arg6[%dma_wait3A_336, %dma_wait3A_337] : memref<10240x128xf32, #tpu.memory_space<vmem_shared>> -> memref<10240x128xf32, #tpu.memory_space<vmem_shared>>
    tpu.wait_indirect_dma semaphore(%arg41 : memref<!tpu.dma_semaphore, #tpu.memory_space<semaphore_mem>>) src(%arg25 : memref<80x128xf32, #tpu.memory_space<vmem>>) dst(%dma_wait3A_338 : memref<10240x128xf32, #tpu.memory_space<vmem_shared>>)
    %dma_wait3A_339 = arith.constant 0 : i32
    %dma_wait3A_340 = arith.constant 0 : i32
    %dma_wait3A_341 = tpu.memref_slice %arg6[%dma_wait3A_339, %dma_wait3A_340] : memref<10240x128xf32, #tpu.memory_space<vmem_shared>> -> memref<10240x128xf32, #tpu.memory_space<vmem_shared>>
    tpu.wait_indirect_dma semaphore(%arg42 : memref<!tpu.dma_semaphore, #tpu.memory_space<semaphore_mem>>) src(%arg26 : memref<80x128xf32, #tpu.memory_space<vmem>>) dst(%dma_wait3A_341 : memref<10240x128xf32, #tpu.memory_space<vmem_shared>>)
    %dma_wait3A_342 = arith.constant 0 : i32
    %dma_wait3A_343 = arith.constant 0 : i32
    %dma_wait3A_344 = tpu.memref_slice %arg6[%dma_wait3A_342, %dma_wait3A_343] : memref<10240x128xf32, #tpu.memory_space<vmem_shared>> -> memref<10240x128xf32, #tpu.memory_space<vmem_shared>>
    tpu.wait_indirect_dma semaphore(%arg43 : memref<!tpu.dma_semaphore, #tpu.memory_space<semaphore_mem>>) src(%arg27 : memref<80x128xf32, #tpu.memory_space<vmem>>) dst(%dma_wait3A_344 : memref<10240x128xf32, #tpu.memory_space<vmem_shared>>)
    %dma_wait3A_345 = arith.constant 0 : i32
    %dma_wait3A_346 = arith.constant 0 : i32
    %dma_wait3A_347 = tpu.memref_slice %arg2[%dma_wait3A_345, %dma_wait3A_346] : memref<10000x128xf32, #tpu.memory_space<hbm>> -> memref<10000x128xf32, #tpu.memory_space<hbm>>
    tpu.wait_indirect_dma semaphore(%arg36 : memref<!tpu.dma_semaphore, #tpu.memory_space<semaphore_mem>>) src(%dma_wait3A_347 : memref<10000x128xf32, #tpu.memory_space<hbm>>) dst(%arg24 : memref<80x128xf32, #tpu.memory_space<vmem>>)
    %dma_start3A_348 = arith.constant 0 : i32
    %dma_start3A_349 = arith.constant 0 : i32
    %dma_start3A_350 = tpu.memref_slice %arg6[%dma_start3A_348, %dma_start3A_349] : memref<10240x128xf32, #tpu.memory_space<vmem_shared>> -> memref<10240x128xf32, #tpu.memory_space<vmem_shared>>
    tpu.enqueue_indirect_dma source(%arg24 : memref<80x128xf32, #tpu.memory_space<vmem>>) target(%dma_start3A_350 : memref<10240x128xf32, #tpu.memory_space<vmem_shared>>) offsets(%arg20 : memref<80xi32, #tpu.memory_space<vmem>>) semaphore(%arg40 : memref<!tpu.dma_semaphore, #tpu.memory_space<semaphore_mem>>) {add = true}
    %dma_wait3A_351 = arith.constant 0 : i32
    %dma_wait3A_352 = arith.constant 0 : i32
    %dma_wait3A_353 = tpu.memref_slice %arg6[%dma_wait3A_351, %dma_wait3A_352] : memref<10240x128xf32, #tpu.memory_space<vmem_shared>> -> memref<10240x128xf32, #tpu.memory_space<vmem_shared>>
    tpu.wait_indirect_dma semaphore(%arg40 : memref<!tpu.dma_semaphore, #tpu.memory_space<semaphore_mem>>) src(%arg24 : memref<80x128xf32, #tpu.memory_space<vmem>>) dst(%dma_wait3A_353 : memref<10240x128xf32, #tpu.memory_space<vmem_shared>>)
    %barrier3A_354 = arith.constant 0 : index
    tpu.barrier barrier_id(%barrier3A_354)
    %mul3A_355 = arith.constant 640 : i32
    %mul3A_356 = arith.muli %arg1, %mul3A_355 : i32
    %mul3A_357 = arith.constant 640 : i32
    %mul3A_358 = arith.muli %arg1, %mul3A_357 : i32
    "tpu.region"() ({
      %run_scoped3A = tpu.sem_alloc : memref<!tpu.dma_semaphore, #tpu.memory_space<semaphore_mem>>
      %dma_start3A_359 = arith.constant 0 : i32
      %dma_start3A_360 = tpu.memref_slice %arg5[%arg0, %mul3A_358, %dma_start3A_359] : memref<2x10240x128xf32, #tpu.memory_space<hbm>> -> memref<1x640x128xf32, #tpu.memory_space<hbm>>
      %dma_start3A_361 = tpu.memref_squeeze %dma_start3A_360 : memref<1x640x128xf32, #tpu.memory_space<hbm>> -> memref<640x128xf32, #tpu.memory_space<hbm>>
      %dma_start3A_362 = arith.constant 0 : i32
      %dma_start3A_363 = tpu.memref_slice %arg6[%mul3A_356, %dma_start3A_362] : memref<10240x128xf32, #tpu.memory_space<vmem_shared>> -> memref<640x128xf32, #tpu.memory_space<vmem_shared>>
      tpu.enqueue_dma source(%dma_start3A_363 : memref<640x128xf32, #tpu.memory_space<vmem_shared>>) target(%dma_start3A_361 : memref<640x128xf32, #tpu.memory_space<hbm>>) target_semaphore(%run_scoped3A : memref<!tpu.dma_semaphore, #tpu.memory_space<semaphore_mem>>)
      %dma_wait3A_364 = arith.constant 0 : i32
      %dma_wait3A_365 = tpu.memref_slice %arg5[%arg0, %mul3A_358, %dma_wait3A_364] : memref<2x10240x128xf32, #tpu.memory_space<hbm>> -> memref<1x640x128xf32, #tpu.memory_space<hbm>>
      %dma_wait3A_366 = tpu.memref_squeeze %dma_wait3A_365 : memref<1x640x128xf32, #tpu.memory_space<hbm>> -> memref<640x128xf32, #tpu.memory_space<hbm>>
      %dma_wait3A_367 = arith.constant 0 : i32
      %dma_wait3A_368 = tpu.memref_slice %arg6[%mul3A_356, %dma_wait3A_367] : memref<10240x128xf32, #tpu.memory_space<vmem_shared>> -> memref<640x128xf32, #tpu.memory_space<vmem_shared>>
      tpu.wait_dma2 semaphore(%run_scoped3A : memref<!tpu.dma_semaphore, #tpu.memory_space<semaphore_mem>>) src(%dma_wait3A_368 : memref<640x128xf32, #tpu.memory_space<vmem_shared>>) dst(%dma_wait3A_366 : memref<640x128xf32, #tpu.memory_space<hbm>>)
      tpu.yield
    }) : () -> ()
    return
  }
}

module attributes {stable_mosaic.version = 14 : i64} {
  func.func @_mm1_body(%arg0: i32, %arg1: memref<2000x128xf32, #tpu.memory_space<vmem>>, %arg2: memref<128x128xf32, #tpu.memory_space<vmem>>, %arg3: memref<2000x128xf32, #tpu.memory_space<vmem>>) attributes {dimension_semantics = [#tpu.dimension_semantics<arbitrary>], iteration_bounds = array<i64: 5>, scalar_prefetch = 0 : i64, scratch_operands = 0 : i64, tpu.core_type = #tpu.core_type<tc>, window_params = [{transform_indices = @transform_0, window_bounds = array<i64: 2000, 128>}, {pipeline_mode = #tpu.pipeline_mode<synchronous>, transform_indices = @transform_1, window_bounds = array<i64: 128, 128>}, {transform_indices = @transform_2, window_bounds = array<i64: 2000, 128>}]} {
    %get3A = arith.constant 0 : index
    %get3A_0 = arith.constant 0 : index
    %get3A_1 = vector.load %arg1[%get3A, %get3A_0] : memref<2000x128xf32, #tpu.memory_space<vmem>>, vector<2000x128xf32>
    %get3A_2 = arith.constant 0 : index
    %get3A_3 = arith.constant 0 : index
    %get3A_4 = vector.load %arg2[%get3A_2, %get3A_3] : memref<128x128xf32, #tpu.memory_space<vmem>>, vector<128x128xf32>
    %dot_general3A = arith.constant dense<0.000000e+00> : vector<2000x128xf32>
    %dot_general3A_5 = tpu.matmul %get3A_1, %get3A_4, %dot_general3A {dimension_numbers = #tpu.dot_dimension_numbers<[1], [0], [0], [1], [0, 0, 1, 1], [], []>, transpose_lhs_hint = false} : vector<2000x128xf32>, vector<128x128xf32>, vector<2000x128xf32> -> vector<2000x128xf32>
    %swap3A = arith.constant 0 : index
    %swap3A_6 = arith.constant 0 : index
    %swap3A_7 = vector.load %arg3[%swap3A, %swap3A_6] : memref<2000x128xf32, #tpu.memory_space<vmem>>, vector<2000x128xf32>
    tpu.vector_store %arg3[%swap3A, %swap3A_6], %dot_general3A_5 {strides = array<i32>} : memref<2000x128xf32, #tpu.memory_space<vmem>>, vector<2000x128xf32>,
    return
  }
  func.func @transform_0(%arg0: i32) -> (i32, i32) {
    %c0_i32 = arith.constant 0 : i32
    %c0_i32_0 = arith.constant 0 : i32
    return %arg0, %c0_i32 : i32, i32
  }
  func.func @transform_1(%arg0: i32) -> (i32, i32) {
    %c0_i32 = arith.constant 0 : i32
    %c0_i32_0 = arith.constant 0 : i32
    %c0_i32_1 = arith.constant 0 : i32
    return %c0_i32, %c0_i32_0 : i32, i32
  }
  func.func @transform_2(%arg0: i32) -> (i32, i32) {
    %c0_i32 = arith.constant 0 : i32
    %c0_i32_0 = arith.constant 0 : i32
    return %arg0, %c0_i32 : i32, i32
  }
}

module attributes {stable_mosaic.version = 14 : i64} {
  func.func @_scale1_body(%arg0: i32, %arg1: memref<2000x1xf32, #tpu.memory_space<vmem>>, %arg2: memref<2000x1xf32, #tpu.memory_space<vmem>>, %arg3: memref<2000x128xf32, #tpu.memory_space<vmem>>, %arg4: memref<2000x128xf32, #tpu.memory_space<vmem>>, %arg5: memref<2000x1xf32, #tpu.memory_space<vmem>>) attributes {dimension_semantics = [#tpu.dimension_semantics<arbitrary>], iteration_bounds = array<i64: 5>, scalar_prefetch = 0 : i64, scratch_operands = 0 : i64, tpu.core_type = #tpu.core_type<tc>, window_params = [{transform_indices = @transform_0, window_bounds = array<i64: 2000, 1>}, {transform_indices = @transform_1, window_bounds = array<i64: 2000, 1>}, {transform_indices = @transform_2, window_bounds = array<i64: 2000, 128>}, {transform_indices = @transform_3, window_bounds = array<i64: 2000, 128>}, {transform_indices = @transform_4, window_bounds = array<i64: 2000, 1>}]} {
    %get3A = arith.constant 0 : index
    %get3A_0 = arith.constant 0 : index
    %get3A_1 = vector.load %arg1[%get3A, %get3A_0] : memref<2000x1xf32, #tpu.memory_space<vmem>>, vector<2000x1xf32>
    %get3A_2 = arith.constant 0 : index
    %get3A_3 = arith.constant 0 : index
    %get3A_4 = vector.load %arg2[%get3A_2, %get3A_3] : memref<2000x1xf32, #tpu.memory_space<vmem>>, vector<2000x1xf32>
    %add3A = arith.addf %get3A_1, %get3A_4 : vector<2000x1xf32>
    %add3A_5 = arith.constant 1.000000e+00 : f32
    %add3A_6 = vector.broadcast %add3A_5 : f32 to vector<2000x1xf32>
    %add3A_7 = arith.addf %add3A, %add3A_6 : vector<2000x1xf32>
    %rsqrt3A = math.rsqrt %add3A_7 : vector<2000x1xf32>
    %get3A_8 = arith.constant 0 : index
    %get3A_9 = arith.constant 0 : index
    %get3A_10 = vector.load %arg3[%get3A_8, %get3A_9] : memref<2000x128xf32, #tpu.memory_space<vmem>>, vector<2000x128xf32>
    %mul3A = vector.broadcast %rsqrt3A : vector<2000x1xf32> to vector<2000x128xf32>
    %mul3A_11 = arith.mulf %get3A_10, %mul3A : vector<2000x128xf32>
    %swap3A = arith.constant 0 : index
    %swap3A_12 = arith.constant 0 : index
    %swap3A_13 = vector.load %arg4[%swap3A, %swap3A_12] : memref<2000x128xf32, #tpu.memory_space<vmem>>, vector<2000x128xf32>
    tpu.vector_store %arg4[%swap3A, %swap3A_12], %mul3A_11 {strides = array<i32>} : memref<2000x128xf32, #tpu.memory_space<vmem>>, vector<2000x128xf32>,
    %swap3A_14 = arith.constant 0 : index
    %swap3A_15 = arith.constant 0 : index
    %swap3A_16 = vector.load %arg5[%swap3A_14, %swap3A_15] : memref<2000x1xf32, #tpu.memory_space<vmem>>, vector<2000x1xf32>
    tpu.vector_store %arg5[%swap3A_14, %swap3A_15], %rsqrt3A {strides = array<i32>} : memref<2000x1xf32, #tpu.memory_space<vmem>>, vector<2000x1xf32>,
    return
  }
  func.func @transform_0(%arg0: i32) -> (i32, i32) {
    %c0_i32 = arith.constant 0 : i32
    %c0_i32_0 = arith.constant 0 : i32
    return %arg0, %c0_i32 : i32, i32
  }
  func.func @transform_1(%arg0: i32) -> (i32, i32) {
    %c0_i32 = arith.constant 0 : i32
    %c0_i32_0 = arith.constant 0 : i32
    return %arg0, %c0_i32 : i32, i32
  }
  func.func @transform_2(%arg0: i32) -> (i32, i32) {
    %c0_i32 = arith.constant 0 : i32
    %c0_i32_0 = arith.constant 0 : i32
    return %arg0, %c0_i32 : i32, i32
  }
  func.func @transform_3(%arg0: i32) -> (i32, i32) {
    %c0_i32 = arith.constant 0 : i32
    %c0_i32_0 = arith.constant 0 : i32
    return %arg0, %c0_i32 : i32, i32
  }
  func.func @transform_4(%arg0: i32) -> (i32, i32) {
    %c0_i32 = arith.constant 0 : i32
    %c0_i32_0 = arith.constant 0 : i32
    return %arg0, %c0_i32 : i32, i32
  }
}

module attributes {stable_mosaic.version = 14 : i64} {
  func.func @_mid2_body(%arg0: i32, %arg1: memref<2000x128xf32, #tpu.memory_space<vmem>>, %arg2: memref<2000x128xf32, #tpu.memory_space<vmem>>, %arg3: memref<2000x128xf32, #tpu.memory_space<vmem>>, %arg4: memref<2000x1xf32, #tpu.memory_space<vmem>>, %arg5: memref<1x128xf32, #tpu.memory_space<vmem>>, %arg6: memref<128x128xf32, #tpu.memory_space<vmem>>, %arg7: memref<2000x128xf32, #tpu.memory_space<vmem>>) attributes {dimension_semantics = [#tpu.dimension_semantics<arbitrary>], iteration_bounds = array<i64: 5>, scalar_prefetch = 0 : i64, scratch_operands = 0 : i64, tpu.core_type = #tpu.core_type<tc>, window_params = [{transform_indices = @transform_0, window_bounds = array<i64: 2000, 128>}, {transform_indices = @transform_1, window_bounds = array<i64: 2000, 128>}, {transform_indices = @transform_2, window_bounds = array<i64: 2000, 128>}, {transform_indices = @transform_3, window_bounds = array<i64: 2000, 1>}, {pipeline_mode = #tpu.pipeline_mode<synchronous>, transform_indices = @transform_4, window_bounds = array<i64: 1, 128>}, {pipeline_mode = #tpu.pipeline_mode<synchronous>, transform_indices = @transform_5, window_bounds = array<i64: 128, 128>}, {transform_indices = @transform_6, window_bounds = array<i64: 2000, 128>}]} {
    %get3A = arith.constant 0 : index
    %get3A_0 = arith.constant 0 : index
    %get3A_1 = vector.load %arg4[%get3A, %get3A_0] : memref<2000x1xf32, #tpu.memory_space<vmem>>, vector<2000x1xf32>
    %get3A_2 = arith.constant 0 : index
    %get3A_3 = arith.constant 0 : index
    %get3A_4 = vector.load %arg1[%get3A_2, %get3A_3] : memref<2000x128xf32, #tpu.memory_space<vmem>>, vector<2000x128xf32>
    %get3A_5 = arith.constant 0 : index
    %get3A_6 = arith.constant 0 : index
    %get3A_7 = vector.load %arg2[%get3A_5, %get3A_6] : memref<2000x128xf32, #tpu.memory_space<vmem>>, vector<2000x128xf32>
    %add3A = arith.addf %get3A_4, %get3A_7 : vector<2000x128xf32>
    %get3A_8 = arith.constant 0 : index
    %get3A_9 = arith.constant 0 : index
    %get3A_10 = vector.load %arg3[%get3A_8, %get3A_9] : memref<2000x128xf32, #tpu.memory_space<vmem>>, vector<2000x128xf32>
    %add3A_11 = arith.addf %add3A, %get3A_10 : vector<2000x128xf32>
    %mul3A = vector.broadcast %get3A_1 : vector<2000x1xf32> to vector<2000x128xf32>
    %mul3A_12 = arith.mulf %add3A_11, %mul3A : vector<2000x128xf32>
    %get3A_13 = arith.constant 0 : index
    %get3A_14 = arith.constant 0 : index
    %get3A_15 = vector.load %arg5[%get3A_13, %get3A_14] : memref<1x128xf32, #tpu.memory_space<vmem>>, vector<1x128xf32>
    %add3A_16 = vector.broadcast %get3A_15 : vector<1x128xf32> to vector<2000x128xf32>
    %add3A_17 = arith.addf %mul3A_12, %add3A_16 : vector<2000x128xf32>
    %max3A = arith.constant 0.000000e+00 : f32
    %max3A_18 = vector.broadcast %max3A : f32 to vector<2000x128xf32>
    %max3A_19 = arith.maximumf %add3A_17, %max3A_18 : vector<2000x128xf32>
    %get3A_20 = arith.constant 0 : index
    %get3A_21 = arith.constant 0 : index
    %get3A_22 = vector.load %arg6[%get3A_20, %get3A_21] : memref<128x128xf32, #tpu.memory_space<vmem>>, vector<128x128xf32>
    %dot_general3A = arith.constant dense<0.000000e+00> : vector<2000x128xf32>
    %dot_general3A_23 = tpu.matmul %max3A_19, %get3A_22, %dot_general3A {dimension_numbers = #tpu.dot_dimension_numbers<[1], [0], [0], [1], [0, 0, 1, 1], [], []>, transpose_lhs_hint = false} : vector<2000x128xf32>, vector<128x128xf32>, vector<2000x128xf32> -> vector<2000x128xf32>
    %mul3A_24 = vector.broadcast %get3A_1 : vector<2000x1xf32> to vector<2000x128xf32>
    %mul3A_25 = arith.mulf %dot_general3A_23, %mul3A_24 : vector<2000x128xf32>
    %swap3A = arith.constant 0 : index
    %swap3A_26 = arith.constant 0 : index
    %swap3A_27 = vector.load %arg7[%swap3A, %swap3A_26] : memref<2000x128xf32, #tpu.memory_space<vmem>>, vector<2000x128xf32>
    tpu.vector_store %arg7[%swap3A, %swap3A_26], %mul3A_25 {strides = array<i32>} : memref<2000x128xf32, #tpu.memory_space<vmem>>, vector<2000x128xf32>,
    return
  }
  func.func @transform_0(%arg0: i32) -> (i32, i32) {
    %c0_i32 = arith.constant 0 : i32
    %c0_i32_0 = arith.constant 0 : i32
    return %arg0, %c0_i32 : i32, i32
  }
  func.func @transform_1(%arg0: i32) -> (i32, i32) {
    %c0_i32 = arith.constant 0 : i32
    %c0_i32_0 = arith.constant 0 : i32
    return %arg0, %c0_i32 : i32, i32
  }
  func.func @transform_2(%arg0: i32) -> (i32, i32) {
    %c0_i32 = arith.constant 0 : i32
    %c0_i32_0 = arith.constant 0 : i32
    return %arg0, %c0_i32 : i32, i32
  }
  func.func @transform_3(%arg0: i32) -> (i32, i32) {
    %c0_i32 = arith.constant 0 : i32
    %c0_i32_0 = arith.constant 0 : i32
    return %arg0, %c0_i32 : i32, i32
  }
  func.func @transform_4(%arg0: i32) -> (i32, i32) {
    %c0_i32 = arith.constant 0 : i32
    %c0_i32_0 = arith.constant 0 : i32
    %c0_i32_1 = arith.constant 0 : i32
    return %c0_i32, %c0_i32_0 : i32, i32
  }
  func.func @transform_5(%arg0: i32) -> (i32, i32) {
    %c0_i32 = arith.constant 0 : i32
    %c0_i32_0 = arith.constant 0 : i32
    %c0_i32_1 = arith.constant 0 : i32
    return %c0_i32, %c0_i32_0 : i32, i32
  }
  func.func @transform_6(%arg0: i32) -> (i32, i32) {
    %c0_i32 = arith.constant 0 : i32
    %c0_i32_0 = arith.constant 0 : i32
    return %arg0, %c0_i32 : i32, i32
  }
}

module attributes {stable_mosaic.version = 14 : i64} {
  func.func @_final_body(%arg0: i32, %arg1: memref<2000x128xf32, #tpu.memory_space<vmem>>, %arg2: memref<2000x128xf32, #tpu.memory_space<vmem>>, %arg3: memref<2000x128xf32, #tpu.memory_space<vmem>>, %arg4: memref<2000x1xf32, #tpu.memory_space<vmem>>, %arg5: memref<1x128xf32, #tpu.memory_space<vmem>>, %arg6: memref<2000x128xf32, #tpu.memory_space<vmem>>) attributes {dimension_semantics = [#tpu.dimension_semantics<arbitrary>], iteration_bounds = array<i64: 5>, scalar_prefetch = 0 : i64, scratch_operands = 0 : i64, tpu.core_type = #tpu.core_type<tc>, window_params = [{transform_indices = @transform_0, window_bounds = array<i64: 2000, 128>}, {transform_indices = @transform_1, window_bounds = array<i64: 2000, 128>}, {transform_indices = @transform_2, window_bounds = array<i64: 2000, 128>}, {transform_indices = @transform_3, window_bounds = array<i64: 2000, 1>}, {pipeline_mode = #tpu.pipeline_mode<synchronous>, transform_indices = @transform_4, window_bounds = array<i64: 1, 128>}, {transform_indices = @transform_5, window_bounds = array<i64: 2000, 128>}]} {
    %get3A = arith.constant 0 : index
    %get3A_0 = arith.constant 0 : index
    %get3A_1 = vector.load %arg1[%get3A, %get3A_0] : memref<2000x128xf32, #tpu.memory_space<vmem>>, vector<2000x128xf32>
    %get3A_2 = arith.constant 0 : index
    %get3A_3 = arith.constant 0 : index
    %get3A_4 = vector.load %arg2[%get3A_2, %get3A_3] : memref<2000x128xf32, #tpu.memory_space<vmem>>, vector<2000x128xf32>
    %add3A = arith.addf %get3A_1, %get3A_4 : vector<2000x128xf32>
    %get3A_5 = arith.constant 0 : index
    %get3A_6 = arith.constant 0 : index
    %get3A_7 = vector.load %arg3[%get3A_5, %get3A_6] : memref<2000x128xf32, #tpu.memory_space<vmem>>, vector<2000x128xf32>
    %add3A_8 = arith.addf %add3A, %get3A_7 : vector<2000x128xf32>
    %get3A_9 = arith.constant 0 : index
    %get3A_10 = arith.constant 0 : index
    %get3A_11 = vector.load %arg4[%get3A_9, %get3A_10] : memref<2000x1xf32, #tpu.memory_space<vmem>>, vector<2000x1xf32>
    %mul3A = vector.broadcast %get3A_11 : vector<2000x1xf32> to vector<2000x128xf32>
    %mul3A_12 = arith.mulf %add3A_8, %mul3A : vector<2000x128xf32>
    %get3A_13 = arith.constant 0 : index
    %get3A_14 = arith.constant 0 : index
    %get3A_15 = vector.load %arg5[%get3A_13, %get3A_14] : memref<1x128xf32, #tpu.memory_space<vmem>>, vector<1x128xf32>
    %add3A_16 = vector.broadcast %get3A_15 : vector<1x128xf32> to vector<2000x128xf32>
    %add3A_17 = arith.addf %mul3A_12, %add3A_16 : vector<2000x128xf32>
    %swap3A = arith.constant 0 : index
    %swap3A_18 = arith.constant 0 : index
    %swap3A_19 = vector.load %arg6[%swap3A, %swap3A_18] : memref<2000x128xf32, #tpu.memory_space<vmem>>, vector<2000x128xf32>
    tpu.vector_store %arg6[%swap3A, %swap3A_18], %add3A_17 {strides = array<i32>} : memref<2000x128xf32, #tpu.memory_space<vmem>>, vector<2000x128xf32>,
    return
  }
  func.func @transform_0(%arg0: i32) -> (i32, i32) {
    %c0_i32 = arith.constant 0 : i32
    %c0_i32_0 = arith.constant 0 : i32
    return %arg0, %c0_i32 : i32, i32
  }
  func.func @transform_1(%arg0: i32) -> (i32, i32) {
    %c0_i32 = arith.constant 0 : i32
    %c0_i32_0 = arith.constant 0 : i32
    return %arg0, %c0_i32 : i32, i32
  }
  func.func @transform_2(%arg0: i32) -> (i32, i32) {
    %c0_i32 = arith.constant 0 : i32
    %c0_i32_0 = arith.constant 0 : i32
    return %arg0, %c0_i32 : i32, i32
  }
  func.func @transform_3(%arg0: i32) -> (i32, i32) {
    %c0_i32 = arith.constant 0 : i32
    %c0_i32_0 = arith.constant 0 : i32
    return %arg0, %c0_i32 : i32, i32
  }
  func.func @transform_4(%arg0: i32) -> (i32, i32) {
    %c0_i32 = arith.constant 0 : i32
    %c0_i32_0 = arith.constant 0 : i32
    %c0_i32_1 = arith.constant 0 : i32
    return %c0_i32, %c0_i32_0 : i32, i32
  }
  func.func @transform_5(%arg0: i32) -> (i32, i32) {
    %c0_i32 = arith.constant 0 : i32
    %c0_i32_0 = arith.constant 0 : i32
    return %arg0, %c0_i32 : i32, i32
  }
}

</mosaic_0001>

<sc_bundles>
// kernel: kernel.12.cloned.1.call-start
scs
__scs_entry_jumppad:
0x0: {  	(pc) =	sbr.rel $0x88, $3  }
0x1: {  	(tag) =	ssettag $0x0;
	lr =	simm.s32 $0x1  }
0x2: {  	[smem:$0x3F9B] =	sst lr;
	_ =	strace $0xD0000000  }
0x3: {  	_ = 	snop  }
0x4: {  	_ = 	snop  }
0x5: {  	_ = 	snop  }
0x6: {  	_ = 	snop  }
0x7: {  	_ = 	snop  }
__scs_overlays_trampoline_lowered:
0x8: {  	[smem:$0x3FAA] =	sst s0  }
0x9: {  	[smem:$0x3FAB] =	sst s1  }
0xa: {  	[smem:$0x3FAC] =	sst s2  }
0xb: {  	[smem:$0x3FAD] =	sst s3  }
0xc: {  	[smem:$0x3FAE] =	sst s4  }
0xd: {  	[smem:$0x3FAF] =	sst s5  }
0xe: {  	[smem:$0x3FB0] =	sst s6  }
0xf: {  	[smem:$0x3FB1] =	sst s7  }
0x10: {  	[smem:$0x3FB2] =	sst s8  }
0x11: {  	[smem:$0x3FB3] =	sst s9;
	s0 =	simm.s32 @!p0 $0x0  }
0x12: {  	s1 =	sld [smem:$0x3F99];
	s0 =	simm.s32 @p0 $0x1  }
0x13: {  	[smem:$0x3FB4] =	sst s0;
	s0 =	simm.s32 @!p1 $0x0  }
0x14: {  	s2 =	sld [smem:$0x3F98];
	s0 =	simm.s32 @p1 $0x1  }
0x15: {  	[smem:$0x3FB5] =	sst s0;
	s0 =	simm.s32 @!p2 $0x0  }
0x16: {  	s3 =	sld [smem:$0x3FDB];
	s0 =	simm.s32 @p2 $0x1  }
0x17: {  	s4 =	simm.s32 $0x1BF5;
	[smem:$0x3FB7] =	sst s0  }
0x18: {  	s0 =	sld [smem:$0x3F9A];
	_ =	swait.ge [sflag:s4], $0x0  }
0x19: {  	s7 =	sld [smem:$0x3F9B]  }
0x1a: {  	s8 =	sadd.s32 $0xFFFFE003, lr  }
0x1b: {  	s9 =	sadd.s32 $0xFFFFFEF7, lr;
	s5 =	simm.s32 $0xFFFFFFFF;
	p2 =	slt.u32 s8, $0xFFFFF086  }
0x1c: {  	p1 =	slt.u32 s9, $0xF7A;
	s5 =	simm.s32 @!p2 $0x0  }
0x1d: {  	s5 =	simm.s32 @p1 $0x1;
	p0 =	seq.s32 s7, s2  }
0x1e: {  	s7 =	smul.u32 @!p0 $0xF7A, s2;
	p2 =	seq.s32 @!p0 s5, $0x0  }
0x1f: {  	s9 =	smul.u32 $0xF7A, s1;
	s8 =	simm.s32 @!p0 $0x1BF5;
	p2 =	por !p2, p0  }
0x20: {  	[sflag:s8] =	ssyncset.s32 @!p0 $0xFFFFF086;
	s6 =	sadd.s32 @!p0 s3, s7;
	s7 =	simm.s32 @!p0 $0x108  }
0x21: {  	s3 =	sadd.s32 s3, s9;
	s6 =	sadd.s32 @!p0 $0x88, s6;
	s7 =	simm.s32 @p2 $0x1082  }
0x22: {  	[simem:s7], [sflag:s8] =	dma.local @!p0 [hbm:s6], $0xF7A  }
0x23: {  	s9 =	sor.u32 $0xD0000000, s2;
	s6 =	simm.s32 $0x108;
	_ =	swait.ge @!p0 [sflag:s8], $0x0  }
0x24: {  	s3 =	sadd.s32 $0x88, s3;
	s6 =	simm.s32 @!p1 $0x1082;
	[sflag:s4] =	ssyncset.s32 $0xFFFFF086  }
0x25: {  	[simem:s6], [sflag:s4] =	dma.local [hbm:s3], $0xF7A  }
0x26: {  	[smem:$0x3F9B] =	sst s1;
	(tag) =	ssettag s2;
	_ =	strace s9  }
0x27: {  	s1 =	sld [smem:$0x3FAB]  }
0x28: {  	s2 =	sld [smem:$0x3FAC]  }
0x29: {  	s4 =	sld [smem:$0x3FAE]  }
0x2a: {  	p0 =	seq.s32 s5, $0x0;
	s5 =	sld [smem:$0x3FAF]  }
0x2b: {  	s6 =	sld [smem:$0x3FB0]  }
0x2c: {  	s7 =	sld [smem:$0x3FB1]  }
0x2d: {  	s3 =	simm.s32 $0x108;
	s8 =	sld [smem:$0x3FB2]  }
0x2e: {  	s3 =	simm.s32 @!p0 $0x1082;
	s9 =	sld [smem:$0x3FB3]  }
0x2f: {  	lr =	sadd.s32 s0, s3;
	s0 =	sld [smem:$0x3FAA]  }
0x30: {  	s3 =	sld [smem:$0x3FAD]  }
0x31: {  	[smem:$0x3FB6] =	sst s10  }
0x32: {  	s10 =	sld [smem:$0x3FB4];
	_ =	sdelay $0x3  }
0x33: {  	p0 =	seq.s32 s10, $0x1;
	s10 =	sld [smem:$0x3FB6];
	_ =	sdelay $0x3  }
0x34: {  	[smem:$0x3FB6] =	sst s10  }
0x35: {  	s10 =	sld [smem:$0x3FB5];
	_ =	sdelay $0x3  }
0x36: {  	p1 =	seq.s32 s10, $0x1;
	s10 =	sld [smem:$0x3FB6];
	_ =	sdelay $0x3  }
0x37: {  	[smem:$0x3FB6] =	sst s10  }
0x38: {  	s10 =	sld [smem:$0x3FB7]  }
0x39: {  	_ = 	snop;
	(pc) =	sbr.ind lr, $3  }
0x3a: {  	_ = 	snop  }
0x3b: {  	_ = 	snop  }
0x3c: {  	p2 =	seq.s32 s10, $0x1;
	s10 =	sld [smem:$0x3FB6]  }
0x3d: {  	_ =	shalt  }
0x3e: {  	_ =	shalt  }
0x3f: {  	_ =	shalt  }
0x40: {  	_ =	shalt  }
0x41: {  	_ =	shalt  }
0x42: {  	_ =	shalt  }
0x43: {  	_ =	shalt  }
0x44: {  	_ =	shalt  }
0x45: {  	_ =	shalt  }
0x46: {  	_ =	shalt  }
0x47: {  	_ =	shalt  }
0x48: {  	_ =	shalt  }
0x49: {  	_ =	shalt  }
0x4a: {  	_ =	shalt  }
0x4b: {  	_ =	shalt  }
0x4c: {  	_ =	shalt  }
0x4d: {  	_ =	shalt  }
0x4e: {  	_ =	shalt  }
0x4f: {  	_ =	shalt  }
0x50: {  	_ =	shalt  }
0x51: {  	_ =	shalt  }
0x52: {  	_ =	shalt  }
0x53: {  	_ =	shalt  }
0x54: {  	_ =	shalt  }
0x55: {  	_ =	shalt  }
0x56: {  	_ =	shalt  }
0x57: {  	_ =	shalt  }
0x58: {  	_ =	shalt  }
0x59: {  	_ =	shalt  }
0x5a: {  	_ =	shalt  }
0x5b: {  	_ =	shalt  }
0x5c: {  	_ =	shalt  }
0x5d: {  	_ =	shalt  }
0x5e: {  	_ =	shalt  }
0x5f: {  	_ =	shalt  }
0x60: {  	_ =	shalt  }
0x61: {  	_ =	shalt  }
0x62: {  	_ =	shalt  }
0x63: {  	_ =	shalt  }
0x64: {  	_ =	shalt  }
0x65: {  	_ =	shalt  }
0x66: {  	_ =	shalt  }
0x67: {  	_ =	shalt  }
0x68: {  	_ =	shalt  }
0x69: {  	_ =	shalt  }
0x6a: {  	_ =	shalt  }
0x6b: {  	_ =	shalt  }
0x6c: {  	_ =	shalt  }
0x6d: {  	_ =	shalt  }
0x6e: {  	_ =	shalt  }
0x6f: {  	_ =	shalt  }
0x70: {  	_ =	shalt  }
0x71: {  	_ =	shalt  }
0x72: {  	_ =	shalt  }
0x73: {  	_ =	shalt  }
0x74: {  	_ =	shalt  }
0x75: {  	_ =	shalt  }
0x76: {  	_ =	shalt  }
0x77: {  	_ =	shalt  }
0x78: {  	_ =	shalt  }
0x79: {  	_ =	shalt  }
0x7a: {  	_ =	shalt  }
0x7b: {  	_ =	shalt  }
0x7c: {  	_ =	shalt  }
0x7d: {  	_ =	shalt  }
0x7e: {  	_ =	shalt  }
0x7f: {  	_ =	shalt  }
0x80: {  	_ =	shalt  }
0x81: {  	_ =	shalt  }
0x82: {  	_ =	shalt  }
0x83: {  	_ =	shalt  }
0x84: {  	_ =	shalt  }
0x85: {  	_ =	shalt  }
0x86: {  	_ =	shalt  }
0x87: {  	_ =	shalt  }
.Lfunc_end0:
.L_simem_size_0:
called_computation.1_lowered:
.L_overlay_start_0:
0x88: {  	s2 =	sld [smem:$0x3FD9]  }
0x89: {  	s3 =	sld [smem:$0x3FFE];
	_ =	sdelay $0x1  }
0x8a: {  	s1 =	srdreg.scid  }
0x8b: {  	s0 =	sand.u32 $0x1, s1  }
0x8c: {  	s17 =	sshll.u32 s0, $0xA;
	s2 =	sadd.s32 s3, s2  }
0x8d: {  	s2 =	sadd.s32 s2, s17  }
0x8e: {  	[smem:$0x3FC2] =	sst s2  }
0x8f: {  	_ = 	snop  }
0x90: {  	s2 =	sld [smem:$0x3FD0];
	(tm) =	ssettm $0x1  }
0x91: {  	s18 =	sld [smem:$0x3FFB];
	_ =	sdelay $0x3  }
0x92: {  	_ =	strace s18  }
0x93: {  	s3 =	sld [smem:$0x3FFC];
	_ =	sdelay $0x3  }
0x94: {  	_ =	strace s3  }
0x95: {  	s3 =	sld [smem:$0x3FFD];
	_ =	sdelay $0x3  }
0x96: {  	_ =	strace s3  }
0x97: {  	_ =	strace $0x8FFFFFFF  }
0x98: {  	s19 =	sld [smem:$0x3FDB];
	_ =	sdelay $0x1  }
0x99: {  	s4 =	simm.s32 $_scs_section_size  }
0x9a: {  	s5 =	simm.s32 $_size__tile_overlayer_lowered;
	s6 =	simm.s32 $_tile_overlayer_lowered  }
0x9b: {  	s22 =	simm.s32 $0x1BFF;
	s21 =	sshll.u32 s6, $0x1;
	s3 =	sadd.s32 s4, s19  }
0x9c: {  	s7 =	simm.s32 $0x0;
	s20 =	sshll.u32 s5, $0x1;
	s5 =	sadd.s32 s21, s3  }
0x9d: {  	[timem:s7], [sflag:s22] =	dma.local [hbm:s5], s20  }
0x9e: {  	_ =	swait.ge [sflag:s22], s20  }
0x9f: {  	s4 =	ssub.s32 $0x0, s20;
	[sflag:s22] =	ssyncset.done $0x0  }
0xa0: {  	[sflag:s22] =	ssyncadd.s32 s4;
	_ =	sdelay $0x1  }
0xa1: {  	s23 =	simm.s32 $0x1B8B  }
0xa2: {  	_ =	swait.ge [sflag:s23], $0x1  }
0xa3: {  	[sflag:s23] =	ssyncset.done $0x0  }
0xa4: {  	s25 =	simm.s32 $0x1B8E;
	s24 =	sld [smem:$0x3FFE];
	[sflag:s23] =	ssyncadd.s32 $0xFFFFFFFF  }
0xa5: {  	s26 =	simm.s32 $execute0_lowered;
	[smem:$0x3FD2] =	sst s25  }
0xa6: {  	s5 =	sshll.u32 s26, $0x1;
	_ =	strace $0x80000049;
	[dreg:$0x1] =	wrdreg $0xFFFFFFFF  }
0xa7: {  	s28 =	simm.s32 $_size_execute0_lowered;
	s3 =	sadd.s32 s3, s5;
	[dreg:$0x0] =	wrdreg $0x0  }
0xa8: {  	s5 =	sshll.u32 s28, $0x1;
	[dreg:$0x2] =	wrdreg s3  }
0xa9: {  	[dreg:$0x3] =	wrdreg s5  }
0xaa: {  	[dreg:$0x4] =	wrdreg $0xC0  }
0xab: {  	_ =	task [dreg:s7], $0x5FFFF  }
0xac: {  	[dreg:$0x1] =	wrdreg $0xFFFFFFFF  }
0xad: {  	[dreg:$0x0] =	wrdreg $0x60  }
0xae: {  	[dreg:$0x2] =	wrdreg s2  }
0xaf: {  	[dreg:$0x3] =	wrdreg s24  }
0xb0: {  	[dreg:$0x4] =	wrdreg $0x0  }
0xb1: {  	[dreg:$0x5] =	wrdreg $0x9  }
0xb2: {  	_ =	task.clear_ibuf [dreg:s7], $0x6FFFF;
	_ =	strace $0x90000049  }
0xb3: {  	s29 =	simm.s32 $0x9;
	_ =	strace $0x8000004B  }
0xb4: {  	_ =	swait.ge [sflag:s29], $0x1  }
0xb5: {  	[sflag:s29] =	ssyncadd.s32 $0xFFFFFFFF  }
0xb6: {  	_ =	strace $0x9000004B  }
0xb7: {  	_ =	sfence  }
0xb8: {  	s30 =	sld [smem:$0x0];
	_ =	sdelay $0x2  }
0xb9: {  	s31 =	sshll.u32 s1, $0xD;
	s1 =	sshrl.u32 s1, $0x2  }
0xba: {  	s3 =	sand.u32 $0x4000, s31;
	s1 =	sadd.s32 s1, s30  }
0xbb: {  	s0 =	sor.u32 s3, s0;
	s1 =	sshll.u32 s1, $0x11  }
0xbc: {  	s0 =	sor.u32 s1, s0  }
0xbd: {  	s0 =	sadd.s32 $0x8F2B, s0  }
0xbe: {  	[sflag:s0] =	ssyncadd.remote.s32 $0x1  }
0xbf: {  	_ =	sfence.sel $0xFFFF  }
0xc0: {  	[dreg:$0x0] =	wrdreg $0xFFFFFFFF;
	(pc) =	sbr.abs _section_cstart, $3  }
0xc1: {  	[dreg:$0x1] =	wrdreg $0xFFFFFFFF  }
0xc2: {  	_ =	task.clear_ibuf [dreg:s7], $0x2FFFF;
	_ =	strace $0x9FFFFFFF  }
0xc3: {  	(tm) =	ssettm $0x7FFFFFFF  }
tec
execute0_lowered:
.L_overlay_start_1:
0x0: {  	(tag) =	ssettag $0x1  }
0x1: {  	s2 =	rddreg [dreg:$0x0]  }
0x2: {  	s0 =	rddreg [dreg:$0x1]  }
0x3: {  	s21 =	rddreg [dreg:$0x2];
	s11 =	stileid.u32  }
0x4: {  	s3 =	srdreg.scid;
	s7 =	smul.u32 $0x14000, s11  }
0x5: {  	s14 =	simm.s32 $0x0;
	s6 =	sand.u32 $0x1, s3;
	s10 =	smul.u32 $0x2710, s11  }
0x6: {  	[smem:$0x7FF] =	sst s14;
	s3 =	smul.u32 $0x140000, s6  }
0x7: {  	s5 =	sshll.u32 s6, $0x4;
	s25 =	ssub.s32 $0x2, s6;
	s6 =	smul.u32 $0x27100, s6  }
0x8: {  	s26 =	sadd.s32 $0x3800, s0;
	s19 =	sadd.s32 $0xD600, s0;
	_ =	strace $0x8000004A  }
0x9: {  	[dreg:$0x12] =	wrdreg s19;
	s5 =	sor.u32 s11, s5;
	s6 =	sadd.s32 s10, s6  }
0xa: {  	s5 =	smul.u32 $0x2710, s5;
	s3 =	sadd.s32 s7, s3;
	s10 =	sadd.s32 $0x460, s6  }
0xb: {  	s30 =	sshrl.u32 s25, $0x1;
	s3 =	sshrl.u32 s3, $0x3;
	s23 =	sshrl.u32 s10, $0x3  }
0xc: {  	s5 =	sshrl.u32 s5, $0x3;
	s0 =	sadd.s32 s3, s0;
	s24 =	sadd.s32 s23, s19  }
0xd: {  	s3 =	ssub.s32 s25, s30;
	s30 =	sadd.s32 s23, s26;
	[dreg:$0x6] =	wrdreg s24  }
0xe: {  	s8 =	sadd.s32 $0xA, s5;
	s0 =	sadd.s32 $0x3E600, s0;
	[dreg:$0x7] =	wrdreg s30  }
0xf: {  	s28 =	simm.s32 $0x14880;
	s31 =	sadd.s32 s26, s8;
	[smem:$0x7FA] =	sst s0  }
0x10: {  	s1 =	sadd.s32 $0x14, s5;
	s8 =	sadd.s32 s19, s8;
	[dreg:$0x13] =	wrdreg s31  }
0x11: {  	s29 =	simm.s32 $0x14B80;
	s4 =	sadd.s32 s26, s1;
	[dreg:$0x14] =	wrdreg s8  }
0x12: {  	s12 =	sadd.s32 $0x28, s5;
	s7 =	sadd.s32 s19, s1;
	[dreg:$0x15] =	wrdreg s4  }
0x13: {  	s15 =	sadd.s32 $0x32, s5;
	s13 =	sadd.s32 s26, s12;
	[dreg:$0x16] =	wrdreg s7  }
0x14: {  	s17 =	sadd.s32 $0x4B0, s6;
	s16 =	sadd.s32 s26, s15;
	[dreg:$0x19] =	wrdreg s13  }
0x15: {  	s18 =	sadd.s32 s19, s15;
	s8 =	sadd.s32 $0x1E, s5;
	[dreg:$0x1b] =	wrdreg s16  }
0x16: {  	s25 =	sadd.s32 $0x410, s6;
	[dreg:$0x1c] =	wrdreg s18;
	s9 =	sadd.s32 s26, s8  }
0x17: {  	s31 =	sshrl.u32 s25, $0x3;
	s7 =	sadd.s32 s19, s8;
	[dreg:$0x17] =	wrdreg s9  }
0x18: {  	s24 =	sadd.s32 $0x2D0, s6;
	s1 =	sadd.s32 s31, s19;
	[dreg:$0x18] =	wrdreg s7  }
0x19: {  	s8 =	sadd.s32 $0x3C, s5;
	s7 =	sadd.s32 s19, s12;
	[dreg:$0x8] =	wrdreg s1  }
0x1a: {  	s4 =	sadd.s32 $0x3C0, s6;
	s20 =	sadd.s32 s26, s8;
	[dreg:$0x1a] =	wrdreg s7  }
0x1b: {  	s10 =	sshrl.u32 s4, $0x3;
	s9 =	sadd.s32 s31, s26;
	[dreg:$0x1d] =	wrdreg s20  }
0x1c: {  	s0 =	simm.s32 $0x14E80;
	s12 =	sadd.s32 s10, s19;
	[dreg:$0x9] =	wrdreg s9  }
0x1d: {  	s30 =	sshrl.u32 s24, $0x3;
	s15 =	sadd.s32 s10, s26;
	[dreg:$0xa] =	wrdreg s12  }
0x1e: {  	s13 =	sadd.s32 $0x370, s6;
	s1 =	sadd.s32 s30, s19;
	[dreg:$0xb] =	wrdreg s15  }
0x1f: {  	s16 =	sshrl.u32 s13, $0x3;
	s8 =	sadd.s32 s19, s8;
	[dreg:$0x10] =	wrdreg s1  }
0x20: {  	s7 =	sshrl.u32 s17, $0x3;
	s17 =	sadd.s32 s16, s19;
	[dreg:$0x1e] =	wrdreg s8  }
0x21: {  	s4 =	smul.u32 $0x50000, s11;
	s20 =	sadd.s32 s16, s26;
	[dreg:$0xc] =	wrdreg s17  }
0x22: {  	s31 =	sadd.s32 $0x46, s5;
	s9 =	sadd.s32 s30, s26;
	[dreg:$0xd] =	wrdreg s20  }
0x23: {  	s11 =	sadd.s32 $0x4B0, s5;
	s10 =	sadd.s32 s19, s31;
	[dreg:$0x11] =	wrdreg s9  }
0x24: {  	s18 =	sadd.s32 $0x320, s6;
	s12 =	sadd.s32 s26, s11;
	[smem:$0x7ED] =	sst s10  }
0x25: {  	s13 =	sadd.s32 $0x4BA, s5;
	s8 =	sadd.s32 s19, s11;
	[smem:$0x7EE] =	sst s12  }
0x26: {  	s15 =	sadd.s32 s26, s13;
	s16 =	sadd.s32 $0x4C4, s5;
	[smem:$0x7EF] =	sst s8  }
0x27: {  	s30 =	smax.u32 s3, $0x1;
	s1 =	simm.s32 $0x14D80;
	[smem:$0x7F0] =	sst s15  }
0x28: {  	s11 =	simm.s32 $0x14E00;
	s22 =	sadd.s32 s7, s19;
	[smem:$0x7FB] =	sst s30  }
0x29: {  	s3 =	simm.s32 $0x0;
	s7 =	sadd.s32 s7, s26;
	[dreg:$0x4] =	wrdreg s22  }
0x2a: {  	s9 =	sadd.s32 s26, s31;
	s17 =	sadd.s32 s26, s16;
	[dreg:$0x5] =	wrdreg s7  }
0x2b: {  	s8 =	sadd.s32 s19, s16;
	s31 =	sadd.s32 $0x280, s6;
	[dreg:$0x1f] =	wrdreg s9  }
0x2c: {  	s6 =	simm.s32 $0x14C80;
	s10 =	simm.s32 $0x14A80;
	[smem:$0x7F2] =	sst s17  }
0x2d: {  	s12 =	simm.s32 $0x14B00;
	s22 =	sshrl.u32 s18, $0x3;
	[smem:$0x7F3] =	sst s8  }
0x2e: {  	s7 =	sshrl.u32 s4, $0x2;
	[smem:$0x7FC] =	sst s31;
	s23 =	sadd.s32 s22, s19  }
0x2f: {  	s18 =	sadd.s32 $0x4CE, s5;
	s25 =	sadd.s32 s22, s26;
	[dreg:$0xe] =	wrdreg s23  }
0x30: {  	s24 =	sadd.s32 s7, s21;
	s7 =	sadd.s32 s19, s13;
	[dreg:$0xf] =	wrdreg s25  }
0x31: {  	s15 =	simm.s32 $0x50;
	s20 =	sadd.s32 s26, s18;
	[smem:$0x7F1] =	sst s7  }
0x32: {  	s4 =	simm.s32 $0x14800;
	s22 =	sadd.s32 s26, s5;
	[smem:$0x7F4] =	sst s20  }
0x33: {  	s8 =	simm.s32 $0x14980;
	s9 =	simm.s32 $0x14A00;
	[smem:$0x7F6] =	sst s22  }
0x34: {  	s7 =	sadd.s32 s19, s18;
	s23 =	sadd.s32 s19, s5;
	[smem:$0x7FD] =	sst s24  }
0x35: {  	s5 =	sadd.s32 $0x4D8, s5;
	s18 =	simm.s32 $0x14900;
	[smem:$0x7F5] =	sst s7  }
0x36: {  	s20 =	simm.s32 $0x14F00;
	[smem:$0x7F7] =	sst s23;
	s25 =	sadd.s32 s26, s5  }
0x37: {  	s5 =	sadd.s32 s19, s5;
	s23 =	simm.s32 $0x14C00;
	[smem:$0x7F8] =	sst s25  }
0x38: {  	v0 =	vimm.f32 $0.0e+00;
	s7 =	simm.s32 $0x14D00;
	[smem:$0x7F9] =	sst s5;
	s5 =	simm.s32 $0x14F80  }
.LBB2_1:
0x39: {  	s22 =	sld [smem:$0x7F6]  }
0x3a: {  	[smem:$0x7EC] =	sst s3  }
0x3b: {  	s25 =	sld [smem:$0x7F7]  }
0x3c: {  	[tilespmem:s4], [sflag:$0x1] =	stream.linear.gather [hbm4b:s22+s14], $0x50, $0x38;
	[tilespmem:$0x1F000] =	vst v63  }
0x3d: {  	s30 =	rddreg [dreg:$0x13]  }
0x3e: {  	[tilespmem:s23], [sflag:$0x1] =	stream.linear.gather [hbm4b:s25+s14], $0x50, $0x38;
	[tilespmem:$0x1F000] =	vst v63  }
0x3f: {  	s31 =	rddreg [dreg:$0x14]  }
0x40: {  	[tilespmem:s28], [sflag:$0x2] =	stream.linear.gather [hbm4b:s30+s14], $0x50, $0x38;
	[tilespmem:$0x1F000] =	vst v63  }
0x41: {  	s3 =	rddreg [dreg:$0x15]  }
0x42: {  	[tilespmem:s6], [sflag:$0x2] =	stream.linear.gather [hbm4b:s31+s14], $0x50, $0x38;
	[tilespmem:$0x1F000] =	vst v63  }
0x43: {  	s13 =	rddreg [dreg:$0x19]  }
0x44: {  	[tilespmem:s18], [sflag:$0x3] =	stream.linear.gather [hbm4b:s3+s14], $0x50, $0x38;
	[tilespmem:$0x1F000] =	vst v63  }
0x45: {  	s6 =	rddreg [dreg:$0x16]  }
0x46: {  	[tilespmem:s7], [sflag:$0x3] =	stream.linear.gather [hbm4b:s6+s14], $0x50, $0x38;
	[tilespmem:$0x1F000] =	vst v63  }
0x47: {  	s7 =	rddreg [dreg:$0x17]  }
0x48: {  	[tilespmem:s8], [sflag:$0x4] =	stream.linear.gather [hbm4b:s7+s14], $0x50, $0x38;
	[tilespmem:$0x1F000] =	vst v63  }
0x49: {  	s8 =	rddreg [dreg:$0x18]  }
0x4a: {  	[tilespmem:s1], [sflag:$0x4] =	stream.linear.gather [hbm4b:s8+s14], $0x50, $0x38;
	[tilespmem:$0x1F000] =	vst v63  }
0x4b: {  	s16 =	rddreg [dreg:$0x1a]  }
0x4c: {  	[tilespmem:s9], [sflag:$0x5] =	stream.linear.gather [hbm4b:s13+s14], $0x50, $0x38;
	[tilespmem:$0x1F000] =	vst v63  }
0x4d: {  	s17 =	rddreg [dreg:$0x1b]  }
0x4e: {  	[tilespmem:s11], [sflag:$0x5] =	stream.linear.gather [hbm4b:s16+s14], $0x50, $0x38;
	[tilespmem:$0x1F000] =	vst v63  }
0x4f: {  	s23 =	rddreg [dreg:$0x1d]  }
0x50: {  	[tilespmem:s10], [sflag:$0x6] =	stream.linear.gather [hbm4b:s17+s14], $0x50, $0x38;
	[tilespmem:$0x1F000] =	vst v63  }
0x51: {  	s18 =	rddreg [dreg:$0x1c]  }
0x52: {  	[tilespmem:s0], [sflag:$0x6] =	stream.linear.gather [hbm4b:s18+s14], $0x50, $0x38;
	[tilespmem:$0x1F000] =	vst v63  }
0x53: {  	s25 =	rddreg [dreg:$0x1e]  }
0x54: {  	[tilespmem:s12], [sflag:$0x7] =	stream.linear.gather [hbm4b:s23+s14], $0x50, $0x38;
	[tilespmem:$0x1F000] =	vst v63  }
0x55: {  	s22 =	simm.s32 $0x0;
	s30 =	rddreg [dreg:$0x1f]  }
0x56: {  	[tilespmem:s20], [sflag:$0x7] =	stream.linear.gather [hbm4b:s25+s14], $0x50, $0x38;
	[tilespmem:$0x1F000] =	vst v63  }
0x57: {  	s31 =	sld [smem:$0x7ED];
	s3 =	simm.s32 $0x14900;
	s1 =	simm.s32 $0x14980  }
0x58: {  	[tilespmem:s29], [sflag:$0x8] =	stream.linear.gather [hbm4b:s30+s14], $0x50, $0x38;
	[tilespmem:$0x1F000] =	vst v63  }
0x59: {  	s0 =	simm.s32 $0x14A00;
	s23 =	simm.s32 $0x200;
	s12 =	simm.s32 $0x14A80  }
0x5a: {  	[tilespmem:s5], [sflag:$0x8] =	stream.linear.gather [hbm4b:s31+s14], $0x50, $0x38;
	[tilespmem:$0x1F000] =	vst v63  }
.LBB2_2:
0x5b: {  	p0 =	sne.s32 s23, $0x1E00;
	[tilespmem:s22+$0x14070] =	vst v0  }
0x5c: {  	[tilespmem:s22+$0x14000] =	vst v0  }
0x5d: {  	[tilespmem:s22+$0x14010] =	vst v0  }
.Ltmp0:
0x5e: {  	[tilespmem:s22+$0x14020] =	vst v0;
	(pc) =	sbr.rel @p0 .LBB2_2-.Ltmp0, $4  }
0x5f: {  	[tilespmem:s22+$0x14030] =	vst v0  }
0x60: {  	[tilespmem:s22+$0x14040] =	vst v0  }
0x61: {  	[tilespmem:s22+$0x14050] =	vst v0  }
0x62: {  	[tilespmem:s22+$0x14060] =	vst v0;
	s22 =	sshra.s32 s23, $0x2;
	s23 =	sadd.s32 $0x200, s23  }
0x63: {  	[tilespmem:s22+$0x14070] =	vst v0  }
0x64: {  	[tilespmem:s22+$0x14000] =	vst v0  }
0x65: {  	[tilespmem:s22+$0x14010] =	vst v0  }
0x66: {  	[tilespmem:s22+$0x14020] =	vst v0  }
0x67: {  	[tilespmem:s22+$0x14030] =	vst v0  }
0x68: {  	[tilespmem:s22+$0x14040] =	vst v0  }
0x69: {  	[tilespmem:s22+$0x14050] =	vst v0;
	s30 =	sadd.s32 $0x0, s24;
	s10 =	simm.s32 $0x14000  }
0x6a: {  	[tilespmem:s22+$0x14060] =	vst v0;
	s22 =	simm.s32 $0x2000;
	s8 =	simm.s32 $0x11;
	s7 =	simm.s32 $0x1  }
0x6b: {  	[spmem:s30] =	stream.linear.scatter [tilespmem:s10], [sflag:$0x11], $0x800, $0x38;
	[tilespmem:$0x1F000] =	vst v63  }
0x6c: {  	s31 =	simm.s32 $0x5;
	s13 =	simm.s32 $0x6;
	_ =	swait.ge [sflag:s8], $0x800  }
.LBB2_4:
0x6d: {  	s23 =	sshra.s32 s22, $0x2;
	[sflag:s8] =	ssyncset.done $0x0;
	p0 =	sne.s32 s22, $0x4E000  }
.Ltmp1:
0x6e: {  	s23 =	sadd.s32 s23, s24;
	[sflag:s8] =	ssyncadd.s32 $0xFFFFF800;
	(pc) =	sbr.rel @p0 .LBB2_4-.Ltmp1, $3  }
0x6f: {  	[spmem:s23] =	stream.linear.scatter [tilespmem:s10], [sflag:$0x11], $0x800, $0x38;
	[tilespmem:$0x1F000] =	vst v63  }
0x70: {  	s22 =	sadd.s32 $0x2000, s22;
	_ =	sdelay $0x1  }
0x71: {  	_ =	swait.ge [sflag:s8], $0x800  }
0x72: {  	[sflag:s8] =	ssyncset.done $0x0  }
0x73: {  	[sflag:s8] =	ssyncadd.s32 $0xFFFFF800  }
0x74: {  	_ =	swait.ge [sflag:s7], $0x50  }
0x75: {  	[sflag:s7] =	ssyncset.done $0x0  }
0x76: {  	[sflag:s7] =	ssyncadd.s32 $0xFFFFFFB0  }
0x77: {  	_ =	swait.ge [sflag:s7], $0x50  }
0x78: {  	[sflag:s7] =	ssyncset.done $0x0  }
0x79: {  	s11 =	simm.s32 $0x15000;
	s5 =	simm.s32 $0x2;
	[sflag:s7] =	ssyncadd.s32 $0xFFFFFFB0  }
0x7a: {  	[tilespmem:s11], [sflag:$0x9] =	stream.indirect.gather [hbm4b:s2+s15], $0x80, s4, s15, $0xb8;
	[tilespmem:$0x1F000] =	vst v63  }
0x7b: {  	_ =	swait.ge [sflag:s5], $0x50  }
0x7c: {  	[sflag:s5] =	ssyncset.done $0x0  }
0x7d: {  	[sflag:s5] =	ssyncadd.s32 $0xFFFFFFB0  }
0x7e: {  	_ =	swait.ge [sflag:s5], $0x50  }
0x7f: {  	[sflag:s5] =	ssyncset.done $0x0  }
0x80: {  	s10 =	simm.s32 $0x17800;
	s29 =	simm.s32 $0x3;
	[sflag:s5] =	ssyncadd.s32 $0xFFFFFFB0  }
0x81: {  	[tilespmem:s10], [sflag:$0xA] =	stream.indirect.gather [hbm4b:s2+s15], $0x80, s28, s15, $0xb8;
	[tilespmem:$0x1F000] =	vst v63  }
0x82: {  	_ =	swait.ge [sflag:s29], $0x50  }
0x83: {  	[sflag:s29] =	ssyncset.done $0x0  }
0x84: {  	[sflag:s29] =	ssyncadd.s32 $0xFFFFFFB0  }
0x85: {  	_ =	swait.ge [sflag:s29], $0x50  }
0x86: {  	[sflag:s29] =	ssyncset.done $0x0  }
0x87: {  	s16 =	simm.s32 $0x4;
	s10 =	simm.s32 $0x1A000;
	[sflag:s29] =	ssyncadd.s32 $0xFFFFFFB0  }
0x88: {  	[tilespmem:s10], [sflag:$0xB] =	stream.indirect.gather [hbm4b:s2+s15], $0x80, s3, s15, $0xb8;
	[tilespmem:$0x1F000] =	vst v63  }
0x89: {  	_ =	swait.ge [sflag:s16], $0x50  }
0x8a: {  	[sflag:s16] =	ssyncset.done $0x0  }
0x8b: {  	[sflag:s16] =	ssyncadd.s32 $0xFFFFFFB0  }
0x8c: {  	_ =	swait.ge [sflag:s16], $0x50  }
0x8d: {  	[sflag:s16] =	ssyncset.done $0x0  }
0x8e: {  	s18 =	simm.s32 $0x1C800;
	[sflag:s16] =	ssyncadd.s32 $0xFFFFFFB0  }
0x8f: {  	[tilespmem:s18], [sflag:$0xC] =	stream.indirect.gather [hbm4b:s2+s15], $0x80, s1, s15, $0xb8;
	[tilespmem:$0x1F000] =	vst v63  }
0x90: {  	s6 =	simm.s32 $0x9;
	[bflag:$0x0] =	sbarrier.arrive $0xFFFF  }
0x91: {  	_ =	swait.ge [sflag:s6], $0x2800  }
0x92: {  	[sflag:s6] =	ssyncset.done $0x0  }
0x93: {  	s20 =	simm.s32 $0x14C00;
	s17 =	simm.s32 $0xA;
	[sflag:s6] =	ssyncadd.s32 $0xFFFFD800  }
0x94: {  	[spmem:s21] =	stream.indirect.scatter.add.f32 [tilespmem:s11], [sflag:$0xD], $0x80, s20, s15, $0xb8;
	[tilespmem:$0x1F000] =	vst v63  }
0x95: {  	_ =	swait.ge [sflag:s17], $0x2800  }
0x96: {  	s9 =	simm.s32 $0x14C80;
	[sflag:s17] =	ssyncset.done $0x0  }
0x97: {  	s30 =	simm.s32 $0xD;
	s3 =	simm.s32 $0x17800;
	[sflag:s17] =	ssyncadd.s32 $0xFFFFD800  }
0x98: {  	[spmem:s21] =	stream.indirect.scatter.add.f32 [tilespmem:s3], [sflag:$0xE], $0x80, s9, s15, $0xb8;
	[tilespmem:$0x1F000] =	vst v63  }
0x99: {  	_ =	swait.ge [sflag:s30], $0x2800  }
0x9a: {  	[sflag:s30] =	ssyncset.done $0x0  }
0x9b: {  	[sflag:s30] =	ssyncadd.s32 $0xFFFFD800  }
0x9c: {  	_ =	swait.ge [sflag:s31], $0x50  }
0x9d: {  	[sflag:s31] =	ssyncset.done $0x0  }
0x9e: {  	[sflag:s31] =	ssyncadd.s32 $0xFFFFFFB0  }
0x9f: {  	_ =	swait.ge [sflag:s31], $0x50  }
0xa0: {  	[sflag:s31] =	ssyncset.done $0x0  }
0xa1: {  	[sflag:s31] =	ssyncadd.s32 $0xFFFFFFB0  }
0xa2: {  	[tilespmem:s11], [sflag:$0x9] =	stream.indirect.gather [hbm4b:s2+s15], $0x80, s0, s15, $0xb8;
	[tilespmem:$0x1F000] =	vst v63  }
0xa3: {  	s0 =	simm.s32 $0xE  }
0xa4: {  	_ =	swait.ge [sflag:s0], $0x2800  }
0xa5: {  	[sflag:s0] =	ssyncset.done $0x0  }
0xa6: {  	[sflag:s0] =	ssyncadd.s32 $0xFFFFD800  }
0xa7: {  	_ =	swait.ge [sflag:s13], $0x50  }
0xa8: {  	[sflag:s13] =	ssyncset.done $0x0  }
0xa9: {  	[sflag:s13] =	ssyncadd.s32 $0xFFFFFFB0  }
0xaa: {  	_ =	swait.ge [sflag:s13], $0x50  }
0xab: {  	[sflag:s13] =	ssyncset.done $0x0;
	s28 =	sld [smem:$0x7FC]  }
0xac: {  	[sflag:s13] =	ssyncadd.s32 $0xFFFFFFB0  }
0xad: {  	[tilespmem:s3], [sflag:$0xA] =	stream.indirect.gather [hbm4b:s2+s15], $0x80, s12, s15, $0xb8;
	[tilespmem:$0x1F000] =	vst v63  }
0xae: {  	s22 =	sshrl.u32 s28, $0x3  }
0xaf: {  	s23 =	sadd.s32 s26, s22  }
0xb0: {  	[tilespmem:s4], [sflag:$0x1] =	stream.linear.gather [hbm4b:s23+s14], $0x50, $0x38;
	[tilespmem:$0x1F000] =	vst v63  }
0xb1: {  	s24 =	rddreg [dreg:$0x11];
	s22 =	sadd.s32 s19, s22  }
0xb2: {  	[tilespmem:s20], [sflag:$0x1] =	stream.linear.gather [hbm4b:s22+s14], $0x50, $0x38;
	[tilespmem:$0x1F000] =	vst v63  }
0xb3: {  	s25 =	simm.s32 $0x14880;
	s12 =	rddreg [dreg:$0x10];
	s19 =	sadd.s32 $0x0, s24  }
0xb4: {  	[tilespmem:s25], [sflag:$0x2] =	stream.linear.gather [hbm4b:s19+s14], $0x50, $0x38;
	[tilespmem:$0x1F000] =	vst v63  }
0xb5: {  	s1 =	simm.s32 $0xB;
	s20 =	sadd.s32 $0x0, s12  }
0xb6: {  	[tilespmem:s9], [sflag:$0x2] =	stream.linear.gather [hbm4b:s20+s14], $0x50, $0x38;
	[tilespmem:$0x1F000] =	vst v63  }
0xb7: {  	_ =	swait.ge [sflag:s1], $0x2800  }
0xb8: {  	[sflag:s1] =	ssyncset.done $0x0  }
0xb9: {  	s19 =	simm.s32 $0xC;
	s9 =	simm.s32 $0x14D00;
	[sflag:s1] =	ssyncadd.s32 $0xFFFFD800  }
0xba: {  	[spmem:s21] =	stream.indirect.scatter.add.f32 [tilespmem:s10], [sflag:$0xF], $0x80, s9, s15, $0xb8;
	[tilespmem:$0x1F000] =	vst v63  }
0xbb: {  	_ =	swait.ge [sflag:s19], $0x2800  }
0xbc: {  	[sflag:s19] =	ssyncset.done $0x0  }
0xbd: {  	s25 =	simm.s32 $0x14D80;
	s20 =	simm.s32 $0xF;
	[sflag:s19] =	ssyncadd.s32 $0xFFFFD800  }
0xbe: {  	[spmem:s21] =	stream.indirect.scatter.add.f32 [tilespmem:s18], [sflag:$0x10], $0x80, s25, s15, $0xb8;
	[tilespmem:$0x1F000] =	vst v63  }
0xbf: {  	_ =	swait.ge [sflag:s20], $0x2800  }
0xc0: {  	[sflag:s20] =	ssyncset.done $0x0  }
0xc1: {  	s23 =	simm.s32 $0x7;
	[sflag:s20] =	ssyncadd.s32 $0xFFFFD800  }
0xc2: {  	_ =	swait.ge [sflag:s23], $0x50  }
0xc3: {  	[sflag:s23] =	ssyncset.done $0x0  }
0xc4: {  	[sflag:s23] =	ssyncadd.s32 $0xFFFFFFB0  }
0xc5: {  	_ =	swait.ge [sflag:s23], $0x50  }
0xc6: {  	[sflag:s23] =	ssyncset.done $0x0  }
0xc7: {  	s8 =	simm.s32 $0x10;
	s24 =	simm.s32 $0x14B00;
	[sflag:s23] =	ssyncadd.s32 $0xFFFFFFB0  }
0xc8: {  	[tilespmem:s10], [sflag:$0xB] =	stream.indirect.gather [hbm4b:s2+s15], $0x80, s24, s15, $0xb8;
	[tilespmem:$0x1F000] =	vst v63  }
0xc9: {  	_ =	swait.ge [sflag:s8], $0x2800  }
0xca: {  	[sflag:s8] =	ssyncset.done $0x0  }
0xcb: {  	s12 =	simm.s32 $0x8;
	[sflag:s8] =	ssyncadd.s32 $0xFFFFD800  }
0xcc: {  	_ =	swait.ge [sflag:s12], $0x50  }
0xcd: {  	[sflag:s12] =	ssyncset.done $0x0  }
0xce: {  	[sflag:s12] =	ssyncadd.s32 $0xFFFFFFB0  }
0xcf: {  	_ =	swait.ge [sflag:s12], $0x50  }
0xd0: {  	[sflag:s12] =	ssyncset.done $0x0  }
0xd1: {  	s24 =	simm.s32 $0x14B80;
	s22 =	rddreg [dreg:$0xf];
	[sflag:s12] =	ssyncadd.s32 $0xFFFFFFB0  }
0xd2: {  	[tilespmem:s18], [sflag:$0xC] =	stream.indirect.gather [hbm4b:s2+s15], $0x80, s24, s15, $0xb8;
	[tilespmem:$0x1F000] =	vst v63  }
0xd3: {  	s23 =	rddreg [dreg:$0xe];
	s22 =	sadd.s32 $0x0, s22;
	s12 =	simm.s32 $0x14900  }
0xd4: {  	[tilespmem:s12], [sflag:$0x3] =	stream.linear.gather [hbm4b:s22+s14], $0x50, $0x38;
	[tilespmem:$0x1F000] =	vst v63  }
0xd5: {  	s24 =	rddreg [dreg:$0xd];
	s12 =	sadd.s32 $0x0, s23  }
0xd6: {  	[tilespmem:s9], [sflag:$0x3] =	stream.linear.gather [hbm4b:s12+s14], $0x50, $0x38;
	[tilespmem:$0x1F000] =	vst v63  }
0xd7: {  	s23 =	rddreg [dreg:$0xc];
	s9 =	sadd.s32 $0x0, s24;
	s12 =	simm.s32 $0x14980  }
0xd8: {  	[tilespmem:s12], [sflag:$0x4] =	stream.linear.gather [hbm4b:s9+s14], $0x50, $0x38;
	[tilespmem:$0x1F000] =	vst v63  }
0xd9: {  	s23 =	sadd.s32 $0x0, s23  }
0xda: {  	[tilespmem:s25], [sflag:$0x4] =	stream.linear.gather [hbm4b:s23+s14], $0x50, $0x38;
	[tilespmem:$0x1F000] =	vst v63  }
0xdb: {  	_ =	swait.ge [sflag:s6], $0x2800  }
0xdc: {  	[sflag:s6] =	ssyncset.done $0x0  }
0xdd: {  	s24 =	simm.s32 $0x14E00;
	[sflag:s6] =	ssyncadd.s32 $0xFFFFD800  }
0xde: {  	[spmem:s21] =	stream.indirect.scatter.add.f32 [tilespmem:s11], [sflag:$0xD], $0x80, s24, s15, $0xb8;
	[tilespmem:$0x1F000] =	vst v63  }
0xdf: {  	_ =	swait.ge [sflag:s17], $0x2800  }
0xe0: {  	[sflag:s17] =	ssyncset.done $0x0  }
0xe1: {  	s6 =	simm.s32 $0x14E80;
	[sflag:s17] =	ssyncadd.s32 $0xFFFFD800  }
0xe2: {  	[spmem:s21] =	stream.indirect.scatter.add.f32 [tilespmem:s3], [sflag:$0xE], $0x80, s6, s15, $0xb8;
	[tilespmem:$0x1F000] =	vst v63  }
0xe3: {  	_ =	swait.ge [sflag:s30], $0x2800  }
0xe4: {  	[sflag:s30] =	ssyncset.done $0x0  }
0xe5: {  	[sflag:s30] =	ssyncadd.s32 $0xFFFFD800  }
0xe6: {  	_ =	swait.ge [sflag:s7], $0x50  }
0xe7: {  	[sflag:s7] =	ssyncset.done $0x0  }
0xe8: {  	[sflag:s7] =	ssyncadd.s32 $0xFFFFFFB0  }
0xe9: {  	_ =	swait.ge [sflag:s7], $0x50  }
0xea: {  	[sflag:s7] =	ssyncset.done $0x0  }
0xeb: {  	[sflag:s7] =	ssyncadd.s32 $0xFFFFFFB0  }
0xec: {  	[tilespmem:s11], [sflag:$0x9] =	stream.indirect.gather [hbm4b:s2+s15], $0x80, s4, s15, $0xb8;
	[tilespmem:$0x1F000] =	vst v63  }
0xed: {  	_ =	swait.ge [sflag:s0], $0x2800  }
0xee: {  	[sflag:s0] =	ssyncset.done $0x0  }
0xef: {  	[sflag:s0] =	ssyncadd.s32 $0xFFFFD800  }
0xf0: {  	_ =	swait.ge [sflag:s5], $0x50  }
0xf1: {  	[sflag:s5] =	ssyncset.done $0x0  }
0xf2: {  	[sflag:s5] =	ssyncadd.s32 $0xFFFFFFB0  }
0xf3: {  	_ =	swait.ge [sflag:s5], $0x50  }
0xf4: {  	[sflag:s5] =	ssyncset.done $0x0  }
0xf5: {  	s7 =	simm.s32 $0x14880;
	s4 =	rddreg [dreg:$0xb];
	[sflag:s5] =	ssyncadd.s32 $0xFFFFFFB0  }
0xf6: {  	[tilespmem:s3], [sflag:$0xA] =	stream.indirect.gather [hbm4b:s2+s15], $0x80, s7, s15, $0xb8;
	[tilespmem:$0x1F000] =	vst v63  }
0xf7: {  	s17 =	simm.s32 $0x14A00;
	s5 =	rddreg [dreg:$0xa];
	s22 =	sadd.s32 $0x0, s4  }
0xf8: {  	[tilespmem:s17], [sflag:$0x5] =	stream.linear.gather [hbm4b:s22+s14], $0x50, $0x38;
	[tilespmem:$0x1F000] =	vst v63  }
0xf9: {  	s11 =	rddreg [dreg:$0x9];
	s23 =	sadd.s32 $0x0, s5  }
0xfa: {  	[tilespmem:s24], [sflag:$0x5] =	stream.linear.gather [hbm4b:s23+s14], $0x50, $0x38;
	[tilespmem:$0x1F000] =	vst v63  }
0xfb: {  	s25 =	rddreg [dreg:$0x8];
	s0 =	sadd.s32 $0x0, s11;
	s4 =	simm.s32 $0x14A80  }
0xfc: {  	[tilespmem:s4], [sflag:$0x6] =	stream.linear.gather [hbm4b:s0+s14], $0x50, $0x38;
	[tilespmem:$0x1F000] =	vst v63  }
0xfd: {  	s5 =	sadd.s32 $0x0, s25  }
0xfe: {  	[tilespmem:s6], [sflag:$0x6] =	stream.linear.gather [hbm4b:s5+s14], $0x50, $0x38;
	[tilespmem:$0x1F000] =	vst v63  }
0xff: {  	_ =	swait.ge [sflag:s1], $0x2800  }
0x100: {  	[sflag:s1] =	ssyncset.done $0x0  }
0x101: {  	s7 =	simm.s32 $0x14F00;
	[sflag:s1] =	ssyncadd.s32 $0xFFFFD800  }
0x102: {  	[spmem:s21] =	stream.indirect.scatter.add.f32 [tilespmem:s10], [sflag:$0xF], $0x80, s7, s15, $0xb8;
	[tilespmem:$0x1F000] =	vst v63  }
0x103: {  	_ =	swait.ge [sflag:s19], $0x2800  }
0x104: {  	[sflag:s19] =	ssyncset.done $0x0  }
0x105: {  	s5 =	simm.s32 $0x14F80;
	[sflag:s19] =	ssyncadd.s32 $0xFFFFD800  }
0x106: {  	[spmem:s21] =	stream.indirect.scatter.add.f32 [tilespmem:s18], [sflag:$0x10], $0x80, s5, s15, $0xb8;
	[tilespmem:$0x1F000] =	vst v63  }
0x107: {  	_ =	swait.ge [sflag:s20], $0x2800  }
0x108: {  	[sflag:s20] =	ssyncset.done $0x0  }
0x109: {  	[sflag:s20] =	ssyncadd.s32 $0xFFFFD800  }
0x10a: {  	_ =	swait.ge [sflag:s29], $0x50  }
0x10b: {  	[sflag:s29] =	ssyncset.done $0x0  }
0x10c: {  	[sflag:s29] =	ssyncadd.s32 $0xFFFFFFB0  }
0x10d: {  	_ =	swait.ge [sflag:s29], $0x50  }
0x10e: {  	[sflag:s29] =	ssyncset.done $0x0  }
0x10f: {  	s9 =	simm.s32 $0x14900;
	[sflag:s29] =	ssyncadd.s32 $0xFFFFFFB0  }
0x110: {  	[tilespmem:s10], [sflag:$0xB] =	stream.indirect.gather [hbm4b:s2+s15], $0x80, s9, s15, $0xb8;
	[tilespmem:$0x1F000] =	vst v63  }
0x111: {  	_ =	swait.ge [sflag:s8], $0x2800  }
0x112: {  	[sflag:s8] =	ssyncset.done $0x0  }
0x113: {  	[sflag:s8] =	ssyncadd.s32 $0xFFFFD800  }
0x114: {  	_ =	swait.ge [sflag:s16], $0x50  }
0x115: {  	[sflag:s16] =	ssyncset.done $0x0  }
0x116: {  	[sflag:s16] =	ssyncadd.s32 $0xFFFFFFB0  }
0x117: {  	s12 =	simm.s32 $0x14980;
	_ =	swait.ge [sflag:s16], $0x50  }
0x118: {  	s30 =	simm.s32 $0x15000;
	[sflag:s16] =	ssyncset.done $0x0;
	s11 =	rddreg [dreg:$0x7]  }
0x119: {  	s23 =	sadd.s32 $0x280, s28;
	s17 =	rddreg [dreg:$0x5];
	[sflag:s16] =	ssyncadd.s32 $0xFFFFFFB0  }
0x11a: {  	[tilespmem:s18], [sflag:$0xC] =	stream.indirect.gather [hbm4b:s2+s15], $0x80, s12, s15, $0xb8;
	[tilespmem:$0x1F000] =	vst v63  }
0x11b: {  	s16 =	rddreg [dreg:$0x6];
	s22 =	sadd.s32 $0x0, s11;
	s18 =	simm.s32 $0x14B00  }
0x11c: {  	[tilespmem:s18], [sflag:$0x7] =	stream.linear.gather [hbm4b:s22+s14], $0x50, $0x38;
	[tilespmem:$0x1F000] =	vst v63  }
0x11d: {  	s29 =	simm.s32 $0x14B80;
	s20 =	rddreg [dreg:$0x4];
	s19 =	sadd.s32 $0x0, s16  }
0x11e: {  	[tilespmem:s7], [sflag:$0x7] =	stream.linear.gather [hbm4b:s19+s14], $0x50, $0x38;
	[tilespmem:$0x1F000] =	vst v63  }
0x11f: {  	s25 =	sadd.s32 $0x0, s17;
	s24 =	sadd.s32 $0x0, s20;
	s22 =	simm.s32 $0x50  }
0x120: {  	[tilespmem:s29], [sflag:$0x8] =	stream.linear.gather [hbm4b:s25+s14], $0x50, $0x38;
	[tilespmem:$0x1F000] =	vst v63  }
.LBB2_6:
0x121: {  	[tilespmem:s5], [sflag:$0x8] =	stream.linear.gather [hbm4b:s24+s14], $0x50, $0x38;
	[tilespmem:$0x1F000] =	vst v63  }
0x122: {  	s6 =	simm.s32 $0x9  }
0x123: {  	_ =	swait.ge [sflag:s6], $0x2800  }
0x124: {  	[sflag:s6] =	ssyncset.done $0x0  }
0x125: {  	s9 =	simm.s32 $0x14C00;
	s17 =	simm.s32 $0xA;
	[sflag:s6] =	ssyncadd.s32 $0xFFFFD800  }
0x126: {  	[spmem:s21] =	stream.indirect.scatter.add.f32 [tilespmem:s30], [sflag:$0xD], $0x80, s9, s15, $0xb8;
	[tilespmem:$0x1F000] =	vst v63  }
0x127: {  	_ =	swait.ge [sflag:s17], $0x2800  }
0x128: {  	[sflag:s17] =	ssyncset.done $0x0  }
0x129: {  	s8 =	simm.s32 $0x14C80;
	s29 =	simm.s32 $0xD;
	[sflag:s17] =	ssyncadd.s32 $0xFFFFD800  }
0x12a: {  	[spmem:s21] =	stream.indirect.scatter.add.f32 [tilespmem:s3], [sflag:$0xE], $0x80, s8, s15, $0xb8;
	[tilespmem:$0x1F000] =	vst v63  }
0x12b: {  	_ =	swait.ge [sflag:s29], $0x2800  }
0x12c: {  	[sflag:s29] =	ssyncset.done $0x0  }
0x12d: {  	[sflag:s29] =	ssyncadd.s32 $0xFFFFD800  }
0x12e: {  	_ =	swait.ge [sflag:s31], $0x50  }
0x12f: {  	[sflag:s31] =	ssyncset.done $0x0  }
0x130: {  	[sflag:s31] =	ssyncadd.s32 $0xFFFFFFB0  }
0x131: {  	_ =	swait.ge [sflag:s31], $0x50  }
0x132: {  	[sflag:s31] =	ssyncset.done $0x0  }
0x133: {  	s5 =	simm.s32 $0x14A00;
	s16 =	simm.s32 $0xE;
	[sflag:s31] =	ssyncadd.s32 $0xFFFFFFB0  }
0x134: {  	[tilespmem:s30], [sflag:$0x9] =	stream.indirect.gather [hbm4b:s2+s15], $0x80, s5, s15, $0xb8;
	[tilespmem:$0x1F000] =	vst v63  }
0x135: {  	_ =	swait.ge [sflag:s16], $0x2800  }
0x136: {  	[sflag:s16] =	ssyncset.done $0x0  }
0x137: {  	[sflag:s16] =	ssyncadd.s32 $0xFFFFD800  }
0x138: {  	_ =	swait.ge [sflag:s13], $0x50  }
0x139: {  	[sflag:s13] =	ssyncset.done $0x0  }
0x13a: {  	[sflag:s13] =	ssyncadd.s32 $0xFFFFFFB0  }
0x13b: {  	_ =	swait.ge [sflag:s13], $0x50  }
0x13c: {  	s25 =	sshrl.u32 s23, $0x3;
	[sflag:s13] =	ssyncset.done $0x0  }
0x13d: {  	s0 =	simm.s32 $0x0;
	[sflag:s13] =	ssyncadd.s32 $0xFFFFFFB0;
	s13 =	simm.s32 $0x14A80  }
0x13e: {  	[tilespmem:s3], [sflag:$0xA] =	stream.indirect.gather [hbm4b:s2+s15], $0x80, s13, s15, $0xb8;
	[tilespmem:$0x1F000] =	vst v63  }
0x13f: {  	s14 =	simm.s32 $0x14800;
	s12 =	sadd.s32 s26, s25;
	s1 =	rddreg [dreg:$0x12]  }
0x140: {  	[tilespmem:s14], [sflag:$0x1] =	stream.linear.gather [hbm4b:s12+s0], $0x50, $0x38;
	[tilespmem:$0x1F000] =	vst v63  }
0x141: {  	s24 =	smov.u32 s22;
	s28 =	rddreg [dreg:$0x11];
	s25 =	sadd.s32 s1, s25  }
0x142: {  	[tilespmem:s9], [sflag:$0x1] =	stream.linear.gather [hbm4b:s25+s0], $0x50, $0x38;
	[tilespmem:$0x1F000] =	vst v63  }
0x143: {  	s4 =	simm.s32 $0x14880;
	s18 =	rddreg [dreg:$0x10];
	s19 =	sadd.s32 s24, s28  }
0x144: {  	[tilespmem:s4], [sflag:$0x2] =	stream.linear.gather [hbm4b:s19+s0], $0x50, $0x38;
	[tilespmem:$0x1F000] =	vst v63  }
0x145: {  	s20 =	sadd.s32 s24, s18;
	s1 =	simm.s32 $0xB  }
0x146: {  	[tilespmem:s8], [sflag:$0x2] =	stream.linear.gather [hbm4b:s20+s0], $0x50, $0x38;
	[tilespmem:$0x1F000] =	vst v63  }
0x147: {  	_ =	swait.ge [sflag:s1], $0x2800  }
0x148: {  	s11 =	simm.s32 $0x1A000;
	[sflag:s1] =	ssyncset.done $0x0  }
0x149: {  	s19 =	simm.s32 $0xC;
	s8 =	simm.s32 $0x14D00;
	[sflag:s1] =	ssyncadd.s32 $0xFFFFD800  }
0x14a: {  	[spmem:s21] =	stream.indirect.scatter.add.f32 [tilespmem:s11], [sflag:$0xF], $0x80, s8, s15, $0xb8;
	[tilespmem:$0x1F000] =	vst v63  }
0x14b: {  	_ =	swait.ge [sflag:s19], $0x2800  }
0x14c: {  	s18 =	simm.s32 $0x1C800;
	[sflag:s19] =	ssyncset.done $0x0  }
0x14d: {  	s12 =	simm.s32 $0x14D80;
	s20 =	simm.s32 $0xF;
	[sflag:s19] =	ssyncadd.s32 $0xFFFFD800  }
0x14e: {  	[spmem:s21] =	stream.indirect.scatter.add.f32 [tilespmem:s18], [sflag:$0x10], $0x80, s12, s15, $0xb8;
	[tilespmem:$0x1F000] =	vst v63  }
0x14f: {  	_ =	swait.ge [sflag:s20], $0x2800  }
0x150: {  	[sflag:s20] =	ssyncset.done $0x0  }
0x151: {  	s7 =	simm.s32 $0x7;
	[sflag:s20] =	ssyncadd.s32 $0xFFFFD800  }
0x152: {  	_ =	swait.ge [sflag:s7], $0x50  }
0x153: {  	[sflag:s7] =	ssyncset.done $0x0  }
0x154: {  	[sflag:s7] =	ssyncadd.s32 $0xFFFFFFB0  }
0x155: {  	_ =	swait.ge [sflag:s7], $0x50  }
0x156: {  	[sflag:s7] =	ssyncset.done $0x0  }
0x157: {  	s25 =	simm.s32 $0x14B00;
	[sflag:s7] =	ssyncadd.s32 $0xFFFFFFB0;
	s7 =	simm.s32 $0x10  }
0x158: {  	[tilespmem:s11], [sflag:$0xB] =	stream.indirect.gather [hbm4b:s2+s15], $0x80, s25, s15, $0xb8;
	[tilespmem:$0x1F000] =	vst v63  }
0x159: {  	_ =	swait.ge [sflag:s7], $0x2800  }
0x15a: {  	[sflag:s7] =	ssyncset.done $0x0  }
0x15b: {  	s30 =	smov.u32 s26;
	s26 =	simm.s32 $0x8;
	[sflag:s7] =	ssyncadd.s32 $0xFFFFD800  }
0x15c: {  	_ =	swait.ge [sflag:s26], $0x50  }
0x15d: {  	[sflag:s26] =	ssyncset.done $0x0  }
0x15e: {  	[sflag:s26] =	ssyncadd.s32 $0xFFFFFFB0  }
0x15f: {  	_ =	swait.ge [sflag:s26], $0x50  }
0x160: {  	[sflag:s26] =	ssyncset.done $0x0  }
0x161: {  	s9 =	simm.s32 $0x14B80;
	s28 =	rddreg [dreg:$0xf];
	[sflag:s26] =	ssyncadd.s32 $0xFFFFFFB0  }
0x162: {  	[tilespmem:s18], [sflag:$0xC] =	stream.indirect.gather [hbm4b:s2+s15], $0x80, s9, s15, $0xb8;
	[tilespmem:$0x1F000] =	vst v63  }
0x163: {  	s31 =	simm.s32 $0x14900;
	s26 =	rddreg [dreg:$0xe];
	s25 =	sadd.s32 s24, s28  }
0x164: {  	[tilespmem:s31], [sflag:$0x3] =	stream.linear.gather [hbm4b:s25+s0], $0x50, $0x38;
	[tilespmem:$0x1F000] =	vst v63  }
0x165: {  	s28 =	rddreg [dreg:$0xd];
	s25 =	sadd.s32 s24, s26  }
0x166: {  	[tilespmem:s8], [sflag:$0x3] =	stream.linear.gather [hbm4b:s25+s0], $0x50, $0x38;
	[tilespmem:$0x1F000] =	vst v63  }
0x167: {  	s28 =	sadd.s32 s24, s28;
	s26 =	rddreg [dreg:$0xc];
	s8 =	simm.s32 $0x14980  }
0x168: {  	[tilespmem:s8], [sflag:$0x4] =	stream.linear.gather [hbm4b:s28+s0], $0x50, $0x38;
	[tilespmem:$0x1F000] =	vst v63  }
0x169: {  	s28 =	sadd.s32 s24, s26  }
0x16a: {  	[tilespmem:s12], [sflag:$0x4] =	stream.linear.gather [hbm4b:s28+s0], $0x50, $0x38;
	[tilespmem:$0x1F000] =	vst v63  }
0x16b: {  	_ =	swait.ge [sflag:s6], $0x2800  }
0x16c: {  	[sflag:s6] =	ssyncset.done $0x0  }
0x16d: {  	s3 =	simm.s32 $0x15000;
	[sflag:s6] =	ssyncadd.s32 $0xFFFFD800;
	s6 =	simm.s32 $0x14E00  }
0x16e: {  	[spmem:s21] =	stream.indirect.scatter.add.f32 [tilespmem:s3], [sflag:$0xD], $0x80, s6, s15, $0xb8;
	[tilespmem:$0x1F000] =	vst v63  }
0x16f: {  	_ =	swait.ge [sflag:s17], $0x2800  }
0x170: {  	[sflag:s17] =	ssyncset.done $0x0  }
0x171: {  	s10 =	simm.s32 $0x17800;
	s12 =	simm.s32 $0x14E80;
	[sflag:s17] =	ssyncadd.s32 $0xFFFFD800  }
0x172: {  	[spmem:s21] =	stream.indirect.scatter.add.f32 [tilespmem:s10], [sflag:$0xE], $0x80, s12, s15, $0xb8;
	[tilespmem:$0x1F000] =	vst v63  }
0x173: {  	_ =	swait.ge [sflag:s29], $0x2800  }
0x174: {  	[sflag:s29] =	ssyncset.done $0x0  }
0x175: {  	s25 =	simm.s32 $0x1;
	[sflag:s29] =	ssyncadd.s32 $0xFFFFD800  }
0x176: {  	_ =	swait.ge [sflag:s25], $0x50  }
0x177: {  	[sflag:s25] =	ssyncset.done $0x0  }
0x178: {  	[sflag:s25] =	ssyncadd.s32 $0xFFFFFFB0  }
0x179: {  	_ =	swait.ge [sflag:s25], $0x50  }
0x17a: {  	[sflag:s25] =	ssyncset.done $0x0  }
0x17b: {  	[sflag:s25] =	ssyncadd.s32 $0xFFFFFFB0  }
0x17c: {  	[tilespmem:s3], [sflag:$0x9] =	stream.indirect.gather [hbm4b:s2+s15], $0x80, s14, s15, $0xb8;
	[tilespmem:$0x1F000] =	vst v63  }
0x17d: {  	_ =	swait.ge [sflag:s16], $0x2800  }
0x17e: {  	[sflag:s16] =	ssyncset.done $0x0  }
0x17f: {  	s26 =	simm.s32 $0x2;
	[sflag:s16] =	ssyncadd.s32 $0xFFFFD800  }
0x180: {  	_ =	swait.ge [sflag:s26], $0x50  }
0x181: {  	[sflag:s26] =	ssyncset.done $0x0  }
0x182: {  	[sflag:s26] =	ssyncadd.s32 $0xFFFFFFB0  }
0x183: {  	_ =	swait.ge [sflag:s26], $0x50  }
0x184: {  	[sflag:s26] =	ssyncset.done $0x0  }
0x185: {  	s3 =	simm.s32 $0x17800;
	s28 =	rddreg [dreg:$0xb];
	[sflag:s26] =	ssyncadd.s32 $0xFFFFFFB0  }
0x186: {  	[tilespmem:s3], [sflag:$0xA] =	stream.indirect.gather [hbm4b:s2+s15], $0x80, s4, s15, $0xb8;
	[tilespmem:$0x1F000] =	vst v63  }
0x187: {  	s14 =	simm.s32 $0x0;
	s0 =	rddreg [dreg:$0xa];
	s25 =	sadd.s32 s24, s28  }
0x188: {  	[tilespmem:s5], [sflag:$0x5] =	stream.linear.gather [hbm4b:s25+s14], $0x50, $0x38;
	[tilespmem:$0x1F000] =	vst v63  }
0x189: {  	s10 =	sadd.s32 s24, s0;
	s4 =	rddreg [dreg:$0x9]  }
0x18a: {  	[tilespmem:s6], [sflag:$0x5] =	stream.linear.gather [hbm4b:s10+s14], $0x50, $0x38;
	[tilespmem:$0x1F000] =	vst v63  }
0x18b: {  	s16 =	rddreg [dreg:$0x8];
	s17 =	sadd.s32 s24, s4  }
0x18c: {  	[tilespmem:s13], [sflag:$0x6] =	stream.linear.gather [hbm4b:s17+s14], $0x50, $0x38;
	[tilespmem:$0x1F000] =	vst v63  }
0x18d: {  	s26 =	sadd.s32 s24, s16  }
0x18e: {  	[tilespmem:s12], [sflag:$0x6] =	stream.linear.gather [hbm4b:s26+s14], $0x50, $0x38;
	[tilespmem:$0x1F000] =	vst v63  }
0x18f: {  	_ =	swait.ge [sflag:s1], $0x2800  }
0x190: {  	[sflag:s1] =	ssyncset.done $0x0  }
0x191: {  	s6 =	simm.s32 $0x14F00;
	[sflag:s1] =	ssyncadd.s32 $0xFFFFD800  }
0x192: {  	[spmem:s21] =	stream.indirect.scatter.add.f32 [tilespmem:s11], [sflag:$0xF], $0x80, s6, s15, $0xb8;
	[tilespmem:$0x1F000] =	vst v63  }
0x193: {  	_ =	swait.ge [sflag:s19], $0x2800  }
0x194: {  	[sflag:s19] =	ssyncset.done $0x0  }
0x195: {  	s28 =	simm.s32 $0x14F80;
	[sflag:s19] =	ssyncadd.s32 $0xFFFFD800  }
0x196: {  	[spmem:s21] =	stream.indirect.scatter.add.f32 [tilespmem:s18], [sflag:$0x10], $0x80, s28, s15, $0xb8;
	[tilespmem:$0x1F000] =	vst v63  }
0x197: {  	_ =	swait.ge [sflag:s20], $0x2800  }
0x198: {  	[sflag:s20] =	ssyncset.done $0x0  }
0x199: {  	s1 =	simm.s32 $0x3;
	[sflag:s20] =	ssyncadd.s32 $0xFFFFD800  }
0x19a: {  	_ =	swait.ge [sflag:s1], $0x50  }
0x19b: {  	[sflag:s1] =	ssyncset.done $0x0  }
0x19c: {  	[sflag:s1] =	ssyncadd.s32 $0xFFFFFFB0  }
0x19d: {  	_ =	swait.ge [sflag:s1], $0x50  }
0x19e: {  	[sflag:s1] =	ssyncset.done $0x0  }
0x19f: {  	[sflag:s1] =	ssyncadd.s32 $0xFFFFFFB0  }
0x1a0: {  	[tilespmem:s11], [sflag:$0xB] =	stream.indirect.gather [hbm4b:s2+s15], $0x80, s31, s15, $0xb8;
	[tilespmem:$0x1F000] =	vst v63  }
0x1a1: {  	_ =	swait.ge [sflag:s7], $0x2800  }
0x1a2: {  	[sflag:s7] =	ssyncset.done $0x0  }
0x1a3: {  	s4 =	simm.s32 $0x4;
	[sflag:s7] =	ssyncadd.s32 $0xFFFFD800  }
0x1a4: {  	p0 =	sne.s32 s22, $0x410;
	_ =	swait.ge [sflag:s4], $0x50  }
0x1a5: {  	s22 =	sadd.s32 $0x50, s22;
	s23 =	sadd.s32 $0x280, s23;
	[sflag:s4] =	ssyncset.done $0x0  }
0x1a6: {  	s29 =	simm.s32 $0x14B80;
	s0 =	simm.s32 $0x14E80;
	[sflag:s4] =	ssyncadd.s32 $0xFFFFFFB0  }
0x1a7: {  	s5 =	simm.s32 $0x14F80;
	s10 =	simm.s32 $0x14A80;
	_ =	swait.ge [sflag:s4], $0x50  }
0x1a8: {  	s13 =	simm.s32 $0x6;
	s17 =	simm.s32 $0x14B00;
	[sflag:s4] =	ssyncset.done $0x0  }
0x1a9: {  	s12 =	simm.s32 $0x14B00;
	s7 =	rddreg [dreg:$0x7];
	[sflag:s4] =	ssyncadd.s32 $0xFFFFFFB0  }
0x1aa: {  	[tilespmem:s18], [sflag:$0xC] =	stream.indirect.gather [hbm4b:s2+s15], $0x80, s8, s15, $0xb8;
	[tilespmem:$0x1F000] =	vst v63  }
0x1ab: {  	s26 =	smov.u32 s30;
	s11 =	rddreg [dreg:$0x6];
	s25 =	sadd.s32 s24, s7  }
0x1ac: {  	[tilespmem:s17], [sflag:$0x7] =	stream.linear.gather [hbm4b:s25+s14], $0x50, $0x38;
	[tilespmem:$0x1F000] =	vst v63  }
.Ltmp2:
0x1ad: {  	s30 =	simm.s32 $0x15000;
	s16 =	rddreg [dreg:$0x5];
	(pc) =	sbr.rel @p0 .LBB2_6-.Ltmp2, $4  }
0x1ae: {  	s20 =	simm.s32 $0x14F00;
	s19 =	rddreg [dreg:$0x4];
	s18 =	sadd.s32 s24, s11  }
0x1af: {  	[tilespmem:s6], [sflag:$0x7] =	stream.linear.gather [hbm4b:s18+s14], $0x50, $0x38;
	[tilespmem:$0x1F000] =	vst v63  }
0x1b0: {  	s31 =	simm.s32 $0x5;
	s28 =	sadd.s32 s24, s16;
	s24 =	sadd.s32 s24, s19  }
0x1b1: {  	[tilespmem:s9], [sflag:$0x8] =	stream.linear.gather [hbm4b:s28+s14], $0x50, $0x38;
	[tilespmem:$0x1F000] =	vst v63  }
0x1b2: {  	[tilespmem:s5], [sflag:$0x8] =	stream.linear.gather [hbm4b:s24+s14], $0x50, $0x38;
	[tilespmem:$0x1F000] =	vst v63  }
0x1b3: {  	s4 =	simm.s32 $0x9  }
0x1b4: {  	_ =	swait.ge [sflag:s4], $0x2800  }
0x1b5: {  	[sflag:s4] =	ssyncset.done $0x0  }
0x1b6: {  	s1 =	simm.s32 $0x14C00;
	s6 =	simm.s32 $0xA;
	[sflag:s4] =	ssyncadd.s32 $0xFFFFD800  }
0x1b7: {  	[spmem:s21] =	stream.indirect.scatter.add.f32 [tilespmem:s30], [sflag:$0xD], $0x80, s1, s15, $0xb8;
	[tilespmem:$0x1F000] =	vst v63  }
0x1b8: {  	_ =	swait.ge [sflag:s6], $0x2800  }
0x1b9: {  	[sflag:s6] =	ssyncset.done $0x0  }
0x1ba: {  	s23 =	simm.s32 $0x14C80;
	s28 =	simm.s32 $0xD;
	[sflag:s6] =	ssyncadd.s32 $0xFFFFD800  }
0x1bb: {  	[spmem:s21] =	stream.indirect.scatter.add.f32 [tilespmem:s3], [sflag:$0xE], $0x80, s23, s15, $0xb8;
	[tilespmem:$0x1F000] =	vst v63  }
0x1bc: {  	_ =	swait.ge [sflag:s28], $0x2800  }
0x1bd: {  	[sflag:s28] =	ssyncset.done $0x0  }
0x1be: {  	[sflag:s28] =	ssyncadd.s32 $0xFFFFD800  }
0x1bf: {  	_ =	swait.ge [sflag:s31], $0x50  }
0x1c0: {  	[sflag:s31] =	ssyncset.done $0x0  }
0x1c1: {  	[sflag:s31] =	ssyncadd.s32 $0xFFFFFFB0  }
0x1c2: {  	_ =	swait.ge [sflag:s31], $0x50  }
0x1c3: {  	[sflag:s31] =	ssyncset.done $0x0  }
0x1c4: {  	s24 =	simm.s32 $0x14A00;
	s16 =	simm.s32 $0xE;
	[sflag:s31] =	ssyncadd.s32 $0xFFFFFFB0  }
0x1c5: {  	[tilespmem:s30], [sflag:$0x9] =	stream.indirect.gather [hbm4b:s2+s15], $0x80, s24, s15, $0xb8;
	[tilespmem:$0x1F000] =	vst v63  }
0x1c6: {  	_ =	swait.ge [sflag:s16], $0x2800  }
0x1c7: {  	[sflag:s16] =	ssyncset.done $0x0  }
0x1c8: {  	[sflag:s16] =	ssyncadd.s32 $0xFFFFD800  }
0x1c9: {  	_ =	swait.ge [sflag:s13], $0x50  }
0x1ca: {  	[sflag:s13] =	ssyncset.done $0x0  }
0x1cb: {  	[sflag:s13] =	ssyncadd.s32 $0xFFFFFFB0  }
0x1cc: {  	_ =	swait.ge [sflag:s13], $0x50  }
0x1cd: {  	[sflag:s13] =	ssyncset.done $0x0  }
0x1ce: {  	s22 =	sld [smem:$0x7EE];
	[sflag:s13] =	ssyncadd.s32 $0xFFFFFFB0  }
0x1cf: {  	[tilespmem:s3], [sflag:$0xA] =	stream.indirect.gather [hbm4b:s2+s15], $0x80, s10, s15, $0xb8;
	[tilespmem:$0x1F000] =	vst v63  }
0x1d0: {  	s18 =	simm.s32 $0x0;
	s14 =	simm.s32 $0x14800;
	s25 =	sld [smem:$0x7EF]  }
0x1d1: {  	[tilespmem:s14], [sflag:$0x1] =	stream.linear.gather [hbm4b:s22+s18], $0x50, $0x38;
	[tilespmem:$0x1F000] =	vst v63  }
0x1d2: {  	s7 =	simm.s32 $0x14C00;
	s31 =	sld [smem:$0x7F0]  }
0x1d3: {  	[tilespmem:s7], [sflag:$0x1] =	stream.linear.gather [hbm4b:s25+s18], $0x50, $0x38;
	[tilespmem:$0x1F000] =	vst v63  }
0x1d4: {  	s1 =	sld [smem:$0x7F1];
	s7 =	simm.s32 $0x14880  }
0x1d5: {  	[tilespmem:s7], [sflag:$0x2] =	stream.linear.gather [hbm4b:s31+s18], $0x50, $0x38;
	[tilespmem:$0x1F000] =	vst v63  }
0x1d6: {  	s8 =	simm.s32 $0x14C80;
	s31 =	simm.s32 $0xB  }
0x1d7: {  	[tilespmem:s8], [sflag:$0x2] =	stream.linear.gather [hbm4b:s1+s18], $0x50, $0x38;
	[tilespmem:$0x1F000] =	vst v63  }
0x1d8: {  	_ =	swait.ge [sflag:s31], $0x2800  }
0x1d9: {  	s9 =	simm.s32 $0x14D00;
	[sflag:s31] =	ssyncset.done $0x0  }
0x1da: {  	s11 =	simm.s32 $0x1A000;
	s19 =	simm.s32 $0xC;
	[sflag:s31] =	ssyncadd.s32 $0xFFFFD800  }
0x1db: {  	[spmem:s21] =	stream.indirect.scatter.add.f32 [tilespmem:s11], [sflag:$0xF], $0x80, s9, s15, $0xb8;
	[tilespmem:$0x1F000] =	vst v63  }
0x1dc: {  	_ =	swait.ge [sflag:s19], $0x2800  }
0x1dd: {  	s17 =	simm.s32 $0xF;
	[sflag:s19] =	ssyncset.done $0x0  }
0x1de: {  	s23 =	simm.s32 $0x1C800;
	s25 =	simm.s32 $0x14D80;
	[sflag:s19] =	ssyncadd.s32 $0xFFFFD800  }
0x1df: {  	[spmem:s21] =	stream.indirect.scatter.add.f32 [tilespmem:s23], [sflag:$0x10], $0x80, s25, s15, $0xb8;
	[tilespmem:$0x1F000] =	vst v63  }
0x1e0: {  	_ =	swait.ge [sflag:s17], $0x2800  }
0x1e1: {  	[sflag:s17] =	ssyncset.done $0x0  }
0x1e2: {  	s13 =	simm.s32 $0x7;
	[sflag:s17] =	ssyncadd.s32 $0xFFFFD800  }
0x1e3: {  	_ =	swait.ge [sflag:s13], $0x50  }
0x1e4: {  	[sflag:s13] =	ssyncset.done $0x0  }
0x1e5: {  	[sflag:s13] =	ssyncadd.s32 $0xFFFFFFB0  }
0x1e6: {  	_ =	swait.ge [sflag:s13], $0x50  }
0x1e7: {  	[sflag:s13] =	ssyncset.done $0x0  }
0x1e8: {  	[sflag:s13] =	ssyncadd.s32 $0xFFFFFFB0;
	s13 =	simm.s32 $0x10  }
0x1e9: {  	[tilespmem:s11], [sflag:$0xB] =	stream.indirect.gather [hbm4b:s2+s15], $0x80, s12, s15, $0xb8;
	[tilespmem:$0x1F000] =	vst v63  }
0x1ea: {  	_ =	swait.ge [sflag:s13], $0x2800  }
0x1eb: {  	[sflag:s13] =	ssyncset.done $0x0  }
0x1ec: {  	s22 =	simm.s32 $0x8;
	[sflag:s13] =	ssyncadd.s32 $0xFFFFD800  }
0x1ed: {  	_ =	swait.ge [sflag:s22], $0x50  }
0x1ee: {  	[sflag:s22] =	ssyncset.done $0x0  }
0x1ef: {  	[sflag:s22] =	ssyncadd.s32 $0xFFFFFFB0  }
0x1f0: {  	_ =	swait.ge [sflag:s22], $0x50  }
0x1f1: {  	[sflag:s22] =	ssyncset.done $0x0  }
0x1f2: {  	s24 =	sld [smem:$0x7F2];
	[sflag:s22] =	ssyncadd.s32 $0xFFFFFFB0  }
0x1f3: {  	[tilespmem:s23], [sflag:$0xC] =	stream.indirect.gather [hbm4b:s2+s15], $0x80, s29, s15, $0xb8;
	[tilespmem:$0x1F000] =	vst v63  }
0x1f4: {  	s8 =	simm.s32 $0x14900;
	s1 =	sld [smem:$0x7F3]  }
0x1f5: {  	[tilespmem:s8], [sflag:$0x3] =	stream.linear.gather [hbm4b:s24+s18], $0x50, $0x38;
	[tilespmem:$0x1F000] =	vst v63  }
0x1f6: {  	s9 =	simm.s32 $0x14D00;
	s24 =	sld [smem:$0x7F4]  }
0x1f7: {  	[tilespmem:s9], [sflag:$0x3] =	stream.linear.gather [hbm4b:s1+s18], $0x50, $0x38;
	[tilespmem:$0x1F000] =	vst v63  }
0x1f8: {  	s9 =	simm.s32 $0x14980;
	s1 =	sld [smem:$0x7F5]  }
0x1f9: {  	[tilespmem:s9], [sflag:$0x4] =	stream.linear.gather [hbm4b:s24+s18], $0x50, $0x38;
	[tilespmem:$0x1F000] =	vst v63  }
0x1fa: {  	_ = 	snop  }
0x1fb: {  	[tilespmem:s25], [sflag:$0x4] =	stream.linear.gather [hbm4b:s1+s18], $0x50, $0x38;
	[tilespmem:$0x1F000] =	vst v63  }
0x1fc: {  	_ =	swait.ge [sflag:s4], $0x2800  }
0x1fd: {  	[sflag:s4] =	ssyncset.done $0x0  }
0x1fe: {  	s24 =	simm.s32 $0x14E00;
	[sflag:s4] =	ssyncadd.s32 $0xFFFFD800  }
0x1ff: {  	[spmem:s21] =	stream.indirect.scatter.add.f32 [tilespmem:s30], [sflag:$0xD], $0x80, s24, s15, $0xb8;
	[tilespmem:$0x1F000] =	vst v63  }
0x200: {  	_ =	swait.ge [sflag:s6], $0x2800  }
0x201: {  	[sflag:s6] =	ssyncset.done $0x0  }
0x202: {  	[sflag:s6] =	ssyncadd.s32 $0xFFFFD800  }
0x203: {  	[spmem:s21] =	stream.indirect.scatter.add.f32 [tilespmem:s3], [sflag:$0xE], $0x80, s0, s15, $0xb8;
	[tilespmem:$0x1F000] =	vst v63  }
0x204: {  	_ =	swait.ge [sflag:s28], $0x2800  }
0x205: {  	[sflag:s28] =	ssyncset.done $0x0  }
0x206: {  	s18 =	simm.s32 $0x1;
	[sflag:s28] =	ssyncadd.s32 $0xFFFFD800  }
0x207: {  	_ =	swait.ge [sflag:s18], $0x50  }
0x208: {  	[sflag:s18] =	ssyncset.done $0x0  }
0x209: {  	[sflag:s18] =	ssyncadd.s32 $0xFFFFFFB0  }
0x20a: {  	_ =	swait.ge [sflag:s18], $0x50  }
0x20b: {  	[sflag:s18] =	ssyncset.done $0x0  }
0x20c: {  	[sflag:s18] =	ssyncadd.s32 $0xFFFFFFB0  }
0x20d: {  	[tilespmem:s30], [sflag:$0x9] =	stream.indirect.gather [hbm4b:s2+s15], $0x80, s14, s15, $0xb8;
	[tilespmem:$0x1F000] =	vst v63  }
0x20e: {  	_ =	swait.ge [sflag:s16], $0x2800  }
0x20f: {  	[sflag:s16] =	ssyncset.done $0x0  }
0x210: {  	s22 =	simm.s32 $0x2;
	[sflag:s16] =	ssyncadd.s32 $0xFFFFD800  }
0x211: {  	_ =	swait.ge [sflag:s22], $0x50  }
0x212: {  	[sflag:s22] =	ssyncset.done $0x0  }
0x213: {  	[sflag:s22] =	ssyncadd.s32 $0xFFFFFFB0  }
0x214: {  	_ =	swait.ge [sflag:s22], $0x50  }
0x215: {  	[sflag:s22] =	ssyncset.done $0x0  }
0x216: {  	[sflag:s22] =	ssyncadd.s32 $0xFFFFFFB0  }
0x217: {  	[tilespmem:s3], [sflag:$0xA] =	stream.indirect.gather [hbm4b:s2+s15], $0x80, s7, s15, $0xb8;
	[tilespmem:$0x1F000] =	vst v63  }
0x218: {  	s7 =	sld [smem:$0x7F8];
	_ =	sdelay $0x1  }
0x219: {  	s18 =	simm.s32 $0x14A00;
	s14 =	simm.s32 $0x0;
	s1 =	sld [smem:$0x7F9]  }
0x21a: {  	[tilespmem:s18], [sflag:$0x5] =	stream.linear.gather [hbm4b:s7+s14], $0x50, $0x38;
	[tilespmem:$0x1F000] =	vst v63  }
0x21b: {  	_ = 	snop  }
0x21c: {  	[tilespmem:s24], [sflag:$0x5] =	stream.linear.gather [hbm4b:s1+s14], $0x50, $0x38;
	[tilespmem:$0x1F000] =	vst v63  }
0x21d: {  	_ =	swait.ge [sflag:s31], $0x2800  }
0x21e: {  	[sflag:s31] =	ssyncset.done $0x0  }
0x21f: {  	[sflag:s31] =	ssyncadd.s32 $0xFFFFD800  }
0x220: {  	[spmem:s21] =	stream.indirect.scatter.add.f32 [tilespmem:s11], [sflag:$0xF], $0x80, s20, s15, $0xb8;
	[tilespmem:$0x1F000] =	vst v63  }
0x221: {  	_ =	swait.ge [sflag:s19], $0x2800  }
0x222: {  	[sflag:s19] =	ssyncset.done $0x0  }
0x223: {  	[sflag:s19] =	ssyncadd.s32 $0xFFFFD800  }
0x224: {  	[spmem:s21] =	stream.indirect.scatter.add.f32 [tilespmem:s23], [sflag:$0x10], $0x80, s5, s15, $0xb8;
	[tilespmem:$0x1F000] =	vst v63  }
0x225: {  	_ =	swait.ge [sflag:s17], $0x2800  }
0x226: {  	[sflag:s17] =	ssyncset.done $0x0  }
0x227: {  	s5 =	simm.s32 $0x3;
	[sflag:s17] =	ssyncadd.s32 $0xFFFFD800  }
0x228: {  	_ =	swait.ge [sflag:s5], $0x50  }
0x229: {  	[sflag:s5] =	ssyncset.done $0x0  }
0x22a: {  	[sflag:s5] =	ssyncadd.s32 $0xFFFFFFB0  }
0x22b: {  	_ =	swait.ge [sflag:s5], $0x50  }
0x22c: {  	[sflag:s5] =	ssyncset.done $0x0  }
0x22d: {  	[sflag:s5] =	ssyncadd.s32 $0xFFFFFFB0  }
0x22e: {  	[tilespmem:s11], [sflag:$0xB] =	stream.indirect.gather [hbm4b:s2+s15], $0x80, s8, s15, $0xb8;
	[tilespmem:$0x1F000] =	vst v63  }
0x22f: {  	_ =	swait.ge [sflag:s13], $0x2800  }
0x230: {  	[sflag:s13] =	ssyncset.done $0x0  }
0x231: {  	s8 =	simm.s32 $0x4;
	[sflag:s13] =	ssyncadd.s32 $0xFFFFD800  }
0x232: {  	_ =	swait.ge [sflag:s8], $0x50  }
0x233: {  	[sflag:s8] =	ssyncset.done $0x0  }
0x234: {  	[sflag:s8] =	ssyncadd.s32 $0xFFFFFFB0  }
0x235: {  	_ =	swait.ge [sflag:s8], $0x50  }
0x236: {  	[sflag:s8] =	ssyncset.done $0x0  }
0x237: {  	[sflag:s8] =	ssyncadd.s32 $0xFFFFFFB0  }
0x238: {  	[tilespmem:s23], [sflag:$0xC] =	stream.indirect.gather [hbm4b:s2+s15], $0x80, s9, s15, $0xb8;
	[tilespmem:$0x1F000] =	vst v63  }
0x239: {  	_ =	swait.ge [sflag:s4], $0x2800  }
0x23a: {  	[sflag:s4] =	ssyncset.done $0x0  }
0x23b: {  	s9 =	simm.s32 $0x14C00;
	[sflag:s4] =	ssyncadd.s32 $0xFFFFD800  }
0x23c: {  	[spmem:s21] =	stream.indirect.scatter.add.f32 [tilespmem:s30], [sflag:$0xD], $0x80, s9, s15, $0xb8;
	[tilespmem:$0x1F000] =	vst v63  }
0x23d: {  	_ =	swait.ge [sflag:s6], $0x2800  }
0x23e: {  	[sflag:s6] =	ssyncset.done $0x0  }
0x23f: {  	s22 =	simm.s32 $0x14C80;
	[sflag:s6] =	ssyncadd.s32 $0xFFFFD800  }
0x240: {  	[spmem:s21] =	stream.indirect.scatter.add.f32 [tilespmem:s3], [sflag:$0xE], $0x80, s22, s15, $0xb8;
	[tilespmem:$0x1F000] =	vst v63  }
0x241: {  	_ =	swait.ge [sflag:s28], $0x2800  }
0x242: {  	[sflag:s28] =	ssyncset.done $0x0  }
0x243: {  	s5 =	simm.s32 $0x5;
	[sflag:s28] =	ssyncadd.s32 $0xFFFFD800  }
0x244: {  	_ =	swait.ge [sflag:s5], $0x50  }
0x245: {  	[sflag:s5] =	ssyncset.done $0x0  }
0x246: {  	[sflag:s5] =	ssyncadd.s32 $0xFFFFFFB0  }
0x247: {  	_ =	swait.ge [sflag:s5], $0x50  }
0x248: {  	[sflag:s5] =	ssyncset.done $0x0  }
0x249: {  	s7 =	simm.s32 $0x14A00;
	[sflag:s5] =	ssyncadd.s32 $0xFFFFFFB0  }
0x24a: {  	[tilespmem:s30], [sflag:$0x9] =	stream.indirect.gather [hbm4b:s2+s15], $0x80, s7, s15, $0xb8;
	[tilespmem:$0x1F000] =	vst v63  }
0x24b: {  	_ =	swait.ge [sflag:s31], $0x2800  }
0x24c: {  	[sflag:s31] =	ssyncset.done $0x0  }
0x24d: {  	s5 =	simm.s32 $0x14D00;
	[sflag:s31] =	ssyncadd.s32 $0xFFFFD800  }
0x24e: {  	[spmem:s21] =	stream.indirect.scatter.add.f32 [tilespmem:s11], [sflag:$0xF], $0x80, s5, s15, $0xb8;
	[tilespmem:$0x1F000] =	vst v63  }
0x24f: {  	_ =	swait.ge [sflag:s19], $0x2800  }
0x250: {  	[sflag:s19] =	ssyncset.done $0x0  }
0x251: {  	[sflag:s19] =	ssyncadd.s32 $0xFFFFD800  }
0x252: {  	[spmem:s21] =	stream.indirect.scatter.add.f32 [tilespmem:s23], [sflag:$0x10], $0x80, s25, s15, $0xb8;
	[tilespmem:$0x1F000] =	vst v63  }
0x253: {  	_ =	swait.ge [sflag:s16], $0x2800  }
0x254: {  	[sflag:s16] =	ssyncset.done $0x0  }
0x255: {  	[sflag:s16] =	ssyncadd.s32 $0xFFFFD800  }
0x256: {  	_ =	swait.ge [sflag:s17], $0x2800  }
0x257: {  	[sflag:s17] =	ssyncset.done $0x0  }
0x258: {  	[sflag:s17] =	ssyncadd.s32 $0xFFFFD800  }
0x259: {  	_ =	swait.ge [sflag:s13], $0x2800  }
0x25a: {  	[sflag:s13] =	ssyncset.done $0x0  }
0x25b: {  	[sflag:s13] =	ssyncadd.s32 $0xFFFFD800  }
0x25c: {  	_ =	swait.ge [sflag:s4], $0x2800  }
0x25d: {  	[sflag:s4] =	ssyncset.done $0x0  }
0x25e: {  	[sflag:s4] =	ssyncadd.s32 $0xFFFFD800  }
0x25f: {  	[spmem:s21] =	stream.indirect.scatter.add.f32 [tilespmem:s30], [sflag:$0xD], $0x80, s24, s15, $0xb8;
	[tilespmem:$0x1F000] =	vst v63  }
0x260: {  	_ =	swait.ge [sflag:s28], $0x2800  }
0x261: {  	[sflag:s28] =	ssyncset.done $0x0  }
0x262: {  	[sflag:s28] =	ssyncadd.s32 $0xFFFFD800  }
0x263: {  	[bflag:$0x0] =	sbarrier.arrive $0xFFFF  }
0x264: {  	s24 =	sld [smem:$0x7FD]  }
0x265: {  	s16 =	stileid.u32;
	s19 =	sld [smem:$0x7FA]  }
0x266: {  	s22 =	sshll.u32 s16, $0x6  }
0x267: {  	s23 =	simm.s32 $0x11;
	s22 =	sor.u32 $0x1C11, s22;
	s17 =	sshrl.u32 s24, $0x3  }
0x268: {  	[hbm:s19], [sflag:s22] =	dma.local [spmem:s17], $0x2800  }
0x269: {  	_ =	swait.ge [sflag:s23], $0x2800  }
0x26a: {  	s25 =	sld [smem:$0x7EC]  }
0x26b: {  	s30 =	sld [smem:$0x7FB];
	_ =	sdelay $0x1  }
0x26c: {  	s3 =	sadd.s32 $0x1, s25  }
0x26d: {  	s18 =	simm.s32 $0x14900;
	p0 =	sne.s32 s3, s30  }
.Ltmp3:
0x26e: {  	s1 =	simm.s32 $0x14D80;
	s8 =	simm.s32 $0x14980;
	(pc) =	sbr.rel @p0 .LBB2_1-.Ltmp3, $4  }
0x26f: {  	s9 =	simm.s32 $0x14A00;
	s6 =	simm.s32 $0x14C80;
	s7 =	simm.s32 $0x14D00  }
0x270: {  	s31 =	simm.s32 $0x11;
	s11 =	simm.s32 $0x14E00;
	s5 =	simm.s32 $0x14F80  }
0x271: {  	s4 =	simm.s32 $0x14800;
	s28 =	simm.s32 $0x14880;
	[sflag:s23] =	ssyncset.done $0x0  }
0x272: {  	s19 =	rddreg [dreg:$0x12];
	s23 =	simm.s32 $0x14C00;
	[sflag:s31] =	ssyncadd.s32 $0xFFFFD800  }
0x273: {  	_ =	sfence.sel $0x180000  }
0x274: {  	[bflag:$0x0] =	sbarrier.arrive $0xFFFF  }
0x275: {  	_ =	strace $0x9000004A  }
0x276: {  	s0 =	stileid.u32;
	[bflag:$0x2] =	sbarrier.arrive $0xFFFF  }
0x277: {  	p0 =	sne.s32 s0, $0x0;
	s0 =	rddreg [dreg:$0x3]  }
0x278: {  	s0 =	sadd.s32 @!p0 $0x100000, s0  }
0x279: {  	[sflag:s0] =	ssyncadd.tile.s32 @!p0 $0x1;
	_ =	shalt  }
.Lfunc_end2:
_tile_overlayer_lowered:
.L_overlay_start_2:
0x27a: {  	(tag) =	ssettag $0x2  }
0x27b: {  	s0 =	rddreg [dreg:$0x0];
	s2 =	stileid.u32  }
0x27c: {  	s1 =	rddreg [dreg:$0x1];
	p0 =	sne.s32 s2, $0x0  }
0x27d: {  	s3 =	rddreg [dreg:$0x2];
	[bflag:$0x3] =	sbarrier.arrive $0xFFFF;
	s2 =	simm.s32 @!p0 $0x1C11  }
0x27e: {  	[timem:s3], [sflag:s2] =	dma.local @!p0 [hbm:s0], s1  }
0x27f: {  	s0 =	simm.s32 @!p0 $0x11  }
0x280: {  	_ =	swait.ge @!p0 [sflag:s0], s1  }
0x281: {  	s1 =	ssub.s32 @!p0 $0x0, s1;
	[sflag:s0] =	ssyncset.done @!p0 $0x0  }
0x282: {  	[sflag:s0] =	ssyncadd.s32 @!p0 s1  }
0x283: {  	[bflag:$0x3] =	sbarrier.arrive $0xFFFF  }
0x284: {  	_ =	shalt  }

// kernel: kernel.15.cloned.1.call-start
scs
__scs_entry_jumppad:
0x0: {  	(pc) =	sbr.rel $0x88, $3  }
0x1: {  	(tag) =	ssettag $0x0;
	lr =	simm.s32 $0x1  }
0x2: {  	[smem:$0x3F9B] =	sst lr;
	_ =	strace $0xD0000000  }
0x3: {  	_ = 	snop  }
0x4: {  	_ = 	snop  }
0x5: {  	_ = 	snop  }
0x6: {  	_ = 	snop  }
0x7: {  	_ = 	snop  }
__scs_overlays_trampoline_lowered:
0x8: {  	[smem:$0x3FAA] =	sst s0  }
0x9: {  	[smem:$0x3FAB] =	sst s1  }
0xa: {  	[smem:$0x3FAC] =	sst s2  }
0xb: {  	[smem:$0x3FAD] =	sst s3  }
0xc: {  	[smem:$0x3FAE] =	sst s4  }
0xd: {  	[smem:$0x3FAF] =	sst s5  }
0xe: {  	[smem:$0x3FB0] =	sst s6  }
0xf: {  	[smem:$0x3FB1] =	sst s7  }
0x10: {  	[smem:$0x3FB2] =	sst s8  }
0x11: {  	[smem:$0x3FB3] =	sst s9;
	s0 =	simm.s32 @!p0 $0x0  }
0x12: {  	s1 =	sld [smem:$0x3F99];
	s0 =	simm.s32 @p0 $0x1  }
0x13: {  	[smem:$0x3FB4] =	sst s0;
	s0 =	simm.s32 @!p1 $0x0  }
0x14: {  	s2 =	sld [smem:$0x3F98];
	s0 =	simm.s32 @p1 $0x1  }
0x15: {  	[smem:$0x3FB5] =	sst s0;
	s0 =	simm.s32 @!p2 $0x0  }
0x16: {  	s3 =	sld [smem:$0x3FDB];
	s0 =	simm.s32 @p2 $0x1  }
0x17: {  	s4 =	simm.s32 $0x1BF5;
	[smem:$0x3FB7] =	sst s0  }
0x18: {  	s0 =	sld [smem:$0x3F9A];
	_ =	swait.ge [sflag:s4], $0x0  }
0x19: {  	s7 =	sld [smem:$0x3F9B]  }
0x1a: {  	s8 =	sadd.s32 $0xFFFFE003, lr  }
0x1b: {  	s9 =	sadd.s32 $0xFFFFFEF7, lr;
	s5 =	simm.s32 $0xFFFFFFFF;
	p2 =	slt.u32 s8, $0xFFFFF086  }
0x1c: {  	p1 =	slt.u32 s9, $0xF7A;
	s5 =	simm.s32 @!p2 $0x0  }
0x1d: {  	s5 =	simm.s32 @p1 $0x1;
	p0 =	seq.s32 s7, s2  }
0x1e: {  	s7 =	smul.u32 @!p0 $0xF7A, s2;
	p2 =	seq.s32 @!p0 s5, $0x0  }
0x1f: {  	s9 =	smul.u32 $0xF7A, s1;
	s8 =	simm.s32 @!p0 $0x1BF5;
	p2 =	por !p2, p0  }
0x20: {  	[sflag:s8] =	ssyncset.s32 @!p0 $0xFFFFF086;
	s6 =	sadd.s32 @!p0 s3, s7;
	s7 =	simm.s32 @!p0 $0x108  }
0x21: {  	s3 =	sadd.s32 s3, s9;
	s6 =	sadd.s32 @!p0 $0x88, s6;
	s7 =	simm.s32 @p2 $0x1082  }
0x22: {  	[simem:s7], [sflag:s8] =	dma.local @!p0 [hbm:s6], $0xF7A  }
0x23: {  	s9 =	sor.u32 $0xD0000000, s2;
	s6 =	simm.s32 $0x108;
	_ =	swait.ge @!p0 [sflag:s8], $0x0  }
0x24: {  	s3 =	sadd.s32 $0x88, s3;
	s6 =	simm.s32 @!p1 $0x1082;
	[sflag:s4] =	ssyncset.s32 $0xFFFFF086  }
0x25: {  	[simem:s6], [sflag:s4] =	dma.local [hbm:s3], $0xF7A  }
0x26: {  	[smem:$0x3F9B] =	sst s1;
	(tag) =	ssettag s2;
	_ =	strace s9  }
0x27: {  	s1 =	sld [smem:$0x3FAB]  }
0x28: {  	s2 =	sld [smem:$0x3FAC]  }
0x29: {  	s4 =	sld [smem:$0x3FAE]  }
0x2a: {  	p0 =	seq.s32 s5, $0x0;
	s5 =	sld [smem:$0x3FAF]  }
0x2b: {  	s6 =	sld [smem:$0x3FB0]  }
0x2c: {  	s7 =	sld [smem:$0x3FB1]  }
0x2d: {  	s3 =	simm.s32 $0x108;
	s8 =	sld [smem:$0x3FB2]  }
0x2e: {  	s3 =	simm.s32 @!p0 $0x1082;
	s9 =	sld [smem:$0x3FB3]  }
0x2f: {  	lr =	sadd.s32 s0, s3;
	s0 =	sld [smem:$0x3FAA]  }
0x30: {  	s3 =	sld [smem:$0x3FAD]  }
0x31: {  	[smem:$0x3FB6] =	sst s10  }
0x32: {  	s10 =	sld [smem:$0x3FB4];
	_ =	sdelay $0x3  }
0x33: {  	p0 =	seq.s32 s10, $0x1;
	s10 =	sld [smem:$0x3FB6];
	_ =	sdelay $0x3  }
0x34: {  	[smem:$0x3FB6] =	sst s10  }
0x35: {  	s10 =	sld [smem:$0x3FB5];
	_ =	sdelay $0x3  }
0x36: {  	p1 =	seq.s32 s10, $0x1;
	s10 =	sld [smem:$0x3FB6];
	_ =	sdelay $0x3  }
0x37: {  	[smem:$0x3FB6] =	sst s10  }
0x38: {  	s10 =	sld [smem:$0x3FB7]  }
0x39: {  	_ = 	snop;
	(pc) =	sbr.ind lr, $3  }
0x3a: {  	_ = 	snop  }
0x3b: {  	_ = 	snop  }
0x3c: {  	p2 =	seq.s32 s10, $0x1;
	s10 =	sld [smem:$0x3FB6]  }
0x3d: {  	_ =	shalt  }
0x3e: {  	_ =	shalt  }
0x3f: {  	_ =	shalt  }
0x40: {  	_ =	shalt  }
0x41: {  	_ =	shalt  }
0x42: {  	_ =	shalt  }
0x43: {  	_ =	shalt  }
0x44: {  	_ =	shalt  }
0x45: {  	_ =	shalt  }
0x46: {  	_ =	shalt  }
0x47: {  	_ =	shalt  }
0x48: {  	_ =	shalt  }
0x49: {  	_ =	shalt  }
0x4a: {  	_ =	shalt  }
0x4b: {  	_ =	shalt  }
0x4c: {  	_ =	shalt  }
0x4d: {  	_ =	shalt  }
0x4e: {  	_ =	shalt  }
0x4f: {  	_ =	shalt  }
0x50: {  	_ =	shalt  }
0x51: {  	_ =	shalt  }
0x52: {  	_ =	shalt  }
0x53: {  	_ =	shalt  }
0x54: {  	_ =	shalt  }
0x55: {  	_ =	shalt  }
0x56: {  	_ =	shalt  }
0x57: {  	_ =	shalt  }
0x58: {  	_ =	shalt  }
0x59: {  	_ =	shalt  }
0x5a: {  	_ =	shalt  }
0x5b: {  	_ =	shalt  }
0x5c: {  	_ =	shalt  }
0x5d: {  	_ =	shalt  }
0x5e: {  	_ =	shalt  }
0x5f: {  	_ =	shalt  }
0x60: {  	_ =	shalt  }
0x61: {  	_ =	shalt  }
0x62: {  	_ =	shalt  }
0x63: {  	_ =	shalt  }
0x64: {  	_ =	shalt  }
0x65: {  	_ =	shalt  }
0x66: {  	_ =	shalt  }
0x67: {  	_ =	shalt  }
0x68: {  	_ =	shalt  }
0x69: {  	_ =	shalt  }
0x6a: {  	_ =	shalt  }
0x6b: {  	_ =	shalt  }
0x6c: {  	_ =	shalt  }
0x6d: {  	_ =	shalt  }
0x6e: {  	_ =	shalt  }
0x6f: {  	_ =	shalt  }
0x70: {  	_ =	shalt  }
0x71: {  	_ =	shalt  }
0x72: {  	_ =	shalt  }
0x73: {  	_ =	shalt  }
0x74: {  	_ =	shalt  }
0x75: {  	_ =	shalt  }
0x76: {  	_ =	shalt  }
0x77: {  	_ =	shalt  }
0x78: {  	_ =	shalt  }
0x79: {  	_ =	shalt  }
0x7a: {  	_ =	shalt  }
0x7b: {  	_ =	shalt  }
0x7c: {  	_ =	shalt  }
0x7d: {  	_ =	shalt  }
0x7e: {  	_ =	shalt  }
0x7f: {  	_ =	shalt  }
0x80: {  	_ =	shalt  }
0x81: {  	_ =	shalt  }
0x82: {  	_ =	shalt  }
0x83: {  	_ =	shalt  }
0x84: {  	_ =	shalt  }
0x85: {  	_ =	shalt  }
0x86: {  	_ =	shalt  }
0x87: {  	_ =	shalt  }
.Lfunc_end0:
.L_simem_size_0:
called_computation.2_lowered:
.L_overlay_start_0:
0x88: {  	s2 =	sld [smem:$0x3FD9]  }
0x89: {  	s3 =	sld [smem:$0x3FFE];
	_ =	sdelay $0x1  }
0x8a: {  	s1 =	srdreg.scid  }
0x8b: {  	s0 =	sand.u32 $0x1, s1  }
0x8c: {  	s17 =	sshll.u32 s0, $0xA;
	s2 =	sadd.s32 s3, s2  }
0x8d: {  	s2 =	sadd.s32 s2, s17  }
0x8e: {  	[smem:$0x3FC2] =	sst s2  }
0x8f: {  	_ = 	snop  }
0x90: {  	s2 =	sld [smem:$0x3FD0];
	(tm) =	ssettm $0x1  }
0x91: {  	s18 =	sld [smem:$0x3FFB];
	_ =	sdelay $0x3  }
0x92: {  	_ =	strace s18  }
0x93: {  	s3 =	sld [smem:$0x3FFC];
	_ =	sdelay $0x3  }
0x94: {  	_ =	strace s3  }
0x95: {  	s3 =	sld [smem:$0x3FFD];
	_ =	sdelay $0x3  }
0x96: {  	_ =	strace s3  }
0x97: {  	_ =	strace $0x8FFFFFFF  }
0x98: {  	s19 =	sld [smem:$0x3FDB];
	_ =	sdelay $0x1  }
0x99: {  	s4 =	simm.s32 $_scs_section_size  }
0x9a: {  	s5 =	simm.s32 $_size__tile_overlayer_lowered;
	s6 =	simm.s32 $_tile_overlayer_lowered  }
0x9b: {  	s22 =	simm.s32 $0x1BFF;
	s21 =	sshll.u32 s6, $0x1;
	s3 =	sadd.s32 s4, s19  }
0x9c: {  	s7 =	simm.s32 $0x0;
	s20 =	sshll.u32 s5, $0x1;
	s5 =	sadd.s32 s21, s3  }
0x9d: {  	[timem:s7], [sflag:s22] =	dma.local [hbm:s5], s20  }
0x9e: {  	_ =	swait.ge [sflag:s22], s20  }
0x9f: {  	s4 =	ssub.s32 $0x0, s20;
	[sflag:s22] =	ssyncset.done $0x0  }
0xa0: {  	[sflag:s22] =	ssyncadd.s32 s4;
	_ =	sdelay $0x1  }
0xa1: {  	s23 =	simm.s32 $0x1B8B  }
0xa2: {  	_ =	swait.ge [sflag:s23], $0x1  }
0xa3: {  	[sflag:s23] =	ssyncset.done $0x0  }
0xa4: {  	s25 =	simm.s32 $0x1B8E;
	s24 =	sld [smem:$0x3FFE];
	[sflag:s23] =	ssyncadd.s32 $0xFFFFFFFF  }
0xa5: {  	s26 =	simm.s32 $execute0_lowered;
	[smem:$0x3FD2] =	sst s25  }
0xa6: {  	s5 =	sshll.u32 s26, $0x1;
	_ =	strace $0x8000004C;
	[dreg:$0x1] =	wrdreg $0xFFFFFFFF  }
0xa7: {  	s28 =	simm.s32 $_size_execute0_lowered;
	s3 =	sadd.s32 s3, s5;
	[dreg:$0x0] =	wrdreg $0x0  }
0xa8: {  	s5 =	sshll.u32 s28, $0x1;
	[dreg:$0x2] =	wrdreg s3  }
0xa9: {  	[dreg:$0x3] =	wrdreg s5  }
0xaa: {  	[dreg:$0x4] =	wrdreg $0xC0  }
0xab: {  	_ =	task [dreg:s7], $0x5FFFF  }
0xac: {  	[dreg:$0x1] =	wrdreg $0xFFFFFFFF  }
0xad: {  	[dreg:$0x0] =	wrdreg $0x60  }
0xae: {  	[dreg:$0x2] =	wrdreg s2  }
0xaf: {  	[dreg:$0x3] =	wrdreg s24  }
0xb0: {  	[dreg:$0x4] =	wrdreg $0x0  }
0xb1: {  	[dreg:$0x5] =	wrdreg $0x9  }
0xb2: {  	_ =	task.clear_ibuf [dreg:s7], $0x6FFFF;
	_ =	strace $0x9000004C  }
0xb3: {  	s29 =	simm.s32 $0x9;
	_ =	strace $0x8000004E  }
0xb4: {  	_ =	swait.ge [sflag:s29], $0x1  }
0xb5: {  	[sflag:s29] =	ssyncadd.s32 $0xFFFFFFFF  }
0xb6: {  	_ =	strace $0x9000004E  }
0xb7: {  	_ =	sfence  }
0xb8: {  	s30 =	sld [smem:$0x0];
	_ =	sdelay $0x2  }
0xb9: {  	s31 =	sshll.u32 s1, $0xD;
	s1 =	sshrl.u32 s1, $0x2  }
0xba: {  	s3 =	sand.u32 $0x4000, s31;
	s1 =	sadd.s32 s1, s30  }
0xbb: {  	s0 =	sor.u32 s3, s0;
	s1 =	sshll.u32 s1, $0x11  }
0xbc: {  	s0 =	sor.u32 s1, s0  }
0xbd: {  	s0 =	sadd.s32 $0x8F2B, s0  }
0xbe: {  	[sflag:s0] =	ssyncadd.remote.s32 $0x1  }
0xbf: {  	_ =	sfence.sel $0xFFFF  }
0xc0: {  	[dreg:$0x0] =	wrdreg $0xFFFFFFFF;
	(pc) =	sbr.abs _section_cstart, $3  }
0xc1: {  	[dreg:$0x1] =	wrdreg $0xFFFFFFFF  }
0xc2: {  	_ =	task.clear_ibuf [dreg:s7], $0x2FFFF;
	_ =	strace $0x9FFFFFFF  }
0xc3: {  	(tm) =	ssettm $0x7FFFFFFF  }
tec
execute0_lowered:
.L_overlay_start_1:
0x0: {  	(tag) =	ssettag $0x1  }
0x1: {  	s2 =	rddreg [dreg:$0x0]  }
0x2: {  	s0 =	rddreg [dreg:$0x1]  }
0x3: {  	s21 =	rddreg [dreg:$0x2];
	s11 =	stileid.u32  }
0x4: {  	s3 =	srdreg.scid;
	s7 =	smul.u32 $0x14000, s11  }
0x5: {  	s14 =	simm.s32 $0x0;
	s6 =	sand.u32 $0x1, s3;
	s10 =	smul.u32 $0x2710, s11  }
0x6: {  	[smem:$0x7FF] =	sst s14;
	s3 =	smul.u32 $0x140000, s6  }
0x7: {  	s5 =	sshll.u32 s6, $0x4;
	s25 =	ssub.s32 $0x2, s6;
	s6 =	smul.u32 $0x27100, s6  }
0x8: {  	s26 =	sadd.s32 $0x3800, s0;
	s19 =	sadd.s32 $0xD600, s0;
	_ =	strace $0x8000004D  }
0x9: {  	[dreg:$0x12] =	wrdreg s19;
	s5 =	sor.u32 s11, s5;
	s6 =	sadd.s32 s10, s6  }
0xa: {  	s5 =	smul.u32 $0x2710, s5;
	s3 =	sadd.s32 s7, s3;
	s10 =	sadd.s32 $0x460, s6  }
0xb: {  	s30 =	sshrl.u32 s25, $0x1;
	s3 =	sshrl.u32 s3, $0x3;
	s23 =	sshrl.u32 s10, $0x3  }
0xc: {  	s5 =	sshrl.u32 s5, $0x3;
	s0 =	sadd.s32 s3, s0;
	s24 =	sadd.s32 s23, s19  }
0xd: {  	s3 =	ssub.s32 s25, s30;
	s30 =	sadd.s32 s23, s26;
	[dreg:$0x6] =	wrdreg s24  }
0xe: {  	s8 =	sadd.s32 $0xA, s5;
	s0 =	sadd.s32 $0x3E600, s0;
	[dreg:$0x7] =	wrdreg s30  }
0xf: {  	s28 =	simm.s32 $0x14880;
	s31 =	sadd.s32 s26, s8;
	[smem:$0x7FA] =	sst s0  }
0x10: {  	s1 =	sadd.s32 $0x14, s5;
	s8 =	sadd.s32 s19, s8;
	[dreg:$0x13] =	wrdreg s31  }
0x11: {  	s29 =	simm.s32 $0x14B80;
	s4 =	sadd.s32 s26, s1;
	[dreg:$0x14] =	wrdreg s8  }
0x12: {  	s12 =	sadd.s32 $0x28, s5;
	s7 =	sadd.s32 s19, s1;
	[dreg:$0x15] =	wrdreg s4  }
0x13: {  	s15 =	sadd.s32 $0x32, s5;
	s13 =	sadd.s32 s26, s12;
	[dreg:$0x16] =	wrdreg s7  }
0x14: {  	s17 =	sadd.s32 $0x4B0, s6;
	s16 =	sadd.s32 s26, s15;
	[dreg:$0x19] =	wrdreg s13  }
0x15: {  	s18 =	sadd.s32 s19, s15;
	s8 =	sadd.s32 $0x1E, s5;
	[dreg:$0x1b] =	wrdreg s16  }
0x16: {  	s25 =	sadd.s32 $0x410, s6;
	[dreg:$0x1c] =	wrdreg s18;
	s9 =	sadd.s32 s26, s8  }
0x17: {  	s31 =	sshrl.u32 s25, $0x3;
	s7 =	sadd.s32 s19, s8;
	[dreg:$0x17] =	wrdreg s9  }
0x18: {  	s24 =	sadd.s32 $0x2D0, s6;
	s1 =	sadd.s32 s31, s19;
	[dreg:$0x18] =	wrdreg s7  }
0x19: {  	s8 =	sadd.s32 $0x3C, s5;
	s7 =	sadd.s32 s19, s12;
	[dreg:$0x8] =	wrdreg s1  }
0x1a: {  	s4 =	sadd.s32 $0x3C0, s6;
	s20 =	sadd.s32 s26, s8;
	[dreg:$0x1a] =	wrdreg s7  }
0x1b: {  	s10 =	sshrl.u32 s4, $0x3;
	s9 =	sadd.s32 s31, s26;
	[dreg:$0x1d] =	wrdreg s20  }
0x1c: {  	s0 =	simm.s32 $0x14E80;
	s12 =	sadd.s32 s10, s19;
	[dreg:$0x9] =	wrdreg s9  }
0x1d: {  	s30 =	sshrl.u32 s24, $0x3;
	s15 =	sadd.s32 s10, s26;
	[dreg:$0xa] =	wrdreg s12  }
0x1e: {  	s13 =	sadd.s32 $0x370, s6;
	s1 =	sadd.s32 s30, s19;
	[dreg:$0xb] =	wrdreg s15  }
0x1f: {  	s16 =	sshrl.u32 s13, $0x3;
	s8 =	sadd.s32 s19, s8;
	[dreg:$0x10] =	wrdreg s1  }
0x20: {  	s7 =	sshrl.u32 s17, $0x3;
	s17 =	sadd.s32 s16, s19;
	[dreg:$0x1e] =	wrdreg s8  }
0x21: {  	s4 =	smul.u32 $0x50000, s11;
	s20 =	sadd.s32 s16, s26;
	[dreg:$0xc] =	wrdreg s17  }
0x22: {  	s31 =	sadd.s32 $0x46, s5;
	s9 =	sadd.s32 s30, s26;
	[dreg:$0xd] =	wrdreg s20  }
0x23: {  	s11 =	sadd.s32 $0x4B0, s5;
	s10 =	sadd.s32 s19, s31;
	[dreg:$0x11] =	wrdreg s9  }
0x24: {  	s18 =	sadd.s32 $0x320, s6;
	s12 =	sadd.s32 s26, s11;
	[smem:$0x7ED] =	sst s10  }
0x25: {  	s13 =	sadd.s32 $0x4BA, s5;
	s8 =	sadd.s32 s19, s11;
	[smem:$0x7EE] =	sst s12  }
0x26: {  	s15 =	sadd.s32 s26, s13;
	s16 =	sadd.s32 $0x4C4, s5;
	[smem:$0x7EF] =	sst s8  }
0x27: {  	s30 =	smax.u32 s3, $0x1;
	s1 =	simm.s32 $0x14D80;
	[smem:$0x7F0] =	sst s15  }
0x28: {  	s11 =	simm.s32 $0x14E00;
	s22 =	sadd.s32 s7, s19;
	[smem:$0x7FB] =	sst s30  }
0x29: {  	s3 =	simm.s32 $0x0;
	s7 =	sadd.s32 s7, s26;
	[dreg:$0x4] =	wrdreg s22  }
0x2a: {  	s9 =	sadd.s32 s26, s31;
	s17 =	sadd.s32 s26, s16;
	[dreg:$0x5] =	wrdreg s7  }
0x2b: {  	s8 =	sadd.s32 s19, s16;
	s31 =	sadd.s32 $0x280, s6;
	[dreg:$0x1f] =	wrdreg s9  }
0x2c: {  	s6 =	simm.s32 $0x14C80;
	s10 =	simm.s32 $0x14A80;
	[smem:$0x7F2] =	sst s17  }
0x2d: {  	s12 =	simm.s32 $0x14B00;
	s22 =	sshrl.u32 s18, $0x3;
	[smem:$0x7F3] =	sst s8  }
0x2e: {  	s7 =	sshrl.u32 s4, $0x2;
	[smem:$0x7FC] =	sst s31;
	s23 =	sadd.s32 s22, s19  }
0x2f: {  	s18 =	sadd.s32 $0x4CE, s5;
	s25 =	sadd.s32 s22, s26;
	[dreg:$0xe] =	wrdreg s23  }
0x30: {  	s24 =	sadd.s32 s7, s21;
	s7 =	sadd.s32 s19, s13;
	[dreg:$0xf] =	wrdreg s25  }
0x31: {  	s15 =	simm.s32 $0x50;
	s20 =	sadd.s32 s26, s18;
	[smem:$0x7F1] =	sst s7  }
0x32: {  	s4 =	simm.s32 $0x14800;
	s22 =	sadd.s32 s26, s5;
	[smem:$0x7F4] =	sst s20  }
0x33: {  	s8 =	simm.s32 $0x14980;
	s9 =	simm.s32 $0x14A00;
	[smem:$0x7F6] =	sst s22  }
0x34: {  	s7 =	sadd.s32 s19, s18;
	s23 =	sadd.s32 s19, s5;
	[smem:$0x7FD] =	sst s24  }
0x35: {  	s5 =	sadd.s32 $0x4D8, s5;
	s18 =	simm.s32 $0x14900;
	[smem:$0x7F5] =	sst s7  }
0x36: {  	s20 =	simm.s32 $0x14F00;
	[smem:$0x7F7] =	sst s23;
	s25 =	sadd.s32 s26, s5  }
0x37: {  	s5 =	sadd.s32 s19, s5;
	s23 =	simm.s32 $0x14C00;
	[smem:$0x7F8] =	sst s25  }
0x38: {  	v0 =	vimm.f32 $0.0e+00;
	s7 =	simm.s32 $0x14D00;
	[smem:$0x7F9] =	sst s5;
	s5 =	simm.s32 $0x14F80  }
.LBB2_1:
0x39: {  	s22 =	sld [smem:$0x7F6]  }
0x3a: {  	[smem:$0x7EC] =	sst s3  }
0x3b: {  	s25 =	sld [smem:$0x7F7]  }
0x3c: {  	[tilespmem:s4], [sflag:$0x1] =	stream.linear.gather [hbm4b:s22+s14], $0x50, $0x38;
	[tilespmem:$0x1F000] =	vst v63  }
0x3d: {  	s30 =	rddreg [dreg:$0x13]  }
0x3e: {  	[tilespmem:s23], [sflag:$0x1] =	stream.linear.gather [hbm4b:s25+s14], $0x50, $0x38;
	[tilespmem:$0x1F000] =	vst v63  }
0x3f: {  	s31 =	rddreg [dreg:$0x14]  }
0x40: {  	[tilespmem:s28], [sflag:$0x2] =	stream.linear.gather [hbm4b:s30+s14], $0x50, $0x38;
	[tilespmem:$0x1F000] =	vst v63  }
0x41: {  	s3 =	rddreg [dreg:$0x15]  }
0x42: {  	[tilespmem:s6], [sflag:$0x2] =	stream.linear.gather [hbm4b:s31+s14], $0x50, $0x38;
	[tilespmem:$0x1F000] =	vst v63  }
0x43: {  	s13 =	rddreg [dreg:$0x19]  }
0x44: {  	[tilespmem:s18], [sflag:$0x3] =	stream.linear.gather [hbm4b:s3+s14], $0x50, $0x38;
	[tilespmem:$0x1F000] =	vst v63  }
0x45: {  	s6 =	rddreg [dreg:$0x16]  }
0x46: {  	[tilespmem:s7], [sflag:$0x3] =	stream.linear.gather [hbm4b:s6+s14], $0x50, $0x38;
	[tilespmem:$0x1F000] =	vst v63  }
0x47: {  	s7 =	rddreg [dreg:$0x17]  }
0x48: {  	[tilespmem:s8], [sflag:$0x4] =	stream.linear.gather [hbm4b:s7+s14], $0x50, $0x38;
	[tilespmem:$0x1F000] =	vst v63  }
0x49: {  	s8 =	rddreg [dreg:$0x18]  }
0x4a: {  	[tilespmem:s1], [sflag:$0x4] =	stream.linear.gather [hbm4b:s8+s14], $0x50, $0x38;
	[tilespmem:$0x1F000] =	vst v63  }
0x4b: {  	s16 =	rddreg [dreg:$0x1a]  }
0x4c: {  	[tilespmem:s9], [sflag:$0x5] =	stream.linear.gather [hbm4b:s13+s14], $0x50, $0x38;
	[tilespmem:$0x1F000] =	vst v63  }
0x4d: {  	s17 =	rddreg [dreg:$0x1b]  }
0x4e: {  	[tilespmem:s11], [sflag:$0x5] =	stream.linear.gather [hbm4b:s16+s14], $0x50, $0x38;
	[tilespmem:$0x1F000] =	vst v63  }
0x4f: {  	s23 =	rddreg [dreg:$0x1d]  }
0x50: {  	[tilespmem:s10], [sflag:$0x6] =	stream.linear.gather [hbm4b:s17+s14], $0x50, $0x38;
	[tilespmem:$0x1F000] =	vst v63  }
0x51: {  	s18 =	rddreg [dreg:$0x1c]  }
0x52: {  	[tilespmem:s0], [sflag:$0x6] =	stream.linear.gather [hbm4b:s18+s14], $0x50, $0x38;
	[tilespmem:$0x1F000] =	vst v63  }
0x53: {  	s25 =	rddreg [dreg:$0x1e]  }
0x54: {  	[tilespmem:s12], [sflag:$0x7] =	stream.linear.gather [hbm4b:s23+s14], $0x50, $0x38;
	[tilespmem:$0x1F000] =	vst v63  }
0x55: {  	s22 =	simm.s32 $0x0;
	s30 =	rddreg [dreg:$0x1f]  }
0x56: {  	[tilespmem:s20], [sflag:$0x7] =	stream.linear.gather [hbm4b:s25+s14], $0x50, $0x38;
	[tilespmem:$0x1F000] =	vst v63  }
0x57: {  	s31 =	sld [smem:$0x7ED];
	s3 =	simm.s32 $0x14900;
	s1 =	simm.s32 $0x14980  }
0x58: {  	[tilespmem:s29], [sflag:$0x8] =	stream.linear.gather [hbm4b:s30+s14], $0x50, $0x38;
	[tilespmem:$0x1F000] =	vst v63  }
0x59: {  	s0 =	simm.s32 $0x14A00;
	s23 =	simm.s32 $0x200;
	s12 =	simm.s32 $0x14A80  }
0x5a: {  	[tilespmem:s5], [sflag:$0x8] =	stream.linear.gather [hbm4b:s31+s14], $0x50, $0x38;
	[tilespmem:$0x1F000] =	vst v63  }
.LBB2_2:
0x5b: {  	p0 =	sne.s32 s23, $0x1E00;
	[tilespmem:s22+$0x14070] =	vst v0  }
0x5c: {  	[tilespmem:s22+$0x14000] =	vst v0  }
0x5d: {  	[tilespmem:s22+$0x14010] =	vst v0  }
.Ltmp0:
0x5e: {  	[tilespmem:s22+$0x14020] =	vst v0;
	(pc) =	sbr.rel @p0 .LBB2_2-.Ltmp0, $4  }
0x5f: {  	[tilespmem:s22+$0x14030] =	vst v0  }
0x60: {  	[tilespmem:s22+$0x14040] =	vst v0  }
0x61: {  	[tilespmem:s22+$0x14050] =	vst v0  }
0x62: {  	[tilespmem:s22+$0x14060] =	vst v0;
	s22 =	sshra.s32 s23, $0x2;
	s23 =	sadd.s32 $0x200, s23  }
0x63: {  	[tilespmem:s22+$0x14070] =	vst v0  }
0x64: {  	[tilespmem:s22+$0x14000] =	vst v0  }
0x65: {  	[tilespmem:s22+$0x14010] =	vst v0  }
0x66: {  	[tilespmem:s22+$0x14020] =	vst v0  }
0x67: {  	[tilespmem:s22+$0x14030] =	vst v0  }
0x68: {  	[tilespmem:s22+$0x14040] =	vst v0  }
0x69: {  	[tilespmem:s22+$0x14050] =	vst v0;
	s30 =	sadd.s32 $0x0, s24;
	s10 =	simm.s32 $0x14000  }
0x6a: {  	[tilespmem:s22+$0x14060] =	vst v0;
	s22 =	simm.s32 $0x2000;
	s8 =	simm.s32 $0x11;
	s7 =	simm.s32 $0x1  }
0x6b: {  	[spmem:s30] =	stream.linear.scatter [tilespmem:s10], [sflag:$0x11], $0x800, $0x38;
	[tilespmem:$0x1F000] =	vst v63  }
0x6c: {  	s31 =	simm.s32 $0x5;
	s13 =	simm.s32 $0x6;
	_ =	swait.ge [sflag:s8], $0x800  }
.LBB2_4:
0x6d: {  	s23 =	sshra.s32 s22, $0x2;
	[sflag:s8] =	ssyncset.done $0x0;
	p0 =	sne.s32 s22, $0x4E000  }
.Ltmp1:
0x6e: {  	s23 =	sadd.s32 s23, s24;
	[sflag:s8] =	ssyncadd.s32 $0xFFFFF800;
	(pc) =	sbr.rel @p0 .LBB2_4-.Ltmp1, $3  }
0x6f: {  	[spmem:s23] =	stream.linear.scatter [tilespmem:s10], [sflag:$0x11], $0x800, $0x38;
	[tilespmem:$0x1F000] =	vst v63  }
0x70: {  	s22 =	sadd.s32 $0x2000, s22;
	_ =	sdelay $0x1  }
0x71: {  	_ =	swait.ge [sflag:s8], $0x800  }
0x72: {  	[sflag:s8] =	ssyncset.done $0x0  }
0x73: {  	[sflag:s8] =	ssyncadd.s32 $0xFFFFF800  }
0x74: {  	_ =	swait.ge [sflag:s7], $0x50  }
0x75: {  	[sflag:s7] =	ssyncset.done $0x0  }
0x76: {  	[sflag:s7] =	ssyncadd.s32 $0xFFFFFFB0  }
0x77: {  	_ =	swait.ge [sflag:s7], $0x50  }
0x78: {  	[sflag:s7] =	ssyncset.done $0x0  }
0x79: {  	s11 =	simm.s32 $0x15000;
	s5 =	simm.s32 $0x2;
	[sflag:s7] =	ssyncadd.s32 $0xFFFFFFB0  }
0x7a: {  	[tilespmem:s11], [sflag:$0x9] =	stream.indirect.gather [hbm4b:s2+s15], $0x80, s4, s15, $0xb8;
	[tilespmem:$0x1F000] =	vst v63  }
0x7b: {  	_ =	swait.ge [sflag:s5], $0x50  }
0x7c: {  	[sflag:s5] =	ssyncset.done $0x0  }
0x7d: {  	[sflag:s5] =	ssyncadd.s32 $0xFFFFFFB0  }
0x7e: {  	_ =	swait.ge [sflag:s5], $0x50  }
0x7f: {  	[sflag:s5] =	ssyncset.done $0x0  }
0x80: {  	s10 =	simm.s32 $0x17800;
	s29 =	simm.s32 $0x3;
	[sflag:s5] =	ssyncadd.s32 $0xFFFFFFB0  }
0x81: {  	[tilespmem:s10], [sflag:$0xA] =	stream.indirect.gather [hbm4b:s2+s15], $0x80, s28, s15, $0xb8;
	[tilespmem:$0x1F000] =	vst v63  }
0x82: {  	_ =	swait.ge [sflag:s29], $0x50  }
0x83: {  	[sflag:s29] =	ssyncset.done $0x0  }
0x84: {  	[sflag:s29] =	ssyncadd.s32 $0xFFFFFFB0  }
0x85: {  	_ =	swait.ge [sflag:s29], $0x50  }
0x86: {  	[sflag:s29] =	ssyncset.done $0x0  }
0x87: {  	s16 =	simm.s32 $0x4;
	s10 =	simm.s32 $0x1A000;
	[sflag:s29] =	ssyncadd.s32 $0xFFFFFFB0  }
0x88: {  	[tilespmem:s10], [sflag:$0xB] =	stream.indirect.gather [hbm4b:s2+s15], $0x80, s3, s15, $0xb8;
	[tilespmem:$0x1F000] =	vst v63  }
0x89: {  	_ =	swait.ge [sflag:s16], $0x50  }
0x8a: {  	[sflag:s16] =	ssyncset.done $0x0  }
0x8b: {  	[sflag:s16] =	ssyncadd.s32 $0xFFFFFFB0  }
0x8c: {  	_ =	swait.ge [sflag:s16], $0x50  }
0x8d: {  	[sflag:s16] =	ssyncset.done $0x0  }
0x8e: {  	s18 =	simm.s32 $0x1C800;
	[sflag:s16] =	ssyncadd.s32 $0xFFFFFFB0  }
0x8f: {  	[tilespmem:s18], [sflag:$0xC] =	stream.indirect.gather [hbm4b:s2+s15], $0x80, s1, s15, $0xb8;
	[tilespmem:$0x1F000] =	vst v63  }
0x90: {  	s6 =	simm.s32 $0x9;
	[bflag:$0x0] =	sbarrier.arrive $0xFFFF  }
0x91: {  	_ =	swait.ge [sflag:s6], $0x2800  }
0x92: {  	[sflag:s6] =	ssyncset.done $0x0  }
0x93: {  	s20 =	simm.s32 $0x14C00;
	s17 =	simm.s32 $0xA;
	[sflag:s6] =	ssyncadd.s32 $0xFFFFD800  }
0x94: {  	[spmem:s21] =	stream.indirect.scatter.add.f32 [tilespmem:s11], [sflag:$0xD], $0x80, s20, s15, $0xb8;
	[tilespmem:$0x1F000] =	vst v63  }
0x95: {  	_ =	swait.ge [sflag:s17], $0x2800  }
0x96: {  	s9 =	simm.s32 $0x14C80;
	[sflag:s17] =	ssyncset.done $0x0  }
0x97: {  	s30 =	simm.s32 $0xD;
	s3 =	simm.s32 $0x17800;
	[sflag:s17] =	ssyncadd.s32 $0xFFFFD800  }
0x98: {  	[spmem:s21] =	stream.indirect.scatter.add.f32 [tilespmem:s3], [sflag:$0xE], $0x80, s9, s15, $0xb8;
	[tilespmem:$0x1F000] =	vst v63  }
0x99: {  	_ =	swait.ge [sflag:s30], $0x2800  }
0x9a: {  	[sflag:s30] =	ssyncset.done $0x0  }
0x9b: {  	[sflag:s30] =	ssyncadd.s32 $0xFFFFD800  }
0x9c: {  	_ =	swait.ge [sflag:s31], $0x50  }
0x9d: {  	[sflag:s31] =	ssyncset.done $0x0  }
0x9e: {  	[sflag:s31] =	ssyncadd.s32 $0xFFFFFFB0  }
0x9f: {  	_ =	swait.ge [sflag:s31], $0x50  }
0xa0: {  	[sflag:s31] =	ssyncset.done $0x0  }
0xa1: {  	[sflag:s31] =	ssyncadd.s32 $0xFFFFFFB0  }
0xa2: {  	[tilespmem:s11], [sflag:$0x9] =	stream.indirect.gather [hbm4b:s2+s15], $0x80, s0, s15, $0xb8;
	[tilespmem:$0x1F000] =	vst v63  }
0xa3: {  	s0 =	simm.s32 $0xE  }
0xa4: {  	_ =	swait.ge [sflag:s0], $0x2800  }
0xa5: {  	[sflag:s0] =	ssyncset.done $0x0  }
0xa6: {  	[sflag:s0] =	ssyncadd.s32 $0xFFFFD800  }
0xa7: {  	_ =	swait.ge [sflag:s13], $0x50  }
0xa8: {  	[sflag:s13] =	ssyncset.done $0x0  }
0xa9: {  	[sflag:s13] =	ssyncadd.s32 $0xFFFFFFB0  }
0xaa: {  	_ =	swait.ge [sflag:s13], $0x50  }
0xab: {  	[sflag:s13] =	ssyncset.done $0x0;
	s28 =	sld [smem:$0x7FC]  }
0xac: {  	[sflag:s13] =	ssyncadd.s32 $0xFFFFFFB0  }
0xad: {  	[tilespmem:s3], [sflag:$0xA] =	stream.indirect.gather [hbm4b:s2+s15], $0x80, s12, s15, $0xb8;
	[tilespmem:$0x1F000] =	vst v63  }
0xae: {  	s22 =	sshrl.u32 s28, $0x3  }
0xaf: {  	s23 =	sadd.s32 s26, s22  }
0xb0: {  	[tilespmem:s4], [sflag:$0x1] =	stream.linear.gather [hbm4b:s23+s14], $0x50, $0x38;
	[tilespmem:$0x1F000] =	vst v63  }
0xb1: {  	s24 =	rddreg [dreg:$0x11];
	s22 =	sadd.s32 s19, s22  }
0xb2: {  	[tilespmem:s20], [sflag:$0x1] =	stream.linear.gather [hbm4b:s22+s14], $0x50, $0x38;
	[tilespmem:$0x1F000] =	vst v63  }
0xb3: {  	s25 =	simm.s32 $0x14880;
	s12 =	rddreg [dreg:$0x10];
	s19 =	sadd.s32 $0x0, s24  }
0xb4: {  	[tilespmem:s25], [sflag:$0x2] =	stream.linear.gather [hbm4b:s19+s14], $0x50, $0x38;
	[tilespmem:$0x1F000] =	vst v63  }
0xb5: {  	s1 =	simm.s32 $0xB;
	s20 =	sadd.s32 $0x0, s12  }
0xb6: {  	[tilespmem:s9], [sflag:$0x2] =	stream.linear.gather [hbm4b:s20+s14], $0x50, $0x38;
	[tilespmem:$0x1F000] =	vst v63  }
0xb7: {  	_ =	swait.ge [sflag:s1], $0x2800  }
0xb8: {  	[sflag:s1] =	ssyncset.done $0x0  }
0xb9: {  	s19 =	simm.s32 $0xC;
	s9 =	simm.s32 $0x14D00;
	[sflag:s1] =	ssyncadd.s32 $0xFFFFD800  }
0xba: {  	[spmem:s21] =	stream.indirect.scatter.add.f32 [tilespmem:s10], [sflag:$0xF], $0x80, s9, s15, $0xb8;
	[tilespmem:$0x1F000] =	vst v63  }
0xbb: {  	_ =	swait.ge [sflag:s19], $0x2800  }
0xbc: {  	[sflag:s19] =	ssyncset.done $0x0  }
0xbd: {  	s25 =	simm.s32 $0x14D80;
	s20 =	simm.s32 $0xF;
	[sflag:s19] =	ssyncadd.s32 $0xFFFFD800  }
0xbe: {  	[spmem:s21] =	stream.indirect.scatter.add.f32 [tilespmem:s18], [sflag:$0x10], $0x80, s25, s15, $0xb8;
	[tilespmem:$0x1F000] =	vst v63  }
0xbf: {  	_ =	swait.ge [sflag:s20], $0x2800  }
0xc0: {  	[sflag:s20] =	ssyncset.done $0x0  }
0xc1: {  	s23 =	simm.s32 $0x7;
	[sflag:s20] =	ssyncadd.s32 $0xFFFFD800  }
0xc2: {  	_ =	swait.ge [sflag:s23], $0x50  }
0xc3: {  	[sflag:s23] =	ssyncset.done $0x0  }
0xc4: {  	[sflag:s23] =	ssyncadd.s32 $0xFFFFFFB0  }
0xc5: {  	_ =	swait.ge [sflag:s23], $0x50  }
0xc6: {  	[sflag:s23] =	ssyncset.done $0x0  }
0xc7: {  	s8 =	simm.s32 $0x10;
	s24 =	simm.s32 $0x14B00;
	[sflag:s23] =	ssyncadd.s32 $0xFFFFFFB0  }
0xc8: {  	[tilespmem:s10], [sflag:$0xB] =	stream.indirect.gather [hbm4b:s2+s15], $0x80, s24, s15, $0xb8;
	[tilespmem:$0x1F000] =	vst v63  }
0xc9: {  	_ =	swait.ge [sflag:s8], $0x2800  }
0xca: {  	[sflag:s8] =	ssyncset.done $0x0  }
0xcb: {  	s12 =	simm.s32 $0x8;
	[sflag:s8] =	ssyncadd.s32 $0xFFFFD800  }
0xcc: {  	_ =	swait.ge [sflag:s12], $0x50  }
0xcd: {  	[sflag:s12] =	ssyncset.done $0x0  }
0xce: {  	[sflag:s12] =	ssyncadd.s32 $0xFFFFFFB0  }
0xcf: {  	_ =	swait.ge [sflag:s12], $0x50  }
0xd0: {  	[sflag:s12] =	ssyncset.done $0x0  }
0xd1: {  	s24 =	simm.s32 $0x14B80;
	s22 =	rddreg [dreg:$0xf];
	[sflag:s12] =	ssyncadd.s32 $0xFFFFFFB0  }
0xd2: {  	[tilespmem:s18], [sflag:$0xC] =	stream.indirect.gather [hbm4b:s2+s15], $0x80, s24, s15, $0xb8;
	[tilespmem:$0x1F000] =	vst v63  }
0xd3: {  	s23 =	rddreg [dreg:$0xe];
	s22 =	sadd.s32 $0x0, s22;
	s12 =	simm.s32 $0x14900  }
0xd4: {  	[tilespmem:s12], [sflag:$0x3] =	stream.linear.gather [hbm4b:s22+s14], $0x50, $0x38;
	[tilespmem:$0x1F000] =	vst v63  }
0xd5: {  	s24 =	rddreg [dreg:$0xd];
	s12 =	sadd.s32 $0x0, s23  }
0xd6: {  	[tilespmem:s9], [sflag:$0x3] =	stream.linear.gather [hbm4b:s12+s14], $0x50, $0x38;
	[tilespmem:$0x1F000] =	vst v63  }
0xd7: {  	s23 =	rddreg [dreg:$0xc];
	s9 =	sadd.s32 $0x0, s24;
	s12 =	simm.s32 $0x14980  }
0xd8: {  	[tilespmem:s12], [sflag:$0x4] =	stream.linear.gather [hbm4b:s9+s14], $0x50, $0x38;
	[tilespmem:$0x1F000] =	vst v63  }
0xd9: {  	s23 =	sadd.s32 $0x0, s23  }
0xda: {  	[tilespmem:s25], [sflag:$0x4] =	stream.linear.gather [hbm4b:s23+s14], $0x50, $0x38;
	[tilespmem:$0x1F000] =	vst v63  }
0xdb: {  	_ =	swait.ge [sflag:s6], $0x2800  }
0xdc: {  	[sflag:s6] =	ssyncset.done $0x0  }
0xdd: {  	s24 =	simm.s32 $0x14E00;
	[sflag:s6] =	ssyncadd.s32 $0xFFFFD800  }
0xde: {  	[spmem:s21] =	stream.indirect.scatter.add.f32 [tilespmem:s11], [sflag:$0xD], $0x80, s24, s15, $0xb8;
	[tilespmem:$0x1F000] =	vst v63  }
0xdf: {  	_ =	swait.ge [sflag:s17], $0x2800  }
0xe0: {  	[sflag:s17] =	ssyncset.done $0x0  }
0xe1: {  	s6 =	simm.s32 $0x14E80;
	[sflag:s17] =	ssyncadd.s32 $0xFFFFD800  }
0xe2: {  	[spmem:s21] =	stream.indirect.scatter.add.f32 [tilespmem:s3], [sflag:$0xE], $0x80, s6, s15, $0xb8;
	[tilespmem:$0x1F000] =	vst v63  }
0xe3: {  	_ =	swait.ge [sflag:s30], $0x2800  }
0xe4: {  	[sflag:s30] =	ssyncset.done $0x0  }
0xe5: {  	[sflag:s30] =	ssyncadd.s32 $0xFFFFD800  }
0xe6: {  	_ =	swait.ge [sflag:s7], $0x50  }
0xe7: {  	[sflag:s7] =	ssyncset.done $0x0  }
0xe8: {  	[sflag:s7] =	ssyncadd.s32 $0xFFFFFFB0  }
0xe9: {  	_ =	swait.ge [sflag:s7], $0x50  }
0xea: {  	[sflag:s7] =	ssyncset.done $0x0  }
0xeb: {  	[sflag:s7] =	ssyncadd.s32 $0xFFFFFFB0  }
0xec: {  	[tilespmem:s11], [sflag:$0x9] =	stream.indirect.gather [hbm4b:s2+s15], $0x80, s4, s15, $0xb8;
	[tilespmem:$0x1F000] =	vst v63  }
0xed: {  	_ =	swait.ge [sflag:s0], $0x2800  }
0xee: {  	[sflag:s0] =	ssyncset.done $0x0  }
0xef: {  	[sflag:s0] =	ssyncadd.s32 $0xFFFFD800  }
0xf0: {  	_ =	swait.ge [sflag:s5], $0x50  }
0xf1: {  	[sflag:s5] =	ssyncset.done $0x0  }
0xf2: {  	[sflag:s5] =	ssyncadd.s32 $0xFFFFFFB0  }
0xf3: {  	_ =	swait.ge [sflag:s5], $0x50  }
0xf4: {  	[sflag:s5] =	ssyncset.done $0x0  }
0xf5: {  	s7 =	simm.s32 $0x14880;
	s4 =	rddreg [dreg:$0xb];
	[sflag:s5] =	ssyncadd.s32 $0xFFFFFFB0  }
0xf6: {  	[tilespmem:s3], [sflag:$0xA] =	stream.indirect.gather [hbm4b:s2+s15], $0x80, s7, s15, $0xb8;
	[tilespmem:$0x1F000] =	vst v63  }
0xf7: {  	s17 =	simm.s32 $0x14A00;
	s5 =	rddreg [dreg:$0xa];
	s22 =	sadd.s32 $0x0, s4  }
0xf8: {  	[tilespmem:s17], [sflag:$0x5] =	stream.linear.gather [hbm4b:s22+s14], $0x50, $0x38;
	[tilespmem:$0x1F000] =	vst v63  }
0xf9: {  	s11 =	rddreg [dreg:$0x9];
	s23 =	sadd.s32 $0x0, s5  }
0xfa: {  	[tilespmem:s24], [sflag:$0x5] =	stream.linear.gather [hbm4b:s23+s14], $0x50, $0x38;
	[tilespmem:$0x1F000] =	vst v63  }
0xfb: {  	s25 =	rddreg [dreg:$0x8];
	s0 =	sadd.s32 $0x0, s11;
	s4 =	simm.s32 $0x14A80  }
0xfc: {  	[tilespmem:s4], [sflag:$0x6] =	stream.linear.gather [hbm4b:s0+s14], $0x50, $0x38;
	[tilespmem:$0x1F000] =	vst v63  }
0xfd: {  	s5 =	sadd.s32 $0x0, s25  }
0xfe: {  	[tilespmem:s6], [sflag:$0x6] =	stream.linear.gather [hbm4b:s5+s14], $0x50, $0x38;
	[tilespmem:$0x1F000] =	vst v63  }
0xff: {  	_ =	swait.ge [sflag:s1], $0x2800  }
0x100: {  	[sflag:s1] =	ssyncset.done $0x0  }
0x101: {  	s7 =	simm.s32 $0x14F00;
	[sflag:s1] =	ssyncadd.s32 $0xFFFFD800  }
0x102: {  	[spmem:s21] =	stream.indirect.scatter.add.f32 [tilespmem:s10], [sflag:$0xF], $0x80, s7, s15, $0xb8;
	[tilespmem:$0x1F000] =	vst v63  }
0x103: {  	_ =	swait.ge [sflag:s19], $0x2800  }
0x104: {  	[sflag:s19] =	ssyncset.done $0x0  }
0x105: {  	s5 =	simm.s32 $0x14F80;
	[sflag:s19] =	ssyncadd.s32 $0xFFFFD800  }
0x106: {  	[spmem:s21] =	stream.indirect.scatter.add.f32 [tilespmem:s18], [sflag:$0x10], $0x80, s5, s15, $0xb8;
	[tilespmem:$0x1F000] =	vst v63  }
0x107: {  	_ =	swait.ge [sflag:s20], $0x2800  }
0x108: {  	[sflag:s20] =	ssyncset.done $0x0  }
0x109: {  	[sflag:s20] =	ssyncadd.s32 $0xFFFFD800  }
0x10a: {  	_ =	swait.ge [sflag:s29], $0x50  }
0x10b: {  	[sflag:s29] =	ssyncset.done $0x0  }
0x10c: {  	[sflag:s29] =	ssyncadd.s32 $0xFFFFFFB0  }
0x10d: {  	_ =	swait.ge [sflag:s29], $0x50  }
0x10e: {  	[sflag:s29] =	ssyncset.done $0x0  }
0x10f: {  	s9 =	simm.s32 $0x14900;
	[sflag:s29] =	ssyncadd.s32 $0xFFFFFFB0  }
0x110: {  	[tilespmem:s10], [sflag:$0xB] =	stream.indirect.gather [hbm4b:s2+s15], $0x80, s9, s15, $0xb8;
	[tilespmem:$0x1F000] =	vst v63  }
0x111: {  	_ =	swait.ge [sflag:s8], $0x2800  }
0x112: {  	[sflag:s8] =	ssyncset.done $0x0  }
0x113: {  	[sflag:s8] =	ssyncadd.s32 $0xFFFFD800  }
0x114: {  	_ =	swait.ge [sflag:s16], $0x50  }
0x115: {  	[sflag:s16] =	ssyncset.done $0x0  }
0x116: {  	[sflag:s16] =	ssyncadd.s32 $0xFFFFFFB0  }
0x117: {  	s12 =	simm.s32 $0x14980;
	_ =	swait.ge [sflag:s16], $0x50  }
0x118: {  	s30 =	simm.s32 $0x15000;
	[sflag:s16] =	ssyncset.done $0x0;
	s11 =	rddreg [dreg:$0x7]  }
0x119: {  	s23 =	sadd.s32 $0x280, s28;
	s17 =	rddreg [dreg:$0x5];
	[sflag:s16] =	ssyncadd.s32 $0xFFFFFFB0  }
0x11a: {  	[tilespmem:s18], [sflag:$0xC] =	stream.indirect.gather [hbm4b:s2+s15], $0x80, s12, s15, $0xb8;
	[tilespmem:$0x1F000] =	vst v63  }
0x11b: {  	s16 =	rddreg [dreg:$0x6];
	s22 =	sadd.s32 $0x0, s11;
	s18 =	simm.s32 $0x14B00  }
0x11c: {  	[tilespmem:s18], [sflag:$0x7] =	stream.linear.gather [hbm4b:s22+s14], $0x50, $0x38;
	[tilespmem:$0x1F000] =	vst v63  }
0x11d: {  	s29 =	simm.s32 $0x14B80;
	s20 =	rddreg [dreg:$0x4];
	s19 =	sadd.s32 $0x0, s16  }
0x11e: {  	[tilespmem:s7], [sflag:$0x7] =	stream.linear.gather [hbm4b:s19+s14], $0x50, $0x38;
	[tilespmem:$0x1F000] =	vst v63  }
0x11f: {  	s25 =	sadd.s32 $0x0, s17;
	s24 =	sadd.s32 $0x0, s20;
	s22 =	simm.s32 $0x50  }
0x120: {  	[tilespmem:s29], [sflag:$0x8] =	stream.linear.gather [hbm4b:s25+s14], $0x50, $0x38;
	[tilespmem:$0x1F000] =	vst v63  }
.LBB2_6:
0x121: {  	[tilespmem:s5], [sflag:$0x8] =	stream.linear.gather [hbm4b:s24+s14], $0x50, $0x38;
	[tilespmem:$0x1F000] =	vst v63  }
0x122: {  	s6 =	simm.s32 $0x9  }
0x123: {  	_ =	swait.ge [sflag:s6], $0x2800  }
0x124: {  	[sflag:s6] =	ssyncset.done $0x0  }
0x125: {  	s9 =	simm.s32 $0x14C00;
	s17 =	simm.s32 $0xA;
	[sflag:s6] =	ssyncadd.s32 $0xFFFFD800  }
0x126: {  	[spmem:s21] =	stream.indirect.scatter.add.f32 [tilespmem:s30], [sflag:$0xD], $0x80, s9, s15, $0xb8;
	[tilespmem:$0x1F000] =	vst v63  }
0x127: {  	_ =	swait.ge [sflag:s17], $0x2800  }
0x128: {  	[sflag:s17] =	ssyncset.done $0x0  }
0x129: {  	s8 =	simm.s32 $0x14C80;
	s29 =	simm.s32 $0xD;
	[sflag:s17] =	ssyncadd.s32 $0xFFFFD800  }
0x12a: {  	[spmem:s21] =	stream.indirect.scatter.add.f32 [tilespmem:s3], [sflag:$0xE], $0x80, s8, s15, $0xb8;
	[tilespmem:$0x1F000] =	vst v63  }
0x12b: {  	_ =	swait.ge [sflag:s29], $0x2800  }
0x12c: {  	[sflag:s29] =	ssyncset.done $0x0  }
0x12d: {  	[sflag:s29] =	ssyncadd.s32 $0xFFFFD800  }
0x12e: {  	_ =	swait.ge [sflag:s31], $0x50  }
0x12f: {  	[sflag:s31] =	ssyncset.done $0x0  }
0x130: {  	[sflag:s31] =	ssyncadd.s32 $0xFFFFFFB0  }
0x131: {  	_ =	swait.ge [sflag:s31], $0x50  }
0x132: {  	[sflag:s31] =	ssyncset.done $0x0  }
0x133: {  	s5 =	simm.s32 $0x14A00;
	s16 =	simm.s32 $0xE;
	[sflag:s31] =	ssyncadd.s32 $0xFFFFFFB0  }
0x134: {  	[tilespmem:s30], [sflag:$0x9] =	stream.indirect.gather [hbm4b:s2+s15], $0x80, s5, s15, $0xb8;
	[tilespmem:$0x1F000] =	vst v63  }
0x135: {  	_ =	swait.ge [sflag:s16], $0x2800  }
0x136: {  	[sflag:s16] =	ssyncset.done $0x0  }
0x137: {  	[sflag:s16] =	ssyncadd.s32 $0xFFFFD800  }
0x138: {  	_ =	swait.ge [sflag:s13], $0x50  }
0x139: {  	[sflag:s13] =	ssyncset.done $0x0  }
0x13a: {  	[sflag:s13] =	ssyncadd.s32 $0xFFFFFFB0  }
0x13b: {  	_ =	swait.ge [sflag:s13], $0x50  }
0x13c: {  	s25 =	sshrl.u32 s23, $0x3;
	[sflag:s13] =	ssyncset.done $0x0  }
0x13d: {  	s0 =	simm.s32 $0x0;
	[sflag:s13] =	ssyncadd.s32 $0xFFFFFFB0;
	s13 =	simm.s32 $0x14A80  }
0x13e: {  	[tilespmem:s3], [sflag:$0xA] =	stream.indirect.gather [hbm4b:s2+s15], $0x80, s13, s15, $0xb8;
	[tilespmem:$0x1F000] =	vst v63  }
0x13f: {  	s14 =	simm.s32 $0x14800;
	s12 =	sadd.s32 s26, s25;
	s1 =	rddreg [dreg:$0x12]  }
0x140: {  	[tilespmem:s14], [sflag:$0x1] =	stream.linear.gather [hbm4b:s12+s0], $0x50, $0x38;
	[tilespmem:$0x1F000] =	vst v63  }
0x141: {  	s24 =	smov.u32 s22;
	s28 =	rddreg [dreg:$0x11];
	s25 =	sadd.s32 s1, s25  }
0x142: {  	[tilespmem:s9], [sflag:$0x1] =	stream.linear.gather [hbm4b:s25+s0], $0x50, $0x38;
	[tilespmem:$0x1F000] =	vst v63  }
0x143: {  	s4 =	simm.s32 $0x14880;
	s18 =	rddreg [dreg:$0x10];
	s19 =	sadd.s32 s24, s28  }
0x144: {  	[tilespmem:s4], [sflag:$0x2] =	stream.linear.gather [hbm4b:s19+s0], $0x50, $0x38;
	[tilespmem:$0x1F000] =	vst v63  }
0x145: {  	s20 =	sadd.s32 s24, s18;
	s1 =	simm.s32 $0xB  }
0x146: {  	[tilespmem:s8], [sflag:$0x2] =	stream.linear.gather [hbm4b:s20+s0], $0x50, $0x38;
	[tilespmem:$0x1F000] =	vst v63  }
0x147: {  	_ =	swait.ge [sflag:s1], $0x2800  }
0x148: {  	s11 =	simm.s32 $0x1A000;
	[sflag:s1] =	ssyncset.done $0x0  }
0x149: {  	s19 =	simm.s32 $0xC;
	s8 =	simm.s32 $0x14D00;
	[sflag:s1] =	ssyncadd.s32 $0xFFFFD800  }
0x14a: {  	[spmem:s21] =	stream.indirect.scatter.add.f32 [tilespmem:s11], [sflag:$0xF], $0x80, s8, s15, $0xb8;
	[tilespmem:$0x1F000] =	vst v63  }
0x14b: {  	_ =	swait.ge [sflag:s19], $0x2800  }
0x14c: {  	s18 =	simm.s32 $0x1C800;
	[sflag:s19] =	ssyncset.done $0x0  }
0x14d: {  	s12 =	simm.s32 $0x14D80;
	s20 =	simm.s32 $0xF;
	[sflag:s19] =	ssyncadd.s32 $0xFFFFD800  }
0x14e: {  	[spmem:s21] =	stream.indirect.scatter.add.f32 [tilespmem:s18], [sflag:$0x10], $0x80, s12, s15, $0xb8;
	[tilespmem:$0x1F000] =	vst v63  }
0x14f: {  	_ =	swait.ge [sflag:s20], $0x2800  }
0x150: {  	[sflag:s20] =	ssyncset.done $0x0  }
0x151: {  	s7 =	simm.s32 $0x7;
	[sflag:s20] =	ssyncadd.s32 $0xFFFFD800  }
0x152: {  	_ =	swait.ge [sflag:s7], $0x50  }
0x153: {  	[sflag:s7] =	ssyncset.done $0x0  }
0x154: {  	[sflag:s7] =	ssyncadd.s32 $0xFFFFFFB0  }
0x155: {  	_ =	swait.ge [sflag:s7], $0x50  }
0x156: {  	[sflag:s7] =	ssyncset.done $0x0  }
0x157: {  	s25 =	simm.s32 $0x14B00;
	[sflag:s7] =	ssyncadd.s32 $0xFFFFFFB0;
	s7 =	simm.s32 $0x10  }
0x158: {  	[tilespmem:s11], [sflag:$0xB] =	stream.indirect.gather [hbm4b:s2+s15], $0x80, s25, s15, $0xb8;
	[tilespmem:$0x1F000] =	vst v63  }
0x159: {  	_ =	swait.ge [sflag:s7], $0x2800  }
0x15a: {  	[sflag:s7] =	ssyncset.done $0x0  }
0x15b: {  	s30 =	smov.u32 s26;
	s26 =	simm.s32 $0x8;
	[sflag:s7] =	ssyncadd.s32 $0xFFFFD800  }
0x15c: {  	_ =	swait.ge [sflag:s26], $0x50  }
0x15d: {  	[sflag:s26] =	ssyncset.done $0x0  }
0x15e: {  	[sflag:s26] =	ssyncadd.s32 $0xFFFFFFB0  }
0x15f: {  	_ =	swait.ge [sflag:s26], $0x50  }
0x160: {  	[sflag:s26] =	ssyncset.done $0x0  }
0x161: {  	s9 =	simm.s32 $0x14B80;
	s28 =	rddreg [dreg:$0xf];
	[sflag:s26] =	ssyncadd.s32 $0xFFFFFFB0  }
0x162: {  	[tilespmem:s18], [sflag:$0xC] =	stream.indirect.gather [hbm4b:s2+s15], $0x80, s9, s15, $0xb8;
	[tilespmem:$0x1F000] =	vst v63  }
0x163: {  	s31 =	simm.s32 $0x14900;
	s26 =	rddreg [dreg:$0xe];
	s25 =	sadd.s32 s24, s28  }
0x164: {  	[tilespmem:s31], [sflag:$0x3] =	stream.linear.gather [hbm4b:s25+s0], $0x50, $0x38;
	[tilespmem:$0x1F000] =	vst v63  }
0x165: {  	s28 =	rddreg [dreg:$0xd];
	s25 =	sadd.s32 s24, s26  }
0x166: {  	[tilespmem:s8], [sflag:$0x3] =	stream.linear.gather [hbm4b:s25+s0], $0x50, $0x38;
	[tilespmem:$0x1F000] =	vst v63  }
0x167: {  	s28 =	sadd.s32 s24, s28;
	s26 =	rddreg [dreg:$0xc];
	s8 =	simm.s32 $0x14980  }
0x168: {  	[tilespmem:s8], [sflag:$0x4] =	stream.linear.gather [hbm4b:s28+s0], $0x50, $0x38;
	[tilespmem:$0x1F000] =	vst v63  }
0x169: {  	s28 =	sadd.s32 s24, s26  }
0x16a: {  	[tilespmem:s12], [sflag:$0x4] =	stream.linear.gather [hbm4b:s28+s0], $0x50, $0x38;
	[tilespmem:$0x1F000] =	vst v63  }
0x16b: {  	_ =	swait.ge [sflag:s6], $0x2800  }
0x16c: {  	[sflag:s6] =	ssyncset.done $0x0  }
0x16d: {  	s3 =	simm.s32 $0x15000;
	[sflag:s6] =	ssyncadd.s32 $0xFFFFD800;
	s6 =	simm.s32 $0x14E00  }
0x16e: {  	[spmem:s21] =	stream.indirect.scatter.add.f32 [tilespmem:s3], [sflag:$0xD], $0x80, s6, s15, $0xb8;
	[tilespmem:$0x1F000] =	vst v63  }
0x16f: {  	_ =	swait.ge [sflag:s17], $0x2800  }
0x170: {  	[sflag:s17] =	ssyncset.done $0x0  }
0x171: {  	s10 =	simm.s32 $0x17800;
	s12 =	simm.s32 $0x14E80;
	[sflag:s17] =	ssyncadd.s32 $0xFFFFD800  }
0x172: {  	[spmem:s21] =	stream.indirect.scatter.add.f32 [tilespmem:s10], [sflag:$0xE], $0x80, s12, s15, $0xb8;
	[tilespmem:$0x1F000] =	vst v63  }
0x173: {  	_ =	swait.ge [sflag:s29], $0x2800  }
0x174: {  	[sflag:s29] =	ssyncset.done $0x0  }
0x175: {  	s25 =	simm.s32 $0x1;
	[sflag:s29] =	ssyncadd.s32 $0xFFFFD800  }
0x176: {  	_ =	swait.ge [sflag:s25], $0x50  }
0x177: {  	[sflag:s25] =	ssyncset.done $0x0  }
0x178: {  	[sflag:s25] =	ssyncadd.s32 $0xFFFFFFB0  }
0x179: {  	_ =	swait.ge [sflag:s25], $0x50  }
0x17a: {  	[sflag:s25] =	ssyncset.done $0x0  }
0x17b: {  	[sflag:s25] =	ssyncadd.s32 $0xFFFFFFB0  }
0x17c: {  	[tilespmem:s3], [sflag:$0x9] =	stream.indirect.gather [hbm4b:s2+s15], $0x80, s14, s15, $0xb8;
	[tilespmem:$0x1F000] =	vst v63  }
0x17d: {  	_ =	swait.ge [sflag:s16], $0x2800  }
0x17e: {  	[sflag:s16] =	ssyncset.done $0x0  }
0x17f: {  	s26 =	simm.s32 $0x2;
	[sflag:s16] =	ssyncadd.s32 $0xFFFFD800  }
0x180: {  	_ =	swait.ge [sflag:s26], $0x50  }
0x181: {  	[sflag:s26] =	ssyncset.done $0x0  }
0x182: {  	[sflag:s26] =	ssyncadd.s32 $0xFFFFFFB0  }
0x183: {  	_ =	swait.ge [sflag:s26], $0x50  }
0x184: {  	[sflag:s26] =	ssyncset.done $0x0  }
0x185: {  	s3 =	simm.s32 $0x17800;
	s28 =	rddreg [dreg:$0xb];
	[sflag:s26] =	ssyncadd.s32 $0xFFFFFFB0  }
0x186: {  	[tilespmem:s3], [sflag:$0xA] =	stream.indirect.gather [hbm4b:s2+s15], $0x80, s4, s15, $0xb8;
	[tilespmem:$0x1F000] =	vst v63  }
0x187: {  	s14 =	simm.s32 $0x0;
	s0 =	rddreg [dreg:$0xa];
	s25 =	sadd.s32 s24, s28  }
0x188: {  	[tilespmem:s5], [sflag:$0x5] =	stream.linear.gather [hbm4b:s25+s14], $0x50, $0x38;
	[tilespmem:$0x1F000] =	vst v63  }
0x189: {  	s10 =	sadd.s32 s24, s0;
	s4 =	rddreg [dreg:$0x9]  }
0x18a: {  	[tilespmem:s6], [sflag:$0x5] =	stream.linear.gather [hbm4b:s10+s14], $0x50, $0x38;
	[tilespmem:$0x1F000] =	vst v63  }
0x18b: {  	s16 =	rddreg [dreg:$0x8];
	s17 =	sadd.s32 s24, s4  }
0x18c: {  	[tilespmem:s13], [sflag:$0x6] =	stream.linear.gather [hbm4b:s17+s14], $0x50, $0x38;
	[tilespmem:$0x1F000] =	vst v63  }
0x18d: {  	s26 =	sadd.s32 s24, s16  }
0x18e: {  	[tilespmem:s12], [sflag:$0x6] =	stream.linear.gather [hbm4b:s26+s14], $0x50, $0x38;
	[tilespmem:$0x1F000] =	vst v63  }
0x18f: {  	_ =	swait.ge [sflag:s1], $0x2800  }
0x190: {  	[sflag:s1] =	ssyncset.done $0x0  }
0x191: {  	s6 =	simm.s32 $0x14F00;
	[sflag:s1] =	ssyncadd.s32 $0xFFFFD800  }
0x192: {  	[spmem:s21] =	stream.indirect.scatter.add.f32 [tilespmem:s11], [sflag:$0xF], $0x80, s6, s15, $0xb8;
	[tilespmem:$0x1F000] =	vst v63  }
0x193: {  	_ =	swait.ge [sflag:s19], $0x2800  }
0x194: {  	[sflag:s19] =	ssyncset.done $0x0  }
0x195: {  	s28 =	simm.s32 $0x14F80;
	[sflag:s19] =	ssyncadd.s32 $0xFFFFD800  }
0x196: {  	[spmem:s21] =	stream.indirect.scatter.add.f32 [tilespmem:s18], [sflag:$0x10], $0x80, s28, s15, $0xb8;
	[tilespmem:$0x1F000] =	vst v63  }
0x197: {  	_ =	swait.ge [sflag:s20], $0x2800  }
0x198: {  	[sflag:s20] =	ssyncset.done $0x0  }
0x199: {  	s1 =	simm.s32 $0x3;
	[sflag:s20] =	ssyncadd.s32 $0xFFFFD800  }
0x19a: {  	_ =	swait.ge [sflag:s1], $0x50  }
0x19b: {  	[sflag:s1] =	ssyncset.done $0x0  }
0x19c: {  	[sflag:s1] =	ssyncadd.s32 $0xFFFFFFB0  }
0x19d: {  	_ =	swait.ge [sflag:s1], $0x50  }
0x19e: {  	[sflag:s1] =	ssyncset.done $0x0  }
0x19f: {  	[sflag:s1] =	ssyncadd.s32 $0xFFFFFFB0  }
0x1a0: {  	[tilespmem:s11], [sflag:$0xB] =	stream.indirect.gather [hbm4b:s2+s15], $0x80, s31, s15, $0xb8;
	[tilespmem:$0x1F000] =	vst v63  }
0x1a1: {  	_ =	swait.ge [sflag:s7], $0x2800  }
0x1a2: {  	[sflag:s7] =	ssyncset.done $0x0  }
0x1a3: {  	s4 =	simm.s32 $0x4;
	[sflag:s7] =	ssyncadd.s32 $0xFFFFD800  }
0x1a4: {  	p0 =	sne.s32 s22, $0x410;
	_ =	swait.ge [sflag:s4], $0x50  }
0x1a5: {  	s22 =	sadd.s32 $0x50, s22;
	s23 =	sadd.s32 $0x280, s23;
	[sflag:s4] =	ssyncset.done $0x0  }
0x1a6: {  	s29 =	simm.s32 $0x14B80;
	s0 =	simm.s32 $0x14E80;
	[sflag:s4] =	ssyncadd.s32 $0xFFFFFFB0  }
0x1a7: {  	s5 =	simm.s32 $0x14F80;
	s10 =	simm.s32 $0x14A80;
	_ =	swait.ge [sflag:s4], $0x50  }
0x1a8: {  	s13 =	simm.s32 $0x6;
	s17 =	simm.s32 $0x14B00;
	[sflag:s4] =	ssyncset.done $0x0  }
0x1a9: {  	s12 =	simm.s32 $0x14B00;
	s7 =	rddreg [dreg:$0x7];
	[sflag:s4] =	ssyncadd.s32 $0xFFFFFFB0  }
0x1aa: {  	[tilespmem:s18], [sflag:$0xC] =	stream.indirect.gather [hbm4b:s2+s15], $0x80, s8, s15, $0xb8;
	[tilespmem:$0x1F000] =	vst v63  }
0x1ab: {  	s26 =	smov.u32 s30;
	s11 =	rddreg [dreg:$0x6];
	s25 =	sadd.s32 s24, s7  }
0x1ac: {  	[tilespmem:s17], [sflag:$0x7] =	stream.linear.gather [hbm4b:s25+s14], $0x50, $0x38;
	[tilespmem:$0x1F000] =	vst v63  }
.Ltmp2:
0x1ad: {  	s30 =	simm.s32 $0x15000;
	s16 =	rddreg [dreg:$0x5];
	(pc) =	sbr.rel @p0 .LBB2_6-.Ltmp2, $4  }
0x1ae: {  	s20 =	simm.s32 $0x14F00;
	s19 =	rddreg [dreg:$0x4];
	s18 =	sadd.s32 s24, s11  }
0x1af: {  	[tilespmem:s6], [sflag:$0x7] =	stream.linear.gather [hbm4b:s18+s14], $0x50, $0x38;
	[tilespmem:$0x1F000] =	vst v63  }
0x1b0: {  	s31 =	simm.s32 $0x5;
	s28 =	sadd.s32 s24, s16;
	s24 =	sadd.s32 s24, s19  }
0x1b1: {  	[tilespmem:s9], [sflag:$0x8] =	stream.linear.gather [hbm4b:s28+s14], $0x50, $0x38;
	[tilespmem:$0x1F000] =	vst v63  }
0x1b2: {  	[tilespmem:s5], [sflag:$0x8] =	stream.linear.gather [hbm4b:s24+s14], $0x50, $0x38;
	[tilespmem:$0x1F000] =	vst v63  }
0x1b3: {  	s4 =	simm.s32 $0x9  }
0x1b4: {  	_ =	swait.ge [sflag:s4], $0x2800  }
0x1b5: {  	[sflag:s4] =	ssyncset.done $0x0  }
0x1b6: {  	s1 =	simm.s32 $0x14C00;
	s6 =	simm.s32 $0xA;
	[sflag:s4] =	ssyncadd.s32 $0xFFFFD800  }
0x1b7: {  	[spmem:s21] =	stream.indirect.scatter.add.f32 [tilespmem:s30], [sflag:$0xD], $0x80, s1, s15, $0xb8;
	[tilespmem:$0x1F000] =	vst v63  }
0x1b8: {  	_ =	swait.ge [sflag:s6], $0x2800  }
0x1b9: {  	[sflag:s6] =	ssyncset.done $0x0  }
0x1ba: {  	s23 =	simm.s32 $0x14C80;
	s28 =	simm.s32 $0xD;
	[sflag:s6] =	ssyncadd.s32 $0xFFFFD800  }
0x1bb: {  	[spmem:s21] =	stream.indirect.scatter.add.f32 [tilespmem:s3], [sflag:$0xE], $0x80, s23, s15, $0xb8;
	[tilespmem:$0x1F000] =	vst v63  }
0x1bc: {  	_ =	swait.ge [sflag:s28], $0x2800  }
0x1bd: {  	[sflag:s28] =	ssyncset.done $0x0  }
0x1be: {  	[sflag:s28] =	ssyncadd.s32 $0xFFFFD800  }
0x1bf: {  	_ =	swait.ge [sflag:s31], $0x50  }
0x1c0: {  	[sflag:s31] =	ssyncset.done $0x0  }
0x1c1: {  	[sflag:s31] =	ssyncadd.s32 $0xFFFFFFB0  }
0x1c2: {  	_ =	swait.ge [sflag:s31], $0x50  }
0x1c3: {  	[sflag:s31] =	ssyncset.done $0x0  }
0x1c4: {  	s24 =	simm.s32 $0x14A00;
	s16 =	simm.s32 $0xE;
	[sflag:s31] =	ssyncadd.s32 $0xFFFFFFB0  }
0x1c5: {  	[tilespmem:s30], [sflag:$0x9] =	stream.indirect.gather [hbm4b:s2+s15], $0x80, s24, s15, $0xb8;
	[tilespmem:$0x1F000] =	vst v63  }
0x1c6: {  	_ =	swait.ge [sflag:s16], $0x2800  }
0x1c7: {  	[sflag:s16] =	ssyncset.done $0x0  }
0x1c8: {  	[sflag:s16] =	ssyncadd.s32 $0xFFFFD800  }
0x1c9: {  	_ =	swait.ge [sflag:s13], $0x50  }
0x1ca: {  	[sflag:s13] =	ssyncset.done $0x0  }
0x1cb: {  	[sflag:s13] =	ssyncadd.s32 $0xFFFFFFB0  }
0x1cc: {  	_ =	swait.ge [sflag:s13], $0x50  }
0x1cd: {  	[sflag:s13] =	ssyncset.done $0x0  }
0x1ce: {  	s22 =	sld [smem:$0x7EE];
	[sflag:s13] =	ssyncadd.s32 $0xFFFFFFB0  }
0x1cf: {  	[tilespmem:s3], [sflag:$0xA] =	stream.indirect.gather [hbm4b:s2+s15], $0x80, s10, s15, $0xb8;
	[tilespmem:$0x1F000] =	vst v63  }
0x1d0: {  	s18 =	simm.s32 $0x0;
	s14 =	simm.s32 $0x14800;
	s25 =	sld [smem:$0x7EF]  }
0x1d1: {  	[tilespmem:s14], [sflag:$0x1] =	stream.linear.gather [hbm4b:s22+s18], $0x50, $0x38;
	[tilespmem:$0x1F000] =	vst v63  }
0x1d2: {  	s7 =	simm.s32 $0x14C00;
	s31 =	sld [smem:$0x7F0]  }
0x1d3: {  	[tilespmem:s7], [sflag:$0x1] =	stream.linear.gather [hbm4b:s25+s18], $0x50, $0x38;
	[tilespmem:$0x1F000] =	vst v63  }
0x1d4: {  	s1 =	sld [smem:$0x7F1];
	s7 =	simm.s32 $0x14880  }
0x1d5: {  	[tilespmem:s7], [sflag:$0x2] =	stream.linear.gather [hbm4b:s31+s18], $0x50, $0x38;
	[tilespmem:$0x1F000] =	vst v63  }
0x1d6: {  	s8 =	simm.s32 $0x14C80;
	s31 =	simm.s32 $0xB  }
0x1d7: {  	[tilespmem:s8], [sflag:$0x2] =	stream.linear.gather [hbm4b:s1+s18], $0x50, $0x38;
	[tilespmem:$0x1F000] =	vst v63  }
0x1d8: {  	_ =	swait.ge [sflag:s31], $0x2800  }
0x1d9: {  	s9 =	simm.s32 $0x14D00;
	[sflag:s31] =	ssyncset.done $0x0  }
0x1da: {  	s11 =	simm.s32 $0x1A000;
	s19 =	simm.s32 $0xC;
	[sflag:s31] =	ssyncadd.s32 $0xFFFFD800  }
0x1db: {  	[spmem:s21] =	stream.indirect.scatter.add.f32 [tilespmem:s11], [sflag:$0xF], $0x80, s9, s15, $0xb8;
	[tilespmem:$0x1F000] =	vst v63  }
0x1dc: {  	_ =	swait.ge [sflag:s19], $0x2800  }
0x1dd: {  	s17 =	simm.s32 $0xF;
	[sflag:s19] =	ssyncset.done $0x0  }
0x1de: {  	s23 =	simm.s32 $0x1C800;
	s25 =	simm.s32 $0x14D80;
	[sflag:s19] =	ssyncadd.s32 $0xFFFFD800  }
0x1df: {  	[spmem:s21] =	stream.indirect.scatter.add.f32 [tilespmem:s23], [sflag:$0x10], $0x80, s25, s15, $0xb8;
	[tilespmem:$0x1F000] =	vst v63  }
0x1e0: {  	_ =	swait.ge [sflag:s17], $0x2800  }
0x1e1: {  	[sflag:s17] =	ssyncset.done $0x0  }
0x1e2: {  	s13 =	simm.s32 $0x7;
	[sflag:s17] =	ssyncadd.s32 $0xFFFFD800  }
0x1e3: {  	_ =	swait.ge [sflag:s13], $0x50  }
0x1e4: {  	[sflag:s13] =	ssyncset.done $0x0  }
0x1e5: {  	[sflag:s13] =	ssyncadd.s32 $0xFFFFFFB0  }
0x1e6: {  	_ =	swait.ge [sflag:s13], $0x50  }
0x1e7: {  	[sflag:s13] =	ssyncset.done $0x0  }
0x1e8: {  	[sflag:s13] =	ssyncadd.s32 $0xFFFFFFB0;
	s13 =	simm.s32 $0x10  }
0x1e9: {  	[tilespmem:s11], [sflag:$0xB] =	stream.indirect.gather [hbm4b:s2+s15], $0x80, s12, s15, $0xb8;
	[tilespmem:$0x1F000] =	vst v63  }
0x1ea: {  	_ =	swait.ge [sflag:s13], $0x2800  }
0x1eb: {  	[sflag:s13] =	ssyncset.done $0x0  }
0x1ec: {  	s22 =	simm.s32 $0x8;
	[sflag:s13] =	ssyncadd.s32 $0xFFFFD800  }
0x1ed: {  	_ =	swait.ge [sflag:s22], $0x50  }
0x1ee: {  	[sflag:s22] =	ssyncset.done $0x0  }
0x1ef: {  	[sflag:s22] =	ssyncadd.s32 $0xFFFFFFB0  }
0x1f0: {  	_ =	swait.ge [sflag:s22], $0x50  }
0x1f1: {  	[sflag:s22] =	ssyncset.done $0x0  }
0x1f2: {  	s24 =	sld [smem:$0x7F2];
	[sflag:s22] =	ssyncadd.s32 $0xFFFFFFB0  }
0x1f3: {  	[tilespmem:s23], [sflag:$0xC] =	stream.indirect.gather [hbm4b:s2+s15], $0x80, s29, s15, $0xb8;
	[tilespmem:$0x1F000] =	vst v63  }
0x1f4: {  	s8 =	simm.s32 $0x14900;
	s1 =	sld [smem:$0x7F3]  }
0x1f5: {  	[tilespmem:s8], [sflag:$0x3] =	stream.linear.gather [hbm4b:s24+s18], $0x50, $0x38;
	[tilespmem:$0x1F000] =	vst v63  }
0x1f6: {  	s9 =	simm.s32 $0x14D00;
	s24 =	sld [smem:$0x7F4]  }
0x1f7: {  	[tilespmem:s9], [sflag:$0x3] =	stream.linear.gather [hbm4b:s1+s18], $0x50, $0x38;
	[tilespmem:$0x1F000] =	vst v63  }
0x1f8: {  	s9 =	simm.s32 $0x14980;
	s1 =	sld [smem:$0x7F5]  }
0x1f9: {  	[tilespmem:s9], [sflag:$0x4] =	stream.linear.gather [hbm4b:s24+s18], $0x50, $0x38;
	[tilespmem:$0x1F000] =	vst v63  }
0x1fa: {  	_ = 	snop  }
0x1fb: {  	[tilespmem:s25], [sflag:$0x4] =	stream.linear.gather [hbm4b:s1+s18], $0x50, $0x38;
	[tilespmem:$0x1F000] =	vst v63  }
0x1fc: {  	_ =	swait.ge [sflag:s4], $0x2800  }
0x1fd: {  	[sflag:s4] =	ssyncset.done $0x0  }
0x1fe: {  	s24 =	simm.s32 $0x14E00;
	[sflag:s4] =	ssyncadd.s32 $0xFFFFD800  }
0x1ff: {  	[spmem:s21] =	stream.indirect.scatter.add.f32 [tilespmem:s30], [sflag:$0xD], $0x80, s24, s15, $0xb8;
	[tilespmem:$0x1F000] =	vst v63  }
0x200: {  	_ =	swait.ge [sflag:s6], $0x2800  }
0x201: {  	[sflag:s6] =	ssyncset.done $0x0  }
0x202: {  	[sflag:s6] =	ssyncadd.s32 $0xFFFFD800  }
0x203: {  	[spmem:s21] =	stream.indirect.scatter.add.f32 [tilespmem:s3], [sflag:$0xE], $0x80, s0, s15, $0xb8;
	[tilespmem:$0x1F000] =	vst v63  }
0x204: {  	_ =	swait.ge [sflag:s28], $0x2800  }
0x205: {  	[sflag:s28] =	ssyncset.done $0x0  }
0x206: {  	s18 =	simm.s32 $0x1;
	[sflag:s28] =	ssyncadd.s32 $0xFFFFD800  }
0x207: {  	_ =	swait.ge [sflag:s18], $0x50  }
0x208: {  	[sflag:s18] =	ssyncset.done $0x0  }
0x209: {  	[sflag:s18] =	ssyncadd.s32 $0xFFFFFFB0  }
0x20a: {  	_ =	swait.ge [sflag:s18], $0x50  }
0x20b: {  	[sflag:s18] =	ssyncset.done $0x0  }
0x20c: {  	[sflag:s18] =	ssyncadd.s32 $0xFFFFFFB0  }
0x20d: {  	[tilespmem:s30], [sflag:$0x9] =	stream.indirect.gather [hbm4b:s2+s15], $0x80, s14, s15, $0xb8;
	[tilespmem:$0x1F000] =	vst v63  }
0x20e: {  	_ =	swait.ge [sflag:s16], $0x2800  }
0x20f: {  	[sflag:s16] =	ssyncset.done $0x0  }
0x210: {  	s22 =	simm.s32 $0x2;
	[sflag:s16] =	ssyncadd.s32 $0xFFFFD800  }
0x211: {  	_ =	swait.ge [sflag:s22], $0x50  }
0x212: {  	[sflag:s22] =	ssyncset.done $0x0  }
0x213: {  	[sflag:s22] =	ssyncadd.s32 $0xFFFFFFB0  }
0x214: {  	_ =	swait.ge [sflag:s22], $0x50  }
0x215: {  	[sflag:s22] =	ssyncset.done $0x0  }
0x216: {  	[sflag:s22] =	ssyncadd.s32 $0xFFFFFFB0  }
0x217: {  	[tilespmem:s3], [sflag:$0xA] =	stream.indirect.gather [hbm4b:s2+s15], $0x80, s7, s15, $0xb8;
	[tilespmem:$0x1F000] =	vst v63  }
0x218: {  	s7 =	sld [smem:$0x7F8];
	_ =	sdelay $0x1  }
0x219: {  	s18 =	simm.s32 $0x14A00;
	s14 =	simm.s32 $0x0;
	s1 =	sld [smem:$0x7F9]  }
0x21a: {  	[tilespmem:s18], [sflag:$0x5] =	stream.linear.gather [hbm4b:s7+s14], $0x50, $0x38;
	[tilespmem:$0x1F000] =	vst v63  }
0x21b: {  	_ = 	snop  }
0x21c: {  	[tilespmem:s24], [sflag:$0x5] =	stream.linear.gather [hbm4b:s1+s14], $0x50, $0x38;
	[tilespmem:$0x1F000] =	vst v63  }
0x21d: {  	_ =	swait.ge [sflag:s31], $0x2800  }
0x21e: {  	[sflag:s31] =	ssyncset.done $0x0  }
0x21f: {  	[sflag:s31] =	ssyncadd.s32 $0xFFFFD800  }
0x220: {  	[spmem:s21] =	stream.indirect.scatter.add.f32 [tilespmem:s11], [sflag:$0xF], $0x80, s20, s15, $0xb8;
	[tilespmem:$0x1F000] =	vst v63  }
0x221: {  	_ =	swait.ge [sflag:s19], $0x2800  }
0x222: {  	[sflag:s19] =	ssyncset.done $0x0  }
0x223: {  	[sflag:s19] =	ssyncadd.s32 $0xFFFFD800  }
0x224: {  	[spmem:s21] =	stream.indirect.scatter.add.f32 [tilespmem:s23], [sflag:$0x10], $0x80, s5, s15, $0xb8;
	[tilespmem:$0x1F000] =	vst v63  }
0x225: {  	_ =	swait.ge [sflag:s17], $0x2800  }
0x226: {  	[sflag:s17] =	ssyncset.done $0x0  }
0x227: {  	s5 =	simm.s32 $0x3;
	[sflag:s17] =	ssyncadd.s32 $0xFFFFD800  }
0x228: {  	_ =	swait.ge [sflag:s5], $0x50  }
0x229: {  	[sflag:s5] =	ssyncset.done $0x0  }
0x22a: {  	[sflag:s5] =	ssyncadd.s32 $0xFFFFFFB0  }
0x22b: {  	_ =	swait.ge [sflag:s5], $0x50  }
0x22c: {  	[sflag:s5] =	ssyncset.done $0x0  }
0x22d: {  	[sflag:s5] =	ssyncadd.s32 $0xFFFFFFB0  }
0x22e: {  	[tilespmem:s11], [sflag:$0xB] =	stream.indirect.gather [hbm4b:s2+s15], $0x80, s8, s15, $0xb8;
	[tilespmem:$0x1F000] =	vst v63  }
0x22f: {  	_ =	swait.ge [sflag:s13], $0x2800  }
0x230: {  	[sflag:s13] =	ssyncset.done $0x0  }
0x231: {  	s8 =	simm.s32 $0x4;
	[sflag:s13] =	ssyncadd.s32 $0xFFFFD800  }
0x232: {  	_ =	swait.ge [sflag:s8], $0x50  }
0x233: {  	[sflag:s8] =	ssyncset.done $0x0  }
0x234: {  	[sflag:s8] =	ssyncadd.s32 $0xFFFFFFB0  }
0x235: {  	_ =	swait.ge [sflag:s8], $0x50  }
0x236: {  	[sflag:s8] =	ssyncset.done $0x0  }
0x237: {  	[sflag:s8] =	ssyncadd.s32 $0xFFFFFFB0  }
0x238: {  	[tilespmem:s23], [sflag:$0xC] =	stream.indirect.gather [hbm4b:s2+s15], $0x80, s9, s15, $0xb8;
	[tilespmem:$0x1F000] =	vst v63  }
0x239: {  	_ =	swait.ge [sflag:s4], $0x2800  }
0x23a: {  	[sflag:s4] =	ssyncset.done $0x0  }
0x23b: {  	s9 =	simm.s32 $0x14C00;
	[sflag:s4] =	ssyncadd.s32 $0xFFFFD800  }
0x23c: {  	[spmem:s21] =	stream.indirect.scatter.add.f32 [tilespmem:s30], [sflag:$0xD], $0x80, s9, s15, $0xb8;
	[tilespmem:$0x1F000] =	vst v63  }
0x23d: {  	_ =	swait.ge [sflag:s6], $0x2800  }
0x23e: {  	[sflag:s6] =	ssyncset.done $0x0  }
0x23f: {  	s22 =	simm.s32 $0x14C80;
	[sflag:s6] =	ssyncadd.s32 $0xFFFFD800  }
0x240: {  	[spmem:s21] =	stream.indirect.scatter.add.f32 [tilespmem:s3], [sflag:$0xE], $0x80, s22, s15, $0xb8;
	[tilespmem:$0x1F000] =	vst v63  }
0x241: {  	_ =	swait.ge [sflag:s28], $0x2800  }
0x242: {  	[sflag:s28] =	ssyncset.done $0x0  }
0x243: {  	s5 =	simm.s32 $0x5;
	[sflag:s28] =	ssyncadd.s32 $0xFFFFD800  }
0x244: {  	_ =	swait.ge [sflag:s5], $0x50  }
0x245: {  	[sflag:s5] =	ssyncset.done $0x0  }
0x246: {  	[sflag:s5] =	ssyncadd.s32 $0xFFFFFFB0  }
0x247: {  	_ =	swait.ge [sflag:s5], $0x50  }
0x248: {  	[sflag:s5] =	ssyncset.done $0x0  }
0x249: {  	s7 =	simm.s32 $0x14A00;
	[sflag:s5] =	ssyncadd.s32 $0xFFFFFFB0  }
0x24a: {  	[tilespmem:s30], [sflag:$0x9] =	stream.indirect.gather [hbm4b:s2+s15], $0x80, s7, s15, $0xb8;
	[tilespmem:$0x1F000] =	vst v63  }
0x24b: {  	_ =	swait.ge [sflag:s31], $0x2800  }
0x24c: {  	[sflag:s31] =	ssyncset.done $0x0  }
0x24d: {  	s5 =	simm.s32 $0x14D00;
	[sflag:s31] =	ssyncadd.s32 $0xFFFFD800  }
0x24e: {  	[spmem:s21] =	stream.indirect.scatter.add.f32 [tilespmem:s11], [sflag:$0xF], $0x80, s5, s15, $0xb8;
	[tilespmem:$0x1F000] =	vst v63  }
0x24f: {  	_ =	swait.ge [sflag:s19], $0x2800  }
0x250: {  	[sflag:s19] =	ssyncset.done $0x0  }
0x251: {  	[sflag:s19] =	ssyncadd.s32 $0xFFFFD800  }
0x252: {  	[spmem:s21] =	stream.indirect.scatter.add.f32 [tilespmem:s23], [sflag:$0x10], $0x80, s25, s15, $0xb8;
	[tilespmem:$0x1F000] =	vst v63  }
0x253: {  	_ =	swait.ge [sflag:s16], $0x2800  }
0x254: {  	[sflag:s16] =	ssyncset.done $0x0  }
0x255: {  	[sflag:s16] =	ssyncadd.s32 $0xFFFFD800  }
0x256: {  	_ =	swait.ge [sflag:s17], $0x2800  }
0x257: {  	[sflag:s17] =	ssyncset.done $0x0  }
0x258: {  	[sflag:s17] =	ssyncadd.s32 $0xFFFFD800  }
0x259: {  	_ =	swait.ge [sflag:s13], $0x2800  }
0x25a: {  	[sflag:s13] =	ssyncset.done $0x0  }
0x25b: {  	[sflag:s13] =	ssyncadd.s32 $0xFFFFD800  }
0x25c: {  	_ =	swait.ge [sflag:s4], $0x2800  }
0x25d: {  	[sflag:s4] =	ssyncset.done $0x0  }
0x25e: {  	[sflag:s4] =	ssyncadd.s32 $0xFFFFD800  }
0x25f: {  	[spmem:s21] =	stream.indirect.scatter.add.f32 [tilespmem:s30], [sflag:$0xD], $0x80, s24, s15, $0xb8;
	[tilespmem:$0x1F000] =	vst v63  }
0x260: {  	_ =	swait.ge [sflag:s28], $0x2800  }
0x261: {  	[sflag:s28] =	ssyncset.done $0x0  }
0x262: {  	[sflag:s28] =	ssyncadd.s32 $0xFFFFD800  }
0x263: {  	[bflag:$0x0] =	sbarrier.arrive $0xFFFF  }
0x264: {  	s24 =	sld [smem:$0x7FD]  }
0x265: {  	s16 =	stileid.u32;
	s19 =	sld [smem:$0x7FA]  }
0x266: {  	s22 =	sshll.u32 s16, $0x6  }
0x267: {  	s23 =	simm.s32 $0x11;
	s22 =	sor.u32 $0x1C11, s22;
	s17 =	sshrl.u32 s24, $0x3  }
0x268: {  	[hbm:s19], [sflag:s22] =	dma.local [spmem:s17], $0x2800  }
0x269: {  	_ =	swait.ge [sflag:s23], $0x2800  }
0x26a: {  	s25 =	sld [smem:$0x7EC]  }
0x26b: {  	s30 =	sld [smem:$0x7FB];
	_ =	sdelay $0x1  }
0x26c: {  	s3 =	sadd.s32 $0x1, s25  }
0x26d: {  	s18 =	simm.s32 $0x14900;
	p0 =	sne.s32 s3, s30  }
.Ltmp3:
0x26e: {  	s1 =	simm.s32 $0x14D80;
	s8 =	simm.s32 $0x14980;
	(pc) =	sbr.rel @p0 .LBB2_1-.Ltmp3, $4  }
0x26f: {  	s9 =	simm.s32 $0x14A00;
	s6 =	simm.s32 $0x14C80;
	s7 =	simm.s32 $0x14D00  }
0x270: {  	s31 =	simm.s32 $0x11;
	s11 =	simm.s32 $0x14E00;
	s5 =	simm.s32 $0x14F80  }
0x271: {  	s4 =	simm.s32 $0x14800;
	s28 =	simm.s32 $0x14880;
	[sflag:s23] =	ssyncset.done $0x0  }
0x272: {  	s19 =	rddreg [dreg:$0x12];
	s23 =	simm.s32 $0x14C00;
	[sflag:s31] =	ssyncadd.s32 $0xFFFFD800  }
0x273: {  	_ =	sfence.sel $0x180000  }
0x274: {  	[bflag:$0x0] =	sbarrier.arrive $0xFFFF  }
0x275: {  	_ =	strace $0x9000004D  }
0x276: {  	s0 =	stileid.u32;
	[bflag:$0x2] =	sbarrier.arrive $0xFFFF  }
0x277: {  	p0 =	sne.s32 s0, $0x0;
	s0 =	rddreg [dreg:$0x3]  }
0x278: {  	s0 =	sadd.s32 @!p0 $0x100000, s0  }
0x279: {  	[sflag:s0] =	ssyncadd.tile.s32 @!p0 $0x1;
	_ =	shalt  }
.Lfunc_end2:
_tile_overlayer_lowered:
.L_overlay_start_2:
0x27a: {  	(tag) =	ssettag $0x2  }
0x27b: {  	s0 =	rddreg [dreg:$0x0];
	s2 =	stileid.u32  }
0x27c: {  	s1 =	rddreg [dreg:$0x1];
	p0 =	sne.s32 s2, $0x0  }
0x27d: {  	s3 =	rddreg [dreg:$0x2];
	[bflag:$0x3] =	sbarrier.arrive $0xFFFF;
	s2 =	simm.s32 @!p0 $0x1C11  }
0x27e: {  	[timem:s3], [sflag:s2] =	dma.local @!p0 [hbm:s0], s1  }
0x27f: {  	s0 =	simm.s32 @!p0 $0x11  }
0x280: {  	_ =	swait.ge @!p0 [sflag:s0], s1  }
0x281: {  	s1 =	ssub.s32 @!p0 $0x0, s1;
	[sflag:s0] =	ssyncset.done @!p0 $0x0  }
0x282: {  	[sflag:s0] =	ssyncadd.s32 @!p0 s1  }
0x283: {  	[bflag:$0x3] =	sbarrier.arrive $0xFFFF  }
0x284: {  	_ =	shalt  }

// kernel: kernel.9.cloned.1.call-start
scs
__scs_entry_jumppad:
0x0: {  	(pc) =	sbr.rel $0x88, $3  }
0x1: {  	(tag) =	ssettag $0x0;
	lr =	simm.s32 $0x1  }
0x2: {  	[smem:$0x3F9B] =	sst lr;
	_ =	strace $0xD0000000  }
0x3: {  	_ = 	snop  }
0x4: {  	_ = 	snop  }
0x5: {  	_ = 	snop  }
0x6: {  	_ = 	snop  }
0x7: {  	_ = 	snop  }
__scs_overlays_trampoline_lowered:
0x8: {  	[smem:$0x3FAA] =	sst s0  }
0x9: {  	[smem:$0x3FAB] =	sst s1  }
0xa: {  	[smem:$0x3FAC] =	sst s2  }
0xb: {  	[smem:$0x3FAD] =	sst s3  }
0xc: {  	[smem:$0x3FAE] =	sst s4  }
0xd: {  	[smem:$0x3FAF] =	sst s5  }
0xe: {  	[smem:$0x3FB0] =	sst s6  }
0xf: {  	[smem:$0x3FB1] =	sst s7  }
0x10: {  	[smem:$0x3FB2] =	sst s8  }
0x11: {  	[smem:$0x3FB3] =	sst s9;
	s0 =	simm.s32 @!p0 $0x0  }
0x12: {  	s1 =	sld [smem:$0x3F99];
	s0 =	simm.s32 @p0 $0x1  }
0x13: {  	[smem:$0x3FB4] =	sst s0;
	s0 =	simm.s32 @!p1 $0x0  }
0x14: {  	s2 =	sld [smem:$0x3F98];
	s0 =	simm.s32 @p1 $0x1  }
0x15: {  	[smem:$0x3FB5] =	sst s0;
	s0 =	simm.s32 @!p2 $0x0  }
0x16: {  	s3 =	sld [smem:$0x3FDB];
	s0 =	simm.s32 @p2 $0x1  }
0x17: {  	s4 =	simm.s32 $0x1BF5;
	[smem:$0x3FB7] =	sst s0  }
0x18: {  	s0 =	sld [smem:$0x3F9A];
	_ =	swait.ge [sflag:s4], $0x0  }
0x19: {  	s7 =	sld [smem:$0x3F9B]  }
0x1a: {  	s8 =	sadd.s32 $0xFFFFE003, lr  }
0x1b: {  	s9 =	sadd.s32 $0xFFFFFEF7, lr;
	s5 =	simm.s32 $0xFFFFFFFF;
	p2 =	slt.u32 s8, $0xFFFFF086  }
0x1c: {  	p1 =	slt.u32 s9, $0xF7A;
	s5 =	simm.s32 @!p2 $0x0  }
0x1d: {  	s5 =	simm.s32 @p1 $0x1;
	p0 =	seq.s32 s7, s2  }
0x1e: {  	s7 =	smul.u32 @!p0 $0xF7A, s2;
	p2 =	seq.s32 @!p0 s5, $0x0  }
0x1f: {  	s9 =	smul.u32 $0xF7A, s1;
	s8 =	simm.s32 @!p0 $0x1BF5;
	p2 =	por !p2, p0  }
0x20: {  	[sflag:s8] =	ssyncset.s32 @!p0 $0xFFFFF086;
	s6 =	sadd.s32 @!p0 s3, s7;
	s7 =	simm.s32 @!p0 $0x108  }
0x21: {  	s3 =	sadd.s32 s3, s9;
	s6 =	sadd.s32 @!p0 $0x88, s6;
	s7 =	simm.s32 @p2 $0x1082  }
0x22: {  	[simem:s7], [sflag:s8] =	dma.local @!p0 [hbm:s6], $0xF7A  }
0x23: {  	s9 =	sor.u32 $0xD0000000, s2;
	s6 =	simm.s32 $0x108;
	_ =	swait.ge @!p0 [sflag:s8], $0x0  }
0x24: {  	s3 =	sadd.s32 $0x88, s3;
	s6 =	simm.s32 @!p1 $0x1082;
	[sflag:s4] =	ssyncset.s32 $0xFFFFF086  }
0x25: {  	[simem:s6], [sflag:s4] =	dma.local [hbm:s3], $0xF7A  }
0x26: {  	[smem:$0x3F9B] =	sst s1;
	(tag) =	ssettag s2;
	_ =	strace s9  }
0x27: {  	s1 =	sld [smem:$0x3FAB]  }
0x28: {  	s2 =	sld [smem:$0x3FAC]  }
0x29: {  	s4 =	sld [smem:$0x3FAE]  }
0x2a: {  	p0 =	seq.s32 s5, $0x0;
	s5 =	sld [smem:$0x3FAF]  }
0x2b: {  	s6 =	sld [smem:$0x3FB0]  }
0x2c: {  	s7 =	sld [smem:$0x3FB1]  }
0x2d: {  	s3 =	simm.s32 $0x108;
	s8 =	sld [smem:$0x3FB2]  }
0x2e: {  	s3 =	simm.s32 @!p0 $0x1082;
	s9 =	sld [smem:$0x3FB3]  }
0x2f: {  	lr =	sadd.s32 s0, s3;
	s0 =	sld [smem:$0x3FAA]  }
0x30: {  	s3 =	sld [smem:$0x3FAD]  }
0x31: {  	[smem:$0x3FB6] =	sst s10  }
0x32: {  	s10 =	sld [smem:$0x3FB4];
	_ =	sdelay $0x3  }
0x33: {  	p0 =	seq.s32 s10, $0x1;
	s10 =	sld [smem:$0x3FB6];
	_ =	sdelay $0x3  }
0x34: {  	[smem:$0x3FB6] =	sst s10  }
0x35: {  	s10 =	sld [smem:$0x3FB5];
	_ =	sdelay $0x3  }
0x36: {  	p1 =	seq.s32 s10, $0x1;
	s10 =	sld [smem:$0x3FB6];
	_ =	sdelay $0x3  }
0x37: {  	[smem:$0x3FB6] =	sst s10  }
0x38: {  	s10 =	sld [smem:$0x3FB7]  }
0x39: {  	_ = 	snop;
	(pc) =	sbr.ind lr, $3  }
0x3a: {  	_ = 	snop  }
0x3b: {  	_ = 	snop  }
0x3c: {  	p2 =	seq.s32 s10, $0x1;
	s10 =	sld [smem:$0x3FB6]  }
0x3d: {  	_ =	shalt  }
0x3e: {  	_ =	shalt  }
0x3f: {  	_ =	shalt  }
0x40: {  	_ =	shalt  }
0x41: {  	_ =	shalt  }
0x42: {  	_ =	shalt  }
0x43: {  	_ =	shalt  }
0x44: {  	_ =	shalt  }
0x45: {  	_ =	shalt  }
0x46: {  	_ =	shalt  }
0x47: {  	_ =	shalt  }
0x48: {  	_ =	shalt  }
0x49: {  	_ =	shalt  }
0x4a: {  	_ =	shalt  }
0x4b: {  	_ =	shalt  }
0x4c: {  	_ =	shalt  }
0x4d: {  	_ =	shalt  }
0x4e: {  	_ =	shalt  }
0x4f: {  	_ =	shalt  }
0x50: {  	_ =	shalt  }
0x51: {  	_ =	shalt  }
0x52: {  	_ =	shalt  }
0x53: {  	_ =	shalt  }
0x54: {  	_ =	shalt  }
0x55: {  	_ =	shalt  }
0x56: {  	_ =	shalt  }
0x57: {  	_ =	shalt  }
0x58: {  	_ =	shalt  }
0x59: {  	_ =	shalt  }
0x5a: {  	_ =	shalt  }
0x5b: {  	_ =	shalt  }
0x5c: {  	_ =	shalt  }
0x5d: {  	_ =	shalt  }
0x5e: {  	_ =	shalt  }
0x5f: {  	_ =	shalt  }
0x60: {  	_ =	shalt  }
0x61: {  	_ =	shalt  }
0x62: {  	_ =	shalt  }
0x63: {  	_ =	shalt  }
0x64: {  	_ =	shalt  }
0x65: {  	_ =	shalt  }
0x66: {  	_ =	shalt  }
0x67: {  	_ =	shalt  }
0x68: {  	_ =	shalt  }
0x69: {  	_ =	shalt  }
0x6a: {  	_ =	shalt  }
0x6b: {  	_ =	shalt  }
0x6c: {  	_ =	shalt  }
0x6d: {  	_ =	shalt  }
0x6e: {  	_ =	shalt  }
0x6f: {  	_ =	shalt  }
0x70: {  	_ =	shalt  }
0x71: {  	_ =	shalt  }
0x72: {  	_ =	shalt  }
0x73: {  	_ =	shalt  }
0x74: {  	_ =	shalt  }
0x75: {  	_ =	shalt  }
0x76: {  	_ =	shalt  }
0x77: {  	_ =	shalt  }
0x78: {  	_ =	shalt  }
0x79: {  	_ =	shalt  }
0x7a: {  	_ =	shalt  }
0x7b: {  	_ =	shalt  }
0x7c: {  	_ =	shalt  }
0x7d: {  	_ =	shalt  }
0x7e: {  	_ =	shalt  }
0x7f: {  	_ =	shalt  }
0x80: {  	_ =	shalt  }
0x81: {  	_ =	shalt  }
0x82: {  	_ =	shalt  }
0x83: {  	_ =	shalt  }
0x84: {  	_ =	shalt  }
0x85: {  	_ =	shalt  }
0x86: {  	_ =	shalt  }
0x87: {  	_ =	shalt  }
.Lfunc_end0:
.L_simem_size_0:
called_computation_lowered:
.L_overlay_start_0:
0x88: {  	s2 =	sld [smem:$0x3FD9]  }
0x89: {  	s3 =	sld [smem:$0x3FFE];
	_ =	sdelay $0x1  }
0x8a: {  	s1 =	srdreg.scid  }
0x8b: {  	s0 =	sand.u32 $0x1, s1  }
0x8c: {  	s16 =	sshll.u32 s0, $0xA;
	s2 =	sadd.s32 s3, s2  }
0x8d: {  	s2 =	sadd.s32 s2, s16  }
0x8e: {  	[smem:$0x3FC2] =	sst s2  }
0x8f: {  	_ = 	snop  }
0x90: {  	(tm) =	ssettm $0x1  }
0x91: {  	s17 =	sld [smem:$0x3FFB];
	_ =	sdelay $0x3  }
0x92: {  	_ =	strace s17  }
0x93: {  	s2 =	sld [smem:$0x3FFC];
	_ =	sdelay $0x3  }
0x94: {  	_ =	strace s2  }
0x95: {  	s2 =	sld [smem:$0x3FFD];
	_ =	sdelay $0x3  }
0x96: {  	_ =	strace s2  }
0x97: {  	_ =	strace $0x8FFFFFFF  }
0x98: {  	s18 =	sld [smem:$0x3FDB];
	_ =	sdelay $0x1  }
0x99: {  	s19 =	simm.s32 $_scs_section_size  }
0x9a: {  	s4 =	simm.s32 $_size__tile_overlayer_lowered;
	s5 =	simm.s32 $_tile_overlayer_lowered  }
0x9b: {  	s22 =	simm.s32 $0x1BFF;
	s21 =	sshll.u32 s5, $0x1;
	s2 =	sadd.s32 s19, s18  }
0x9c: {  	s6 =	simm.s32 $0x0;
	s20 =	sshll.u32 s4, $0x1;
	s4 =	sadd.s32 s21, s2  }
0x9d: {  	[timem:s6], [sflag:s22] =	dma.local [hbm:s4], s20  }
0x9e: {  	_ =	swait.ge [sflag:s22], s20  }
0x9f: {  	s3 =	ssub.s32 $0x0, s20;
	[sflag:s22] =	ssyncset.done $0x0  }
0xa0: {  	[sflag:s22] =	ssyncadd.s32 s3;
	_ =	sdelay $0x1  }
0xa1: {  	s23 =	simm.s32 $0x1B8B  }
0xa2: {  	_ =	swait.ge [sflag:s23], $0x1  }
0xa3: {  	[sflag:s23] =	ssyncset.done $0x0  }
0xa4: {  	s25 =	simm.s32 $0x1B8E;
	s24 =	sld [smem:$0x3FFE];
	[sflag:s23] =	ssyncadd.s32 $0xFFFFFFFF  }
0xa5: {  	s26 =	simm.s32 $execute0_lowered;
	[smem:$0x3FD2] =	sst s25  }
0xa6: {  	s4 =	sshll.u32 s26, $0x1;
	_ =	strace $0x80000046;
	[dreg:$0x1] =	wrdreg $0xFFFFFFFF  }
0xa7: {  	s28 =	simm.s32 $_size_execute0_lowered;
	s2 =	sadd.s32 s2, s4;
	[dreg:$0x0] =	wrdreg $0x0  }
0xa8: {  	s4 =	sshll.u32 s28, $0x1;
	[dreg:$0x2] =	wrdreg s2  }
0xa9: {  	[dreg:$0x3] =	wrdreg s4  }
0xaa: {  	[dreg:$0x4] =	wrdreg $0xC0  }
0xab: {  	_ =	task [dreg:s6], $0x5FFFF  }
0xac: {  	[dreg:$0x1] =	wrdreg $0xFFFFFFFF  }
0xad: {  	[dreg:$0x0] =	wrdreg $0x60  }
0xae: {  	[dreg:$0x2] =	wrdreg s24  }
0xaf: {  	[dreg:$0x3] =	wrdreg $0x0  }
0xb0: {  	[dreg:$0x4] =	wrdreg $0x9  }
0xb1: {  	_ =	task.clear_ibuf [dreg:s6], $0x5FFFF;
	_ =	strace $0x90000046  }
0xb2: {  	s29 =	simm.s32 $0x9;
	_ =	strace $0x80000048  }
0xb3: {  	_ =	swait.ge [sflag:s29], $0x1  }
0xb4: {  	[sflag:s29] =	ssyncadd.s32 $0xFFFFFFFF  }
0xb5: {  	_ =	strace $0x90000048  }
0xb6: {  	_ =	sfence  }
0xb7: {  	s30 =	sld [smem:$0x0];
	_ =	sdelay $0x2  }
0xb8: {  	s31 =	sshll.u32 s1, $0xD;
	s1 =	sshrl.u32 s1, $0x2  }
0xb9: {  	s3 =	sand.u32 $0x4000, s31;
	s1 =	sadd.s32 s1, s30  }
0xba: {  	s0 =	sor.u32 s3, s0;
	s1 =	sshll.u32 s1, $0x11  }
0xbb: {  	s0 =	sor.u32 s1, s0  }
0xbc: {  	s0 =	sadd.s32 $0x8F2B, s0  }
0xbd: {  	[sflag:s0] =	ssyncadd.remote.s32 $0x1  }
0xbe: {  	_ =	sfence.sel $0xFFFF  }
0xbf: {  	[dreg:$0x0] =	wrdreg $0xFFFFFFFF;
	(pc) =	sbr.abs _section_cstart, $3  }
0xc0: {  	[dreg:$0x1] =	wrdreg $0xFFFFFFFF  }
0xc1: {  	_ =	task.clear_ibuf [dreg:s6], $0x2FFFF;
	_ =	strace $0x9FFFFFFF  }
0xc2: {  	(tm) =	ssettm $0x7FFFFFFF  }
0xc3: {  	_ =	shalt  }
tec
execute0_lowered:
.L_overlay_start_1:
0x0: {  	(tag) =	ssettag $0x1  }
0x1: {  	s4 =	rddreg [dreg:$0x0]  }
0x2: {  	s0 =	stileid.u32;
	s1 =	srdreg.scid  }
0x3: {  	s2 =	rddreg [dreg:$0x1];
	s3 =	simm.s32 $0x0;
	s10 =	simm.s32 $0x280  }
0x4: {  	s11 =	simm.s32 $0x50;
	s12 =	simm.s32 $0x500;
	s13 =	simm.s32 $0x1  }
0x5: {  	s16 =	simm.s32 $0x20;
	s17 =	simm.s32 $0x10;
	s18 =	simm.s32 $0x0  }
0x6: {  	s5 =	sand.u32 $0x1, s1;
	s6 =	smul.u32 $0x500, s0;
	s1 =	rddreg [dreg:$0x2]  }
0x7: {  	[smem:$0x7FF] =	sst s3;
	s8 =	sshll.u32 s0, $0xB;
	s9 =	smul.u32 $0xA00, s0  }
0x8: {  	s14 =	sshll.u32 s0, $0x6;
	s7 =	sshll.u32 s5, $0x7;
	_ =	strace $0x80000047  }
0x9: {  	s26 =	sadd.s32 s8, s4;
	s28 =	ssub.s32 $0x2, s5;
	s5 =	sshll.u32 s5, $0xF  }
0xa: {  	s8 =	simm.s32 $0x580;
	s14 =	sor.u32 $0x1C02, s14;
	s6 =	sor.u32 s7, s6  }
0xb: {  	s29 =	sshrl.u32 s28, $0x1;
	s5 =	sadd.s32 s5, s26;
	s31 =	sshrl.u32 s9, $0x2  }
0xc: {  	s9 =	simm.s32 $0x2;
	s6 =	sshrl.u32 s6, $0x3;
	s30 =	ssub.s32 s28, s29  }
0xd: {  	s6 =	sadd.s32 s6, s4;
	s4 =	sadd.s32 $0x17400, s5;
	s5 =	sadd.s32 s31, s2  }
0xe: {  	v0 =	vimm.f32 $0.0e+00;
	v1 =	vimm.f32 $1.000000000e+00;
	s7 =	smax.u32 s30, $0x1;
	s6 =	sadd.s32 $0x27400, s6;
	s15 =	sshrl.u32 s5, $0x3  }
.LBB2_1:
0xf: {  	[tilespmem:$0x280] =	vst v0  }
0x10: {  	[tilespmem:$0x290] =	vst v0  }
0x11: {  	[tilespmem:$0x2A0] =	vst v0  }
0x12: {  	[tilespmem:$0x2B0] =	vst v0  }
0x13: {  	[tilespmem:$0x2C0] =	vst v0  }
0x14: {  	[tilespmem:$0x2D0] =	vst v0  }
0x15: {  	[tilespmem:$0x2E0] =	vst v0  }
0x16: {  	[tilespmem:$0x2F0] =	vst v0  }
0x17: {  	[tilespmem:$0x300] =	vst v0  }
0x18: {  	[tilespmem:$0x310] =	vst v0  }
0x19: {  	[tilespmem:$0x320] =	vst v0  }
0x1a: {  	[tilespmem:$0x330] =	vst v0  }
0x1b: {  	[tilespmem:$0x340] =	vst v0  }
0x1c: {  	[tilespmem:$0x350] =	vst v0  }
0x1d: {  	[tilespmem:$0x360] =	vst v0  }
0x1e: {  	[tilespmem:$0x370] =	vst v0  }
0x1f: {  	[tilespmem:$0x380] =	vst v0  }
0x20: {  	[tilespmem:$0x390] =	vst v0  }
0x21: {  	[tilespmem:$0x3A0] =	vst v0  }
0x22: {  	[tilespmem:$0x3B0] =	vst v0  }
0x23: {  	[tilespmem:$0x3C0] =	vst v0  }
0x24: {  	[tilespmem:$0x3D0] =	vst v0  }
0x25: {  	[tilespmem:$0x3E0] =	vst v0  }
0x26: {  	[tilespmem:$0x3F0] =	vst v0  }
0x27: {  	[tilespmem:$0x400] =	vst v0  }
0x28: {  	[tilespmem:$0x410] =	vst v0  }
0x29: {  	[tilespmem:$0x420] =	vst v0  }
0x2a: {  	[tilespmem:$0x430] =	vst v0  }
0x2b: {  	[tilespmem:$0x440] =	vst v0  }
0x2c: {  	[tilespmem:$0x450] =	vst v0  }
0x2d: {  	[tilespmem:$0x460] =	vst v0  }
0x2e: {  	[tilespmem:$0x470] =	vst v0  }
0x2f: {  	[tilespmem:$0x480] =	vst v0  }
0x30: {  	[tilespmem:$0x490] =	vst v0  }
0x31: {  	[tilespmem:$0x4A0] =	vst v0  }
0x32: {  	[tilespmem:$0x4B0] =	vst v0  }
0x33: {  	[tilespmem:$0x4C0] =	vst v0  }
0x34: {  	[tilespmem:$0x4D0] =	vst v0  }
0x35: {  	[tilespmem:$0x4E0] =	vst v0  }
0x36: {  	[tilespmem:$0x4F0] =	vst v0  }
0x37: {  	[tilespmem:$0x500] =	vst v1  }
0x38: {  	[tilespmem:$0x510] =	vst v1  }
0x39: {  	[tilespmem:$0x520] =	vst v1  }
0x3a: {  	[tilespmem:$0x530] =	vst v1  }
0x3b: {  	[tilespmem:$0x540] =	vst v1  }
0x3c: {  	[tilespmem:$0x550] =	vst v1  }
0x3d: {  	[tilespmem:$0x560] =	vst v1  }
0x3e: {  	[tilespmem:$0x570] =	vst v1  }
0x3f: {  	[tilespmem:s8], [sflag:$0x2] =	stream.linear.gather [hbm4b:s4+s3], $0x3E80, $0x38;
	[tilespmem:$0x4580] =	vst v63  }
0x40: {  	_ =	swait.ge [sflag:s9], $0x3E80  }
0x41: {  	[sflag:s9] =	ssyncset.done $0x0  }
0x42: {  	[sflag:s9] =	ssyncadd.s32 $0xFFFFC180  }
0x43: {  	[spmem:s5] =	stream.linear.scatter [tilespmem:s10], [sflag:$0x2], $0x280, $0x38;
	[tilespmem:$0x4580] =	vst v63  }
0x44: {  	_ =	swait.ge [sflag:s9], $0x280  }
0x45: {  	[sflag:s9] =	ssyncset.done $0x0  }
0x46: {  	[sflag:s9] =	ssyncadd.s32 $0xFFFFFD80  }
0x47: {  	s19 =	simm.s32 $0x0;
	[bflag:$0x0] =	sbarrier.arrive $0xFFFF  }
.LBB2_2:
0x48: {  	p0 =	sne.s32 s19, $0xF800  }
.Ltmp0:
0x49: {  	_ = 	snop;
	(pc) =	sbr.rel @p0 .LBB2_2-.Ltmp0, $4  }
0x4a: {  	_ = 	snop  }
0x4b: {  	s20 =	sshra.s32 s19, $0x2  }
0x4c: {  	s19 =	sadd.s32 $0x200, s19;
	s20 =	sadd.s32 $0x580, s20  }
0x4d: {  	[spmem:s2] =	stream.indirect.scatter.add.f32 [tilespmem:s12], [sflag:$0x1], $0x1, s20, s11, $0xb8;
	[tilespmem:$0x4580] =	vst v63  }
0x4e: {  	_ =	swait.ge [sflag:s13], $0x50  }
0x4f: {  	s19 =	simm.s32 $0x7C;
	[sflag:s13] =	ssyncset.done $0x0  }
.LBB2_4:
0x50: {  	p0 =	sne.s32 s19, $0x1;
	s19 =	sadd.s32 $0xFFFFFFFF, s19;
	[sflag:s13] =	ssyncadd.s32 $0xFFFFFFB0  }
.Ltmp1:
0x51: {  	(pc) =	sbr.rel @p0 .LBB2_4-.Ltmp1, $3  }
0x52: {  	_ =	sdelay $0x1  }
0x53: {  	_ =	swait.ge [sflag:s13], $0x50  }
0x54: {  	[sflag:s13] =	ssyncset.done $0x0  }
0x55: {  	s18 =	sadd.s32 $0x1, s18  }
0x56: {  	[sflag:s13] =	ssyncadd.s32 $0xFFFFFFB0;
	p0 =	sne.s32 s18, s7  }
.Ltmp2:
0x57: {  	[bflag:$0x0] =	sbarrier.arrive $0xFFFF;
	(pc) =	sbr.rel @p0 .LBB2_1-.Ltmp2, $4  }
0x58: {  	[hbm:s6@s16], [sflag:s14] =	dma.strided [spmem:s15@s17], $0x50, s13, $0x10   }
0x59: {  	_ =	swait.ge [sflag:s9], $0x50  }
0x5a: {  	[sflag:s9] =	ssyncset.done $0x0  }
0x5b: {  	[sflag:s9] =	ssyncadd.s32 $0xFFFFFFB0  }
0x5c: {  	_ =	sfence.sel $0x180000  }
0x5d: {  	[bflag:$0x0] =	sbarrier.arrive $0xFFFF  }
0x5e: {  	p0 =	sne.s32 s0, $0x0;
	_ =	strace $0x90000047  }
0x5f: {  	s0 =	sadd.s32 @!p0 $0x100000, s1;
	[bflag:$0x2] =	sbarrier.arrive $0xFFFF  }
0x60: {  	[sflag:s0] =	ssyncadd.tile.s32 @!p0 $0x1;
	_ =	shalt  }
.Lfunc_end2:
_tile_overlayer_lowered:
.L_overlay_start_2:
0x61: {  	(tag) =	ssettag $0x2  }
0x62: {  	s0 =	rddreg [dreg:$0x0];
	s2 =	stileid.u32  }
0x63: {  	s1 =	rddreg [dreg:$0x1];
	p0 =	sne.s32 s2, $0x0  }
0x64: {  	s3 =	rddreg [dreg:$0x2];
	[bflag:$0x3] =	sbarrier.arrive $0xFFFF;
	s2 =	simm.s32 @!p0 $0x1C02  }
0x65: {  	[timem:s3], [sflag:s2] =	dma.local @!p0 [hbm:s0], s1  }
0x66: {  	s0 =	simm.s32 @!p0 $0x2  }
0x67: {  	_ =	swait.ge @!p0 [sflag:s0], s1  }
0x68: {  	s1 =	ssub.s32 @!p0 $0x0, s1;
	[sflag:s0] =	ssyncset.done @!p0 $0x0  }
0x69: {  	[sflag:s0] =	ssyncadd.s32 @!p0 s1  }
0x6a: {  	[bflag:$0x3] =	sbarrier.arrive $0xFFFF  }
0x6b: {  	_ =	shalt  }

</sc_bundles>
